<compile_context>
chip_gen: v7x
topology: tpu7x:2x2x1
jax: 0.10.2.dev20260603
libtpu: 0.0.44.dev20260713+nightly
codegen_flags: <defaults>
</compile_context>

<pallas_src>
import jax
import jax.numpy as jnp
from jax import lax
from jax.experimental import pallas as pl
from jax.experimental.pallas import tpu as pltpu
from jax.experimental.pallas import tpu_sc as plsc

N = 10000
D = 128
E = 320000
LANES = 128
KB = 8


def _plan(nc, ns):
    nw = nc * ns
    kch = -(-(-(-E // nw) // LANES) // KB) * KB
    np_rows = -(-(N + 1) // (ns * 8)) * (ns * 8)
    rpt = np_rows // ns
    blocks = [LANES] * (rpt // LANES)
    if rpt % LANES:
        blocks.append(rpt % LANES)
    return nw, kch, np_rows, rpt, blocks


def _make_sc_aggregate(nc, ns):
    nw, kch, np_rows, rpt, blocks = _plan(nc, ns)

    mesh = plsc.VectorSubcoreMesh(core_axis_name="c", subcore_axis_name="s",
                                  num_cores=nc, num_subcores=ns)

    def body(src_hbm, dst_hbm, x_hbm, zx_hbm, part_hbm,
             accum, srcv, dstv, rows0, rows1, sem):
        c = lax.axis_index("c")
        s = lax.axis_index("s")
        w = c * ns + s

        pltpu.sync_copy(zx_hbm, rows0)
        r0 = s * rpt
        for blk in blocks:
            pltpu.sync_copy(rows0.at[pl.ds(0, blk)], accum.at[pl.ds(r0, blk)])
            r0 += blk
        plsc.subcore_barrier()

        bufs = (rows0, rows1)

        def group(gi, carry):
            k0 = w * kch + gi * KB
            pltpu.sync_copy(src_hbm.at[pl.ds(k0, KB)], srcv)
            pltpu.sync_copy(dst_hbm.at[pl.ds(k0, KB)], dstv)
            d = pltpu.async_copy(x_hbm.at[srcv.at[0]], bufs[0], sem)
            for j in range(KB):
                d.wait()
                if j + 1 < KB:
                    d = pltpu.async_copy(x_hbm.at[srcv.at[j + 1]],
                                         bufs[(j + 1) % 2], sem)
                pltpu.sync_copy(bufs[j % 2], accum.at[dstv.at[j]], add=True)
            return carry

        lax.fori_loop(0, kch // KB, group, 0)
        plsc.subcore_barrier()

        r0 = s * rpt
        for blk in blocks:
            pltpu.sync_copy(accum.at[pl.ds(r0, blk)], rows0.at[pl.ds(0, blk)])
            pltpu.sync_copy(rows0.at[pl.ds(0, blk)],
                            part_hbm.at[pl.ds(c * np_rows + r0, blk)])
            r0 += blk

    return pl.kernel(
        body,
        out_type=jax.ShapeDtypeStruct((nc * np_rows, D), jnp.float32),
        mesh=mesh,
        scratch_types=(
            pltpu.VMEM_SHARED((np_rows, D), jnp.float32),
            pltpu.VMEM((KB, LANES), jnp.int32),
            pltpu.VMEM((KB, LANES), jnp.int32),
            pltpu.VMEM((LANES, D), jnp.float32),
            pltpu.VMEM((LANES, D), jnp.float32),
            pltpu.SemaphoreType.DMA,
        ),
        compiler_params=pltpu.CompilerParams(needs_layout_passes=False))


def _make_sc_count(nc, ns):
    nw, kch, np_rows, _, _ = _plan(nc, ns)
    mesh = plsc.VectorSubcoreMesh(core_axis_name="c", subcore_axis_name="s",
                                  num_cores=nc, num_subcores=ns)

    def body(dst_hbm, zcnt_hbm, cnt_hbm, dstv, cntv):
        c = lax.axis_index("c")
        s = lax.axis_index("s")
        w = c * ns + s
        pltpu.sync_copy(zcnt_hbm, cntv)
        ones16 = jnp.ones((16,), jnp.float32)

        def group(gi, carry):
            k0 = w * kch + gi * KB
            pltpu.sync_copy(dst_hbm.at[pl.ds(k0, KB)], dstv)
            for j in range(KB):
                for t in range(LANES // 16):
                    idx16 = dstv[j, pl.ds(16 * t, 16)]
                    plsc.addupdate_scatter(cntv, [idx16], ones16)
            return carry

        lax.fori_loop(0, kch // KB, group, 0)
        pltpu.sync_copy(cntv, cnt_hbm.at[pl.ds(w * np_rows, np_rows)])

    return pl.kernel(
        body,
        out_type=jax.ShapeDtypeStruct((nw * np_rows,), jnp.float32),
        mesh=mesh,
        scratch_types=(
            pltpu.VMEM((KB, LANES), jnp.int32),
            pltpu.VMEM((np_rows,), jnp.float32),
        ),
        compiler_params=pltpu.CompilerParams(needs_layout_passes=False))


def _tc_layer1(np_rows):
    def body(part, cntp, x, wl, wr, b, g, be, a, o):
        p = part[...]
        psum = p[:N] + p[np_rows:np_rows + N]
        cnt = jnp.sum(cntp[...], axis=0)[:N].reshape(N, 1)
        aggr = psum / jnp.maximum(cnt, 1.0)
        dn = (((1,), (1,)), ((), ()))
        h = (lax.dot_general(aggr, wl[...], dn, preferred_element_type=jnp.float32)
             + lax.dot_general(x[...], wr[...], dn, preferred_element_type=jnp.float32)
             + b[...])
        mean = jnp.mean(h, axis=0, keepdims=True)
        sub = h - a[...] * mean
        var = jnp.mean(sub * sub, axis=0, keepdims=True)
        o[...] = jnp.maximum(g[...] * sub / jnp.sqrt(var + 1e-5) + be[...], 0.0)

    return pl.pallas_call(
        body, out_shape=jax.ShapeDtypeStruct((N, D), jnp.float32))


def _tc_layer2(np_rows):
    def body(part, cntp, x1, x, wl, wr, b, g, be, a, wres, bres, o):
        p = part[...]
        psum = p[:N] + p[np_rows:np_rows + N]
        cnt = jnp.sum(cntp[...], axis=0)[:N].reshape(N, 1)
        aggr = psum / jnp.maximum(cnt, 1.0)
        dn = (((1,), (1,)), ((), ()))
        h = (lax.dot_general(aggr, wl[...], dn, preferred_element_type=jnp.float32)
             + lax.dot_general(x1[...], wr[...], dn, preferred_element_type=jnp.float32)
             + b[...])
        mean = jnp.mean(h, axis=0, keepdims=True)
        sub = h - a[...] * mean
        var = jnp.mean(sub * sub, axis=0, keepdims=True)
        x2 = jnp.maximum(g[...] * sub / jnp.sqrt(var + 1e-5) + be[...], 0.0)
        o[...] = (lax.dot_general(x[...], wres[...], dn,
                                  preferred_element_type=jnp.float32)
                  + bres[...] + x2)

    return pl.pallas_call(
        body, out_shape=jax.ShapeDtypeStruct((N, D), jnp.float32))


def kernel(x, edge_index, W_l1, W_r1, b1, W_l2, W_r2, b2,
           g1, be1, a1, g2, be2, a2, W_res, b_res):
    info = plsc.get_sparse_core_info()
    nc, ns = info.num_cores, info.num_subcores
    nw, kch, np_rows, _, _ = _plan(nc, ns)

    sc_aggr = _make_sc_aggregate(nc, ns)
    sc_cnt = _make_sc_count(nc, ns)

    src = edge_index[0].astype(jnp.int32)
    dst = edge_index[1].astype(jnp.int32)
    pad = nw * kch * LANES - E
    srcp = jnp.concatenate([src, jnp.zeros((pad,), jnp.int32)])
    dstp = jnp.concatenate([dst, jnp.full((pad,), N, jnp.int32)])
    src2 = srcp.reshape(-1, LANES)
    dst2 = dstp.reshape(-1, LANES)
    zx = jnp.zeros((LANES, D), jnp.float32)
    zcnt = jnp.zeros((np_rows,), jnp.float32)

    b1r, g1r, be1r, a1r = (v.reshape(1, D) for v in (b1, g1, be1, a1))
    b2r, g2r, be2r, a2r = (v.reshape(1, D) for v in (b2, g2, be2, a2))
    bres_r = b_res.reshape(1, D)

    cntf = sc_cnt(dst2, zcnt)
    cntp = cntf.reshape(nw, np_rows)
    part1 = sc_aggr(src2, dst2, x, zx)
    x1 = _tc_layer1(np_rows)(part1, cntp, x, W_l1, W_r1, b1r, g1r, be1r, a1r)
    part2 = sc_aggr(src2, dst2, x1, zx)
    out = _tc_layer2(np_rows)(part2, cntp, x1, x, W_l2, W_r2, b2r,
                              g2r, be2r, a2r, W_res, bres_r)
    return out

# --- scband reference (transcript-rebuilt; emitter-appended) ---
"""Pipeline reference for scband-link-prediction-gnn-49031346651174 (READ-ONLY COPY).

The authoritative reference and input builder live on the scoring server;
editing this copy changes nothing except your own understanding.
"""

import jax, jax.numpy as jnp
import numpy as np

N = 10000
E = 320000
D = 128


def setup_inputs(seed: int = 0) -> dict:
    key = jax.random.key(seed)
    ks = jax.random.split(key, 16)
    s = 1.0 / np.sqrt(D)
    inp = {}
    inp['x'] = jax.random.normal(ks[0], (N, D), dtype=jnp.float32)
    inp['edge_index'] = jax.random.randint(ks[1], (2, E), 0, N, dtype=jnp.int64)
    # SAGEConv 1: lin_l (neighbor aggr), lin_r (root), bias
    inp['W_l1'] = jax.random.uniform(ks[2], (D, D), jnp.float32, -s, s)
    inp['W_r1'] = jax.random.uniform(ks[3], (D, D), jnp.float32, -s, s)
    inp['b1'] = jax.random.uniform(ks[4], (D,), jnp.float32, -s, s)
    # SAGEConv 2
    inp['W_l2'] = jax.random.uniform(ks[5], (D, D), jnp.float32, -s, s)
    inp['W_r2'] = jax.random.uniform(ks[6], (D, D), jnp.float32, -s, s)
    inp['b2'] = jax.random.uniform(ks[7], (D,), jnp.float32, -s, s)
    # GraphNorm 1: weight (gamma), bias (beta), mean_scale (alpha)
    inp['g1'] = jnp.ones((D,), jnp.float32)
    inp['be1'] = jnp.zeros((D,), jnp.float32)
    inp['a1'] = jnp.ones((D,), jnp.float32)
    # GraphNorm 2
    inp['g2'] = jnp.ones((D,), jnp.float32)
    inp['be2'] = jnp.zeros((D,), jnp.float32)
    inp['a2'] = jnp.ones((D,), jnp.float32)
    # residual linear: in_channels -> out_channels
    inp['W_res'] = jax.random.uniform(ks[8], (D, D), jnp.float32, -s, s)
    inp['b_res'] = jax.random.uniform(ks[9], (D,), jnp.float32, -s, s)
    return inp


def _sage_conv(x, src, dst, W_l, W_r, b, num_nodes):
    # PyG SAGEConv (aggr='mean'): out = lin_l(mean_{j in N(i)} x_j) + lin_r(x_i)
    msg = jnp.take(x, src, axis=0)
    summed = jax.ops.segment_sum(msg, dst, num_segments=num_nodes)
    cnt = jax.ops.segment_sum(jnp.ones((src.shape[0], 1), x.dtype), dst, num_segments=num_nodes)
    aggr = summed / jnp.maximum(cnt, 1.0)
    return aggr @ W_l.T + x @ W_r.T + b


def _graph_norm(x, gamma, beta, alpha, eps=1e-5):
    # GraphNorm (single graph => stats over all nodes, per channel)
    mean = jnp.mean(x, axis=0, keepdims=True)
    sub = x - alpha * mean
    var = jnp.mean(sub * sub, axis=0, keepdims=True)
    return gamma * sub / jnp.sqrt(var + eps) + beta


def reference(x, edge_index, W_l1, W_r1, b1, W_l2, W_r2, b2, g1, be1, a1, g2, be2, a2, W_res, b_res):
    src = edge_index[0]
    dst = edge_index[1]
    n = x.shape[0]
    # dropout is identity at inference
    h1 = _sage_conv(x, src, dst, W_l1, W_r1, b1, n)
    x1 = jax.nn.relu(_graph_norm(h1, g1, be1, a1))
    h2 = _sage_conv(x1, src, dst, W_l2, W_r2, b2, n)
    x2 = jax.nn.relu(_graph_norm(h2, g2, be2, a2))
    return x @ W_res.T + b_res + x2

if __name__ == "__main__":
    import jax
    _d = setup_inputs()
    print(jax.jit(kernel)(*tuple(_d.values())))

</pallas_src>

<mosaic_0001>
#map = affine_map<(d0, d1) -> (0, 0)>
#map1 = affine_map<(d0, d1) -> (0)>
module attributes {stable_mosaic.version = 14 : i64} {
  func.func @body(%arg0: i32, %arg1: i32, %arg2: memref<2560x128xi32, #tpu.memory_space<hbm>>, %arg3: memref<10112xf32, #tpu.memory_space<hbm>>, %arg4: memref<323584xf32, #tpu.memory_space<hbm>>, %arg5: memref<8x128xi32, #tpu.memory_space<vmem>>, %arg6: memref<10112xf32, #tpu.memory_space<vmem>>) attributes {dimension_semantics = [#tpu.dimension_semantics<core_parallel>, #tpu.dimension_semantics<subcore_parallel>], iteration_bounds = array<i64: 2, 16>, scalar_prefetch = 0 : i64, scratch_operands = 2 : i64, tpu.core_type = #tpu.core_type<sc_vector_subcore>, window_params = [{transform_indices = #map}, {transform_indices = #map1}, {transform_indices = #map1}]} {
    %mul3A = arith.constant 16 : i32
    %mul3A_0 = arith.muli %arg0, %mul3A : i32
    %add3A = arith.addi %mul3A_0, %arg1 : i32
    "tpu.region"() ({
      %run_scoped3A = tpu.sem_alloc : memref<!tpu.dma_semaphore, #tpu.memory_space<semaphore_mem>>
      tpu.enqueue_dma source(%arg3 : memref<10112xf32, #tpu.memory_space<hbm>>) target(%arg6 : memref<10112xf32, #tpu.memory_space<vmem>>) target_semaphore(%run_scoped3A : memref<!tpu.dma_semaphore, #tpu.memory_space<semaphore_mem>>)
      tpu.wait_dma2 semaphore(%run_scoped3A : memref<!tpu.dma_semaphore, #tpu.memory_space<semaphore_mem>>) src(%arg3 : memref<10112xf32, #tpu.memory_space<hbm>>) dst(%arg6 : memref<10112xf32, #tpu.memory_space<vmem>>)
      tpu.yield
    }) : () -> ()
    %broadcast_in_dim3A = arith.constant 1.000000e+00 : f32
    %broadcast_in_dim3A_1 = vector.broadcast %broadcast_in_dim3A : f32 to vector<16xf32>
    %scan3A = arith.constant 0 : i32
    %scan3A_2 = arith.constant 0 : i32
    %scan3A_3 = arith.constant 10 : i32
    %scan3A_4 = arith.addi %scan3A_2, %scan3A_3 : i32
    %scan3A_5 = arith.constant 1 : i32
    scf.for %scan3A_9 = %scan3A_2 to %scan3A_4 step %scan3A_5  : i32 {
      %mul3A_10 = arith.constant 80 : i32
      %mul3A_11 = arith.muli %add3A, %mul3A_10 : i32
      %mul3A_12 = arith.constant 8 : i32
      %mul3A_13 = arith.muli %scan3A_9, %mul3A_12 : i32
      %add3A_14 = arith.addi %mul3A_11, %mul3A_13 : i32
      "tpu.region"() ({
        %run_scoped3A = tpu.sem_alloc : memref<!tpu.dma_semaphore, #tpu.memory_space<semaphore_mem>>
        %dma_start3A = arith.constant 0 : i32
        %dma_start3A_270 = tpu.memref_slice %arg2[%add3A_14, %dma_start3A] : memref<2560x128xi32, #tpu.memory_space<hbm>> -> memref<8x128xi32, #tpu.memory_space<hbm>>
        %dma_start3A_271 = arith.constant 0 : i32
        %dma_start3A_272 = tpu.memref_slice %arg2[%add3A_14, %dma_start3A_271] : memref<2560x128xi32, #tpu.memory_space<hbm>> -> memref<8x128xi32, #tpu.memory_space<hbm>>
        tpu.enqueue_dma source(%dma_start3A_272 : memref<8x128xi32, #tpu.memory_space<hbm>>) target(%arg5 : memref<8x128xi32, #tpu.memory_space<vmem>>) target_semaphore(%run_scoped3A : memref<!tpu.dma_semaphore, #tpu.memory_space<semaphore_mem>>)
        %dma_wait3A = arith.constant 0 : i32
        %dma_wait3A_273 = tpu.memref_slice %arg2[%add3A_14, %dma_wait3A] : memref<2560x128xi32, #tpu.memory_space<hbm>> -> memref<8x128xi32, #tpu.memory_space<hbm>>
        %dma_wait3A_274 = arith.constant 0 : i32
        %dma_wait3A_275 = tpu.memref_slice %arg2[%add3A_14, %dma_wait3A_274] : memref<2560x128xi32, #tpu.memory_space<hbm>> -> memref<8x128xi32, #tpu.memory_space<hbm>>
        tpu.wait_dma2 semaphore(%run_scoped3A : memref<!tpu.dma_semaphore, #tpu.memory_space<semaphore_mem>>) src(%dma_wait3A_275 : memref<8x128xi32, #tpu.memory_space<hbm>>) dst(%arg5 : memref<8x128xi32, #tpu.memory_space<vmem>>)
        tpu.yield
      }) : () -> ()
      %get3A = arith.constant 0 : i32
      %get3A_15 = arith.index_cast %get3A : i32 to index
      %get3A_16 = arith.constant 0 : index
      %get3A_17 = tpu.vector_load %arg5[%get3A_15, %get3A_16] {strides = array<i32>} : memref<8x128xi32, #tpu.memory_space<vmem>>, vector<16xi32>,
      tpu.vector_store_idx %arg6[%get3A_17], %broadcast_in_dim3A_1 {add = true} : memref<10112xf32, #tpu.memory_space<vmem>>[vector<16xi32>], vector<16xf32>,
      %get3A_18 = arith.constant 0 : i32
      %get3A_19 = arith.index_cast %get3A_18 : i32 to index
      %get3A_20 = arith.constant 16 : index
      %get3A_21 = tpu.vector_load %arg5[%get3A_19, %get3A_20] {strides = array<i32>} : memref<8x128xi32, #tpu.memory_space<vmem>>, vector<16xi32>,
      tpu.vector_store_idx %arg6[%get3A_21], %broadcast_in_dim3A_1 {add = true} : memref<10112xf32, #tpu.memory_space<vmem>>[vector<16xi32>], vector<16xf32>,
      %get3A_22 = arith.constant 0 : i32
      %get3A_23 = arith.index_cast %get3A_22 : i32 to index
      %get3A_24 = arith.constant 32 : index
      %get3A_25 = tpu.vector_load %arg5[%get3A_23, %get3A_24] {strides = array<i32>} : memref<8x128xi32, #tpu.memory_space<vmem>>, vector<16xi32>,
      tpu.vector_store_idx %arg6[%get3A_25], %broadcast_in_dim3A_1 {add = true} : memref<10112xf32, #tpu.memory_space<vmem>>[vector<16xi32>], vector<16xf32>,
      %get3A_26 = arith.constant 0 : i32
      %get3A_27 = arith.index_cast %get3A_26 : i32 to index
      %get3A_28 = arith.constant 48 : index
      %get3A_29 = tpu.vector_load %arg5[%get3A_27, %get3A_28] {strides = array<i32>} : memref<8x128xi32, #tpu.memory_space<vmem>>, vector<16xi32>,
      tpu.vector_store_idx %arg6[%get3A_29], %broadcast_in_dim3A_1 {add = true} : memref<10112xf32, #tpu.memory_space<vmem>>[vector<16xi32>], vector<16xf32>,
      %get3A_30 = arith.constant 0 : i32
      %get3A_31 = arith.index_cast %get3A_30 : i32 to index
      %get3A_32 = arith.constant 64 : index
      %get3A_33 = tpu.vector_load %arg5[%get3A_31, %get3A_32] {strides = array<i32>} : memref<8x128xi32, #tpu.memory_space<vmem>>, vector<16xi32>,
      tpu.vector_store_idx %arg6[%get3A_33], %broadcast_in_dim3A_1 {add = true} : memref<10112xf32, #tpu.memory_space<vmem>>[vector<16xi32>], vector<16xf32>,
      %get3A_34 = arith.constant 0 : i32
      %get3A_35 = arith.index_cast %get3A_34 : i32 to index
      %get3A_36 = arith.constant 80 : index
      %get3A_37 = tpu.vector_load %arg5[%get3A_35, %get3A_36] {strides = array<i32>} : memref<8x128xi32, #tpu.memory_space<vmem>>, vector<16xi32>,
      tpu.vector_store_idx %arg6[%get3A_37], %broadcast_in_dim3A_1 {add = true} : memref<10112xf32, #tpu.memory_space<vmem>>[vector<16xi32>], vector<16xf32>,
      %get3A_38 = arith.constant 0 : i32
      %get3A_39 = arith.index_cast %get3A_38 : i32 to index
      %get3A_40 = arith.constant 96 : index
      %get3A_41 = tpu.vector_load %arg5[%get3A_39, %get3A_40] {strides = array<i32>} : memref<8x128xi32, #tpu.memory_space<vmem>>, vector<16xi32>,
      tpu.vector_store_idx %arg6[%get3A_41], %broadcast_in_dim3A_1 {add = true} : memref<10112xf32, #tpu.memory_space<vmem>>[vector<16xi32>], vector<16xf32>,
      %get3A_42 = arith.constant 0 : i32
      %get3A_43 = arith.index_cast %get3A_42 : i32 to index
      %get3A_44 = arith.constant 112 : index
      %get3A_45 = tpu.vector_load %arg5[%get3A_43, %get3A_44] {strides = array<i32>} : memref<8x128xi32, #tpu.memory_space<vmem>>, vector<16xi32>,
      tpu.vector_store_idx %arg6[%get3A_45], %broadcast_in_dim3A_1 {add = true} : memref<10112xf32, #tpu.memory_space<vmem>>[vector<16xi32>], vector<16xf32>,
      %get3A_46 = arith.constant 1 : i32
      %get3A_47 = arith.index_cast %get3A_46 : i32 to index
      %get3A_48 = arith.constant 0 : index
      %get3A_49 = tpu.vector_load %arg5[%get3A_47, %get3A_48] {strides = array<i32>} : memref<8x128xi32, #tpu.memory_space<vmem>>, vector<16xi32>,
      tpu.vector_store_idx %arg6[%get3A_49], %broadcast_in_dim3A_1 {add = true} : memref<10112xf32, #tpu.memory_space<vmem>>[vector<16xi32>], vector<16xf32>,
      %get3A_50 = arith.constant 1 : i32
      %get3A_51 = arith.index_cast %get3A_50 : i32 to index
      %get3A_52 = arith.constant 16 : index
      %get3A_53 = tpu.vector_load %arg5[%get3A_51, %get3A_52] {strides = array<i32>} : memref<8x128xi32, #tpu.memory_space<vmem>>, vector<16xi32>,
      tpu.vector_store_idx %arg6[%get3A_53], %broadcast_in_dim3A_1 {add = true} : memref<10112xf32, #tpu.memory_space<vmem>>[vector<16xi32>], vector<16xf32>,
      %get3A_54 = arith.constant 1 : i32
      %get3A_55 = arith.index_cast %get3A_54 : i32 to index
      %get3A_56 = arith.constant 32 : index
      %get3A_57 = tpu.vector_load %arg5[%get3A_55, %get3A_56] {strides = array<i32>} : memref<8x128xi32, #tpu.memory_space<vmem>>, vector<16xi32>,
      tpu.vector_store_idx %arg6[%get3A_57], %broadcast_in_dim3A_1 {add = true} : memref<10112xf32, #tpu.memory_space<vmem>>[vector<16xi32>], vector<16xf32>,
      %get3A_58 = arith.constant 1 : i32
      %get3A_59 = arith.index_cast %get3A_58 : i32 to index
      %get3A_60 = arith.constant 48 : index
      %get3A_61 = tpu.vector_load %arg5[%get3A_59, %get3A_60] {strides = array<i32>} : memref<8x128xi32, #tpu.memory_space<vmem>>, vector<16xi32>,
      tpu.vector_store_idx %arg6[%get3A_61], %broadcast_in_dim3A_1 {add = true} : memref<10112xf32, #tpu.memory_space<vmem>>[vector<16xi32>], vector<16xf32>,
      %get3A_62 = arith.constant 1 : i32
      %get3A_63 = arith.index_cast %get3A_62 : i32 to index
      %get3A_64 = arith.constant 64 : index
      %get3A_65 = tpu.vector_load %arg5[%get3A_63, %get3A_64] {strides = array<i32>} : memref<8x128xi32, #tpu.memory_space<vmem>>, vector<16xi32>,
      tpu.vector_store_idx %arg6[%get3A_65], %broadcast_in_dim3A_1 {add = true} : memref<10112xf32, #tpu.memory_space<vmem>>[vector<16xi32>], vector<16xf32>,
      %get3A_66 = arith.constant 1 : i32
      %get3A_67 = arith.index_cast %get3A_66 : i32 to index
      %get3A_68 = arith.constant 80 : index
      %get3A_69 = tpu.vector_load %arg5[%get3A_67, %get3A_68] {strides = array<i32>} : memref<8x128xi32, #tpu.memory_space<vmem>>, vector<16xi32>,
      tpu.vector_store_idx %arg6[%get3A_69], %broadcast_in_dim3A_1 {add = true} : memref<10112xf32, #tpu.memory_space<vmem>>[vector<16xi32>], vector<16xf32>,
      %get3A_70 = arith.constant 1 : i32
      %get3A_71 = arith.index_cast %get3A_70 : i32 to index
      %get3A_72 = arith.constant 96 : index
      %get3A_73 = tpu.vector_load %arg5[%get3A_71, %get3A_72] {strides = array<i32>} : memref<8x128xi32, #tpu.memory_space<vmem>>, vector<16xi32>,
      tpu.vector_store_idx %arg6[%get3A_73], %broadcast_in_dim3A_1 {add = true} : memref<10112xf32, #tpu.memory_space<vmem>>[vector<16xi32>], vector<16xf32>,
      %get3A_74 = arith.constant 1 : i32
      %get3A_75 = arith.index_cast %get3A_74 : i32 to index
      %get3A_76 = arith.constant 112 : index
      %get3A_77 = tpu.vector_load %arg5[%get3A_75, %get3A_76] {strides = array<i32>} : memref<8x128xi32, #tpu.memory_space<vmem>>, vector<16xi32>,
      tpu.vector_store_idx %arg6[%get3A_77], %broadcast_in_dim3A_1 {add = true} : memref<10112xf32, #tpu.memory_space<vmem>>[vector<16xi32>], vector<16xf32>,
      %get3A_78 = arith.constant 2 : i32
      %get3A_79 = arith.index_cast %get3A_78 : i32 to index
      %get3A_80 = arith.constant 0 : index
      %get3A_81 = tpu.vector_load %arg5[%get3A_79, %get3A_80] {strides = array<i32>} : memref<8x128xi32, #tpu.memory_space<vmem>>, vector<16xi32>,
      tpu.vector_store_idx %arg6[%get3A_81], %broadcast_in_dim3A_1 {add = true} : memref<10112xf32, #tpu.memory_space<vmem>>[vector<16xi32>], vector<16xf32>,
      %get3A_82 = arith.constant 2 : i32
      %get3A_83 = arith.index_cast %get3A_82 : i32 to index
      %get3A_84 = arith.constant 16 : index
      %get3A_85 = tpu.vector_load %arg5[%get3A_83, %get3A_84] {strides = array<i32>} : memref<8x128xi32, #tpu.memory_space<vmem>>, vector<16xi32>,
      tpu.vector_store_idx %arg6[%get3A_85], %broadcast_in_dim3A_1 {add = true} : memref<10112xf32, #tpu.memory_space<vmem>>[vector<16xi32>], vector<16xf32>,
      %get3A_86 = arith.constant 2 : i32
      %get3A_87 = arith.index_cast %get3A_86 : i32 to index
      %get3A_88 = arith.constant 32 : index
      %get3A_89 = tpu.vector_load %arg5[%get3A_87, %get3A_88] {strides = array<i32>} : memref<8x128xi32, #tpu.memory_space<vmem>>, vector<16xi32>,
      tpu.vector_store_idx %arg6[%get3A_89], %broadcast_in_dim3A_1 {add = true} : memref<10112xf32, #tpu.memory_space<vmem>>[vector<16xi32>], vector<16xf32>,
      %get3A_90 = arith.constant 2 : i32
      %get3A_91 = arith.index_cast %get3A_90 : i32 to index
      %get3A_92 = arith.constant 48 : index
      %get3A_93 = tpu.vector_load %arg5[%get3A_91, %get3A_92] {strides = array<i32>} : memref<8x128xi32, #tpu.memory_space<vmem>>, vector<16xi32>,
      tpu.vector_store_idx %arg6[%get3A_93], %broadcast_in_dim3A_1 {add = true} : memref<10112xf32, #tpu.memory_space<vmem>>[vector<16xi32>], vector<16xf32>,
      %get3A_94 = arith.constant 2 : i32
      %get3A_95 = arith.index_cast %get3A_94 : i32 to index
      %get3A_96 = arith.constant 64 : index
      %get3A_97 = tpu.vector_load %arg5[%get3A_95, %get3A_96] {strides = array<i32>} : memref<8x128xi32, #tpu.memory_space<vmem>>, vector<16xi32>,
      tpu.vector_store_idx %arg6[%get3A_97], %broadcast_in_dim3A_1 {add = true} : memref<10112xf32, #tpu.memory_space<vmem>>[vector<16xi32>], vector<16xf32>,
      %get3A_98 = arith.constant 2 : i32
      %get3A_99 = arith.index_cast %get3A_98 : i32 to index
      %get3A_100 = arith.constant 80 : index
      %get3A_101 = tpu.vector_load %arg5[%get3A_99, %get3A_100] {strides = array<i32>} : memref<8x128xi32, #tpu.memory_space<vmem>>, vector<16xi32>,
      tpu.vector_store_idx %arg6[%get3A_101], %broadcast_in_dim3A_1 {add = true} : memref<10112xf32, #tpu.memory_space<vmem>>[vector<16xi32>], vector<16xf32>,
      %get3A_102 = arith.constant 2 : i32
      %get3A_103 = arith.index_cast %get3A_102 : i32 to index
      %get3A_104 = arith.constant 96 : index
      %get3A_105 = tpu.vector_load %arg5[%get3A_103, %get3A_104] {strides = array<i32>} : memref<8x128xi32, #tpu.memory_space<vmem>>, vector<16xi32>,
      tpu.vector_store_idx %arg6[%get3A_105], %broadcast_in_dim3A_1 {add = true} : memref<10112xf32, #tpu.memory_space<vmem>>[vector<16xi32>], vector<16xf32>,
      %get3A_106 = arith.constant 2 : i32
      %get3A_107 = arith.index_cast %get3A_106 : i32 to index
      %get3A_108 = arith.constant 112 : index
      %get3A_109 = tpu.vector_load %arg5[%get3A_107, %get3A_108] {strides = array<i32>} : memref<8x128xi32, #tpu.memory_space<vmem>>, vector<16xi32>,
      tpu.vector_store_idx %arg6[%get3A_109], %broadcast_in_dim3A_1 {add = true} : memref<10112xf32, #tpu.memory_space<vmem>>[vector<16xi32>], vector<16xf32>,
      %get3A_110 = arith.constant 3 : i32
      %get3A_111 = arith.index_cast %get3A_110 : i32 to index
      %get3A_112 = arith.constant 0 : index
      %get3A_113 = tpu.vector_load %arg5[%get3A_111, %get3A_112] {strides = array<i32>} : memref<8x128xi32, #tpu.memory_space<vmem>>, vector<16xi32>,
      tpu.vector_store_idx %arg6[%get3A_113], %broadcast_in_dim3A_1 {add = true} : memref<10112xf32, #tpu.memory_space<vmem>>[vector<16xi32>], vector<16xf32>,
      %get3A_114 = arith.constant 3 : i32
      %get3A_115 = arith.index_cast %get3A_114 : i32 to index
      %get3A_116 = arith.constant 16 : index
      %get3A_117 = tpu.vector_load %arg5[%get3A_115, %get3A_116] {strides = array<i32>} : memref<8x128xi32, #tpu.memory_space<vmem>>, vector<16xi32>,
      tpu.vector_store_idx %arg6[%get3A_117], %broadcast_in_dim3A_1 {add = true} : memref<10112xf32, #tpu.memory_space<vmem>>[vector<16xi32>], vector<16xf32>,
      %get3A_118 = arith.constant 3 : i32
      %get3A_119 = arith.index_cast %get3A_118 : i32 to index
      %get3A_120 = arith.constant 32 : index
      %get3A_121 = tpu.vector_load %arg5[%get3A_119, %get3A_120] {strides = array<i32>} : memref<8x128xi32, #tpu.memory_space<vmem>>, vector<16xi32>,
      tpu.vector_store_idx %arg6[%get3A_121], %broadcast_in_dim3A_1 {add = true} : memref<10112xf32, #tpu.memory_space<vmem>>[vector<16xi32>], vector<16xf32>,
      %get3A_122 = arith.constant 3 : i32
      %get3A_123 = arith.index_cast %get3A_122 : i32 to index
      %get3A_124 = arith.constant 48 : index
      %get3A_125 = tpu.vector_load %arg5[%get3A_123, %get3A_124] {strides = array<i32>} : memref<8x128xi32, #tpu.memory_space<vmem>>, vector<16xi32>,
      tpu.vector_store_idx %arg6[%get3A_125], %broadcast_in_dim3A_1 {add = true} : memref<10112xf32, #tpu.memory_space<vmem>>[vector<16xi32>], vector<16xf32>,
      %get3A_126 = arith.constant 3 : i32
      %get3A_127 = arith.index_cast %get3A_126 : i32 to index
      %get3A_128 = arith.constant 64 : index
      %get3A_129 = tpu.vector_load %arg5[%get3A_127, %get3A_128] {strides = array<i32>} : memref<8x128xi32, #tpu.memory_space<vmem>>, vector<16xi32>,
      tpu.vector_store_idx %arg6[%get3A_129], %broadcast_in_dim3A_1 {add = true} : memref<10112xf32, #tpu.memory_space<vmem>>[vector<16xi32>], vector<16xf32>,
      %get3A_130 = arith.constant 3 : i32
      %get3A_131 = arith.index_cast %get3A_130 : i32 to index
      %get3A_132 = arith.constant 80 : index
      %get3A_133 = tpu.vector_load %arg5[%get3A_131, %get3A_132] {strides = array<i32>} : memref<8x128xi32, #tpu.memory_space<vmem>>, vector<16xi32>,
      tpu.vector_store_idx %arg6[%get3A_133], %broadcast_in_dim3A_1 {add = true} : memref<10112xf32, #tpu.memory_space<vmem>>[vector<16xi32>], vector<16xf32>,
      %get3A_134 = arith.constant 3 : i32
      %get3A_135 = arith.index_cast %get3A_134 : i32 to index
      %get3A_136 = arith.constant 96 : index
      %get3A_137 = tpu.vector_load %arg5[%get3A_135, %get3A_136] {strides = array<i32>} : memref<8x128xi32, #tpu.memory_space<vmem>>, vector<16xi32>,
      tpu.vector_store_idx %arg6[%get3A_137], %broadcast_in_dim3A_1 {add = true} : memref<10112xf32, #tpu.memory_space<vmem>>[vector<16xi32>], vector<16xf32>,
      %get3A_138 = arith.constant 3 : i32
      %get3A_139 = arith.index_cast %get3A_138 : i32 to index
      %get3A_140 = arith.constant 112 : index
      %get3A_141 = tpu.vector_load %arg5[%get3A_139, %get3A_140] {strides = array<i32>} : memref<8x128xi32, #tpu.memory_space<vmem>>, vector<16xi32>,
      tpu.vector_store_idx %arg6[%get3A_141], %broadcast_in_dim3A_1 {add = true} : memref<10112xf32, #tpu.memory_space<vmem>>[vector<16xi32>], vector<16xf32>,
      %get3A_142 = arith.constant 4 : i32
      %get3A_143 = arith.index_cast %get3A_142 : i32 to index
      %get3A_144 = arith.constant 0 : index
      %get3A_145 = tpu.vector_load %arg5[%get3A_143, %get3A_144] {strides = array<i32>} : memref<8x128xi32, #tpu.memory_space<vmem>>, vector<16xi32>,
      tpu.vector_store_idx %arg6[%get3A_145], %broadcast_in_dim3A_1 {add = true} : memref<10112xf32, #tpu.memory_space<vmem>>[vector<16xi32>], vector<16xf32>,
      %get3A_146 = arith.constant 4 : i32
      %get3A_147 = arith.index_cast %get3A_146 : i32 to index
      %get3A_148 = arith.constant 16 : index
      %get3A_149 = tpu.vector_load %arg5[%get3A_147, %get3A_148] {strides = array<i32>} : memref<8x128xi32, #tpu.memory_space<vmem>>, vector<16xi32>,
      tpu.vector_store_idx %arg6[%get3A_149], %broadcast_in_dim3A_1 {add = true} : memref<10112xf32, #tpu.memory_space<vmem>>[vector<16xi32>], vector<16xf32>,
      %get3A_150 = arith.constant 4 : i32
      %get3A_151 = arith.index_cast %get3A_150 : i32 to index
      %get3A_152 = arith.constant 32 : index
      %get3A_153 = tpu.vector_load %arg5[%get3A_151, %get3A_152] {strides = array<i32>} : memref<8x128xi32, #tpu.memory_space<vmem>>, vector<16xi32>,
      tpu.vector_store_idx %arg6[%get3A_153], %broadcast_in_dim3A_1 {add = true} : memref<10112xf32, #tpu.memory_space<vmem>>[vector<16xi32>], vector<16xf32>,
      %get3A_154 = arith.constant 4 : i32
      %get3A_155 = arith.index_cast %get3A_154 : i32 to index
      %get3A_156 = arith.constant 48 : index
      %get3A_157 = tpu.vector_load %arg5[%get3A_155, %get3A_156] {strides = array<i32>} : memref<8x128xi32, #tpu.memory_space<vmem>>, vector<16xi32>,
      tpu.vector_store_idx %arg6[%get3A_157], %broadcast_in_dim3A_1 {add = true} : memref<10112xf32, #tpu.memory_space<vmem>>[vector<16xi32>], vector<16xf32>,
      %get3A_158 = arith.constant 4 : i32
      %get3A_159 = arith.index_cast %get3A_158 : i32 to index
      %get3A_160 = arith.constant 64 : index
      %get3A_161 = tpu.vector_load %arg5[%get3A_159, %get3A_160] {strides = array<i32>} : memref<8x128xi32, #tpu.memory_space<vmem>>, vector<16xi32>,
      tpu.vector_store_idx %arg6[%get3A_161], %broadcast_in_dim3A_1 {add = true} : memref<10112xf32, #tpu.memory_space<vmem>>[vector<16xi32>], vector<16xf32>,
      %get3A_162 = arith.constant 4 : i32
      %get3A_163 = arith.index_cast %get3A_162 : i32 to index
      %get3A_164 = arith.constant 80 : index
      %get3A_165 = tpu.vector_load %arg5[%get3A_163, %get3A_164] {strides = array<i32>} : memref<8x128xi32, #tpu.memory_space<vmem>>, vector<16xi32>,
      tpu.vector_store_idx %arg6[%get3A_165], %broadcast_in_dim3A_1 {add = true} : memref<10112xf32, #tpu.memory_space<vmem>>[vector<16xi32>], vector<16xf32>,
      %get3A_166 = arith.constant 4 : i32
      %get3A_167 = arith.index_cast %get3A_166 : i32 to index
      %get3A_168 = arith.constant 96 : index
      %get3A_169 = tpu.vector_load %arg5[%get3A_167, %get3A_168] {strides = array<i32>} : memref<8x128xi32, #tpu.memory_space<vmem>>, vector<16xi32>,
      tpu.vector_store_idx %arg6[%get3A_169], %broadcast_in_dim3A_1 {add = true} : memref<10112xf32, #tpu.memory_space<vmem>>[vector<16xi32>], vector<16xf32>,
      %get3A_170 = arith.constant 4 : i32
      %get3A_171 = arith.index_cast %get3A_170 : i32 to index
      %get3A_172 = arith.constant 112 : index
      %get3A_173 = tpu.vector_load %arg5[%get3A_171, %get3A_172] {strides = array<i32>} : memref<8x128xi32, #tpu.memory_space<vmem>>, vector<16xi32>,
      tpu.vector_store_idx %arg6[%get3A_173], %broadcast_in_dim3A_1 {add = true} : memref<10112xf32, #tpu.memory_space<vmem>>[vector<16xi32>], vector<16xf32>,
      %get3A_174 = arith.constant 5 : i32
      %get3A_175 = arith.index_cast %get3A_174 : i32 to index
      %get3A_176 = arith.constant 0 : index
      %get3A_177 = tpu.vector_load %arg5[%get3A_175, %get3A_176] {strides = array<i32>} : memref<8x128xi32, #tpu.memory_space<vmem>>, vector<16xi32>,
      tpu.vector_store_idx %arg6[%get3A_177], %broadcast_in_dim3A_1 {add = true} : memref<10112xf32, #tpu.memory_space<vmem>>[vector<16xi32>], vector<16xf32>,
      %get3A_178 = arith.constant 5 : i32
      %get3A_179 = arith.index_cast %get3A_178 : i32 to index
      %get3A_180 = arith.constant 16 : index
      %get3A_181 = tpu.vector_load %arg5[%get3A_179, %get3A_180] {strides = array<i32>} : memref<8x128xi32, #tpu.memory_space<vmem>>, vector<16xi32>,
      tpu.vector_store_idx %arg6[%get3A_181], %broadcast_in_dim3A_1 {add = true} : memref<10112xf32, #tpu.memory_space<vmem>>[vector<16xi32>], vector<16xf32>,
      %get3A_182 = arith.constant 5 : i32
      %get3A_183 = arith.index_cast %get3A_182 : i32 to index
      %get3A_184 = arith.constant 32 : index
      %get3A_185 = tpu.vector_load %arg5[%get3A_183, %get3A_184] {strides = array<i32>} : memref<8x128xi32, #tpu.memory_space<vmem>>, vector<16xi32>,
      tpu.vector_store_idx %arg6[%get3A_185], %broadcast_in_dim3A_1 {add = true} : memref<10112xf32, #tpu.memory_space<vmem>>[vector<16xi32>], vector<16xf32>,
      %get3A_186 = arith.constant 5 : i32
      %get3A_187 = arith.index_cast %get3A_186 : i32 to index
      %get3A_188 = arith.constant 48 : index
      %get3A_189 = tpu.vector_load %arg5[%get3A_187, %get3A_188] {strides = array<i32>} : memref<8x128xi32, #tpu.memory_space<vmem>>, vector<16xi32>,
      tpu.vector_store_idx %arg6[%get3A_189], %broadcast_in_dim3A_1 {add = true} : memref<10112xf32, #tpu.memory_space<vmem>>[vector<16xi32>], vector<16xf32>,
      %get3A_190 = arith.constant 5 : i32
      %get3A_191 = arith.index_cast %get3A_190 : i32 to index
      %get3A_192 = arith.constant 64 : index
      %get3A_193 = tpu.vector_load %arg5[%get3A_191, %get3A_192] {strides = array<i32>} : memref<8x128xi32, #tpu.memory_space<vmem>>, vector<16xi32>,
      tpu.vector_store_idx %arg6[%get3A_193], %broadcast_in_dim3A_1 {add = true} : memref<10112xf32, #tpu.memory_space<vmem>>[vector<16xi32>], vector<16xf32>,
      %get3A_194 = arith.constant 5 : i32
      %get3A_195 = arith.index_cast %get3A_194 : i32 to index
      %get3A_196 = arith.constant 80 : index
      %get3A_197 = tpu.vector_load %arg5[%get3A_195, %get3A_196] {strides = array<i32>} : memref<8x128xi32, #tpu.memory_space<vmem>>, vector<16xi32>,
      tpu.vector_store_idx %arg6[%get3A_197], %broadcast_in_dim3A_1 {add = true} : memref<10112xf32, #tpu.memory_space<vmem>>[vector<16xi32>], vector<16xf32>,
      %get3A_198 = arith.constant 5 : i32
      %get3A_199 = arith.index_cast %get3A_198 : i32 to index
      %get3A_200 = arith.constant 96 : index
      %get3A_201 = tpu.vector_load %arg5[%get3A_199, %get3A_200] {strides = array<i32>} : memref<8x128xi32, #tpu.memory_space<vmem>>, vector<16xi32>,
      tpu.vector_store_idx %arg6[%get3A_201], %broadcast_in_dim3A_1 {add = true} : memref<10112xf32, #tpu.memory_space<vmem>>[vector<16xi32>], vector<16xf32>,
      %get3A_202 = arith.constant 5 : i32
      %get3A_203 = arith.index_cast %get3A_202 : i32 to index
      %get3A_204 = arith.constant 112 : index
      %get3A_205 = tpu.vector_load %arg5[%get3A_203, %get3A_204] {strides = array<i32>} : memref<8x128xi32, #tpu.memory_space<vmem>>, vector<16xi32>,
      tpu.vector_store_idx %arg6[%get3A_205], %broadcast_in_dim3A_1 {add = true} : memref<10112xf32, #tpu.memory_space<vmem>>[vector<16xi32>], vector<16xf32>,
      %get3A_206 = arith.constant 6 : i32
      %get3A_207 = arith.index_cast %get3A_206 : i32 to index
      %get3A_208 = arith.constant 0 : index
      %get3A_209 = tpu.vector_load %arg5[%get3A_207, %get3A_208] {strides = array<i32>} : memref<8x128xi32, #tpu.memory_space<vmem>>, vector<16xi32>,
      tpu.vector_store_idx %arg6[%get3A_209], %broadcast_in_dim3A_1 {add = true} : memref<10112xf32, #tpu.memory_space<vmem>>[vector<16xi32>], vector<16xf32>,
      %get3A_210 = arith.constant 6 : i32
      %get3A_211 = arith.index_cast %get3A_210 : i32 to index
      %get3A_212 = arith.constant 16 : index
      %get3A_213 = tpu.vector_load %arg5[%get3A_211, %get3A_212] {strides = array<i32>} : memref<8x128xi32, #tpu.memory_space<vmem>>, vector<16xi32>,
      tpu.vector_store_idx %arg6[%get3A_213], %broadcast_in_dim3A_1 {add = true} : memref<10112xf32, #tpu.memory_space<vmem>>[vector<16xi32>], vector<16xf32>,
      %get3A_214 = arith.constant 6 : i32
      %get3A_215 = arith.index_cast %get3A_214 : i32 to index
      %get3A_216 = arith.constant 32 : index
      %get3A_217 = tpu.vector_load %arg5[%get3A_215, %get3A_216] {strides = array<i32>} : memref<8x128xi32, #tpu.memory_space<vmem>>, vector<16xi32>,
      tpu.vector_store_idx %arg6[%get3A_217], %broadcast_in_dim3A_1 {add = true} : memref<10112xf32, #tpu.memory_space<vmem>>[vector<16xi32>], vector<16xf32>,
      %get3A_218 = arith.constant 6 : i32
      %get3A_219 = arith.index_cast %get3A_218 : i32 to index
      %get3A_220 = arith.constant 48 : index
      %get3A_221 = tpu.vector_load %arg5[%get3A_219, %get3A_220] {strides = array<i32>} : memref<8x128xi32, #tpu.memory_space<vmem>>, vector<16xi32>,
      tpu.vector_store_idx %arg6[%get3A_221], %broadcast_in_dim3A_1 {add = true} : memref<10112xf32, #tpu.memory_space<vmem>>[vector<16xi32>], vector<16xf32>,
      %get3A_222 = arith.constant 6 : i32
      %get3A_223 = arith.index_cast %get3A_222 : i32 to index
      %get3A_224 = arith.constant 64 : index
      %get3A_225 = tpu.vector_load %arg5[%get3A_223, %get3A_224] {strides = array<i32>} : memref<8x128xi32, #tpu.memory_space<vmem>>, vector<16xi32>,
      tpu.vector_store_idx %arg6[%get3A_225], %broadcast_in_dim3A_1 {add = true} : memref<10112xf32, #tpu.memory_space<vmem>>[vector<16xi32>], vector<16xf32>,
      %get3A_226 = arith.constant 6 : i32
      %get3A_227 = arith.index_cast %get3A_226 : i32 to index
      %get3A_228 = arith.constant 80 : index
      %get3A_229 = tpu.vector_load %arg5[%get3A_227, %get3A_228] {strides = array<i32>} : memref<8x128xi32, #tpu.memory_space<vmem>>, vector<16xi32>,
      tpu.vector_store_idx %arg6[%get3A_229], %broadcast_in_dim3A_1 {add = true} : memref<10112xf32, #tpu.memory_space<vmem>>[vector<16xi32>], vector<16xf32>,
      %get3A_230 = arith.constant 6 : i32
      %get3A_231 = arith.index_cast %get3A_230 : i32 to index
      %get3A_232 = arith.constant 96 : index
      %get3A_233 = tpu.vector_load %arg5[%get3A_231, %get3A_232] {strides = array<i32>} : memref<8x128xi32, #tpu.memory_space<vmem>>, vector<16xi32>,
      tpu.vector_store_idx %arg6[%get3A_233], %broadcast_in_dim3A_1 {add = true} : memref<10112xf32, #tpu.memory_space<vmem>>[vector<16xi32>], vector<16xf32>,
      %get3A_234 = arith.constant 6 : i32
      %get3A_235 = arith.index_cast %get3A_234 : i32 to index
      %get3A_236 = arith.constant 112 : index
      %get3A_237 = tpu.vector_load %arg5[%get3A_235, %get3A_236] {strides = array<i32>} : memref<8x128xi32, #tpu.memory_space<vmem>>, vector<16xi32>,
      tpu.vector_store_idx %arg6[%get3A_237], %broadcast_in_dim3A_1 {add = true} : memref<10112xf32, #tpu.memory_space<vmem>>[vector<16xi32>], vector<16xf32>,
      %get3A_238 = arith.constant 7 : i32
      %get3A_239 = arith.index_cast %get3A_238 : i32 to index
      %get3A_240 = arith.constant 0 : index
      %get3A_241 = tpu.vector_load %arg5[%get3A_239, %get3A_240] {strides = array<i32>} : memref<8x128xi32, #tpu.memory_space<vmem>>, vector<16xi32>,
      tpu.vector_store_idx %arg6[%get3A_241], %broadcast_in_dim3A_1 {add = true} : memref<10112xf32, #tpu.memory_space<vmem>>[vector<16xi32>], vector<16xf32>,
      %get3A_242 = arith.constant 7 : i32
      %get3A_243 = arith.index_cast %get3A_242 : i32 to index
      %get3A_244 = arith.constant 16 : index
      %get3A_245 = tpu.vector_load %arg5[%get3A_243, %get3A_244] {strides = array<i32>} : memref<8x128xi32, #tpu.memory_space<vmem>>, vector<16xi32>,
      tpu.vector_store_idx %arg6[%get3A_245], %broadcast_in_dim3A_1 {add = true} : memref<10112xf32, #tpu.memory_space<vmem>>[vector<16xi32>], vector<16xf32>,
      %get3A_246 = arith.constant 7 : i32
      %get3A_247 = arith.index_cast %get3A_246 : i32 to index
      %get3A_248 = arith.constant 32 : index
      %get3A_249 = tpu.vector_load %arg5[%get3A_247, %get3A_248] {strides = array<i32>} : memref<8x128xi32, #tpu.memory_space<vmem>>, vector<16xi32>,
      tpu.vector_store_idx %arg6[%get3A_249], %broadcast_in_dim3A_1 {add = true} : memref<10112xf32, #tpu.memory_space<vmem>>[vector<16xi32>], vector<16xf32>,
      %get3A_250 = arith.constant 7 : i32
      %get3A_251 = arith.index_cast %get3A_250 : i32 to index
      %get3A_252 = arith.constant 48 : index
      %get3A_253 = tpu.vector_load %arg5[%get3A_251, %get3A_252] {strides = array<i32>} : memref<8x128xi32, #tpu.memory_space<vmem>>, vector<16xi32>,
      tpu.vector_store_idx %arg6[%get3A_253], %broadcast_in_dim3A_1 {add = true} : memref<10112xf32, #tpu.memory_space<vmem>>[vector<16xi32>], vector<16xf32>,
      %get3A_254 = arith.constant 7 : i32
      %get3A_255 = arith.index_cast %get3A_254 : i32 to index
      %get3A_256 = arith.constant 64 : index
      %get3A_257 = tpu.vector_load %arg5[%get3A_255, %get3A_256] {strides = array<i32>} : memref<8x128xi32, #tpu.memory_space<vmem>>, vector<16xi32>,
      tpu.vector_store_idx %arg6[%get3A_257], %broadcast_in_dim3A_1 {add = true} : memref<10112xf32, #tpu.memory_space<vmem>>[vector<16xi32>], vector<16xf32>,
      %get3A_258 = arith.constant 7 : i32
      %get3A_259 = arith.index_cast %get3A_258 : i32 to index
      %get3A_260 = arith.constant 80 : index
      %get3A_261 = tpu.vector_load %arg5[%get3A_259, %get3A_260] {strides = array<i32>} : memref<8x128xi32, #tpu.memory_space<vmem>>, vector<16xi32>,
      tpu.vector_store_idx %arg6[%get3A_261], %broadcast_in_dim3A_1 {add = true} : memref<10112xf32, #tpu.memory_space<vmem>>[vector<16xi32>], vector<16xf32>,
      %get3A_262 = arith.constant 7 : i32
      %get3A_263 = arith.index_cast %get3A_262 : i32 to index
      %get3A_264 = arith.constant 96 : index
      %get3A_265 = tpu.vector_load %arg5[%get3A_263, %get3A_264] {strides = array<i32>} : memref<8x128xi32, #tpu.memory_space<vmem>>, vector<16xi32>,
      tpu.vector_store_idx %arg6[%get3A_265], %broadcast_in_dim3A_1 {add = true} : memref<10112xf32, #tpu.memory_space<vmem>>[vector<16xi32>], vector<16xf32>,
      %get3A_266 = arith.constant 7 : i32
      %get3A_267 = arith.index_cast %get3A_266 : i32 to index
      %get3A_268 = arith.constant 112 : index
      %get3A_269 = tpu.vector_load %arg5[%get3A_267, %get3A_268] {strides = array<i32>} : memref<8x128xi32, #tpu.memory_space<vmem>>, vector<16xi32>,
      tpu.vector_store_idx %arg6[%get3A_269], %broadcast_in_dim3A_1 {add = true} : memref<10112xf32, #tpu.memory_space<vmem>>[vector<16xi32>], vector<16xf32>,
    }
    %scan3A_6 = arith.constant 10 : i32
    %mul3A_7 = arith.constant 10112 : i32
    %mul3A_8 = arith.muli %add3A, %mul3A_7 : i32
    "tpu.region"() ({
      %run_scoped3A = tpu.sem_alloc : memref<!tpu.dma_semaphore, #tpu.memory_space<semaphore_mem>>
      %dma_start3A = tpu.memref_slice %arg4[%mul3A_8] : memref<323584xf32, #tpu.memory_space<hbm>> -> memref<10112xf32, #tpu.memory_space<hbm>>
      %dma_start3A_9 = tpu.memref_slice %arg4[%mul3A_8] : memref<323584xf32, #tpu.memory_space<hbm>> -> memref<10112xf32, #tpu.memory_space<hbm>>
      tpu.enqueue_dma source(%arg6 : memref<10112xf32, #tpu.memory_space<vmem>>) target(%dma_start3A_9 : memref<10112xf32, #tpu.memory_space<hbm>>) target_semaphore(%run_scoped3A : memref<!tpu.dma_semaphore, #tpu.memory_space<semaphore_mem>>)
      %dma_wait3A = tpu.memref_slice %arg4[%mul3A_8] : memref<323584xf32, #tpu.memory_space<hbm>> -> memref<10112xf32, #tpu.memory_space<hbm>>
      %dma_wait3A_10 = tpu.memref_slice %arg4[%mul3A_8] : memref<323584xf32, #tpu.memory_space<hbm>> -> memref<10112xf32, #tpu.memory_space<hbm>>
      tpu.wait_dma2 semaphore(%run_scoped3A : memref<!tpu.dma_semaphore, #tpu.memory_space<semaphore_mem>>) src(%arg6 : memref<10112xf32, #tpu.memory_space<vmem>>) dst(%dma_wait3A_10 : memref<10112xf32, #tpu.memory_space<hbm>>)
      tpu.yield
    }) : () -> ()
    return
  }
}

#map = affine_map<(d0, d1) -> (0, 0)>
module attributes {stable_mosaic.version = 14 : i64} {
  func.func @body(%arg0: i32, %arg1: i32, %arg2: memref<2560x128xi32, #tpu.memory_space<hbm>>, %arg3: memref<2560x128xi32, #tpu.memory_space<hbm>>, %arg4: memref<10000x128xf32, #tpu.memory_space<hbm>>, %arg5: memref<128x128xf32, #tpu.memory_space<hbm>>, %arg6: memref<20224x128xf32, #tpu.memory_space<hbm>>, %arg7: memref<10112x128xf32, #tpu.memory_space<vmem_shared>>, %arg8: memref<8x128xi32, #tpu.memory_space<vmem>>, %arg9: memref<8x128xi32, #tpu.memory_space<vmem>>, %arg10: memref<128x128xf32, #tpu.memory_space<vmem>>, %arg11: memref<128x128xf32, #tpu.memory_space<vmem>>, %arg12: memref<!tpu.dma_semaphore, #tpu.memory_space<semaphore_mem>>) attributes {dimension_semantics = [#tpu.dimension_semantics<core_parallel>, #tpu.dimension_semantics<subcore_parallel>], iteration_bounds = array<i64: 2, 16>, scalar_prefetch = 0 : i64, scratch_operands = 6 : i64, tpu.core_type = #tpu.core_type<sc_vector_subcore>, window_params = [{transform_indices = #map}, {transform_indices = #map}, {transform_indices = #map}, {transform_indices = #map}, {transform_indices = #map}]} {
    %mul3A = arith.constant 16 : i32
    %mul3A_0 = arith.muli %arg0, %mul3A : i32
    %add3A = arith.addi %mul3A_0, %arg1 : i32
    "tpu.region"() ({
      %run_scoped3A = tpu.sem_alloc : memref<!tpu.dma_semaphore, #tpu.memory_space<semaphore_mem>>
      tpu.enqueue_dma source(%arg5 : memref<128x128xf32, #tpu.memory_space<hbm>>) target(%arg10 : memref<128x128xf32, #tpu.memory_space<vmem>>) target_semaphore(%run_scoped3A : memref<!tpu.dma_semaphore, #tpu.memory_space<semaphore_mem>>)
      tpu.wait_dma2 semaphore(%run_scoped3A : memref<!tpu.dma_semaphore, #tpu.memory_space<semaphore_mem>>) src(%arg5 : memref<128x128xf32, #tpu.memory_space<hbm>>) dst(%arg10 : memref<128x128xf32, #tpu.memory_space<vmem>>)
      tpu.yield
    }) : () -> ()
    %mul3A_1 = arith.constant 632 : i32
    %mul3A_2 = arith.muli %arg1, %mul3A_1 : i32
    "tpu.region"() ({
      %run_scoped3A = tpu.sem_alloc : memref<!tpu.dma_semaphore, #tpu.memory_space<semaphore_mem>>
      %dma_start3A = arith.constant 0 : i32
      %dma_start3A_46 = arith.constant 0 : i32
      %dma_start3A_47 = tpu.memref_slice %arg10[%dma_start3A, %dma_start3A_46] : memref<128x128xf32, #tpu.memory_space<vmem>> -> memref<128x128xf32, #tpu.memory_space<vmem>>
      %dma_start3A_48 = arith.constant 0 : i32
      %dma_start3A_49 = tpu.memref_slice %arg7[%mul3A_2, %dma_start3A_48] : memref<10112x128xf32, #tpu.memory_space<vmem_shared>> -> memref<128x128xf32, #tpu.memory_space<vmem_shared>>
      %dma_start3A_50 = arith.constant 0 : i32
      %dma_start3A_51 = tpu.memref_slice %arg7[%mul3A_2, %dma_start3A_50] : memref<10112x128xf32, #tpu.memory_space<vmem_shared>> -> memref<128x128xf32, #tpu.memory_space<vmem_shared>>
      %dma_start3A_52 = arith.constant 0 : i32
      %dma_start3A_53 = arith.constant 0 : i32
      %dma_start3A_54 = tpu.memref_slice %arg10[%dma_start3A_52, %dma_start3A_53] : memref<128x128xf32, #tpu.memory_space<vmem>> -> memref<128x128xf32, #tpu.memory_space<vmem>>
      tpu.enqueue_dma source(%dma_start3A_54 : memref<128x128xf32, #tpu.memory_space<vmem>>) target(%dma_start3A_51 : memref<128x128xf32, #tpu.memory_space<vmem_shared>>) target_semaphore(%run_scoped3A : memref<!tpu.dma_semaphore, #tpu.memory_space<semaphore_mem>>)
      %dma_wait3A = arith.constant 0 : i32
      %dma_wait3A_55 = arith.constant 0 : i32
      %dma_wait3A_56 = tpu.memref_slice %arg10[%dma_wait3A, %dma_wait3A_55] : memref<128x128xf32, #tpu.memory_space<vmem>> -> memref<128x128xf32, #tpu.memory_space<vmem>>
      %dma_wait3A_57 = arith.constant 0 : i32
      %dma_wait3A_58 = tpu.memref_slice %arg7[%mul3A_2, %dma_wait3A_57] : memref<10112x128xf32, #tpu.memory_space<vmem_shared>> -> memref<128x128xf32, #tpu.memory_space<vmem_shared>>
      %dma_wait3A_59 = arith.constant 0 : i32
      %dma_wait3A_60 = tpu.memref_slice %arg7[%mul3A_2, %dma_wait3A_59] : memref<10112x128xf32, #tpu.memory_space<vmem_shared>> -> memref<128x128xf32, #tpu.memory_space<vmem_shared>>
      %dma_wait3A_61 = arith.constant 0 : i32
      %dma_wait3A_62 = arith.constant 0 : i32
      %dma_wait3A_63 = tpu.memref_slice %arg10[%dma_wait3A_61, %dma_wait3A_62] : memref<128x128xf32, #tpu.memory_space<vmem>> -> memref<128x128xf32, #tpu.memory_space<vmem>>
      tpu.wait_dma2 semaphore(%run_scoped3A : memref<!tpu.dma_semaphore, #tpu.memory_space<semaphore_mem>>) src(%dma_wait3A_63 : memref<128x128xf32, #tpu.memory_space<vmem>>) dst(%dma_wait3A_60 : memref<128x128xf32, #tpu.memory_space<vmem_shared>>)
      tpu.yield
    }) : () -> ()
    %add3A_3 = arith.constant 128 : i32
    %add3A_4 = arith.addi %mul3A_2, %add3A_3 : i32
    "tpu.region"() ({
      %run_scoped3A = tpu.sem_alloc : memref<!tpu.dma_semaphore, #tpu.memory_space<semaphore_mem>>
      %dma_start3A = arith.constant 0 : i32
      %dma_start3A_46 = arith.constant 0 : i32
      %dma_start3A_47 = tpu.memref_slice %arg10[%dma_start3A, %dma_start3A_46] : memref<128x128xf32, #tpu.memory_space<vmem>> -> memref<128x128xf32, #tpu.memory_space<vmem>>
      %dma_start3A_48 = arith.constant 0 : i32
      %dma_start3A_49 = tpu.memref_slice %arg7[%add3A_4, %dma_start3A_48] : memref<10112x128xf32, #tpu.memory_space<vmem_shared>> -> memref<128x128xf32, #tpu.memory_space<vmem_shared>>
      %dma_start3A_50 = arith.constant 0 : i32
      %dma_start3A_51 = tpu.memref_slice %arg7[%add3A_4, %dma_start3A_50] : memref<10112x128xf32, #tpu.memory_space<vmem_shared>> -> memref<128x128xf32, #tpu.memory_space<vmem_shared>>
      %dma_start3A_52 = arith.constant 0 : i32
      %dma_start3A_53 = arith.constant 0 : i32
      %dma_start3A_54 = tpu.memref_slice %arg10[%dma_start3A_52, %dma_start3A_53] : memref<128x128xf32, #tpu.memory_space<vmem>> -> memref<128x128xf32, #tpu.memory_space<vmem>>
      tpu.enqueue_dma source(%dma_start3A_54 : memref<128x128xf32, #tpu.memory_space<vmem>>) target(%dma_start3A_51 : memref<128x128xf32, #tpu.memory_space<vmem_shared>>) target_semaphore(%run_scoped3A : memref<!tpu.dma_semaphore, #tpu.memory_space<semaphore_mem>>)
      %dma_wait3A = arith.constant 0 : i32
      %dma_wait3A_55 = arith.constant 0 : i32
      %dma_wait3A_56 = tpu.memref_slice %arg10[%dma_wait3A, %dma_wait3A_55] : memref<128x128xf32, #tpu.memory_space<vmem>> -> memref<128x128xf32, #tpu.memory_space<vmem>>
      %dma_wait3A_57 = arith.constant 0 : i32
      %dma_wait3A_58 = tpu.memref_slice %arg7[%add3A_4, %dma_wait3A_57] : memref<10112x128xf32, #tpu.memory_space<vmem_shared>> -> memref<128x128xf32, #tpu.memory_space<vmem_shared>>
      %dma_wait3A_59 = arith.constant 0 : i32
      %dma_wait3A_60 = tpu.memref_slice %arg7[%add3A_4, %dma_wait3A_59] : memref<10112x128xf32, #tpu.memory_space<vmem_shared>> -> memref<128x128xf32, #tpu.memory_space<vmem_shared>>
      %dma_wait3A_61 = arith.constant 0 : i32
      %dma_wait3A_62 = arith.constant 0 : i32
      %dma_wait3A_63 = tpu.memref_slice %arg10[%dma_wait3A_61, %dma_wait3A_62] : memref<128x128xf32, #tpu.memory_space<vmem>> -> memref<128x128xf32, #tpu.memory_space<vmem>>
      tpu.wait_dma2 semaphore(%run_scoped3A : memref<!tpu.dma_semaphore, #tpu.memory_space<semaphore_mem>>) src(%dma_wait3A_63 : memref<128x128xf32, #tpu.memory_space<vmem>>) dst(%dma_wait3A_60 : memref<128x128xf32, #tpu.memory_space<vmem_shared>>)
      tpu.yield
    }) : () -> ()
    %add3A_5 = arith.constant 128 : i32
    %add3A_6 = arith.addi %add3A_4, %add3A_5 : i32
    "tpu.region"() ({
      %run_scoped3A = tpu.sem_alloc : memref<!tpu.dma_semaphore, #tpu.memory_space<semaphore_mem>>
      %dma_start3A = arith.constant 0 : i32
      %dma_start3A_46 = arith.constant 0 : i32
      %dma_start3A_47 = tpu.memref_slice %arg10[%dma_start3A, %dma_start3A_46] : memref<128x128xf32, #tpu.memory_space<vmem>> -> memref<128x128xf32, #tpu.memory_space<vmem>>
      %dma_start3A_48 = arith.constant 0 : i32
      %dma_start3A_49 = tpu.memref_slice %arg7[%add3A_6, %dma_start3A_48] : memref<10112x128xf32, #tpu.memory_space<vmem_shared>> -> memref<128x128xf32, #tpu.memory_space<vmem_shared>>
      %dma_start3A_50 = arith.constant 0 : i32
      %dma_start3A_51 = tpu.memref_slice %arg7[%add3A_6, %dma_start3A_50] : memref<10112x128xf32, #tpu.memory_space<vmem_shared>> -> memref<128x128xf32, #tpu.memory_space<vmem_shared>>
      %dma_start3A_52 = arith.constant 0 : i32
      %dma_start3A_53 = arith.constant 0 : i32
      %dma_start3A_54 = tpu.memref_slice %arg10[%dma_start3A_52, %dma_start3A_53] : memref<128x128xf32, #tpu.memory_space<vmem>> -> memref<128x128xf32, #tpu.memory_space<vmem>>
      tpu.enqueue_dma source(%dma_start3A_54 : memref<128x128xf32, #tpu.memory_space<vmem>>) target(%dma_start3A_51 : memref<128x128xf32, #tpu.memory_space<vmem_shared>>) target_semaphore(%run_scoped3A : memref<!tpu.dma_semaphore, #tpu.memory_space<semaphore_mem>>)
      %dma_wait3A = arith.constant 0 : i32
      %dma_wait3A_55 = arith.constant 0 : i32
      %dma_wait3A_56 = tpu.memref_slice %arg10[%dma_wait3A, %dma_wait3A_55] : memref<128x128xf32, #tpu.memory_space<vmem>> -> memref<128x128xf32, #tpu.memory_space<vmem>>
      %dma_wait3A_57 = arith.constant 0 : i32
      %dma_wait3A_58 = tpu.memref_slice %arg7[%add3A_6, %dma_wait3A_57] : memref<10112x128xf32, #tpu.memory_space<vmem_shared>> -> memref<128x128xf32, #tpu.memory_space<vmem_shared>>
      %dma_wait3A_59 = arith.constant 0 : i32
      %dma_wait3A_60 = tpu.memref_slice %arg7[%add3A_6, %dma_wait3A_59] : memref<10112x128xf32, #tpu.memory_space<vmem_shared>> -> memref<128x128xf32, #tpu.memory_space<vmem_shared>>
      %dma_wait3A_61 = arith.constant 0 : i32
      %dma_wait3A_62 = arith.constant 0 : i32
      %dma_wait3A_63 = tpu.memref_slice %arg10[%dma_wait3A_61, %dma_wait3A_62] : memref<128x128xf32, #tpu.memory_space<vmem>> -> memref<128x128xf32, #tpu.memory_space<vmem>>
      tpu.wait_dma2 semaphore(%run_scoped3A : memref<!tpu.dma_semaphore, #tpu.memory_space<semaphore_mem>>) src(%dma_wait3A_63 : memref<128x128xf32, #tpu.memory_space<vmem>>) dst(%dma_wait3A_60 : memref<128x128xf32, #tpu.memory_space<vmem_shared>>)
      tpu.yield
    }) : () -> ()
    %add3A_7 = arith.constant 128 : i32
    %add3A_8 = arith.addi %add3A_6, %add3A_7 : i32
    "tpu.region"() ({
      %run_scoped3A = tpu.sem_alloc : memref<!tpu.dma_semaphore, #tpu.memory_space<semaphore_mem>>
      %dma_start3A = arith.constant 0 : i32
      %dma_start3A_46 = arith.constant 0 : i32
      %dma_start3A_47 = tpu.memref_slice %arg10[%dma_start3A, %dma_start3A_46] : memref<128x128xf32, #tpu.memory_space<vmem>> -> memref<128x128xf32, #tpu.memory_space<vmem>>
      %dma_start3A_48 = arith.constant 0 : i32
      %dma_start3A_49 = tpu.memref_slice %arg7[%add3A_8, %dma_start3A_48] : memref<10112x128xf32, #tpu.memory_space<vmem_shared>> -> memref<128x128xf32, #tpu.memory_space<vmem_shared>>
      %dma_start3A_50 = arith.constant 0 : i32
      %dma_start3A_51 = tpu.memref_slice %arg7[%add3A_8, %dma_start3A_50] : memref<10112x128xf32, #tpu.memory_space<vmem_shared>> -> memref<128x128xf32, #tpu.memory_space<vmem_shared>>
      %dma_start3A_52 = arith.constant 0 : i32
      %dma_start3A_53 = arith.constant 0 : i32
      %dma_start3A_54 = tpu.memref_slice %arg10[%dma_start3A_52, %dma_start3A_53] : memref<128x128xf32, #tpu.memory_space<vmem>> -> memref<128x128xf32, #tpu.memory_space<vmem>>
      tpu.enqueue_dma source(%dma_start3A_54 : memref<128x128xf32, #tpu.memory_space<vmem>>) target(%dma_start3A_51 : memref<128x128xf32, #tpu.memory_space<vmem_shared>>) target_semaphore(%run_scoped3A : memref<!tpu.dma_semaphore, #tpu.memory_space<semaphore_mem>>)
      %dma_wait3A = arith.constant 0 : i32
      %dma_wait3A_55 = arith.constant 0 : i32
      %dma_wait3A_56 = tpu.memref_slice %arg10[%dma_wait3A, %dma_wait3A_55] : memref<128x128xf32, #tpu.memory_space<vmem>> -> memref<128x128xf32, #tpu.memory_space<vmem>>
      %dma_wait3A_57 = arith.constant 0 : i32
      %dma_wait3A_58 = tpu.memref_slice %arg7[%add3A_8, %dma_wait3A_57] : memref<10112x128xf32, #tpu.memory_space<vmem_shared>> -> memref<128x128xf32, #tpu.memory_space<vmem_shared>>
      %dma_wait3A_59 = arith.constant 0 : i32
      %dma_wait3A_60 = tpu.memref_slice %arg7[%add3A_8, %dma_wait3A_59] : memref<10112x128xf32, #tpu.memory_space<vmem_shared>> -> memref<128x128xf32, #tpu.memory_space<vmem_shared>>
      %dma_wait3A_61 = arith.constant 0 : i32
      %dma_wait3A_62 = arith.constant 0 : i32
      %dma_wait3A_63 = tpu.memref_slice %arg10[%dma_wait3A_61, %dma_wait3A_62] : memref<128x128xf32, #tpu.memory_space<vmem>> -> memref<128x128xf32, #tpu.memory_space<vmem>>
      tpu.wait_dma2 semaphore(%run_scoped3A : memref<!tpu.dma_semaphore, #tpu.memory_space<semaphore_mem>>) src(%dma_wait3A_63 : memref<128x128xf32, #tpu.memory_space<vmem>>) dst(%dma_wait3A_60 : memref<128x128xf32, #tpu.memory_space<vmem_shared>>)
      tpu.yield
    }) : () -> ()
    %add3A_9 = arith.constant 128 : i32
    %add3A_10 = arith.addi %add3A_8, %add3A_9 : i32
    "tpu.region"() ({
      %run_scoped3A = tpu.sem_alloc : memref<!tpu.dma_semaphore, #tpu.memory_space<semaphore_mem>>
      %dma_start3A = arith.constant 0 : i32
      %dma_start3A_46 = arith.constant 0 : i32
      %dma_start3A_47 = tpu.memref_slice %arg10[%dma_start3A, %dma_start3A_46] : memref<128x128xf32, #tpu.memory_space<vmem>> -> memref<120x128xf32, #tpu.memory_space<vmem>>
      %dma_start3A_48 = arith.constant 0 : i32
      %dma_start3A_49 = tpu.memref_slice %arg7[%add3A_10, %dma_start3A_48] : memref<10112x128xf32, #tpu.memory_space<vmem_shared>> -> memref<120x128xf32, #tpu.memory_space<vmem_shared>>
      %dma_start3A_50 = arith.constant 0 : i32
      %dma_start3A_51 = tpu.memref_slice %arg7[%add3A_10, %dma_start3A_50] : memref<10112x128xf32, #tpu.memory_space<vmem_shared>> -> memref<120x128xf32, #tpu.memory_space<vmem_shared>>
      %dma_start3A_52 = arith.constant 0 : i32
      %dma_start3A_53 = arith.constant 0 : i32
      %dma_start3A_54 = tpu.memref_slice %arg10[%dma_start3A_52, %dma_start3A_53] : memref<128x128xf32, #tpu.memory_space<vmem>> -> memref<120x128xf32, #tpu.memory_space<vmem>>
      tpu.enqueue_dma source(%dma_start3A_54 : memref<120x128xf32, #tpu.memory_space<vmem>>) target(%dma_start3A_51 : memref<120x128xf32, #tpu.memory_space<vmem_shared>>) target_semaphore(%run_scoped3A : memref<!tpu.dma_semaphore, #tpu.memory_space<semaphore_mem>>)
      %dma_wait3A = arith.constant 0 : i32
      %dma_wait3A_55 = arith.constant 0 : i32
      %dma_wait3A_56 = tpu.memref_slice %arg10[%dma_wait3A, %dma_wait3A_55] : memref<128x128xf32, #tpu.memory_space<vmem>> -> memref<120x128xf32, #tpu.memory_space<vmem>>
      %dma_wait3A_57 = arith.constant 0 : i32
      %dma_wait3A_58 = tpu.memref_slice %arg7[%add3A_10, %dma_wait3A_57] : memref<10112x128xf32, #tpu.memory_space<vmem_shared>> -> memref<120x128xf32, #tpu.memory_space<vmem_shared>>
      %dma_wait3A_59 = arith.constant 0 : i32
      %dma_wait3A_60 = tpu.memref_slice %arg7[%add3A_10, %dma_wait3A_59] : memref<10112x128xf32, #tpu.memory_space<vmem_shared>> -> memref<120x128xf32, #tpu.memory_space<vmem_shared>>
      %dma_wait3A_61 = arith.constant 0 : i32
      %dma_wait3A_62 = arith.constant 0 : i32
      %dma_wait3A_63 = tpu.memref_slice %arg10[%dma_wait3A_61, %dma_wait3A_62] : memref<128x128xf32, #tpu.memory_space<vmem>> -> memref<120x128xf32, #tpu.memory_space<vmem>>
      tpu.wait_dma2 semaphore(%run_scoped3A : memref<!tpu.dma_semaphore, #tpu.memory_space<semaphore_mem>>) src(%dma_wait3A_63 : memref<120x128xf32, #tpu.memory_space<vmem>>) dst(%dma_wait3A_60 : memref<120x128xf32, #tpu.memory_space<vmem_shared>>)
      tpu.yield
    }) : () -> ()
    %add3A_11 = arith.constant 120 : i32
    %add3A_12 = arith.addi %add3A_10, %add3A_11 : i32
    %barrier3A = arith.constant 0 : index
    tpu.barrier barrier_id(%barrier3A)
    %scan3A = arith.constant 0 : i32
    %scan3A_13 = arith.constant 0 : i32
    %scan3A_14 = arith.constant 10 : i32
    %scan3A_15 = arith.addi %scan3A_13, %scan3A_14 : i32
    %scan3A_16 = arith.constant 1 : i32
    scf.for %scan3A_46 = %scan3A_13 to %scan3A_15 step %scan3A_16  : i32 {
      %mul3A_47 = arith.constant 80 : i32
      %mul3A_48 = arith.muli %add3A, %mul3A_47 : i32
      %mul3A_49 = arith.constant 8 : i32
      %mul3A_50 = arith.muli %scan3A_46, %mul3A_49 : i32
      %add3A_51 = arith.addi %mul3A_48, %mul3A_50 : i32
      "tpu.region"() ({
        %run_scoped3A_169 = tpu.sem_alloc : memref<!tpu.dma_semaphore, #tpu.memory_space<semaphore_mem>>
        %dma_start3A_170 = arith.constant 0 : i32
        %dma_start3A_171 = tpu.memref_slice %arg2[%add3A_51, %dma_start3A_170] : memref<2560x128xi32, #tpu.memory_space<hbm>> -> memref<8x128xi32, #tpu.memory_space<hbm>>
        %dma_start3A_172 = arith.constant 0 : i32
        %dma_start3A_173 = tpu.memref_slice %arg2[%add3A_51, %dma_start3A_172] : memref<2560x128xi32, #tpu.memory_space<hbm>> -> memref<8x128xi32, #tpu.memory_space<hbm>>
        tpu.enqueue_dma source(%dma_start3A_173 : memref<8x128xi32, #tpu.memory_space<hbm>>) target(%arg8 : memref<8x128xi32, #tpu.memory_space<vmem>>) target_semaphore(%run_scoped3A_169 : memref<!tpu.dma_semaphore, #tpu.memory_space<semaphore_mem>>)
        %dma_wait3A_174 = arith.constant 0 : i32
        %dma_wait3A_175 = tpu.memref_slice %arg2[%add3A_51, %dma_wait3A_174] : memref<2560x128xi32, #tpu.memory_space<hbm>> -> memref<8x128xi32, #tpu.memory_space<hbm>>
        %dma_wait3A_176 = arith.constant 0 : i32
        %dma_wait3A_177 = tpu.memref_slice %arg2[%add3A_51, %dma_wait3A_176] : memref<2560x128xi32, #tpu.memory_space<hbm>> -> memref<8x128xi32, #tpu.memory_space<hbm>>
        tpu.wait_dma2 semaphore(%run_scoped3A_169 : memref<!tpu.dma_semaphore, #tpu.memory_space<semaphore_mem>>) src(%dma_wait3A_177 : memref<8x128xi32, #tpu.memory_space<hbm>>) dst(%arg8 : memref<8x128xi32, #tpu.memory_space<vmem>>)
        tpu.yield
      }) : () -> ()
      "tpu.region"() ({
        %run_scoped3A_169 = tpu.sem_alloc : memref<!tpu.dma_semaphore, #tpu.memory_space<semaphore_mem>>
        %dma_start3A_170 = arith.constant 0 : i32
        %dma_start3A_171 = tpu.memref_slice %arg3[%add3A_51, %dma_start3A_170] : memref<2560x128xi32, #tpu.memory_space<hbm>> -> memref<8x128xi32, #tpu.memory_space<hbm>>
        %dma_start3A_172 = arith.constant 0 : i32
        %dma_start3A_173 = tpu.memref_slice %arg3[%add3A_51, %dma_start3A_172] : memref<2560x128xi32, #tpu.memory_space<hbm>> -> memref<8x128xi32, #tpu.memory_space<hbm>>
        tpu.enqueue_dma source(%dma_start3A_173 : memref<8x128xi32, #tpu.memory_space<hbm>>) target(%arg9 : memref<8x128xi32, #tpu.memory_space<vmem>>) target_semaphore(%run_scoped3A_169 : memref<!tpu.dma_semaphore, #tpu.memory_space<semaphore_mem>>)
        %dma_wait3A_174 = arith.constant 0 : i32
        %dma_wait3A_175 = tpu.memref_slice %arg3[%add3A_51, %dma_wait3A_174] : memref<2560x128xi32, #tpu.memory_space<hbm>> -> memref<8x128xi32, #tpu.memory_space<hbm>>
        %dma_wait3A_176 = arith.constant 0 : i32
        %dma_wait3A_177 = tpu.memref_slice %arg3[%add3A_51, %dma_wait3A_176] : memref<2560x128xi32, #tpu.memory_space<hbm>> -> memref<8x128xi32, #tpu.memory_space<hbm>>
        tpu.wait_dma2 semaphore(%run_scoped3A_169 : memref<!tpu.dma_semaphore, #tpu.memory_space<semaphore_mem>>) src(%dma_wait3A_177 : memref<8x128xi32, #tpu.memory_space<hbm>>) dst(%arg9 : memref<8x128xi32, #tpu.memory_space<vmem>>)
        tpu.yield
      }) : () -> ()
      %dma_start3A = arith.constant 0 : i32
      %dma_start3A_52 = arith.constant 0 : i32
      %dma_start3A_53 = tpu.memref_slice %arg8[%dma_start3A, %dma_start3A_52] : memref<8x128xi32, #tpu.memory_space<vmem>> -> memref<1x128xi32, #tpu.memory_space<vmem>>
      %dma_start3A_54 = tpu.memref_squeeze %dma_start3A_53 : memref<1x128xi32, #tpu.memory_space<vmem>> -> memref<128xi32, #tpu.memory_space<vmem>>
      %dma_start3A_55 = arith.constant 0 : i32
      %dma_start3A_56 = arith.constant 0 : i32
      %dma_start3A_57 = tpu.memref_slice %arg4[%dma_start3A_55, %dma_start3A_56] : memref<10000x128xf32, #tpu.memory_space<hbm>> -> memref<10000x128xf32, #tpu.memory_space<hbm>>
      tpu.enqueue_indirect_dma source(%dma_start3A_57 : memref<10000x128xf32, #tpu.memory_space<hbm>>) target(%arg10 : memref<128x128xf32, #tpu.memory_space<vmem>>) offsets(%dma_start3A_54 : memref<128xi32, #tpu.memory_space<vmem>>) semaphore(%arg12 : memref<!tpu.dma_semaphore, #tpu.memory_space<semaphore_mem>>)
      %dma_wait3A = arith.constant 0 : i32
      %dma_wait3A_58 = arith.constant 0 : i32
      %dma_wait3A_59 = tpu.memref_slice %arg8[%dma_wait3A, %dma_wait3A_58] : memref<8x128xi32, #tpu.memory_space<vmem>> -> memref<1x128xi32, #tpu.memory_space<vmem>>
      %dma_wait3A_60 = tpu.memref_squeeze %dma_wait3A_59 : memref<1x128xi32, #tpu.memory_space<vmem>> -> memref<128xi32, #tpu.memory_space<vmem>>
      %dma_wait3A_61 = arith.constant 0 : i32
      %dma_wait3A_62 = arith.constant 0 : i32
      %dma_wait3A_63 = tpu.memref_slice %arg4[%dma_wait3A_61, %dma_wait3A_62] : memref<10000x128xf32, #tpu.memory_space<hbm>> -> memref<10000x128xf32, #tpu.memory_space<hbm>>
      tpu.wait_indirect_dma semaphore(%arg12 : memref<!tpu.dma_semaphore, #tpu.memory_space<semaphore_mem>>) src(%dma_wait3A_63 : memref<10000x128xf32, #tpu.memory_space<hbm>>) dst(%arg10 : memref<128x128xf32, #tpu.memory_space<vmem>>)
      %dma_start3A_64 = arith.constant 1 : i32
      %dma_start3A_65 = arith.constant 0 : i32
      %dma_start3A_66 = tpu.memref_slice %arg8[%dma_start3A_64, %dma_start3A_65] : memref<8x128xi32, #tpu.memory_space<vmem>> -> memref<1x128xi32, #tpu.memory_space<vmem>>
      %dma_start3A_67 = tpu.memref_squeeze %dma_start3A_66 : memref<1x128xi32, #tpu.memory_space<vmem>> -> memref<128xi32, #tpu.memory_space<vmem>>
      %dma_start3A_68 = arith.constant 0 : i32
      %dma_start3A_69 = arith.constant 0 : i32
      %dma_start3A_70 = tpu.memref_slice %arg4[%dma_start3A_68, %dma_start3A_69] : memref<10000x128xf32, #tpu.memory_space<hbm>> -> memref<10000x128xf32, #tpu.memory_space<hbm>>
      tpu.enqueue_indirect_dma source(%dma_start3A_70 : memref<10000x128xf32, #tpu.memory_space<hbm>>) target(%arg11 : memref<128x128xf32, #tpu.memory_space<vmem>>) offsets(%dma_start3A_67 : memref<128xi32, #tpu.memory_space<vmem>>) semaphore(%arg12 : memref<!tpu.dma_semaphore, #tpu.memory_space<semaphore_mem>>)
      %run_scoped3A = arith.constant 0 : i32
      "tpu.region"() ({
        %run_scoped3A_169 = tpu.sem_alloc : memref<!tpu.dma_semaphore, #tpu.memory_space<semaphore_mem>>
        %dma_start3A_170 = arith.constant 0 : i32
        %dma_start3A_171 = tpu.memref_slice %arg9[%run_scoped3A, %dma_start3A_170] : memref<8x128xi32, #tpu.memory_space<vmem>> -> memref<1x128xi32, #tpu.memory_space<vmem>>
        %dma_start3A_172 = tpu.memref_squeeze %dma_start3A_171 : memref<1x128xi32, #tpu.memory_space<vmem>> -> memref<128xi32, #tpu.memory_space<vmem>>
        %dma_start3A_173 = arith.constant 0 : i32
        %dma_start3A_174 = arith.constant 0 : i32
        %dma_start3A_175 = tpu.memref_slice %arg7[%dma_start3A_173, %dma_start3A_174] : memref<10112x128xf32, #tpu.memory_space<vmem_shared>> -> memref<10112x128xf32, #tpu.memory_space<vmem_shared>>
        tpu.enqueue_indirect_dma source(%arg10 : memref<128x128xf32, #tpu.memory_space<vmem>>) target(%dma_start3A_175 : memref<10112x128xf32, #tpu.memory_space<vmem_shared>>) offsets(%dma_start3A_172 : memref<128xi32, #tpu.memory_space<vmem>>) semaphore(%run_scoped3A_169 : memref<!tpu.dma_semaphore, #tpu.memory_space<semaphore_mem>>) {add = true}
        %dma_wait3A_176 = arith.constant 0 : i32
        %dma_wait3A_177 = tpu.memref_slice %arg9[%run_scoped3A, %dma_wait3A_176] : memref<8x128xi32, #tpu.memory_space<vmem>> -> memref<1x128xi32, #tpu.memory_space<vmem>>
        %dma_wait3A_178 = tpu.memref_squeeze %dma_wait3A_177 : memref<1x128xi32, #tpu.memory_space<vmem>> -> memref<128xi32, #tpu.memory_space<vmem>>
        %dma_wait3A_179 = arith.constant 0 : i32
        %dma_wait3A_180 = arith.constant 0 : i32
        %dma_wait3A_181 = tpu.memref_slice %arg7[%dma_wait3A_179, %dma_wait3A_180] : memref<10112x128xf32, #tpu.memory_space<vmem_shared>> -> memref<10112x128xf32, #tpu.memory_space<vmem_shared>>
        tpu.wait_indirect_dma semaphore(%run_scoped3A_169 : memref<!tpu.dma_semaphore, #tpu.memory_space<semaphore_mem>>) src(%arg10 : memref<128x128xf32, #tpu.memory_space<vmem>>) dst(%dma_wait3A_181 : memref<10112x128xf32, #tpu.memory_space<vmem_shared>>)
        tpu.yield
      }) : () -> ()
      %dma_wait3A_71 = arith.constant 1 : i32
      %dma_wait3A_72 = arith.constant 0 : i32
      %dma_wait3A_73 = tpu.memref_slice %arg8[%dma_wait3A_71, %dma_wait3A_72] : memref<8x128xi32, #tpu.memory_space<vmem>> -> memref<1x128xi32, #tpu.memory_space<vmem>>
      %dma_wait3A_74 = tpu.memref_squeeze %dma_wait3A_73 : memref<1x128xi32, #tpu.memory_space<vmem>> -> memref<128xi32, #tpu.memory_space<vmem>>
      %dma_wait3A_75 = arith.constant 0 : i32
      %dma_wait3A_76 = arith.constant 0 : i32
      %dma_wait3A_77 = tpu.memref_slice %arg4[%dma_wait3A_75, %dma_wait3A_76] : memref<10000x128xf32, #tpu.memory_space<hbm>> -> memref<10000x128xf32, #tpu.memory_space<hbm>>
      tpu.wait_indirect_dma semaphore(%arg12 : memref<!tpu.dma_semaphore, #tpu.memory_space<semaphore_mem>>) src(%dma_wait3A_77 : memref<10000x128xf32, #tpu.memory_space<hbm>>) dst(%arg11 : memref<128x128xf32, #tpu.memory_space<vmem>>)
      %dma_start3A_78 = arith.constant 2 : i32
      %dma_start3A_79 = arith.constant 0 : i32
      %dma_start3A_80 = tpu.memref_slice %arg8[%dma_start3A_78, %dma_start3A_79] : memref<8x128xi32, #tpu.memory_space<vmem>> -> memref<1x128xi32, #tpu.memory_space<vmem>>
      %dma_start3A_81 = tpu.memref_squeeze %dma_start3A_80 : memref<1x128xi32, #tpu.memory_space<vmem>> -> memref<128xi32, #tpu.memory_space<vmem>>
      %dma_start3A_82 = arith.constant 0 : i32
      %dma_start3A_83 = arith.constant 0 : i32
      %dma_start3A_84 = tpu.memref_slice %arg4[%dma_start3A_82, %dma_start3A_83] : memref<10000x128xf32, #tpu.memory_space<hbm>> -> memref<10000x128xf32, #tpu.memory_space<hbm>>
      tpu.enqueue_indirect_dma source(%dma_start3A_84 : memref<10000x128xf32, #tpu.memory_space<hbm>>) target(%arg10 : memref<128x128xf32, #tpu.memory_space<vmem>>) offsets(%dma_start3A_81 : memref<128xi32, #tpu.memory_space<vmem>>) semaphore(%arg12 : memref<!tpu.dma_semaphore, #tpu.memory_space<semaphore_mem>>)
      %run_scoped3A_85 = arith.constant 1 : i32
      "tpu.region"() ({
        %run_scoped3A_169 = tpu.sem_alloc : memref<!tpu.dma_semaphore, #tpu.memory_space<semaphore_mem>>
        %dma_start3A_170 = arith.constant 0 : i32
        %dma_start3A_171 = tpu.memref_slice %arg9[%run_scoped3A_85, %dma_start3A_170] : memref<8x128xi32, #tpu.memory_space<vmem>> -> memref<1x128xi32, #tpu.memory_space<vmem>>
        %dma_start3A_172 = tpu.memref_squeeze %dma_start3A_171 : memref<1x128xi32, #tpu.memory_space<vmem>> -> memref<128xi32, #tpu.memory_space<vmem>>
        %dma_start3A_173 = arith.constant 0 : i32
        %dma_start3A_174 = arith.constant 0 : i32
        %dma_start3A_175 = tpu.memref_slice %arg7[%dma_start3A_173, %dma_start3A_174] : memref<10112x128xf32, #tpu.memory_space<vmem_shared>> -> memref<10112x128xf32, #tpu.memory_space<vmem_shared>>
        tpu.enqueue_indirect_dma source(%arg11 : memref<128x128xf32, #tpu.memory_space<vmem>>) target(%dma_start3A_175 : memref<10112x128xf32, #tpu.memory_space<vmem_shared>>) offsets(%dma_start3A_172 : memref<128xi32, #tpu.memory_space<vmem>>) semaphore(%run_scoped3A_169 : memref<!tpu.dma_semaphore, #tpu.memory_space<semaphore_mem>>) {add = true}
        %dma_wait3A_176 = arith.constant 0 : i32
        %dma_wait3A_177 = tpu.memref_slice %arg9[%run_scoped3A_85, %dma_wait3A_176] : memref<8x128xi32, #tpu.memory_space<vmem>> -> memref<1x128xi32, #tpu.memory_space<vmem>>
        %dma_wait3A_178 = tpu.memref_squeeze %dma_wait3A_177 : memref<1x128xi32, #tpu.memory_space<vmem>> -> memref<128xi32, #tpu.memory_space<vmem>>
        %dma_wait3A_179 = arith.constant 0 : i32
        %dma_wait3A_180 = arith.constant 0 : i32
        %dma_wait3A_181 = tpu.memref_slice %arg7[%dma_wait3A_179, %dma_wait3A_180] : memref<10112x128xf32, #tpu.memory_space<vmem_shared>> -> memref<10112x128xf32, #tpu.memory_space<vmem_shared>>
        tpu.wait_indirect_dma semaphore(%run_scoped3A_169 : memref<!tpu.dma_semaphore, #tpu.memory_space<semaphore_mem>>) src(%arg11 : memref<128x128xf32, #tpu.memory_space<vmem>>) dst(%dma_wait3A_181 : memref<10112x128xf32, #tpu.memory_space<vmem_shared>>)
        tpu.yield
      }) : () -> ()
      %dma_wait3A_86 = arith.constant 2 : i32
      %dma_wait3A_87 = arith.constant 0 : i32
      %dma_wait3A_88 = tpu.memref_slice %arg8[%dma_wait3A_86, %dma_wait3A_87] : memref<8x128xi32, #tpu.memory_space<vmem>> -> memref<1x128xi32, #tpu.memory_space<vmem>>
      %dma_wait3A_89 = tpu.memref_squeeze %dma_wait3A_88 : memref<1x128xi32, #tpu.memory_space<vmem>> -> memref<128xi32, #tpu.memory_space<vmem>>
      %dma_wait3A_90 = arith.constant 0 : i32
      %dma_wait3A_91 = arith.constant 0 : i32
      %dma_wait3A_92 = tpu.memref_slice %arg4[%dma_wait3A_90, %dma_wait3A_91] : memref<10000x128xf32, #tpu.memory_space<hbm>> -> memref<10000x128xf32, #tpu.memory_space<hbm>>
      tpu.wait_indirect_dma semaphore(%arg12 : memref<!tpu.dma_semaphore, #tpu.memory_space<semaphore_mem>>) src(%dma_wait3A_92 : memref<10000x128xf32, #tpu.memory_space<hbm>>) dst(%arg10 : memref<128x128xf32, #tpu.memory_space<vmem>>)
      %dma_start3A_93 = arith.constant 3 : i32
      %dma_start3A_94 = arith.constant 0 : i32
      %dma_start3A_95 = tpu.memref_slice %arg8[%dma_start3A_93, %dma_start3A_94] : memref<8x128xi32, #tpu.memory_space<vmem>> -> memref<1x128xi32, #tpu.memory_space<vmem>>
      %dma_start3A_96 = tpu.memref_squeeze %dma_start3A_95 : memref<1x128xi32, #tpu.memory_space<vmem>> -> memref<128xi32, #tpu.memory_space<vmem>>
      %dma_start3A_97 = arith.constant 0 : i32
      %dma_start3A_98 = arith.constant 0 : i32
      %dma_start3A_99 = tpu.memref_slice %arg4[%dma_start3A_97, %dma_start3A_98] : memref<10000x128xf32, #tpu.memory_space<hbm>> -> memref<10000x128xf32, #tpu.memory_space<hbm>>
      tpu.enqueue_indirect_dma source(%dma_start3A_99 : memref<10000x128xf32, #tpu.memory_space<hbm>>) target(%arg11 : memref<128x128xf32, #tpu.memory_space<vmem>>) offsets(%dma_start3A_96 : memref<128xi32, #tpu.memory_space<vmem>>) semaphore(%arg12 : memref<!tpu.dma_semaphore, #tpu.memory_space<semaphore_mem>>)
      %run_scoped3A_100 = arith.constant 2 : i32
      "tpu.region"() ({
        %run_scoped3A_169 = tpu.sem_alloc : memref<!tpu.dma_semaphore, #tpu.memory_space<semaphore_mem>>
        %dma_start3A_170 = arith.constant 0 : i32
        %dma_start3A_171 = tpu.memref_slice %arg9[%run_scoped3A_100, %dma_start3A_170] : memref<8x128xi32, #tpu.memory_space<vmem>> -> memref<1x128xi32, #tpu.memory_space<vmem>>
        %dma_start3A_172 = tpu.memref_squeeze %dma_start3A_171 : memref<1x128xi32, #tpu.memory_space<vmem>> -> memref<128xi32, #tpu.memory_space<vmem>>
        %dma_start3A_173 = arith.constant 0 : i32
        %dma_start3A_174 = arith.constant 0 : i32
        %dma_start3A_175 = tpu.memref_slice %arg7[%dma_start3A_173, %dma_start3A_174] : memref<10112x128xf32, #tpu.memory_space<vmem_shared>> -> memref<10112x128xf32, #tpu.memory_space<vmem_shared>>
        tpu.enqueue_indirect_dma source(%arg10 : memref<128x128xf32, #tpu.memory_space<vmem>>) target(%dma_start3A_175 : memref<10112x128xf32, #tpu.memory_space<vmem_shared>>) offsets(%dma_start3A_172 : memref<128xi32, #tpu.memory_space<vmem>>) semaphore(%run_scoped3A_169 : memref<!tpu.dma_semaphore, #tpu.memory_space<semaphore_mem>>) {add = true}
        %dma_wait3A_176 = arith.constant 0 : i32
        %dma_wait3A_177 = tpu.memref_slice %arg9[%run_scoped3A_100, %dma_wait3A_176] : memref<8x128xi32, #tpu.memory_space<vmem>> -> memref<1x128xi32, #tpu.memory_space<vmem>>
        %dma_wait3A_178 = tpu.memref_squeeze %dma_wait3A_177 : memref<1x128xi32, #tpu.memory_space<vmem>> -> memref<128xi32, #tpu.memory_space<vmem>>
        %dma_wait3A_179 = arith.constant 0 : i32
        %dma_wait3A_180 = arith.constant 0 : i32
        %dma_wait3A_181 = tpu.memref_slice %arg7[%dma_wait3A_179, %dma_wait3A_180] : memref<10112x128xf32, #tpu.memory_space<vmem_shared>> -> memref<10112x128xf32, #tpu.memory_space<vmem_shared>>
        tpu.wait_indirect_dma semaphore(%run_scoped3A_169 : memref<!tpu.dma_semaphore, #tpu.memory_space<semaphore_mem>>) src(%arg10 : memref<128x128xf32, #tpu.memory_space<vmem>>) dst(%dma_wait3A_181 : memref<10112x128xf32, #tpu.memory_space<vmem_shared>>)
        tpu.yield
      }) : () -> ()
      %dma_wait3A_101 = arith.constant 3 : i32
      %dma_wait3A_102 = arith.constant 0 : i32
      %dma_wait3A_103 = tpu.memref_slice %arg8[%dma_wait3A_101, %dma_wait3A_102] : memref<8x128xi32, #tpu.memory_space<vmem>> -> memref<1x128xi32, #tpu.memory_space<vmem>>
      %dma_wait3A_104 = tpu.memref_squeeze %dma_wait3A_103 : memref<1x128xi32, #tpu.memory_space<vmem>> -> memref<128xi32, #tpu.memory_space<vmem>>
      %dma_wait3A_105 = arith.constant 0 : i32
      %dma_wait3A_106 = arith.constant 0 : i32
      %dma_wait3A_107 = tpu.memref_slice %arg4[%dma_wait3A_105, %dma_wait3A_106] : memref<10000x128xf32, #tpu.memory_space<hbm>> -> memref<10000x128xf32, #tpu.memory_space<hbm>>
      tpu.wait_indirect_dma semaphore(%arg12 : memref<!tpu.dma_semaphore, #tpu.memory_space<semaphore_mem>>) src(%dma_wait3A_107 : memref<10000x128xf32, #tpu.memory_space<hbm>>) dst(%arg11 : memref<128x128xf32, #tpu.memory_space<vmem>>)
      %dma_start3A_108 = arith.constant 4 : i32
      %dma_start3A_109 = arith.constant 0 : i32
      %dma_start3A_110 = tpu.memref_slice %arg8[%dma_start3A_108, %dma_start3A_109] : memref<8x128xi32, #tpu.memory_space<vmem>> -> memref<1x128xi32, #tpu.memory_space<vmem>>
      %dma_start3A_111 = tpu.memref_squeeze %dma_start3A_110 : memref<1x128xi32, #tpu.memory_space<vmem>> -> memref<128xi32, #tpu.memory_space<vmem>>
      %dma_start3A_112 = arith.constant 0 : i32
      %dma_start3A_113 = arith.constant 0 : i32
      %dma_start3A_114 = tpu.memref_slice %arg4[%dma_start3A_112, %dma_start3A_113] : memref<10000x128xf32, #tpu.memory_space<hbm>> -> memref<10000x128xf32, #tpu.memory_space<hbm>>
      tpu.enqueue_indirect_dma source(%dma_start3A_114 : memref<10000x128xf32, #tpu.memory_space<hbm>>) target(%arg10 : memref<128x128xf32, #tpu.memory_space<vmem>>) offsets(%dma_start3A_111 : memref<128xi32, #tpu.memory_space<vmem>>) semaphore(%arg12 : memref<!tpu.dma_semaphore, #tpu.memory_space<semaphore_mem>>)
      %run_scoped3A_115 = arith.constant 3 : i32
      "tpu.region"() ({
        %run_scoped3A_169 = tpu.sem_alloc : memref<!tpu.dma_semaphore, #tpu.memory_space<semaphore_mem>>
        %dma_start3A_170 = arith.constant 0 : i32
        %dma_start3A_171 = tpu.memref_slice %arg9[%run_scoped3A_115, %dma_start3A_170] : memref<8x128xi32, #tpu.memory_space<vmem>> -> memref<1x128xi32, #tpu.memory_space<vmem>>
        %dma_start3A_172 = tpu.memref_squeeze %dma_start3A_171 : memref<1x128xi32, #tpu.memory_space<vmem>> -> memref<128xi32, #tpu.memory_space<vmem>>
        %dma_start3A_173 = arith.constant 0 : i32
        %dma_start3A_174 = arith.constant 0 : i32
        %dma_start3A_175 = tpu.memref_slice %arg7[%dma_start3A_173, %dma_start3A_174] : memref<10112x128xf32, #tpu.memory_space<vmem_shared>> -> memref<10112x128xf32, #tpu.memory_space<vmem_shared>>
        tpu.enqueue_indirect_dma source(%arg11 : memref<128x128xf32, #tpu.memory_space<vmem>>) target(%dma_start3A_175 : memref<10112x128xf32, #tpu.memory_space<vmem_shared>>) offsets(%dma_start3A_172 : memref<128xi32, #tpu.memory_space<vmem>>) semaphore(%run_scoped3A_169 : memref<!tpu.dma_semaphore, #tpu.memory_space<semaphore_mem>>) {add = true}
        %dma_wait3A_176 = arith.constant 0 : i32
        %dma_wait3A_177 = tpu.memref_slice %arg9[%run_scoped3A_115, %dma_wait3A_176] : memref<8x128xi32, #tpu.memory_space<vmem>> -> memref<1x128xi32, #tpu.memory_space<vmem>>
        %dma_wait3A_178 = tpu.memref_squeeze %dma_wait3A_177 : memref<1x128xi32, #tpu.memory_space<vmem>> -> memref<128xi32, #tpu.memory_space<vmem>>
        %dma_wait3A_179 = arith.constant 0 : i32
        %dma_wait3A_180 = arith.constant 0 : i32
        %dma_wait3A_181 = tpu.memref_slice %arg7[%dma_wait3A_179, %dma_wait3A_180] : memref<10112x128xf32, #tpu.memory_space<vmem_shared>> -> memref<10112x128xf32, #tpu.memory_space<vmem_shared>>
        tpu.wait_indirect_dma semaphore(%run_scoped3A_169 : memref<!tpu.dma_semaphore, #tpu.memory_space<semaphore_mem>>) src(%arg11 : memref<128x128xf32, #tpu.memory_space<vmem>>) dst(%dma_wait3A_181 : memref<10112x128xf32, #tpu.memory_space<vmem_shared>>)
        tpu.yield
      }) : () -> ()
      %dma_wait3A_116 = arith.constant 4 : i32
      %dma_wait3A_117 = arith.constant 0 : i32
      %dma_wait3A_118 = tpu.memref_slice %arg8[%dma_wait3A_116, %dma_wait3A_117] : memref<8x128xi32, #tpu.memory_space<vmem>> -> memref<1x128xi32, #tpu.memory_space<vmem>>
      %dma_wait3A_119 = tpu.memref_squeeze %dma_wait3A_118 : memref<1x128xi32, #tpu.memory_space<vmem>> -> memref<128xi32, #tpu.memory_space<vmem>>
      %dma_wait3A_120 = arith.constant 0 : i32
      %dma_wait3A_121 = arith.constant 0 : i32
      %dma_wait3A_122 = tpu.memref_slice %arg4[%dma_wait3A_120, %dma_wait3A_121] : memref<10000x128xf32, #tpu.memory_space<hbm>> -> memref<10000x128xf32, #tpu.memory_space<hbm>>
      tpu.wait_indirect_dma semaphore(%arg12 : memref<!tpu.dma_semaphore, #tpu.memory_space<semaphore_mem>>) src(%dma_wait3A_122 : memref<10000x128xf32, #tpu.memory_space<hbm>>) dst(%arg10 : memref<128x128xf32, #tpu.memory_space<vmem>>)
      %dma_start3A_123 = arith.constant 5 : i32
      %dma_start3A_124 = arith.constant 0 : i32
      %dma_start3A_125 = tpu.memref_slice %arg8[%dma_start3A_123, %dma_start3A_124] : memref<8x128xi32, #tpu.memory_space<vmem>> -> memref<1x128xi32, #tpu.memory_space<vmem>>
      %dma_start3A_126 = tpu.memref_squeeze %dma_start3A_125 : memref<1x128xi32, #tpu.memory_space<vmem>> -> memref<128xi32, #tpu.memory_space<vmem>>
      %dma_start3A_127 = arith.constant 0 : i32
      %dma_start3A_128 = arith.constant 0 : i32
      %dma_start3A_129 = tpu.memref_slice %arg4[%dma_start3A_127, %dma_start3A_128] : memref<10000x128xf32, #tpu.memory_space<hbm>> -> memref<10000x128xf32, #tpu.memory_space<hbm>>
      tpu.enqueue_indirect_dma source(%dma_start3A_129 : memref<10000x128xf32, #tpu.memory_space<hbm>>) target(%arg11 : memref<128x128xf32, #tpu.memory_space<vmem>>) offsets(%dma_start3A_126 : memref<128xi32, #tpu.memory_space<vmem>>) semaphore(%arg12 : memref<!tpu.dma_semaphore, #tpu.memory_space<semaphore_mem>>)
      %run_scoped3A_130 = arith.constant 4 : i32
      "tpu.region"() ({
        %run_scoped3A_169 = tpu.sem_alloc : memref<!tpu.dma_semaphore, #tpu.memory_space<semaphore_mem>>
        %dma_start3A_170 = arith.constant 0 : i32
        %dma_start3A_171 = tpu.memref_slice %arg9[%run_scoped3A_130, %dma_start3A_170] : memref<8x128xi32, #tpu.memory_space<vmem>> -> memref<1x128xi32, #tpu.memory_space<vmem>>
        %dma_start3A_172 = tpu.memref_squeeze %dma_start3A_171 : memref<1x128xi32, #tpu.memory_space<vmem>> -> memref<128xi32, #tpu.memory_space<vmem>>
        %dma_start3A_173 = arith.constant 0 : i32
        %dma_start3A_174 = arith.constant 0 : i32
        %dma_start3A_175 = tpu.memref_slice %arg7[%dma_start3A_173, %dma_start3A_174] : memref<10112x128xf32, #tpu.memory_space<vmem_shared>> -> memref<10112x128xf32, #tpu.memory_space<vmem_shared>>
        tpu.enqueue_indirect_dma source(%arg10 : memref<128x128xf32, #tpu.memory_space<vmem>>) target(%dma_start3A_175 : memref<10112x128xf32, #tpu.memory_space<vmem_shared>>) offsets(%dma_start3A_172 : memref<128xi32, #tpu.memory_space<vmem>>) semaphore(%run_scoped3A_169 : memref<!tpu.dma_semaphore, #tpu.memory_space<semaphore_mem>>) {add = true}
        %dma_wait3A_176 = arith.constant 0 : i32
        %dma_wait3A_177 = tpu.memref_slice %arg9[%run_scoped3A_130, %dma_wait3A_176] : memref<8x128xi32, #tpu.memory_space<vmem>> -> memref<1x128xi32, #tpu.memory_space<vmem>>
        %dma_wait3A_178 = tpu.memref_squeeze %dma_wait3A_177 : memref<1x128xi32, #tpu.memory_space<vmem>> -> memref<128xi32, #tpu.memory_space<vmem>>
        %dma_wait3A_179 = arith.constant 0 : i32
        %dma_wait3A_180 = arith.constant 0 : i32
        %dma_wait3A_181 = tpu.memref_slice %arg7[%dma_wait3A_179, %dma_wait3A_180] : memref<10112x128xf32, #tpu.memory_space<vmem_shared>> -> memref<10112x128xf32, #tpu.memory_space<vmem_shared>>
        tpu.wait_indirect_dma semaphore(%run_scoped3A_169 : memref<!tpu.dma_semaphore, #tpu.memory_space<semaphore_mem>>) src(%arg10 : memref<128x128xf32, #tpu.memory_space<vmem>>) dst(%dma_wait3A_181 : memref<10112x128xf32, #tpu.memory_space<vmem_shared>>)
        tpu.yield
      }) : () -> ()
      %dma_wait3A_131 = arith.constant 5 : i32
      %dma_wait3A_132 = arith.constant 0 : i32
      %dma_wait3A_133 = tpu.memref_slice %arg8[%dma_wait3A_131, %dma_wait3A_132] : memref<8x128xi32, #tpu.memory_space<vmem>> -> memref<1x128xi32, #tpu.memory_space<vmem>>
      %dma_wait3A_134 = tpu.memref_squeeze %dma_wait3A_133 : memref<1x128xi32, #tpu.memory_space<vmem>> -> memref<128xi32, #tpu.memory_space<vmem>>
      %dma_wait3A_135 = arith.constant 0 : i32
      %dma_wait3A_136 = arith.constant 0 : i32
      %dma_wait3A_137 = tpu.memref_slice %arg4[%dma_wait3A_135, %dma_wait3A_136] : memref<10000x128xf32, #tpu.memory_space<hbm>> -> memref<10000x128xf32, #tpu.memory_space<hbm>>
      tpu.wait_indirect_dma semaphore(%arg12 : memref<!tpu.dma_semaphore, #tpu.memory_space<semaphore_mem>>) src(%dma_wait3A_137 : memref<10000x128xf32, #tpu.memory_space<hbm>>) dst(%arg11 : memref<128x128xf32, #tpu.memory_space<vmem>>)
      %dma_start3A_138 = arith.constant 6 : i32
      %dma_start3A_139 = arith.constant 0 : i32
      %dma_start3A_140 = tpu.memref_slice %arg8[%dma_start3A_138, %dma_start3A_139] : memref<8x128xi32, #tpu.memory_space<vmem>> -> memref<1x128xi32, #tpu.memory_space<vmem>>
      %dma_start3A_141 = tpu.memref_squeeze %dma_start3A_140 : memref<1x128xi32, #tpu.memory_space<vmem>> -> memref<128xi32, #tpu.memory_space<vmem>>
      %dma_start3A_142 = arith.constant 0 : i32
      %dma_start3A_143 = arith.constant 0 : i32
      %dma_start3A_144 = tpu.memref_slice %arg4[%dma_start3A_142, %dma_start3A_143] : memref<10000x128xf32, #tpu.memory_space<hbm>> -> memref<10000x128xf32, #tpu.memory_space<hbm>>
      tpu.enqueue_indirect_dma source(%dma_start3A_144 : memref<10000x128xf32, #tpu.memory_space<hbm>>) target(%arg10 : memref<128x128xf32, #tpu.memory_space<vmem>>) offsets(%dma_start3A_141 : memref<128xi32, #tpu.memory_space<vmem>>) semaphore(%arg12 : memref<!tpu.dma_semaphore, #tpu.memory_space<semaphore_mem>>)
      %run_scoped3A_145 = arith.constant 5 : i32
      "tpu.region"() ({
        %run_scoped3A_169 = tpu.sem_alloc : memref<!tpu.dma_semaphore, #tpu.memory_space<semaphore_mem>>
        %dma_start3A_170 = arith.constant 0 : i32
        %dma_start3A_171 = tpu.memref_slice %arg9[%run_scoped3A_145, %dma_start3A_170] : memref<8x128xi32, #tpu.memory_space<vmem>> -> memref<1x128xi32, #tpu.memory_space<vmem>>
        %dma_start3A_172 = tpu.memref_squeeze %dma_start3A_171 : memref<1x128xi32, #tpu.memory_space<vmem>> -> memref<128xi32, #tpu.memory_space<vmem>>
        %dma_start3A_173 = arith.constant 0 : i32
        %dma_start3A_174 = arith.constant 0 : i32
        %dma_start3A_175 = tpu.memref_slice %arg7[%dma_start3A_173, %dma_start3A_174] : memref<10112x128xf32, #tpu.memory_space<vmem_shared>> -> memref<10112x128xf32, #tpu.memory_space<vmem_shared>>
        tpu.enqueue_indirect_dma source(%arg11 : memref<128x128xf32, #tpu.memory_space<vmem>>) target(%dma_start3A_175 : memref<10112x128xf32, #tpu.memory_space<vmem_shared>>) offsets(%dma_start3A_172 : memref<128xi32, #tpu.memory_space<vmem>>) semaphore(%run_scoped3A_169 : memref<!tpu.dma_semaphore, #tpu.memory_space<semaphore_mem>>) {add = true}
        %dma_wait3A_176 = arith.constant 0 : i32
        %dma_wait3A_177 = tpu.memref_slice %arg9[%run_scoped3A_145, %dma_wait3A_176] : memref<8x128xi32, #tpu.memory_space<vmem>> -> memref<1x128xi32, #tpu.memory_space<vmem>>
        %dma_wait3A_178 = tpu.memref_squeeze %dma_wait3A_177 : memref<1x128xi32, #tpu.memory_space<vmem>> -> memref<128xi32, #tpu.memory_space<vmem>>
        %dma_wait3A_179 = arith.constant 0 : i32
        %dma_wait3A_180 = arith.constant 0 : i32
        %dma_wait3A_181 = tpu.memref_slice %arg7[%dma_wait3A_179, %dma_wait3A_180] : memref<10112x128xf32, #tpu.memory_space<vmem_shared>> -> memref<10112x128xf32, #tpu.memory_space<vmem_shared>>
        tpu.wait_indirect_dma semaphore(%run_scoped3A_169 : memref<!tpu.dma_semaphore, #tpu.memory_space<semaphore_mem>>) src(%arg11 : memref<128x128xf32, #tpu.memory_space<vmem>>) dst(%dma_wait3A_181 : memref<10112x128xf32, #tpu.memory_space<vmem_shared>>)
        tpu.yield
      }) : () -> ()
      %dma_wait3A_146 = arith.constant 6 : i32
      %dma_wait3A_147 = arith.constant 0 : i32
      %dma_wait3A_148 = tpu.memref_slice %arg8[%dma_wait3A_146, %dma_wait3A_147] : memref<8x128xi32, #tpu.memory_space<vmem>> -> memref<1x128xi32, #tpu.memory_space<vmem>>
      %dma_wait3A_149 = tpu.memref_squeeze %dma_wait3A_148 : memref<1x128xi32, #tpu.memory_space<vmem>> -> memref<128xi32, #tpu.memory_space<vmem>>
      %dma_wait3A_150 = arith.constant 0 : i32
      %dma_wait3A_151 = arith.constant 0 : i32
      %dma_wait3A_152 = tpu.memref_slice %arg4[%dma_wait3A_150, %dma_wait3A_151] : memref<10000x128xf32, #tpu.memory_space<hbm>> -> memref<10000x128xf32, #tpu.memory_space<hbm>>
      tpu.wait_indirect_dma semaphore(%arg12 : memref<!tpu.dma_semaphore, #tpu.memory_space<semaphore_mem>>) src(%dma_wait3A_152 : memref<10000x128xf32, #tpu.memory_space<hbm>>) dst(%arg10 : memref<128x128xf32, #tpu.memory_space<vmem>>)
      %dma_start3A_153 = arith.constant 7 : i32
      %dma_start3A_154 = arith.constant 0 : i32
      %dma_start3A_155 = tpu.memref_slice %arg8[%dma_start3A_153, %dma_start3A_154] : memref<8x128xi32, #tpu.memory_space<vmem>> -> memref<1x128xi32, #tpu.memory_space<vmem>>
      %dma_start3A_156 = tpu.memref_squeeze %dma_start3A_155 : memref<1x128xi32, #tpu.memory_space<vmem>> -> memref<128xi32, #tpu.memory_space<vmem>>
      %dma_start3A_157 = arith.constant 0 : i32
      %dma_start3A_158 = arith.constant 0 : i32
      %dma_start3A_159 = tpu.memref_slice %arg4[%dma_start3A_157, %dma_start3A_158] : memref<10000x128xf32, #tpu.memory_space<hbm>> -> memref<10000x128xf32, #tpu.memory_space<hbm>>
      tpu.enqueue_indirect_dma source(%dma_start3A_159 : memref<10000x128xf32, #tpu.memory_space<hbm>>) target(%arg11 : memref<128x128xf32, #tpu.memory_space<vmem>>) offsets(%dma_start3A_156 : memref<128xi32, #tpu.memory_space<vmem>>) semaphore(%arg12 : memref<!tpu.dma_semaphore, #tpu.memory_space<semaphore_mem>>)
      %run_scoped3A_160 = arith.constant 6 : i32
      "tpu.region"() ({
        %run_scoped3A_169 = tpu.sem_alloc : memref<!tpu.dma_semaphore, #tpu.memory_space<semaphore_mem>>
        %dma_start3A_170 = arith.constant 0 : i32
        %dma_start3A_171 = tpu.memref_slice %arg9[%run_scoped3A_160, %dma_start3A_170] : memref<8x128xi32, #tpu.memory_space<vmem>> -> memref<1x128xi32, #tpu.memory_space<vmem>>
        %dma_start3A_172 = tpu.memref_squeeze %dma_start3A_171 : memref<1x128xi32, #tpu.memory_space<vmem>> -> memref<128xi32, #tpu.memory_space<vmem>>
        %dma_start3A_173 = arith.constant 0 : i32
        %dma_start3A_174 = arith.constant 0 : i32
        %dma_start3A_175 = tpu.memref_slice %arg7[%dma_start3A_173, %dma_start3A_174] : memref<10112x128xf32, #tpu.memory_space<vmem_shared>> -> memref<10112x128xf32, #tpu.memory_space<vmem_shared>>
        tpu.enqueue_indirect_dma source(%arg10 : memref<128x128xf32, #tpu.memory_space<vmem>>) target(%dma_start3A_175 : memref<10112x128xf32, #tpu.memory_space<vmem_shared>>) offsets(%dma_start3A_172 : memref<128xi32, #tpu.memory_space<vmem>>) semaphore(%run_scoped3A_169 : memref<!tpu.dma_semaphore, #tpu.memory_space<semaphore_mem>>) {add = true}
        %dma_wait3A_176 = arith.constant 0 : i32
        %dma_wait3A_177 = tpu.memref_slice %arg9[%run_scoped3A_160, %dma_wait3A_176] : memref<8x128xi32, #tpu.memory_space<vmem>> -> memref<1x128xi32, #tpu.memory_space<vmem>>
        %dma_wait3A_178 = tpu.memref_squeeze %dma_wait3A_177 : memref<1x128xi32, #tpu.memory_space<vmem>> -> memref<128xi32, #tpu.memory_space<vmem>>
        %dma_wait3A_179 = arith.constant 0 : i32
        %dma_wait3A_180 = arith.constant 0 : i32
        %dma_wait3A_181 = tpu.memref_slice %arg7[%dma_wait3A_179, %dma_wait3A_180] : memref<10112x128xf32, #tpu.memory_space<vmem_shared>> -> memref<10112x128xf32, #tpu.memory_space<vmem_shared>>
        tpu.wait_indirect_dma semaphore(%run_scoped3A_169 : memref<!tpu.dma_semaphore, #tpu.memory_space<semaphore_mem>>) src(%arg10 : memref<128x128xf32, #tpu.memory_space<vmem>>) dst(%dma_wait3A_181 : memref<10112x128xf32, #tpu.memory_space<vmem_shared>>)
        tpu.yield
      }) : () -> ()
      %dma_wait3A_161 = arith.constant 7 : i32
      %dma_wait3A_162 = arith.constant 0 : i32
      %dma_wait3A_163 = tpu.memref_slice %arg8[%dma_wait3A_161, %dma_wait3A_162] : memref<8x128xi32, #tpu.memory_space<vmem>> -> memref<1x128xi32, #tpu.memory_space<vmem>>
      %dma_wait3A_164 = tpu.memref_squeeze %dma_wait3A_163 : memref<1x128xi32, #tpu.memory_space<vmem>> -> memref<128xi32, #tpu.memory_space<vmem>>
      %dma_wait3A_165 = arith.constant 0 : i32
      %dma_wait3A_166 = arith.constant 0 : i32
      %dma_wait3A_167 = tpu.memref_slice %arg4[%dma_wait3A_165, %dma_wait3A_166] : memref<10000x128xf32, #tpu.memory_space<hbm>> -> memref<10000x128xf32, #tpu.memory_space<hbm>>
      tpu.wait_indirect_dma semaphore(%arg12 : memref<!tpu.dma_semaphore, #tpu.memory_space<semaphore_mem>>) src(%dma_wait3A_167 : memref<10000x128xf32, #tpu.memory_space<hbm>>) dst(%arg11 : memref<128x128xf32, #tpu.memory_space<vmem>>)
      %run_scoped3A_168 = arith.constant 7 : i32
      "tpu.region"() ({
        %run_scoped3A_169 = tpu.sem_alloc : memref<!tpu.dma_semaphore, #tpu.memory_space<semaphore_mem>>
        %dma_start3A_170 = arith.constant 0 : i32
        %dma_start3A_171 = tpu.memref_slice %arg9[%run_scoped3A_168, %dma_start3A_170] : memref<8x128xi32, #tpu.memory_space<vmem>> -> memref<1x128xi32, #tpu.memory_space<vmem>>
        %dma_start3A_172 = tpu.memref_squeeze %dma_start3A_171 : memref<1x128xi32, #tpu.memory_space<vmem>> -> memref<128xi32, #tpu.memory_space<vmem>>
        %dma_start3A_173 = arith.constant 0 : i32
        %dma_start3A_174 = arith.constant 0 : i32
        %dma_start3A_175 = tpu.memref_slice %arg7[%dma_start3A_173, %dma_start3A_174] : memref<10112x128xf32, #tpu.memory_space<vmem_shared>> -> memref<10112x128xf32, #tpu.memory_space<vmem_shared>>
        tpu.enqueue_indirect_dma source(%arg11 : memref<128x128xf32, #tpu.memory_space<vmem>>) target(%dma_start3A_175 : memref<10112x128xf32, #tpu.memory_space<vmem_shared>>) offsets(%dma_start3A_172 : memref<128xi32, #tpu.memory_space<vmem>>) semaphore(%run_scoped3A_169 : memref<!tpu.dma_semaphore, #tpu.memory_space<semaphore_mem>>) {add = true}
        %dma_wait3A_176 = arith.constant 0 : i32
        %dma_wait3A_177 = tpu.memref_slice %arg9[%run_scoped3A_168, %dma_wait3A_176] : memref<8x128xi32, #tpu.memory_space<vmem>> -> memref<1x128xi32, #tpu.memory_space<vmem>>
        %dma_wait3A_178 = tpu.memref_squeeze %dma_wait3A_177 : memref<1x128xi32, #tpu.memory_space<vmem>> -> memref<128xi32, #tpu.memory_space<vmem>>
        %dma_wait3A_179 = arith.constant 0 : i32
        %dma_wait3A_180 = arith.constant 0 : i32
        %dma_wait3A_181 = tpu.memref_slice %arg7[%dma_wait3A_179, %dma_wait3A_180] : memref<10112x128xf32, #tpu.memory_space<vmem_shared>> -> memref<10112x128xf32, #tpu.memory_space<vmem_shared>>
        tpu.wait_indirect_dma semaphore(%run_scoped3A_169 : memref<!tpu.dma_semaphore, #tpu.memory_space<semaphore_mem>>) src(%arg11 : memref<128x128xf32, #tpu.memory_space<vmem>>) dst(%dma_wait3A_181 : memref<10112x128xf32, #tpu.memory_space<vmem_shared>>)
        tpu.yield
      }) : () -> ()
    }
    %scan3A_17 = arith.constant 10 : i32
    %barrier3A_18 = arith.constant 0 : index
    tpu.barrier barrier_id(%barrier3A_18)
    %mul3A_19 = arith.constant 632 : i32
    %mul3A_20 = arith.muli %arg1, %mul3A_19 : i32
    "tpu.region"() ({
      %run_scoped3A = tpu.sem_alloc : memref<!tpu.dma_semaphore, #tpu.memory_space<semaphore_mem>>
      %dma_start3A = arith.constant 0 : i32
      %dma_start3A_46 = arith.constant 0 : i32
      %dma_start3A_47 = tpu.memref_slice %arg10[%dma_start3A, %dma_start3A_46] : memref<128x128xf32, #tpu.memory_space<vmem>> -> memref<128x128xf32, #tpu.memory_space<vmem>>
      %dma_start3A_48 = arith.constant 0 : i32
      %dma_start3A_49 = tpu.memref_slice %arg7[%mul3A_20, %dma_start3A_48] : memref<10112x128xf32, #tpu.memory_space<vmem_shared>> -> memref<128x128xf32, #tpu.memory_space<vmem_shared>>
      %dma_start3A_50 = arith.constant 0 : i32
      %dma_start3A_51 = arith.constant 0 : i32
      %dma_start3A_52 = tpu.memref_slice %arg10[%dma_start3A_50, %dma_start3A_51] : memref<128x128xf32, #tpu.memory_space<vmem>> -> memref<128x128xf32, #tpu.memory_space<vmem>>
      %dma_start3A_53 = arith.constant 0 : i32
      %dma_start3A_54 = tpu.memref_slice %arg7[%mul3A_20, %dma_start3A_53] : memref<10112x128xf32, #tpu.memory_space<vmem_shared>> -> memref<128x128xf32, #tpu.memory_space<vmem_shared>>
      tpu.enqueue_dma source(%dma_start3A_54 : memref<128x128xf32, #tpu.memory_space<vmem_shared>>) target(%dma_start3A_52 : memref<128x128xf32, #tpu.memory_space<vmem>>) target_semaphore(%run_scoped3A : memref<!tpu.dma_semaphore, #tpu.memory_space<semaphore_mem>>)
      %dma_wait3A = arith.constant 0 : i32
      %dma_wait3A_55 = arith.constant 0 : i32
      %dma_wait3A_56 = tpu.memref_slice %arg10[%dma_wait3A, %dma_wait3A_55] : memref<128x128xf32, #tpu.memory_space<vmem>> -> memref<128x128xf32, #tpu.memory_space<vmem>>
      %dma_wait3A_57 = arith.constant 0 : i32
      %dma_wait3A_58 = tpu.memref_slice %arg7[%mul3A_20, %dma_wait3A_57] : memref<10112x128xf32, #tpu.memory_space<vmem_shared>> -> memref<128x128xf32, #tpu.memory_space<vmem_shared>>
      %dma_wait3A_59 = arith.constant 0 : i32
      %dma_wait3A_60 = arith.constant 0 : i32
      %dma_wait3A_61 = tpu.memref_slice %arg10[%dma_wait3A_59, %dma_wait3A_60] : memref<128x128xf32, #tpu.memory_space<vmem>> -> memref<128x128xf32, #tpu.memory_space<vmem>>
      %dma_wait3A_62 = arith.constant 0 : i32
      %dma_wait3A_63 = tpu.memref_slice %arg7[%mul3A_20, %dma_wait3A_62] : memref<10112x128xf32, #tpu.memory_space<vmem_shared>> -> memref<128x128xf32, #tpu.memory_space<vmem_shared>>
      tpu.wait_dma2 semaphore(%run_scoped3A : memref<!tpu.dma_semaphore, #tpu.memory_space<semaphore_mem>>) src(%dma_wait3A_63 : memref<128x128xf32, #tpu.memory_space<vmem_shared>>) dst(%dma_wait3A_61 : memref<128x128xf32, #tpu.memory_space<vmem>>)
      tpu.yield
    }) : () -> ()
    %mul3A_21 = arith.constant 10112 : i32
    %mul3A_22 = arith.muli %arg0, %mul3A_21 : i32
    %add3A_23 = arith.addi %mul3A_22, %mul3A_20 : i32
    "tpu.region"() ({
      %run_scoped3A = tpu.sem_alloc : memref<!tpu.dma_semaphore, #tpu.memory_space<semaphore_mem>>
      %dma_start3A = arith.constant 0 : i32
      %dma_start3A_46 = arith.constant 0 : i32
      %dma_start3A_47 = tpu.memref_slice %arg10[%dma_start3A, %dma_start3A_46] : memref<128x128xf32, #tpu.memory_space<vmem>> -> memref<128x128xf32, #tpu.memory_space<vmem>>
      %dma_start3A_48 = arith.constant 0 : i32
      %dma_start3A_49 = tpu.memref_slice %arg6[%add3A_23, %dma_start3A_48] : memref<20224x128xf32, #tpu.memory_space<hbm>> -> memref<128x128xf32, #tpu.memory_space<hbm>>
      %dma_start3A_50 = arith.constant 0 : i32
      %dma_start3A_51 = tpu.memref_slice %arg6[%add3A_23, %dma_start3A_50] : memref<20224x128xf32, #tpu.memory_space<hbm>> -> memref<128x128xf32, #tpu.memory_space<hbm>>
      %dma_start3A_52 = arith.constant 0 : i32
      %dma_start3A_53 = arith.constant 0 : i32
      %dma_start3A_54 = tpu.memref_slice %arg10[%dma_start3A_52, %dma_start3A_53] : memref<128x128xf32, #tpu.memory_space<vmem>> -> memref<128x128xf32, #tpu.memory_space<vmem>>
      tpu.enqueue_dma source(%dma_start3A_54 : memref<128x128xf32, #tpu.memory_space<vmem>>) target(%dma_start3A_51 : memref<128x128xf32, #tpu.memory_space<hbm>>) target_semaphore(%run_scoped3A : memref<!tpu.dma_semaphore, #tpu.memory_space<semaphore_mem>>)
      %dma_wait3A = arith.constant 0 : i32
      %dma_wait3A_55 = arith.constant 0 : i32
      %dma_wait3A_56 = tpu.memref_slice %arg10[%dma_wait3A, %dma_wait3A_55] : memref<128x128xf32, #tpu.memory_space<vmem>> -> memref<128x128xf32, #tpu.memory_space<vmem>>
      %dma_wait3A_57 = arith.constant 0 : i32
      %dma_wait3A_58 = tpu.memref_slice %arg6[%add3A_23, %dma_wait3A_57] : memref<20224x128xf32, #tpu.memory_space<hbm>> -> memref<128x128xf32, #tpu.memory_space<hbm>>
      %dma_wait3A_59 = arith.constant 0 : i32
      %dma_wait3A_60 = tpu.memref_slice %arg6[%add3A_23, %dma_wait3A_59] : memref<20224x128xf32, #tpu.memory_space<hbm>> -> memref<128x128xf32, #tpu.memory_space<hbm>>
      %dma_wait3A_61 = arith.constant 0 : i32
      %dma_wait3A_62 = arith.constant 0 : i32
      %dma_wait3A_63 = tpu.memref_slice %arg10[%dma_wait3A_61, %dma_wait3A_62] : memref<128x128xf32, #tpu.memory_space<vmem>> -> memref<128x128xf32, #tpu.memory_space<vmem>>
      tpu.wait_dma2 semaphore(%run_scoped3A : memref<!tpu.dma_semaphore, #tpu.memory_space<semaphore_mem>>) src(%dma_wait3A_63 : memref<128x128xf32, #tpu.memory_space<vmem>>) dst(%dma_wait3A_60 : memref<128x128xf32, #tpu.memory_space<hbm>>)
      tpu.yield
    }) : () -> ()
    %add3A_24 = arith.constant 128 : i32
    %add3A_25 = arith.addi %mul3A_20, %add3A_24 : i32
    "tpu.region"() ({
      %run_scoped3A = tpu.sem_alloc : memref<!tpu.dma_semaphore, #tpu.memory_space<semaphore_mem>>
      %dma_start3A = arith.constant 0 : i32
      %dma_start3A_46 = arith.constant 0 : i32
      %dma_start3A_47 = tpu.memref_slice %arg10[%dma_start3A, %dma_start3A_46] : memref<128x128xf32, #tpu.memory_space<vmem>> -> memref<128x128xf32, #tpu.memory_space<vmem>>
      %dma_start3A_48 = arith.constant 0 : i32
      %dma_start3A_49 = tpu.memref_slice %arg7[%add3A_25, %dma_start3A_48] : memref<10112x128xf32, #tpu.memory_space<vmem_shared>> -> memref<128x128xf32, #tpu.memory_space<vmem_shared>>
      %dma_start3A_50 = arith.constant 0 : i32
      %dma_start3A_51 = arith.constant 0 : i32
      %dma_start3A_52 = tpu.memref_slice %arg10[%dma_start3A_50, %dma_start3A_51] : memref<128x128xf32, #tpu.memory_space<vmem>> -> memref<128x128xf32, #tpu.memory_space<vmem>>
      %dma_start3A_53 = arith.constant 0 : i32
      %dma_start3A_54 = tpu.memref_slice %arg7[%add3A_25, %dma_start3A_53] : memref<10112x128xf32, #tpu.memory_space<vmem_shared>> -> memref<128x128xf32, #tpu.memory_space<vmem_shared>>
      tpu.enqueue_dma source(%dma_start3A_54 : memref<128x128xf32, #tpu.memory_space<vmem_shared>>) target(%dma_start3A_52 : memref<128x128xf32, #tpu.memory_space<vmem>>) target_semaphore(%run_scoped3A : memref<!tpu.dma_semaphore, #tpu.memory_space<semaphore_mem>>)
      %dma_wait3A = arith.constant 0 : i32
      %dma_wait3A_55 = arith.constant 0 : i32
      %dma_wait3A_56 = tpu.memref_slice %arg10[%dma_wait3A, %dma_wait3A_55] : memref<128x128xf32, #tpu.memory_space<vmem>> -> memref<128x128xf32, #tpu.memory_space<vmem>>
      %dma_wait3A_57 = arith.constant 0 : i32
      %dma_wait3A_58 = tpu.memref_slice %arg7[%add3A_25, %dma_wait3A_57] : memref<10112x128xf32, #tpu.memory_space<vmem_shared>> -> memref<128x128xf32, #tpu.memory_space<vmem_shared>>
      %dma_wait3A_59 = arith.constant 0 : i32
      %dma_wait3A_60 = arith.constant 0 : i32
      %dma_wait3A_61 = tpu.memref_slice %arg10[%dma_wait3A_59, %dma_wait3A_60] : memref<128x128xf32, #tpu.memory_space<vmem>> -> memref<128x128xf32, #tpu.memory_space<vmem>>
      %dma_wait3A_62 = arith.constant 0 : i32
      %dma_wait3A_63 = tpu.memref_slice %arg7[%add3A_25, %dma_wait3A_62] : memref<10112x128xf32, #tpu.memory_space<vmem_shared>> -> memref<128x128xf32, #tpu.memory_space<vmem_shared>>
      tpu.wait_dma2 semaphore(%run_scoped3A : memref<!tpu.dma_semaphore, #tpu.memory_space<semaphore_mem>>) src(%dma_wait3A_63 : memref<128x128xf32, #tpu.memory_space<vmem_shared>>) dst(%dma_wait3A_61 : memref<128x128xf32, #tpu.memory_space<vmem>>)
      tpu.yield
    }) : () -> ()
    %mul3A_26 = arith.constant 10112 : i32
    %mul3A_27 = arith.muli %arg0, %mul3A_26 : i32
    %add3A_28 = arith.addi %mul3A_27, %add3A_25 : i32
    "tpu.region"() ({
      %run_scoped3A = tpu.sem_alloc : memref<!tpu.dma_semaphore, #tpu.memory_space<semaphore_mem>>
      %dma_start3A = arith.constant 0 : i32
      %dma_start3A_46 = arith.constant 0 : i32
      %dma_start3A_47 = tpu.memref_slice %arg10[%dma_start3A, %dma_start3A_46] : memref<128x128xf32, #tpu.memory_space<vmem>> -> memref<128x128xf32, #tpu.memory_space<vmem>>
      %dma_start3A_48 = arith.constant 0 : i32
      %dma_start3A_49 = tpu.memref_slice %arg6[%add3A_28, %dma_start3A_48] : memref<20224x128xf32, #tpu.memory_space<hbm>> -> memref<128x128xf32, #tpu.memory_space<hbm>>
      %dma_start3A_50 = arith.constant 0 : i32
      %dma_start3A_51 = tpu.memref_slice %arg6[%add3A_28, %dma_start3A_50] : memref<20224x128xf32, #tpu.memory_space<hbm>> -> memref<128x128xf32, #tpu.memory_space<hbm>>
      %dma_start3A_52 = arith.constant 0 : i32
      %dma_start3A_53 = arith.constant 0 : i32
      %dma_start3A_54 = tpu.memref_slice %arg10[%dma_start3A_52, %dma_start3A_53] : memref<128x128xf32, #tpu.memory_space<vmem>> -> memref<128x128xf32, #tpu.memory_space<vmem>>
      tpu.enqueue_dma source(%dma_start3A_54 : memref<128x128xf32, #tpu.memory_space<vmem>>) target(%dma_start3A_51 : memref<128x128xf32, #tpu.memory_space<hbm>>) target_semaphore(%run_scoped3A : memref<!tpu.dma_semaphore, #tpu.memory_space<semaphore_mem>>)
      %dma_wait3A = arith.constant 0 : i32
      %dma_wait3A_55 = arith.constant 0 : i32
      %dma_wait3A_56 = tpu.memref_slice %arg10[%dma_wait3A, %dma_wait3A_55] : memref<128x128xf32, #tpu.memory_space<vmem>> -> memref<128x128xf32, #tpu.memory_space<vmem>>
      %dma_wait3A_57 = arith.constant 0 : i32
      %dma_wait3A_58 = tpu.memref_slice %arg6[%add3A_28, %dma_wait3A_57] : memref<20224x128xf32, #tpu.memory_space<hbm>> -> memref<128x128xf32, #tpu.memory_space<hbm>>
      %dma_wait3A_59 = arith.constant 0 : i32
      %dma_wait3A_60 = tpu.memref_slice %arg6[%add3A_28, %dma_wait3A_59] : memref<20224x128xf32, #tpu.memory_space<hbm>> -> memref<128x128xf32, #tpu.memory_space<hbm>>
      %dma_wait3A_61 = arith.constant 0 : i32
      %dma_wait3A_62 = arith.constant 0 : i32
      %dma_wait3A_63 = tpu.memref_slice %arg10[%dma_wait3A_61, %dma_wait3A_62] : memref<128x128xf32, #tpu.memory_space<vmem>> -> memref<128x128xf32, #tpu.memory_space<vmem>>
      tpu.wait_dma2 semaphore(%run_scoped3A : memref<!tpu.dma_semaphore, #tpu.memory_space<semaphore_mem>>) src(%dma_wait3A_63 : memref<128x128xf32, #tpu.memory_space<vmem>>) dst(%dma_wait3A_60 : memref<128x128xf32, #tpu.memory_space<hbm>>)
      tpu.yield
    }) : () -> ()
    %add3A_29 = arith.constant 128 : i32
    %add3A_30 = arith.addi %add3A_25, %add3A_29 : i32
    "tpu.region"() ({
      %run_scoped3A = tpu.sem_alloc : memref<!tpu.dma_semaphore, #tpu.memory_space<semaphore_mem>>
      %dma_start3A = arith.constant 0 : i32
      %dma_start3A_46 = arith.constant 0 : i32
      %dma_start3A_47 = tpu.memref_slice %arg10[%dma_start3A, %dma_start3A_46] : memref<128x128xf32, #tpu.memory_space<vmem>> -> memref<128x128xf32, #tpu.memory_space<vmem>>
      %dma_start3A_48 = arith.constant 0 : i32
      %dma_start3A_49 = tpu.memref_slice %arg7[%add3A_30, %dma_start3A_48] : memref<10112x128xf32, #tpu.memory_space<vmem_shared>> -> memref<128x128xf32, #tpu.memory_space<vmem_shared>>
      %dma_start3A_50 = arith.constant 0 : i32
      %dma_start3A_51 = arith.constant 0 : i32
      %dma_start3A_52 = tpu.memref_slice %arg10[%dma_start3A_50, %dma_start3A_51] : memref<128x128xf32, #tpu.memory_space<vmem>> -> memref<128x128xf32, #tpu.memory_space<vmem>>
      %dma_start3A_53 = arith.constant 0 : i32
      %dma_start3A_54 = tpu.memref_slice %arg7[%add3A_30, %dma_start3A_53] : memref<10112x128xf32, #tpu.memory_space<vmem_shared>> -> memref<128x128xf32, #tpu.memory_space<vmem_shared>>
      tpu.enqueue_dma source(%dma_start3A_54 : memref<128x128xf32, #tpu.memory_space<vmem_shared>>) target(%dma_start3A_52 : memref<128x128xf32, #tpu.memory_space<vmem>>) target_semaphore(%run_scoped3A : memref<!tpu.dma_semaphore, #tpu.memory_space<semaphore_mem>>)
      %dma_wait3A = arith.constant 0 : i32
      %dma_wait3A_55 = arith.constant 0 : i32
      %dma_wait3A_56 = tpu.memref_slice %arg10[%dma_wait3A, %dma_wait3A_55] : memref<128x128xf32, #tpu.memory_space<vmem>> -> memref<128x128xf32, #tpu.memory_space<vmem>>
      %dma_wait3A_57 = arith.constant 0 : i32
      %dma_wait3A_58 = tpu.memref_slice %arg7[%add3A_30, %dma_wait3A_57] : memref<10112x128xf32, #tpu.memory_space<vmem_shared>> -> memref<128x128xf32, #tpu.memory_space<vmem_shared>>
      %dma_wait3A_59 = arith.constant 0 : i32
      %dma_wait3A_60 = arith.constant 0 : i32
      %dma_wait3A_61 = tpu.memref_slice %arg10[%dma_wait3A_59, %dma_wait3A_60] : memref<128x128xf32, #tpu.memory_space<vmem>> -> memref<128x128xf32, #tpu.memory_space<vmem>>
      %dma_wait3A_62 = arith.constant 0 : i32
      %dma_wait3A_63 = tpu.memref_slice %arg7[%add3A_30, %dma_wait3A_62] : memref<10112x128xf32, #tpu.memory_space<vmem_shared>> -> memref<128x128xf32, #tpu.memory_space<vmem_shared>>
      tpu.wait_dma2 semaphore(%run_scoped3A : memref<!tpu.dma_semaphore, #tpu.memory_space<semaphore_mem>>) src(%dma_wait3A_63 : memref<128x128xf32, #tpu.memory_space<vmem_shared>>) dst(%dma_wait3A_61 : memref<128x128xf32, #tpu.memory_space<vmem>>)
      tpu.yield
    }) : () -> ()
    %mul3A_31 = arith.constant 10112 : i32
    %mul3A_32 = arith.muli %arg0, %mul3A_31 : i32
    %add3A_33 = arith.addi %mul3A_32, %add3A_30 : i32
    "tpu.region"() ({
      %run_scoped3A = tpu.sem_alloc : memref<!tpu.dma_semaphore, #tpu.memory_space<semaphore_mem>>
      %dma_start3A = arith.constant 0 : i32
      %dma_start3A_46 = arith.constant 0 : i32
      %dma_start3A_47 = tpu.memref_slice %arg10[%dma_start3A, %dma_start3A_46] : memref<128x128xf32, #tpu.memory_space<vmem>> -> memref<128x128xf32, #tpu.memory_space<vmem>>
      %dma_start3A_48 = arith.constant 0 : i32
      %dma_start3A_49 = tpu.memref_slice %arg6[%add3A_33, %dma_start3A_48] : memref<20224x128xf32, #tpu.memory_space<hbm>> -> memref<128x128xf32, #tpu.memory_space<hbm>>
      %dma_start3A_50 = arith.constant 0 : i32
      %dma_start3A_51 = tpu.memref_slice %arg6[%add3A_33, %dma_start3A_50] : memref<20224x128xf32, #tpu.memory_space<hbm>> -> memref<128x128xf32, #tpu.memory_space<hbm>>
      %dma_start3A_52 = arith.constant 0 : i32
      %dma_start3A_53 = arith.constant 0 : i32
      %dma_start3A_54 = tpu.memref_slice %arg10[%dma_start3A_52, %dma_start3A_53] : memref<128x128xf32, #tpu.memory_space<vmem>> -> memref<128x128xf32, #tpu.memory_space<vmem>>
      tpu.enqueue_dma source(%dma_start3A_54 : memref<128x128xf32, #tpu.memory_space<vmem>>) target(%dma_start3A_51 : memref<128x128xf32, #tpu.memory_space<hbm>>) target_semaphore(%run_scoped3A : memref<!tpu.dma_semaphore, #tpu.memory_space<semaphore_mem>>)
      %dma_wait3A = arith.constant 0 : i32
      %dma_wait3A_55 = arith.constant 0 : i32
      %dma_wait3A_56 = tpu.memref_slice %arg10[%dma_wait3A, %dma_wait3A_55] : memref<128x128xf32, #tpu.memory_space<vmem>> -> memref<128x128xf32, #tpu.memory_space<vmem>>
      %dma_wait3A_57 = arith.constant 0 : i32
      %dma_wait3A_58 = tpu.memref_slice %arg6[%add3A_33, %dma_wait3A_57] : memref<20224x128xf32, #tpu.memory_space<hbm>> -> memref<128x128xf32, #tpu.memory_space<hbm>>
      %dma_wait3A_59 = arith.constant 0 : i32
      %dma_wait3A_60 = tpu.memref_slice %arg6[%add3A_33, %dma_wait3A_59] : memref<20224x128xf32, #tpu.memory_space<hbm>> -> memref<128x128xf32, #tpu.memory_space<hbm>>
      %dma_wait3A_61 = arith.constant 0 : i32
      %dma_wait3A_62 = arith.constant 0 : i32
      %dma_wait3A_63 = tpu.memref_slice %arg10[%dma_wait3A_61, %dma_wait3A_62] : memref<128x128xf32, #tpu.memory_space<vmem>> -> memref<128x128xf32, #tpu.memory_space<vmem>>
      tpu.wait_dma2 semaphore(%run_scoped3A : memref<!tpu.dma_semaphore, #tpu.memory_space<semaphore_mem>>) src(%dma_wait3A_63 : memref<128x128xf32, #tpu.memory_space<vmem>>) dst(%dma_wait3A_60 : memref<128x128xf32, #tpu.memory_space<hbm>>)
      tpu.yield
    }) : () -> ()
    %add3A_34 = arith.constant 128 : i32
    %add3A_35 = arith.addi %add3A_30, %add3A_34 : i32
    "tpu.region"() ({
      %run_scoped3A = tpu.sem_alloc : memref<!tpu.dma_semaphore, #tpu.memory_space<semaphore_mem>>
      %dma_start3A = arith.constant 0 : i32
      %dma_start3A_46 = arith.constant 0 : i32
      %dma_start3A_47 = tpu.memref_slice %arg10[%dma_start3A, %dma_start3A_46] : memref<128x128xf32, #tpu.memory_space<vmem>> -> memref<128x128xf32, #tpu.memory_space<vmem>>
      %dma_start3A_48 = arith.constant 0 : i32
      %dma_start3A_49 = tpu.memref_slice %arg7[%add3A_35, %dma_start3A_48] : memref<10112x128xf32, #tpu.memory_space<vmem_shared>> -> memref<128x128xf32, #tpu.memory_space<vmem_shared>>
      %dma_start3A_50 = arith.constant 0 : i32
      %dma_start3A_51 = arith.constant 0 : i32
      %dma_start3A_52 = tpu.memref_slice %arg10[%dma_start3A_50, %dma_start3A_51] : memref<128x128xf32, #tpu.memory_space<vmem>> -> memref<128x128xf32, #tpu.memory_space<vmem>>
      %dma_start3A_53 = arith.constant 0 : i32
      %dma_start3A_54 = tpu.memref_slice %arg7[%add3A_35, %dma_start3A_53] : memref<10112x128xf32, #tpu.memory_space<vmem_shared>> -> memref<128x128xf32, #tpu.memory_space<vmem_shared>>
      tpu.enqueue_dma source(%dma_start3A_54 : memref<128x128xf32, #tpu.memory_space<vmem_shared>>) target(%dma_start3A_52 : memref<128x128xf32, #tpu.memory_space<vmem>>) target_semaphore(%run_scoped3A : memref<!tpu.dma_semaphore, #tpu.memory_space<semaphore_mem>>)
      %dma_wait3A = arith.constant 0 : i32
      %dma_wait3A_55 = arith.constant 0 : i32
      %dma_wait3A_56 = tpu.memref_slice %arg10[%dma_wait3A, %dma_wait3A_55] : memref<128x128xf32, #tpu.memory_space<vmem>> -> memref<128x128xf32, #tpu.memory_space<vmem>>
      %dma_wait3A_57 = arith.constant 0 : i32
      %dma_wait3A_58 = tpu.memref_slice %arg7[%add3A_35, %dma_wait3A_57] : memref<10112x128xf32, #tpu.memory_space<vmem_shared>> -> memref<128x128xf32, #tpu.memory_space<vmem_shared>>
      %dma_wait3A_59 = arith.constant 0 : i32
      %dma_wait3A_60 = arith.constant 0 : i32
      %dma_wait3A_61 = tpu.memref_slice %arg10[%dma_wait3A_59, %dma_wait3A_60] : memref<128x128xf32, #tpu.memory_space<vmem>> -> memref<128x128xf32, #tpu.memory_space<vmem>>
      %dma_wait3A_62 = arith.constant 0 : i32
      %dma_wait3A_63 = tpu.memref_slice %arg7[%add3A_35, %dma_wait3A_62] : memref<10112x128xf32, #tpu.memory_space<vmem_shared>> -> memref<128x128xf32, #tpu.memory_space<vmem_shared>>
      tpu.wait_dma2 semaphore(%run_scoped3A : memref<!tpu.dma_semaphore, #tpu.memory_space<semaphore_mem>>) src(%dma_wait3A_63 : memref<128x128xf32, #tpu.memory_space<vmem_shared>>) dst(%dma_wait3A_61 : memref<128x128xf32, #tpu.memory_space<vmem>>)
      tpu.yield
    }) : () -> ()
    %mul3A_36 = arith.constant 10112 : i32
    %mul3A_37 = arith.muli %arg0, %mul3A_36 : i32
    %add3A_38 = arith.addi %mul3A_37, %add3A_35 : i32
    "tpu.region"() ({
      %run_scoped3A = tpu.sem_alloc : memref<!tpu.dma_semaphore, #tpu.memory_space<semaphore_mem>>
      %dma_start3A = arith.constant 0 : i32
      %dma_start3A_46 = arith.constant 0 : i32
      %dma_start3A_47 = tpu.memref_slice %arg10[%dma_start3A, %dma_start3A_46] : memref<128x128xf32, #tpu.memory_space<vmem>> -> memref<128x128xf32, #tpu.memory_space<vmem>>
      %dma_start3A_48 = arith.constant 0 : i32
      %dma_start3A_49 = tpu.memref_slice %arg6[%add3A_38, %dma_start3A_48] : memref<20224x128xf32, #tpu.memory_space<hbm>> -> memref<128x128xf32, #tpu.memory_space<hbm>>
      %dma_start3A_50 = arith.constant 0 : i32
      %dma_start3A_51 = tpu.memref_slice %arg6[%add3A_38, %dma_start3A_50] : memref<20224x128xf32, #tpu.memory_space<hbm>> -> memref<128x128xf32, #tpu.memory_space<hbm>>
      %dma_start3A_52 = arith.constant 0 : i32
      %dma_start3A_53 = arith.constant 0 : i32
      %dma_start3A_54 = tpu.memref_slice %arg10[%dma_start3A_52, %dma_start3A_53] : memref<128x128xf32, #tpu.memory_space<vmem>> -> memref<128x128xf32, #tpu.memory_space<vmem>>
      tpu.enqueue_dma source(%dma_start3A_54 : memref<128x128xf32, #tpu.memory_space<vmem>>) target(%dma_start3A_51 : memref<128x128xf32, #tpu.memory_space<hbm>>) target_semaphore(%run_scoped3A : memref<!tpu.dma_semaphore, #tpu.memory_space<semaphore_mem>>)
      %dma_wait3A = arith.constant 0 : i32
      %dma_wait3A_55 = arith.constant 0 : i32
      %dma_wait3A_56 = tpu.memref_slice %arg10[%dma_wait3A, %dma_wait3A_55] : memref<128x128xf32, #tpu.memory_space<vmem>> -> memref<128x128xf32, #tpu.memory_space<vmem>>
      %dma_wait3A_57 = arith.constant 0 : i32
      %dma_wait3A_58 = tpu.memref_slice %arg6[%add3A_38, %dma_wait3A_57] : memref<20224x128xf32, #tpu.memory_space<hbm>> -> memref<128x128xf32, #tpu.memory_space<hbm>>
      %dma_wait3A_59 = arith.constant 0 : i32
      %dma_wait3A_60 = tpu.memref_slice %arg6[%add3A_38, %dma_wait3A_59] : memref<20224x128xf32, #tpu.memory_space<hbm>> -> memref<128x128xf32, #tpu.memory_space<hbm>>
      %dma_wait3A_61 = arith.constant 0 : i32
      %dma_wait3A_62 = arith.constant 0 : i32
      %dma_wait3A_63 = tpu.memref_slice %arg10[%dma_wait3A_61, %dma_wait3A_62] : memref<128x128xf32, #tpu.memory_space<vmem>> -> memref<128x128xf32, #tpu.memory_space<vmem>>
      tpu.wait_dma2 semaphore(%run_scoped3A : memref<!tpu.dma_semaphore, #tpu.memory_space<semaphore_mem>>) src(%dma_wait3A_63 : memref<128x128xf32, #tpu.memory_space<vmem>>) dst(%dma_wait3A_60 : memref<128x128xf32, #tpu.memory_space<hbm>>)
      tpu.yield
    }) : () -> ()
    %add3A_39 = arith.constant 128 : i32
    %add3A_40 = arith.addi %add3A_35, %add3A_39 : i32
    "tpu.region"() ({
      %run_scoped3A = tpu.sem_alloc : memref<!tpu.dma_semaphore, #tpu.memory_space<semaphore_mem>>
      %dma_start3A = arith.constant 0 : i32
      %dma_start3A_46 = arith.constant 0 : i32
      %dma_start3A_47 = tpu.memref_slice %arg10[%dma_start3A, %dma_start3A_46] : memref<128x128xf32, #tpu.memory_space<vmem>> -> memref<120x128xf32, #tpu.memory_space<vmem>>
      %dma_start3A_48 = arith.constant 0 : i32
      %dma_start3A_49 = tpu.memref_slice %arg7[%add3A_40, %dma_start3A_48] : memref<10112x128xf32, #tpu.memory_space<vmem_shared>> -> memref<120x128xf32, #tpu.memory_space<vmem_shared>>
      %dma_start3A_50 = arith.constant 0 : i32
      %dma_start3A_51 = arith.constant 0 : i32
      %dma_start3A_52 = tpu.memref_slice %arg10[%dma_start3A_50, %dma_start3A_51] : memref<128x128xf32, #tpu.memory_space<vmem>> -> memref<120x128xf32, #tpu.memory_space<vmem>>
      %dma_start3A_53 = arith.constant 0 : i32
      %dma_start3A_54 = tpu.memref_slice %arg7[%add3A_40, %dma_start3A_53] : memref<10112x128xf32, #tpu.memory_space<vmem_shared>> -> memref<120x128xf32, #tpu.memory_space<vmem_shared>>
      tpu.enqueue_dma source(%dma_start3A_54 : memref<120x128xf32, #tpu.memory_space<vmem_shared>>) target(%dma_start3A_52 : memref<120x128xf32, #tpu.memory_space<vmem>>) target_semaphore(%run_scoped3A : memref<!tpu.dma_semaphore, #tpu.memory_space<semaphore_mem>>)
      %dma_wait3A = arith.constant 0 : i32
      %dma_wait3A_55 = arith.constant 0 : i32
      %dma_wait3A_56 = tpu.memref_slice %arg10[%dma_wait3A, %dma_wait3A_55] : memref<128x128xf32, #tpu.memory_space<vmem>> -> memref<120x128xf32, #tpu.memory_space<vmem>>
      %dma_wait3A_57 = arith.constant 0 : i32
      %dma_wait3A_58 = tpu.memref_slice %arg7[%add3A_40, %dma_wait3A_57] : memref<10112x128xf32, #tpu.memory_space<vmem_shared>> -> memref<120x128xf32, #tpu.memory_space<vmem_shared>>
      %dma_wait3A_59 = arith.constant 0 : i32
      %dma_wait3A_60 = arith.constant 0 : i32
      %dma_wait3A_61 = tpu.memref_slice %arg10[%dma_wait3A_59, %dma_wait3A_60] : memref<128x128xf32, #tpu.memory_space<vmem>> -> memref<120x128xf32, #tpu.memory_space<vmem>>
      %dma_wait3A_62 = arith.constant 0 : i32
      %dma_wait3A_63 = tpu.memref_slice %arg7[%add3A_40, %dma_wait3A_62] : memref<10112x128xf32, #tpu.memory_space<vmem_shared>> -> memref<120x128xf32, #tpu.memory_space<vmem_shared>>
      tpu.wait_dma2 semaphore(%run_scoped3A : memref<!tpu.dma_semaphore, #tpu.memory_space<semaphore_mem>>) src(%dma_wait3A_63 : memref<120x128xf32, #tpu.memory_space<vmem_shared>>) dst(%dma_wait3A_61 : memref<120x128xf32, #tpu.memory_space<vmem>>)
      tpu.yield
    }) : () -> ()
    %mul3A_41 = arith.constant 10112 : i32
    %mul3A_42 = arith.muli %arg0, %mul3A_41 : i32
    %add3A_43 = arith.addi %mul3A_42, %add3A_40 : i32
    "tpu.region"() ({
      %run_scoped3A = tpu.sem_alloc : memref<!tpu.dma_semaphore, #tpu.memory_space<semaphore_mem>>
      %dma_start3A = arith.constant 0 : i32
      %dma_start3A_46 = arith.constant 0 : i32
      %dma_start3A_47 = tpu.memref_slice %arg10[%dma_start3A, %dma_start3A_46] : memref<128x128xf32, #tpu.memory_space<vmem>> -> memref<120x128xf32, #tpu.memory_space<vmem>>
      %dma_start3A_48 = arith.constant 0 : i32
      %dma_start3A_49 = tpu.memref_slice %arg6[%add3A_43, %dma_start3A_48] : memref<20224x128xf32, #tpu.memory_space<hbm>> -> memref<120x128xf32, #tpu.memory_space<hbm>>
      %dma_start3A_50 = arith.constant 0 : i32
      %dma_start3A_51 = tpu.memref_slice %arg6[%add3A_43, %dma_start3A_50] : memref<20224x128xf32, #tpu.memory_space<hbm>> -> memref<120x128xf32, #tpu.memory_space<hbm>>
      %dma_start3A_52 = arith.constant 0 : i32
      %dma_start3A_53 = arith.constant 0 : i32
      %dma_start3A_54 = tpu.memref_slice %arg10[%dma_start3A_52, %dma_start3A_53] : memref<128x128xf32, #tpu.memory_space<vmem>> -> memref<120x128xf32, #tpu.memory_space<vmem>>
      tpu.enqueue_dma source(%dma_start3A_54 : memref<120x128xf32, #tpu.memory_space<vmem>>) target(%dma_start3A_51 : memref<120x128xf32, #tpu.memory_space<hbm>>) target_semaphore(%run_scoped3A : memref<!tpu.dma_semaphore, #tpu.memory_space<semaphore_mem>>)
      %dma_wait3A = arith.constant 0 : i32
      %dma_wait3A_55 = arith.constant 0 : i32
      %dma_wait3A_56 = tpu.memref_slice %arg10[%dma_wait3A, %dma_wait3A_55] : memref<128x128xf32, #tpu.memory_space<vmem>> -> memref<120x128xf32, #tpu.memory_space<vmem>>
      %dma_wait3A_57 = arith.constant 0 : i32
      %dma_wait3A_58 = tpu.memref_slice %arg6[%add3A_43, %dma_wait3A_57] : memref<20224x128xf32, #tpu.memory_space<hbm>> -> memref<120x128xf32, #tpu.memory_space<hbm>>
      %dma_wait3A_59 = arith.constant 0 : i32
      %dma_wait3A_60 = tpu.memref_slice %arg6[%add3A_43, %dma_wait3A_59] : memref<20224x128xf32, #tpu.memory_space<hbm>> -> memref<120x128xf32, #tpu.memory_space<hbm>>
      %dma_wait3A_61 = arith.constant 0 : i32
      %dma_wait3A_62 = arith.constant 0 : i32
      %dma_wait3A_63 = tpu.memref_slice %arg10[%dma_wait3A_61, %dma_wait3A_62] : memref<128x128xf32, #tpu.memory_space<vmem>> -> memref<120x128xf32, #tpu.memory_space<vmem>>
      tpu.wait_dma2 semaphore(%run_scoped3A : memref<!tpu.dma_semaphore, #tpu.memory_space<semaphore_mem>>) src(%dma_wait3A_63 : memref<120x128xf32, #tpu.memory_space<vmem>>) dst(%dma_wait3A_60 : memref<120x128xf32, #tpu.memory_space<hbm>>)
      tpu.yield
    }) : () -> ()
    %add3A_44 = arith.constant 120 : i32
    %add3A_45 = arith.addi %add3A_40, %add3A_44 : i32
    return
  }
}

#map = affine_map<(d0, d1) -> (0, 0)>
module attributes {stable_mosaic.version = 14 : i64} {
  func.func @body(%arg0: i32, %arg1: i32, %arg2: memref<2560x128xi32, #tpu.memory_space<hbm>>, %arg3: memref<2560x128xi32, #tpu.memory_space<hbm>>, %arg4: memref<10000x128xf32, #tpu.memory_space<hbm>>, %arg5: memref<128x128xf32, #tpu.memory_space<hbm>>, %arg6: memref<20224x128xf32, #tpu.memory_space<hbm>>, %arg7: memref<10112x128xf32, #tpu.memory_space<vmem_shared>>, %arg8: memref<8x128xi32, #tpu.memory_space<vmem>>, %arg9: memref<8x128xi32, #tpu.memory_space<vmem>>, %arg10: memref<128x128xf32, #tpu.memory_space<vmem>>, %arg11: memref<128x128xf32, #tpu.memory_space<vmem>>, %arg12: memref<!tpu.dma_semaphore, #tpu.memory_space<semaphore_mem>>) attributes {dimension_semantics = [#tpu.dimension_semantics<core_parallel>, #tpu.dimension_semantics<subcore_parallel>], iteration_bounds = array<i64: 2, 16>, scalar_prefetch = 0 : i64, scratch_operands = 6 : i64, tpu.core_type = #tpu.core_type<sc_vector_subcore>, window_params = [{transform_indices = #map}, {transform_indices = #map}, {transform_indices = #map}, {transform_indices = #map}, {transform_indices = #map}]} {
    %mul3A = arith.constant 16 : i32
    %mul3A_0 = arith.muli %arg0, %mul3A : i32
    %add3A = arith.addi %mul3A_0, %arg1 : i32
    "tpu.region"() ({
      %run_scoped3A = tpu.sem_alloc : memref<!tpu.dma_semaphore, #tpu.memory_space<semaphore_mem>>
      tpu.enqueue_dma source(%arg5 : memref<128x128xf32, #tpu.memory_space<hbm>>) target(%arg10 : memref<128x128xf32, #tpu.memory_space<vmem>>) target_semaphore(%run_scoped3A : memref<!tpu.dma_semaphore, #tpu.memory_space<semaphore_mem>>)
      tpu.wait_dma2 semaphore(%run_scoped3A : memref<!tpu.dma_semaphore, #tpu.memory_space<semaphore_mem>>) src(%arg5 : memref<128x128xf32, #tpu.memory_space<hbm>>) dst(%arg10 : memref<128x128xf32, #tpu.memory_space<vmem>>)
      tpu.yield
    }) : () -> ()
    %mul3A_1 = arith.constant 632 : i32
    %mul3A_2 = arith.muli %arg1, %mul3A_1 : i32
    "tpu.region"() ({
      %run_scoped3A = tpu.sem_alloc : memref<!tpu.dma_semaphore, #tpu.memory_space<semaphore_mem>>
      %dma_start3A = arith.constant 0 : i32
      %dma_start3A_46 = arith.constant 0 : i32
      %dma_start3A_47 = tpu.memref_slice %arg10[%dma_start3A, %dma_start3A_46] : memref<128x128xf32, #tpu.memory_space<vmem>> -> memref<128x128xf32, #tpu.memory_space<vmem>>
      %dma_start3A_48 = arith.constant 0 : i32
      %dma_start3A_49 = tpu.memref_slice %arg7[%mul3A_2, %dma_start3A_48] : memref<10112x128xf32, #tpu.memory_space<vmem_shared>> -> memref<128x128xf32, #tpu.memory_space<vmem_shared>>
      %dma_start3A_50 = arith.constant 0 : i32
      %dma_start3A_51 = tpu.memref_slice %arg7[%mul3A_2, %dma_start3A_50] : memref<10112x128xf32, #tpu.memory_space<vmem_shared>> -> memref<128x128xf32, #tpu.memory_space<vmem_shared>>
      %dma_start3A_52 = arith.constant 0 : i32
      %dma_start3A_53 = arith.constant 0 : i32
      %dma_start3A_54 = tpu.memref_slice %arg10[%dma_start3A_52, %dma_start3A_53] : memref<128x128xf32, #tpu.memory_space<vmem>> -> memref<128x128xf32, #tpu.memory_space<vmem>>
      tpu.enqueue_dma source(%dma_start3A_54 : memref<128x128xf32, #tpu.memory_space<vmem>>) target(%dma_start3A_51 : memref<128x128xf32, #tpu.memory_space<vmem_shared>>) target_semaphore(%run_scoped3A : memref<!tpu.dma_semaphore, #tpu.memory_space<semaphore_mem>>)
      %dma_wait3A = arith.constant 0 : i32
      %dma_wait3A_55 = arith.constant 0 : i32
      %dma_wait3A_56 = tpu.memref_slice %arg10[%dma_wait3A, %dma_wait3A_55] : memref<128x128xf32, #tpu.memory_space<vmem>> -> memref<128x128xf32, #tpu.memory_space<vmem>>
      %dma_wait3A_57 = arith.constant 0 : i32
      %dma_wait3A_58 = tpu.memref_slice %arg7[%mul3A_2, %dma_wait3A_57] : memref<10112x128xf32, #tpu.memory_space<vmem_shared>> -> memref<128x128xf32, #tpu.memory_space<vmem_shared>>
      %dma_wait3A_59 = arith.constant 0 : i32
      %dma_wait3A_60 = tpu.memref_slice %arg7[%mul3A_2, %dma_wait3A_59] : memref<10112x128xf32, #tpu.memory_space<vmem_shared>> -> memref<128x128xf32, #tpu.memory_space<vmem_shared>>
      %dma_wait3A_61 = arith.constant 0 : i32
      %dma_wait3A_62 = arith.constant 0 : i32
      %dma_wait3A_63 = tpu.memref_slice %arg10[%dma_wait3A_61, %dma_wait3A_62] : memref<128x128xf32, #tpu.memory_space<vmem>> -> memref<128x128xf32, #tpu.memory_space<vmem>>
      tpu.wait_dma2 semaphore(%run_scoped3A : memref<!tpu.dma_semaphore, #tpu.memory_space<semaphore_mem>>) src(%dma_wait3A_63 : memref<128x128xf32, #tpu.memory_space<vmem>>) dst(%dma_wait3A_60 : memref<128x128xf32, #tpu.memory_space<vmem_shared>>)
      tpu.yield
    }) : () -> ()
    %add3A_3 = arith.constant 128 : i32
    %add3A_4 = arith.addi %mul3A_2, %add3A_3 : i32
    "tpu.region"() ({
      %run_scoped3A = tpu.sem_alloc : memref<!tpu.dma_semaphore, #tpu.memory_space<semaphore_mem>>
      %dma_start3A = arith.constant 0 : i32
      %dma_start3A_46 = arith.constant 0 : i32
      %dma_start3A_47 = tpu.memref_slice %arg10[%dma_start3A, %dma_start3A_46] : memref<128x128xf32, #tpu.memory_space<vmem>> -> memref<128x128xf32, #tpu.memory_space<vmem>>
      %dma_start3A_48 = arith.constant 0 : i32
      %dma_start3A_49 = tpu.memref_slice %arg7[%add3A_4, %dma_start3A_48] : memref<10112x128xf32, #tpu.memory_space<vmem_shared>> -> memref<128x128xf32, #tpu.memory_space<vmem_shared>>
      %dma_start3A_50 = arith.constant 0 : i32
      %dma_start3A_51 = tpu.memref_slice %arg7[%add3A_4, %dma_start3A_50] : memref<10112x128xf32, #tpu.memory_space<vmem_shared>> -> memref<128x128xf32, #tpu.memory_space<vmem_shared>>
      %dma_start3A_52 = arith.constant 0 : i32
      %dma_start3A_53 = arith.constant 0 : i32
      %dma_start3A_54 = tpu.memref_slice %arg10[%dma_start3A_52, %dma_start3A_53] : memref<128x128xf32, #tpu.memory_space<vmem>> -> memref<128x128xf32, #tpu.memory_space<vmem>>
      tpu.enqueue_dma source(%dma_start3A_54 : memref<128x128xf32, #tpu.memory_space<vmem>>) target(%dma_start3A_51 : memref<128x128xf32, #tpu.memory_space<vmem_shared>>) target_semaphore(%run_scoped3A : memref<!tpu.dma_semaphore, #tpu.memory_space<semaphore_mem>>)
      %dma_wait3A = arith.constant 0 : i32
      %dma_wait3A_55 = arith.constant 0 : i32
      %dma_wait3A_56 = tpu.memref_slice %arg10[%dma_wait3A, %dma_wait3A_55] : memref<128x128xf32, #tpu.memory_space<vmem>> -> memref<128x128xf32, #tpu.memory_space<vmem>>
      %dma_wait3A_57 = arith.constant 0 : i32
      %dma_wait3A_58 = tpu.memref_slice %arg7[%add3A_4, %dma_wait3A_57] : memref<10112x128xf32, #tpu.memory_space<vmem_shared>> -> memref<128x128xf32, #tpu.memory_space<vmem_shared>>
      %dma_wait3A_59 = arith.constant 0 : i32
      %dma_wait3A_60 = tpu.memref_slice %arg7[%add3A_4, %dma_wait3A_59] : memref<10112x128xf32, #tpu.memory_space<vmem_shared>> -> memref<128x128xf32, #tpu.memory_space<vmem_shared>>
      %dma_wait3A_61 = arith.constant 0 : i32
      %dma_wait3A_62 = arith.constant 0 : i32
      %dma_wait3A_63 = tpu.memref_slice %arg10[%dma_wait3A_61, %dma_wait3A_62] : memref<128x128xf32, #tpu.memory_space<vmem>> -> memref<128x128xf32, #tpu.memory_space<vmem>>
      tpu.wait_dma2 semaphore(%run_scoped3A : memref<!tpu.dma_semaphore, #tpu.memory_space<semaphore_mem>>) src(%dma_wait3A_63 : memref<128x128xf32, #tpu.memory_space<vmem>>) dst(%dma_wait3A_60 : memref<128x128xf32, #tpu.memory_space<vmem_shared>>)
      tpu.yield
    }) : () -> ()
    %add3A_5 = arith.constant 128 : i32
    %add3A_6 = arith.addi %add3A_4, %add3A_5 : i32
    "tpu.region"() ({
      %run_scoped3A = tpu.sem_alloc : memref<!tpu.dma_semaphore, #tpu.memory_space<semaphore_mem>>
      %dma_start3A = arith.constant 0 : i32
      %dma_start3A_46 = arith.constant 0 : i32
      %dma_start3A_47 = tpu.memref_slice %arg10[%dma_start3A, %dma_start3A_46] : memref<128x128xf32, #tpu.memory_space<vmem>> -> memref<128x128xf32, #tpu.memory_space<vmem>>
      %dma_start3A_48 = arith.constant 0 : i32
      %dma_start3A_49 = tpu.memref_slice %arg7[%add3A_6, %dma_start3A_48] : memref<10112x128xf32, #tpu.memory_space<vmem_shared>> -> memref<128x128xf32, #tpu.memory_space<vmem_shared>>
      %dma_start3A_50 = arith.constant 0 : i32
      %dma_start3A_51 = tpu.memref_slice %arg7[%add3A_6, %dma_start3A_50] : memref<10112x128xf32, #tpu.memory_space<vmem_shared>> -> memref<128x128xf32, #tpu.memory_space<vmem_shared>>
      %dma_start3A_52 = arith.constant 0 : i32
      %dma_start3A_53 = arith.constant 0 : i32
      %dma_start3A_54 = tpu.memref_slice %arg10[%dma_start3A_52, %dma_start3A_53] : memref<128x128xf32, #tpu.memory_space<vmem>> -> memref<128x128xf32, #tpu.memory_space<vmem>>
      tpu.enqueue_dma source(%dma_start3A_54 : memref<128x128xf32, #tpu.memory_space<vmem>>) target(%dma_start3A_51 : memref<128x128xf32, #tpu.memory_space<vmem_shared>>) target_semaphore(%run_scoped3A : memref<!tpu.dma_semaphore, #tpu.memory_space<semaphore_mem>>)
      %dma_wait3A = arith.constant 0 : i32
      %dma_wait3A_55 = arith.constant 0 : i32
      %dma_wait3A_56 = tpu.memref_slice %arg10[%dma_wait3A, %dma_wait3A_55] : memref<128x128xf32, #tpu.memory_space<vmem>> -> memref<128x128xf32, #tpu.memory_space<vmem>>
      %dma_wait3A_57 = arith.constant 0 : i32
      %dma_wait3A_58 = tpu.memref_slice %arg7[%add3A_6, %dma_wait3A_57] : memref<10112x128xf32, #tpu.memory_space<vmem_shared>> -> memref<128x128xf32, #tpu.memory_space<vmem_shared>>
      %dma_wait3A_59 = arith.constant 0 : i32
      %dma_wait3A_60 = tpu.memref_slice %arg7[%add3A_6, %dma_wait3A_59] : memref<10112x128xf32, #tpu.memory_space<vmem_shared>> -> memref<128x128xf32, #tpu.memory_space<vmem_shared>>
      %dma_wait3A_61 = arith.constant 0 : i32
      %dma_wait3A_62 = arith.constant 0 : i32
      %dma_wait3A_63 = tpu.memref_slice %arg10[%dma_wait3A_61, %dma_wait3A_62] : memref<128x128xf32, #tpu.memory_space<vmem>> -> memref<128x128xf32, #tpu.memory_space<vmem>>
      tpu.wait_dma2 semaphore(%run_scoped3A : memref<!tpu.dma_semaphore, #tpu.memory_space<semaphore_mem>>) src(%dma_wait3A_63 : memref<128x128xf32, #tpu.memory_space<vmem>>) dst(%dma_wait3A_60 : memref<128x128xf32, #tpu.memory_space<vmem_shared>>)
      tpu.yield
    }) : () -> ()
    %add3A_7 = arith.constant 128 : i32
    %add3A_8 = arith.addi %add3A_6, %add3A_7 : i32
    "tpu.region"() ({
      %run_scoped3A = tpu.sem_alloc : memref<!tpu.dma_semaphore, #tpu.memory_space<semaphore_mem>>
      %dma_start3A = arith.constant 0 : i32
      %dma_start3A_46 = arith.constant 0 : i32
      %dma_start3A_47 = tpu.memref_slice %arg10[%dma_start3A, %dma_start3A_46] : memref<128x128xf32, #tpu.memory_space<vmem>> -> memref<128x128xf32, #tpu.memory_space<vmem>>
      %dma_start3A_48 = arith.constant 0 : i32
      %dma_start3A_49 = tpu.memref_slice %arg7[%add3A_8, %dma_start3A_48] : memref<10112x128xf32, #tpu.memory_space<vmem_shared>> -> memref<128x128xf32, #tpu.memory_space<vmem_shared>>
      %dma_start3A_50 = arith.constant 0 : i32
      %dma_start3A_51 = tpu.memref_slice %arg7[%add3A_8, %dma_start3A_50] : memref<10112x128xf32, #tpu.memory_space<vmem_shared>> -> memref<128x128xf32, #tpu.memory_space<vmem_shared>>
      %dma_start3A_52 = arith.constant 0 : i32
      %dma_start3A_53 = arith.constant 0 : i32
      %dma_start3A_54 = tpu.memref_slice %arg10[%dma_start3A_52, %dma_start3A_53] : memref<128x128xf32, #tpu.memory_space<vmem>> -> memref<128x128xf32, #tpu.memory_space<vmem>>
      tpu.enqueue_dma source(%dma_start3A_54 : memref<128x128xf32, #tpu.memory_space<vmem>>) target(%dma_start3A_51 : memref<128x128xf32, #tpu.memory_space<vmem_shared>>) target_semaphore(%run_scoped3A : memref<!tpu.dma_semaphore, #tpu.memory_space<semaphore_mem>>)
      %dma_wait3A = arith.constant 0 : i32
      %dma_wait3A_55 = arith.constant 0 : i32
      %dma_wait3A_56 = tpu.memref_slice %arg10[%dma_wait3A, %dma_wait3A_55] : memref<128x128xf32, #tpu.memory_space<vmem>> -> memref<128x128xf32, #tpu.memory_space<vmem>>
      %dma_wait3A_57 = arith.constant 0 : i32
      %dma_wait3A_58 = tpu.memref_slice %arg7[%add3A_8, %dma_wait3A_57] : memref<10112x128xf32, #tpu.memory_space<vmem_shared>> -> memref<128x128xf32, #tpu.memory_space<vmem_shared>>
      %dma_wait3A_59 = arith.constant 0 : i32
      %dma_wait3A_60 = tpu.memref_slice %arg7[%add3A_8, %dma_wait3A_59] : memref<10112x128xf32, #tpu.memory_space<vmem_shared>> -> memref<128x128xf32, #tpu.memory_space<vmem_shared>>
      %dma_wait3A_61 = arith.constant 0 : i32
      %dma_wait3A_62 = arith.constant 0 : i32
      %dma_wait3A_63 = tpu.memref_slice %arg10[%dma_wait3A_61, %dma_wait3A_62] : memref<128x128xf32, #tpu.memory_space<vmem>> -> memref<128x128xf32, #tpu.memory_space<vmem>>
      tpu.wait_dma2 semaphore(%run_scoped3A : memref<!tpu.dma_semaphore, #tpu.memory_space<semaphore_mem>>) src(%dma_wait3A_63 : memref<128x128xf32, #tpu.memory_space<vmem>>) dst(%dma_wait3A_60 : memref<128x128xf32, #tpu.memory_space<vmem_shared>>)
      tpu.yield
    }) : () -> ()
    %add3A_9 = arith.constant 128 : i32
    %add3A_10 = arith.addi %add3A_8, %add3A_9 : i32
    "tpu.region"() ({
      %run_scoped3A = tpu.sem_alloc : memref<!tpu.dma_semaphore, #tpu.memory_space<semaphore_mem>>
      %dma_start3A = arith.constant 0 : i32
      %dma_start3A_46 = arith.constant 0 : i32
      %dma_start3A_47 = tpu.memref_slice %arg10[%dma_start3A, %dma_start3A_46] : memref<128x128xf32, #tpu.memory_space<vmem>> -> memref<120x128xf32, #tpu.memory_space<vmem>>
      %dma_start3A_48 = arith.constant 0 : i32
      %dma_start3A_49 = tpu.memref_slice %arg7[%add3A_10, %dma_start3A_48] : memref<10112x128xf32, #tpu.memory_space<vmem_shared>> -> memref<120x128xf32, #tpu.memory_space<vmem_shared>>
      %dma_start3A_50 = arith.constant 0 : i32
      %dma_start3A_51 = tpu.memref_slice %arg7[%add3A_10, %dma_start3A_50] : memref<10112x128xf32, #tpu.memory_space<vmem_shared>> -> memref<120x128xf32, #tpu.memory_space<vmem_shared>>
      %dma_start3A_52 = arith.constant 0 : i32
      %dma_start3A_53 = arith.constant 0 : i32
      %dma_start3A_54 = tpu.memref_slice %arg10[%dma_start3A_52, %dma_start3A_53] : memref<128x128xf32, #tpu.memory_space<vmem>> -> memref<120x128xf32, #tpu.memory_space<vmem>>
      tpu.enqueue_dma source(%dma_start3A_54 : memref<120x128xf32, #tpu.memory_space<vmem>>) target(%dma_start3A_51 : memref<120x128xf32, #tpu.memory_space<vmem_shared>>) target_semaphore(%run_scoped3A : memref<!tpu.dma_semaphore, #tpu.memory_space<semaphore_mem>>)
      %dma_wait3A = arith.constant 0 : i32
      %dma_wait3A_55 = arith.constant 0 : i32
      %dma_wait3A_56 = tpu.memref_slice %arg10[%dma_wait3A, %dma_wait3A_55] : memref<128x128xf32, #tpu.memory_space<vmem>> -> memref<120x128xf32, #tpu.memory_space<vmem>>
      %dma_wait3A_57 = arith.constant 0 : i32
      %dma_wait3A_58 = tpu.memref_slice %arg7[%add3A_10, %dma_wait3A_57] : memref<10112x128xf32, #tpu.memory_space<vmem_shared>> -> memref<120x128xf32, #tpu.memory_space<vmem_shared>>
      %dma_wait3A_59 = arith.constant 0 : i32
      %dma_wait3A_60 = tpu.memref_slice %arg7[%add3A_10, %dma_wait3A_59] : memref<10112x128xf32, #tpu.memory_space<vmem_shared>> -> memref<120x128xf32, #tpu.memory_space<vmem_shared>>
      %dma_wait3A_61 = arith.constant 0 : i32
      %dma_wait3A_62 = arith.constant 0 : i32
      %dma_wait3A_63 = tpu.memref_slice %arg10[%dma_wait3A_61, %dma_wait3A_62] : memref<128x128xf32, #tpu.memory_space<vmem>> -> memref<120x128xf32, #tpu.memory_space<vmem>>
      tpu.wait_dma2 semaphore(%run_scoped3A : memref<!tpu.dma_semaphore, #tpu.memory_space<semaphore_mem>>) src(%dma_wait3A_63 : memref<120x128xf32, #tpu.memory_space<vmem>>) dst(%dma_wait3A_60 : memref<120x128xf32, #tpu.memory_space<vmem_shared>>)
      tpu.yield
    }) : () -> ()
    %add3A_11 = arith.constant 120 : i32
    %add3A_12 = arith.addi %add3A_10, %add3A_11 : i32
    %barrier3A = arith.constant 0 : index
    tpu.barrier barrier_id(%barrier3A)
    %scan3A = arith.constant 0 : i32
    %scan3A_13 = arith.constant 0 : i32
    %scan3A_14 = arith.constant 10 : i32
    %scan3A_15 = arith.addi %scan3A_13, %scan3A_14 : i32
    %scan3A_16 = arith.constant 1 : i32
    scf.for %scan3A_46 = %scan3A_13 to %scan3A_15 step %scan3A_16  : i32 {
      %mul3A_47 = arith.constant 80 : i32
      %mul3A_48 = arith.muli %add3A, %mul3A_47 : i32
      %mul3A_49 = arith.constant 8 : i32
      %mul3A_50 = arith.muli %scan3A_46, %mul3A_49 : i32
      %add3A_51 = arith.addi %mul3A_48, %mul3A_50 : i32
      "tpu.region"() ({
        %run_scoped3A_169 = tpu.sem_alloc : memref<!tpu.dma_semaphore, #tpu.memory_space<semaphore_mem>>
        %dma_start3A_170 = arith.constant 0 : i32
        %dma_start3A_171 = tpu.memref_slice %arg2[%add3A_51, %dma_start3A_170] : memref<2560x128xi32, #tpu.memory_space<hbm>> -> memref<8x128xi32, #tpu.memory_space<hbm>>
        %dma_start3A_172 = arith.constant 0 : i32
        %dma_start3A_173 = tpu.memref_slice %arg2[%add3A_51, %dma_start3A_172] : memref<2560x128xi32, #tpu.memory_space<hbm>> -> memref<8x128xi32, #tpu.memory_space<hbm>>
        tpu.enqueue_dma source(%dma_start3A_173 : memref<8x128xi32, #tpu.memory_space<hbm>>) target(%arg8 : memref<8x128xi32, #tpu.memory_space<vmem>>) target_semaphore(%run_scoped3A_169 : memref<!tpu.dma_semaphore, #tpu.memory_space<semaphore_mem>>)
        %dma_wait3A_174 = arith.constant 0 : i32
        %dma_wait3A_175 = tpu.memref_slice %arg2[%add3A_51, %dma_wait3A_174] : memref<2560x128xi32, #tpu.memory_space<hbm>> -> memref<8x128xi32, #tpu.memory_space<hbm>>
        %dma_wait3A_176 = arith.constant 0 : i32
        %dma_wait3A_177 = tpu.memref_slice %arg2[%add3A_51, %dma_wait3A_176] : memref<2560x128xi32, #tpu.memory_space<hbm>> -> memref<8x128xi32, #tpu.memory_space<hbm>>
        tpu.wait_dma2 semaphore(%run_scoped3A_169 : memref<!tpu.dma_semaphore, #tpu.memory_space<semaphore_mem>>) src(%dma_wait3A_177 : memref<8x128xi32, #tpu.memory_space<hbm>>) dst(%arg8 : memref<8x128xi32, #tpu.memory_space<vmem>>)
        tpu.yield
      }) : () -> ()
      "tpu.region"() ({
        %run_scoped3A_169 = tpu.sem_alloc : memref<!tpu.dma_semaphore, #tpu.memory_space<semaphore_mem>>
        %dma_start3A_170 = arith.constant 0 : i32
        %dma_start3A_171 = tpu.memref_slice %arg3[%add3A_51, %dma_start3A_170] : memref<2560x128xi32, #tpu.memory_space<hbm>> -> memref<8x128xi32, #tpu.memory_space<hbm>>
        %dma_start3A_172 = arith.constant 0 : i32
        %dma_start3A_173 = tpu.memref_slice %arg3[%add3A_51, %dma_start3A_172] : memref<2560x128xi32, #tpu.memory_space<hbm>> -> memref<8x128xi32, #tpu.memory_space<hbm>>
        tpu.enqueue_dma source(%dma_start3A_173 : memref<8x128xi32, #tpu.memory_space<hbm>>) target(%arg9 : memref<8x128xi32, #tpu.memory_space<vmem>>) target_semaphore(%run_scoped3A_169 : memref<!tpu.dma_semaphore, #tpu.memory_space<semaphore_mem>>)
        %dma_wait3A_174 = arith.constant 0 : i32
        %dma_wait3A_175 = tpu.memref_slice %arg3[%add3A_51, %dma_wait3A_174] : memref<2560x128xi32, #tpu.memory_space<hbm>> -> memref<8x128xi32, #tpu.memory_space<hbm>>
        %dma_wait3A_176 = arith.constant 0 : i32
        %dma_wait3A_177 = tpu.memref_slice %arg3[%add3A_51, %dma_wait3A_176] : memref<2560x128xi32, #tpu.memory_space<hbm>> -> memref<8x128xi32, #tpu.memory_space<hbm>>
        tpu.wait_dma2 semaphore(%run_scoped3A_169 : memref<!tpu.dma_semaphore, #tpu.memory_space<semaphore_mem>>) src(%dma_wait3A_177 : memref<8x128xi32, #tpu.memory_space<hbm>>) dst(%arg9 : memref<8x128xi32, #tpu.memory_space<vmem>>)
        tpu.yield
      }) : () -> ()
      %dma_start3A = arith.constant 0 : i32
      %dma_start3A_52 = arith.constant 0 : i32
      %dma_start3A_53 = tpu.memref_slice %arg8[%dma_start3A, %dma_start3A_52] : memref<8x128xi32, #tpu.memory_space<vmem>> -> memref<1x128xi32, #tpu.memory_space<vmem>>
      %dma_start3A_54 = tpu.memref_squeeze %dma_start3A_53 : memref<1x128xi32, #tpu.memory_space<vmem>> -> memref<128xi32, #tpu.memory_space<vmem>>
      %dma_start3A_55 = arith.constant 0 : i32
      %dma_start3A_56 = arith.constant 0 : i32
      %dma_start3A_57 = tpu.memref_slice %arg4[%dma_start3A_55, %dma_start3A_56] : memref<10000x128xf32, #tpu.memory_space<hbm>> -> memref<10000x128xf32, #tpu.memory_space<hbm>>
      tpu.enqueue_indirect_dma source(%dma_start3A_57 : memref<10000x128xf32, #tpu.memory_space<hbm>>) target(%arg10 : memref<128x128xf32, #tpu.memory_space<vmem>>) offsets(%dma_start3A_54 : memref<128xi32, #tpu.memory_space<vmem>>) semaphore(%arg12 : memref<!tpu.dma_semaphore, #tpu.memory_space<semaphore_mem>>)
      %dma_wait3A = arith.constant 0 : i32
      %dma_wait3A_58 = arith.constant 0 : i32
      %dma_wait3A_59 = tpu.memref_slice %arg8[%dma_wait3A, %dma_wait3A_58] : memref<8x128xi32, #tpu.memory_space<vmem>> -> memref<1x128xi32, #tpu.memory_space<vmem>>
      %dma_wait3A_60 = tpu.memref_squeeze %dma_wait3A_59 : memref<1x128xi32, #tpu.memory_space<vmem>> -> memref<128xi32, #tpu.memory_space<vmem>>
      %dma_wait3A_61 = arith.constant 0 : i32
      %dma_wait3A_62 = arith.constant 0 : i32
      %dma_wait3A_63 = tpu.memref_slice %arg4[%dma_wait3A_61, %dma_wait3A_62] : memref<10000x128xf32, #tpu.memory_space<hbm>> -> memref<10000x128xf32, #tpu.memory_space<hbm>>
      tpu.wait_indirect_dma semaphore(%arg12 : memref<!tpu.dma_semaphore, #tpu.memory_space<semaphore_mem>>) src(%dma_wait3A_63 : memref<10000x128xf32, #tpu.memory_space<hbm>>) dst(%arg10 : memref<128x128xf32, #tpu.memory_space<vmem>>)
      %dma_start3A_64 = arith.constant 1 : i32
      %dma_start3A_65 = arith.constant 0 : i32
      %dma_start3A_66 = tpu.memref_slice %arg8[%dma_start3A_64, %dma_start3A_65] : memref<8x128xi32, #tpu.memory_space<vmem>> -> memref<1x128xi32, #tpu.memory_space<vmem>>
      %dma_start3A_67 = tpu.memref_squeeze %dma_start3A_66 : memref<1x128xi32, #tpu.memory_space<vmem>> -> memref<128xi32, #tpu.memory_space<vmem>>
      %dma_start3A_68 = arith.constant 0 : i32
      %dma_start3A_69 = arith.constant 0 : i32
      %dma_start3A_70 = tpu.memref_slice %arg4[%dma_start3A_68, %dma_start3A_69] : memref<10000x128xf32, #tpu.memory_space<hbm>> -> memref<10000x128xf32, #tpu.memory_space<hbm>>
      tpu.enqueue_indirect_dma source(%dma_start3A_70 : memref<10000x128xf32, #tpu.memory_space<hbm>>) target(%arg11 : memref<128x128xf32, #tpu.memory_space<vmem>>) offsets(%dma_start3A_67 : memref<128xi32, #tpu.memory_space<vmem>>) semaphore(%arg12 : memref<!tpu.dma_semaphore, #tpu.memory_space<semaphore_mem>>)
      %run_scoped3A = arith.constant 0 : i32
      "tpu.region"() ({
        %run_scoped3A_169 = tpu.sem_alloc : memref<!tpu.dma_semaphore, #tpu.memory_space<semaphore_mem>>
        %dma_start3A_170 = arith.constant 0 : i32
        %dma_start3A_171 = tpu.memref_slice %arg9[%run_scoped3A, %dma_start3A_170] : memref<8x128xi32, #tpu.memory_space<vmem>> -> memref<1x128xi32, #tpu.memory_space<vmem>>
        %dma_start3A_172 = tpu.memref_squeeze %dma_start3A_171 : memref<1x128xi32, #tpu.memory_space<vmem>> -> memref<128xi32, #tpu.memory_space<vmem>>
        %dma_start3A_173 = arith.constant 0 : i32
        %dma_start3A_174 = arith.constant 0 : i32
        %dma_start3A_175 = tpu.memref_slice %arg7[%dma_start3A_173, %dma_start3A_174] : memref<10112x128xf32, #tpu.memory_space<vmem_shared>> -> memref<10112x128xf32, #tpu.memory_space<vmem_shared>>
        tpu.enqueue_indirect_dma source(%arg10 : memref<128x128xf32, #tpu.memory_space<vmem>>) target(%dma_start3A_175 : memref<10112x128xf32, #tpu.memory_space<vmem_shared>>) offsets(%dma_start3A_172 : memref<128xi32, #tpu.memory_space<vmem>>) semaphore(%run_scoped3A_169 : memref<!tpu.dma_semaphore, #tpu.memory_space<semaphore_mem>>) {add = true}
        %dma_wait3A_176 = arith.constant 0 : i32
        %dma_wait3A_177 = tpu.memref_slice %arg9[%run_scoped3A, %dma_wait3A_176] : memref<8x128xi32, #tpu.memory_space<vmem>> -> memref<1x128xi32, #tpu.memory_space<vmem>>
        %dma_wait3A_178 = tpu.memref_squeeze %dma_wait3A_177 : memref<1x128xi32, #tpu.memory_space<vmem>> -> memref<128xi32, #tpu.memory_space<vmem>>
        %dma_wait3A_179 = arith.constant 0 : i32
        %dma_wait3A_180 = arith.constant 0 : i32
        %dma_wait3A_181 = tpu.memref_slice %arg7[%dma_wait3A_179, %dma_wait3A_180] : memref<10112x128xf32, #tpu.memory_space<vmem_shared>> -> memref<10112x128xf32, #tpu.memory_space<vmem_shared>>
        tpu.wait_indirect_dma semaphore(%run_scoped3A_169 : memref<!tpu.dma_semaphore, #tpu.memory_space<semaphore_mem>>) src(%arg10 : memref<128x128xf32, #tpu.memory_space<vmem>>) dst(%dma_wait3A_181 : memref<10112x128xf32, #tpu.memory_space<vmem_shared>>)
        tpu.yield
      }) : () -> ()
      %dma_wait3A_71 = arith.constant 1 : i32
      %dma_wait3A_72 = arith.constant 0 : i32
      %dma_wait3A_73 = tpu.memref_slice %arg8[%dma_wait3A_71, %dma_wait3A_72] : memref<8x128xi32, #tpu.memory_space<vmem>> -> memref<1x128xi32, #tpu.memory_space<vmem>>
      %dma_wait3A_74 = tpu.memref_squeeze %dma_wait3A_73 : memref<1x128xi32, #tpu.memory_space<vmem>> -> memref<128xi32, #tpu.memory_space<vmem>>
      %dma_wait3A_75 = arith.constant 0 : i32
      %dma_wait3A_76 = arith.constant 0 : i32
      %dma_wait3A_77 = tpu.memref_slice %arg4[%dma_wait3A_75, %dma_wait3A_76] : memref<10000x128xf32, #tpu.memory_space<hbm>> -> memref<10000x128xf32, #tpu.memory_space<hbm>>
      tpu.wait_indirect_dma semaphore(%arg12 : memref<!tpu.dma_semaphore, #tpu.memory_space<semaphore_mem>>) src(%dma_wait3A_77 : memref<10000x128xf32, #tpu.memory_space<hbm>>) dst(%arg11 : memref<128x128xf32, #tpu.memory_space<vmem>>)
      %dma_start3A_78 = arith.constant 2 : i32
      %dma_start3A_79 = arith.constant 0 : i32
      %dma_start3A_80 = tpu.memref_slice %arg8[%dma_start3A_78, %dma_start3A_79] : memref<8x128xi32, #tpu.memory_space<vmem>> -> memref<1x128xi32, #tpu.memory_space<vmem>>
      %dma_start3A_81 = tpu.memref_squeeze %dma_start3A_80 : memref<1x128xi32, #tpu.memory_space<vmem>> -> memref<128xi32, #tpu.memory_space<vmem>>
      %dma_start3A_82 = arith.constant 0 : i32
      %dma_start3A_83 = arith.constant 0 : i32
      %dma_start3A_84 = tpu.memref_slice %arg4[%dma_start3A_82, %dma_start3A_83] : memref<10000x128xf32, #tpu.memory_space<hbm>> -> memref<10000x128xf32, #tpu.memory_space<hbm>>
      tpu.enqueue_indirect_dma source(%dma_start3A_84 : memref<10000x128xf32, #tpu.memory_space<hbm>>) target(%arg10 : memref<128x128xf32, #tpu.memory_space<vmem>>) offsets(%dma_start3A_81 : memref<128xi32, #tpu.memory_space<vmem>>) semaphore(%arg12 : memref<!tpu.dma_semaphore, #tpu.memory_space<semaphore_mem>>)
      %run_scoped3A_85 = arith.constant 1 : i32
      "tpu.region"() ({
        %run_scoped3A_169 = tpu.sem_alloc : memref<!tpu.dma_semaphore, #tpu.memory_space<semaphore_mem>>
        %dma_start3A_170 = arith.constant 0 : i32
        %dma_start3A_171 = tpu.memref_slice %arg9[%run_scoped3A_85, %dma_start3A_170] : memref<8x128xi32, #tpu.memory_space<vmem>> -> memref<1x128xi32, #tpu.memory_space<vmem>>
        %dma_start3A_172 = tpu.memref_squeeze %dma_start3A_171 : memref<1x128xi32, #tpu.memory_space<vmem>> -> memref<128xi32, #tpu.memory_space<vmem>>
        %dma_start3A_173 = arith.constant 0 : i32
        %dma_start3A_174 = arith.constant 0 : i32
        %dma_start3A_175 = tpu.memref_slice %arg7[%dma_start3A_173, %dma_start3A_174] : memref<10112x128xf32, #tpu.memory_space<vmem_shared>> -> memref<10112x128xf32, #tpu.memory_space<vmem_shared>>
        tpu.enqueue_indirect_dma source(%arg11 : memref<128x128xf32, #tpu.memory_space<vmem>>) target(%dma_start3A_175 : memref<10112x128xf32, #tpu.memory_space<vmem_shared>>) offsets(%dma_start3A_172 : memref<128xi32, #tpu.memory_space<vmem>>) semaphore(%run_scoped3A_169 : memref<!tpu.dma_semaphore, #tpu.memory_space<semaphore_mem>>) {add = true}
        %dma_wait3A_176 = arith.constant 0 : i32
        %dma_wait3A_177 = tpu.memref_slice %arg9[%run_scoped3A_85, %dma_wait3A_176] : memref<8x128xi32, #tpu.memory_space<vmem>> -> memref<1x128xi32, #tpu.memory_space<vmem>>
        %dma_wait3A_178 = tpu.memref_squeeze %dma_wait3A_177 : memref<1x128xi32, #tpu.memory_space<vmem>> -> memref<128xi32, #tpu.memory_space<vmem>>
        %dma_wait3A_179 = arith.constant 0 : i32
        %dma_wait3A_180 = arith.constant 0 : i32
        %dma_wait3A_181 = tpu.memref_slice %arg7[%dma_wait3A_179, %dma_wait3A_180] : memref<10112x128xf32, #tpu.memory_space<vmem_shared>> -> memref<10112x128xf32, #tpu.memory_space<vmem_shared>>
        tpu.wait_indirect_dma semaphore(%run_scoped3A_169 : memref<!tpu.dma_semaphore, #tpu.memory_space<semaphore_mem>>) src(%arg11 : memref<128x128xf32, #tpu.memory_space<vmem>>) dst(%dma_wait3A_181 : memref<10112x128xf32, #tpu.memory_space<vmem_shared>>)
        tpu.yield
      }) : () -> ()
      %dma_wait3A_86 = arith.constant 2 : i32
      %dma_wait3A_87 = arith.constant 0 : i32
      %dma_wait3A_88 = tpu.memref_slice %arg8[%dma_wait3A_86, %dma_wait3A_87] : memref<8x128xi32, #tpu.memory_space<vmem>> -> memref<1x128xi32, #tpu.memory_space<vmem>>
      %dma_wait3A_89 = tpu.memref_squeeze %dma_wait3A_88 : memref<1x128xi32, #tpu.memory_space<vmem>> -> memref<128xi32, #tpu.memory_space<vmem>>
      %dma_wait3A_90 = arith.constant 0 : i32
      %dma_wait3A_91 = arith.constant 0 : i32
      %dma_wait3A_92 = tpu.memref_slice %arg4[%dma_wait3A_90, %dma_wait3A_91] : memref<10000x128xf32, #tpu.memory_space<hbm>> -> memref<10000x128xf32, #tpu.memory_space<hbm>>
      tpu.wait_indirect_dma semaphore(%arg12 : memref<!tpu.dma_semaphore, #tpu.memory_space<semaphore_mem>>) src(%dma_wait3A_92 : memref<10000x128xf32, #tpu.memory_space<hbm>>) dst(%arg10 : memref<128x128xf32, #tpu.memory_space<vmem>>)
      %dma_start3A_93 = arith.constant 3 : i32
      %dma_start3A_94 = arith.constant 0 : i32
      %dma_start3A_95 = tpu.memref_slice %arg8[%dma_start3A_93, %dma_start3A_94] : memref<8x128xi32, #tpu.memory_space<vmem>> -> memref<1x128xi32, #tpu.memory_space<vmem>>
      %dma_start3A_96 = tpu.memref_squeeze %dma_start3A_95 : memref<1x128xi32, #tpu.memory_space<vmem>> -> memref<128xi32, #tpu.memory_space<vmem>>
      %dma_start3A_97 = arith.constant 0 : i32
      %dma_start3A_98 = arith.constant 0 : i32
      %dma_start3A_99 = tpu.memref_slice %arg4[%dma_start3A_97, %dma_start3A_98] : memref<10000x128xf32, #tpu.memory_space<hbm>> -> memref<10000x128xf32, #tpu.memory_space<hbm>>
      tpu.enqueue_indirect_dma source(%dma_start3A_99 : memref<10000x128xf32, #tpu.memory_space<hbm>>) target(%arg11 : memref<128x128xf32, #tpu.memory_space<vmem>>) offsets(%dma_start3A_96 : memref<128xi32, #tpu.memory_space<vmem>>) semaphore(%arg12 : memref<!tpu.dma_semaphore, #tpu.memory_space<semaphore_mem>>)
      %run_scoped3A_100 = arith.constant 2 : i32
      "tpu.region"() ({
        %run_scoped3A_169 = tpu.sem_alloc : memref<!tpu.dma_semaphore, #tpu.memory_space<semaphore_mem>>
        %dma_start3A_170 = arith.constant 0 : i32
        %dma_start3A_171 = tpu.memref_slice %arg9[%run_scoped3A_100, %dma_start3A_170] : memref<8x128xi32, #tpu.memory_space<vmem>> -> memref<1x128xi32, #tpu.memory_space<vmem>>
        %dma_start3A_172 = tpu.memref_squeeze %dma_start3A_171 : memref<1x128xi32, #tpu.memory_space<vmem>> -> memref<128xi32, #tpu.memory_space<vmem>>
        %dma_start3A_173 = arith.constant 0 : i32
        %dma_start3A_174 = arith.constant 0 : i32
        %dma_start3A_175 = tpu.memref_slice %arg7[%dma_start3A_173, %dma_start3A_174] : memref<10112x128xf32, #tpu.memory_space<vmem_shared>> -> memref<10112x128xf32, #tpu.memory_space<vmem_shared>>
        tpu.enqueue_indirect_dma source(%arg10 : memref<128x128xf32, #tpu.memory_space<vmem>>) target(%dma_start3A_175 : memref<10112x128xf32, #tpu.memory_space<vmem_shared>>) offsets(%dma_start3A_172 : memref<128xi32, #tpu.memory_space<vmem>>) semaphore(%run_scoped3A_169 : memref<!tpu.dma_semaphore, #tpu.memory_space<semaphore_mem>>) {add = true}
        %dma_wait3A_176 = arith.constant 0 : i32
        %dma_wait3A_177 = tpu.memref_slice %arg9[%run_scoped3A_100, %dma_wait3A_176] : memref<8x128xi32, #tpu.memory_space<vmem>> -> memref<1x128xi32, #tpu.memory_space<vmem>>
        %dma_wait3A_178 = tpu.memref_squeeze %dma_wait3A_177 : memref<1x128xi32, #tpu.memory_space<vmem>> -> memref<128xi32, #tpu.memory_space<vmem>>
        %dma_wait3A_179 = arith.constant 0 : i32
        %dma_wait3A_180 = arith.constant 0 : i32
        %dma_wait3A_181 = tpu.memref_slice %arg7[%dma_wait3A_179, %dma_wait3A_180] : memref<10112x128xf32, #tpu.memory_space<vmem_shared>> -> memref<10112x128xf32, #tpu.memory_space<vmem_shared>>
        tpu.wait_indirect_dma semaphore(%run_scoped3A_169 : memref<!tpu.dma_semaphore, #tpu.memory_space<semaphore_mem>>) src(%arg10 : memref<128x128xf32, #tpu.memory_space<vmem>>) dst(%dma_wait3A_181 : memref<10112x128xf32, #tpu.memory_space<vmem_shared>>)
        tpu.yield
      }) : () -> ()
      %dma_wait3A_101 = arith.constant 3 : i32
      %dma_wait3A_102 = arith.constant 0 : i32
      %dma_wait3A_103 = tpu.memref_slice %arg8[%dma_wait3A_101, %dma_wait3A_102] : memref<8x128xi32, #tpu.memory_space<vmem>> -> memref<1x128xi32, #tpu.memory_space<vmem>>
      %dma_wait3A_104 = tpu.memref_squeeze %dma_wait3A_103 : memref<1x128xi32, #tpu.memory_space<vmem>> -> memref<128xi32, #tpu.memory_space<vmem>>
      %dma_wait3A_105 = arith.constant 0 : i32
      %dma_wait3A_106 = arith.constant 0 : i32
      %dma_wait3A_107 = tpu.memref_slice %arg4[%dma_wait3A_105, %dma_wait3A_106] : memref<10000x128xf32, #tpu.memory_space<hbm>> -> memref<10000x128xf32, #tpu.memory_space<hbm>>
      tpu.wait_indirect_dma semaphore(%arg12 : memref<!tpu.dma_semaphore, #tpu.memory_space<semaphore_mem>>) src(%dma_wait3A_107 : memref<10000x128xf32, #tpu.memory_space<hbm>>) dst(%arg11 : memref<128x128xf32, #tpu.memory_space<vmem>>)
      %dma_start3A_108 = arith.constant 4 : i32
      %dma_start3A_109 = arith.constant 0 : i32
      %dma_start3A_110 = tpu.memref_slice %arg8[%dma_start3A_108, %dma_start3A_109] : memref<8x128xi32, #tpu.memory_space<vmem>> -> memref<1x128xi32, #tpu.memory_space<vmem>>
      %dma_start3A_111 = tpu.memref_squeeze %dma_start3A_110 : memref<1x128xi32, #tpu.memory_space<vmem>> -> memref<128xi32, #tpu.memory_space<vmem>>
      %dma_start3A_112 = arith.constant 0 : i32
      %dma_start3A_113 = arith.constant 0 : i32
      %dma_start3A_114 = tpu.memref_slice %arg4[%dma_start3A_112, %dma_start3A_113] : memref<10000x128xf32, #tpu.memory_space<hbm>> -> memref<10000x128xf32, #tpu.memory_space<hbm>>
      tpu.enqueue_indirect_dma source(%dma_start3A_114 : memref<10000x128xf32, #tpu.memory_space<hbm>>) target(%arg10 : memref<128x128xf32, #tpu.memory_space<vmem>>) offsets(%dma_start3A_111 : memref<128xi32, #tpu.memory_space<vmem>>) semaphore(%arg12 : memref<!tpu.dma_semaphore, #tpu.memory_space<semaphore_mem>>)
      %run_scoped3A_115 = arith.constant 3 : i32
      "tpu.region"() ({
        %run_scoped3A_169 = tpu.sem_alloc : memref<!tpu.dma_semaphore, #tpu.memory_space<semaphore_mem>>
        %dma_start3A_170 = arith.constant 0 : i32
        %dma_start3A_171 = tpu.memref_slice %arg9[%run_scoped3A_115, %dma_start3A_170] : memref<8x128xi32, #tpu.memory_space<vmem>> -> memref<1x128xi32, #tpu.memory_space<vmem>>
        %dma_start3A_172 = tpu.memref_squeeze %dma_start3A_171 : memref<1x128xi32, #tpu.memory_space<vmem>> -> memref<128xi32, #tpu.memory_space<vmem>>
        %dma_start3A_173 = arith.constant 0 : i32
        %dma_start3A_174 = arith.constant 0 : i32
        %dma_start3A_175 = tpu.memref_slice %arg7[%dma_start3A_173, %dma_start3A_174] : memref<10112x128xf32, #tpu.memory_space<vmem_shared>> -> memref<10112x128xf32, #tpu.memory_space<vmem_shared>>
        tpu.enqueue_indirect_dma source(%arg11 : memref<128x128xf32, #tpu.memory_space<vmem>>) target(%dma_start3A_175 : memref<10112x128xf32, #tpu.memory_space<vmem_shared>>) offsets(%dma_start3A_172 : memref<128xi32, #tpu.memory_space<vmem>>) semaphore(%run_scoped3A_169 : memref<!tpu.dma_semaphore, #tpu.memory_space<semaphore_mem>>) {add = true}
        %dma_wait3A_176 = arith.constant 0 : i32
        %dma_wait3A_177 = tpu.memref_slice %arg9[%run_scoped3A_115, %dma_wait3A_176] : memref<8x128xi32, #tpu.memory_space<vmem>> -> memref<1x128xi32, #tpu.memory_space<vmem>>
        %dma_wait3A_178 = tpu.memref_squeeze %dma_wait3A_177 : memref<1x128xi32, #tpu.memory_space<vmem>> -> memref<128xi32, #tpu.memory_space<vmem>>
        %dma_wait3A_179 = arith.constant 0 : i32
        %dma_wait3A_180 = arith.constant 0 : i32
        %dma_wait3A_181 = tpu.memref_slice %arg7[%dma_wait3A_179, %dma_wait3A_180] : memref<10112x128xf32, #tpu.memory_space<vmem_shared>> -> memref<10112x128xf32, #tpu.memory_space<vmem_shared>>
        tpu.wait_indirect_dma semaphore(%run_scoped3A_169 : memref<!tpu.dma_semaphore, #tpu.memory_space<semaphore_mem>>) src(%arg11 : memref<128x128xf32, #tpu.memory_space<vmem>>) dst(%dma_wait3A_181 : memref<10112x128xf32, #tpu.memory_space<vmem_shared>>)
        tpu.yield
      }) : () -> ()
      %dma_wait3A_116 = arith.constant 4 : i32
      %dma_wait3A_117 = arith.constant 0 : i32
      %dma_wait3A_118 = tpu.memref_slice %arg8[%dma_wait3A_116, %dma_wait3A_117] : memref<8x128xi32, #tpu.memory_space<vmem>> -> memref<1x128xi32, #tpu.memory_space<vmem>>
      %dma_wait3A_119 = tpu.memref_squeeze %dma_wait3A_118 : memref<1x128xi32, #tpu.memory_space<vmem>> -> memref<128xi32, #tpu.memory_space<vmem>>
      %dma_wait3A_120 = arith.constant 0 : i32
      %dma_wait3A_121 = arith.constant 0 : i32
      %dma_wait3A_122 = tpu.memref_slice %arg4[%dma_wait3A_120, %dma_wait3A_121] : memref<10000x128xf32, #tpu.memory_space<hbm>> -> memref<10000x128xf32, #tpu.memory_space<hbm>>
      tpu.wait_indirect_dma semaphore(%arg12 : memref<!tpu.dma_semaphore, #tpu.memory_space<semaphore_mem>>) src(%dma_wait3A_122 : memref<10000x128xf32, #tpu.memory_space<hbm>>) dst(%arg10 : memref<128x128xf32, #tpu.memory_space<vmem>>)
      %dma_start3A_123 = arith.constant 5 : i32
      %dma_start3A_124 = arith.constant 0 : i32
      %dma_start3A_125 = tpu.memref_slice %arg8[%dma_start3A_123, %dma_start3A_124] : memref<8x128xi32, #tpu.memory_space<vmem>> -> memref<1x128xi32, #tpu.memory_space<vmem>>
      %dma_start3A_126 = tpu.memref_squeeze %dma_start3A_125 : memref<1x128xi32, #tpu.memory_space<vmem>> -> memref<128xi32, #tpu.memory_space<vmem>>
      %dma_start3A_127 = arith.constant 0 : i32
      %dma_start3A_128 = arith.constant 0 : i32
      %dma_start3A_129 = tpu.memref_slice %arg4[%dma_start3A_127, %dma_start3A_128] : memref<10000x128xf32, #tpu.memory_space<hbm>> -> memref<10000x128xf32, #tpu.memory_space<hbm>>
      tpu.enqueue_indirect_dma source(%dma_start3A_129 : memref<10000x128xf32, #tpu.memory_space<hbm>>) target(%arg11 : memref<128x128xf32, #tpu.memory_space<vmem>>) offsets(%dma_start3A_126 : memref<128xi32, #tpu.memory_space<vmem>>) semaphore(%arg12 : memref<!tpu.dma_semaphore, #tpu.memory_space<semaphore_mem>>)
      %run_scoped3A_130 = arith.constant 4 : i32
      "tpu.region"() ({
        %run_scoped3A_169 = tpu.sem_alloc : memref<!tpu.dma_semaphore, #tpu.memory_space<semaphore_mem>>
        %dma_start3A_170 = arith.constant 0 : i32
        %dma_start3A_171 = tpu.memref_slice %arg9[%run_scoped3A_130, %dma_start3A_170] : memref<8x128xi32, #tpu.memory_space<vmem>> -> memref<1x128xi32, #tpu.memory_space<vmem>>
        %dma_start3A_172 = tpu.memref_squeeze %dma_start3A_171 : memref<1x128xi32, #tpu.memory_space<vmem>> -> memref<128xi32, #tpu.memory_space<vmem>>
        %dma_start3A_173 = arith.constant 0 : i32
        %dma_start3A_174 = arith.constant 0 : i32
        %dma_start3A_175 = tpu.memref_slice %arg7[%dma_start3A_173, %dma_start3A_174] : memref<10112x128xf32, #tpu.memory_space<vmem_shared>> -> memref<10112x128xf32, #tpu.memory_space<vmem_shared>>
        tpu.enqueue_indirect_dma source(%arg10 : memref<128x128xf32, #tpu.memory_space<vmem>>) target(%dma_start3A_175 : memref<10112x128xf32, #tpu.memory_space<vmem_shared>>) offsets(%dma_start3A_172 : memref<128xi32, #tpu.memory_space<vmem>>) semaphore(%run_scoped3A_169 : memref<!tpu.dma_semaphore, #tpu.memory_space<semaphore_mem>>) {add = true}
        %dma_wait3A_176 = arith.constant 0 : i32
        %dma_wait3A_177 = tpu.memref_slice %arg9[%run_scoped3A_130, %dma_wait3A_176] : memref<8x128xi32, #tpu.memory_space<vmem>> -> memref<1x128xi32, #tpu.memory_space<vmem>>
        %dma_wait3A_178 = tpu.memref_squeeze %dma_wait3A_177 : memref<1x128xi32, #tpu.memory_space<vmem>> -> memref<128xi32, #tpu.memory_space<vmem>>
        %dma_wait3A_179 = arith.constant 0 : i32
        %dma_wait3A_180 = arith.constant 0 : i32
        %dma_wait3A_181 = tpu.memref_slice %arg7[%dma_wait3A_179, %dma_wait3A_180] : memref<10112x128xf32, #tpu.memory_space<vmem_shared>> -> memref<10112x128xf32, #tpu.memory_space<vmem_shared>>
        tpu.wait_indirect_dma semaphore(%run_scoped3A_169 : memref<!tpu.dma_semaphore, #tpu.memory_space<semaphore_mem>>) src(%arg10 : memref<128x128xf32, #tpu.memory_space<vmem>>) dst(%dma_wait3A_181 : memref<10112x128xf32, #tpu.memory_space<vmem_shared>>)
        tpu.yield
      }) : () -> ()
      %dma_wait3A_131 = arith.constant 5 : i32
      %dma_wait3A_132 = arith.constant 0 : i32
      %dma_wait3A_133 = tpu.memref_slice %arg8[%dma_wait3A_131, %dma_wait3A_132] : memref<8x128xi32, #tpu.memory_space<vmem>> -> memref<1x128xi32, #tpu.memory_space<vmem>>
      %dma_wait3A_134 = tpu.memref_squeeze %dma_wait3A_133 : memref<1x128xi32, #tpu.memory_space<vmem>> -> memref<128xi32, #tpu.memory_space<vmem>>
      %dma_wait3A_135 = arith.constant 0 : i32
      %dma_wait3A_136 = arith.constant 0 : i32
      %dma_wait3A_137 = tpu.memref_slice %arg4[%dma_wait3A_135, %dma_wait3A_136] : memref<10000x128xf32, #tpu.memory_space<hbm>> -> memref<10000x128xf32, #tpu.memory_space<hbm>>
      tpu.wait_indirect_dma semaphore(%arg12 : memref<!tpu.dma_semaphore, #tpu.memory_space<semaphore_mem>>) src(%dma_wait3A_137 : memref<10000x128xf32, #tpu.memory_space<hbm>>) dst(%arg11 : memref<128x128xf32, #tpu.memory_space<vmem>>)
      %dma_start3A_138 = arith.constant 6 : i32
      %dma_start3A_139 = arith.constant 0 : i32
      %dma_start3A_140 = tpu.memref_slice %arg8[%dma_start3A_138, %dma_start3A_139] : memref<8x128xi32, #tpu.memory_space<vmem>> -> memref<1x128xi32, #tpu.memory_space<vmem>>
      %dma_start3A_141 = tpu.memref_squeeze %dma_start3A_140 : memref<1x128xi32, #tpu.memory_space<vmem>> -> memref<128xi32, #tpu.memory_space<vmem>>
      %dma_start3A_142 = arith.constant 0 : i32
      %dma_start3A_143 = arith.constant 0 : i32
      %dma_start3A_144 = tpu.memref_slice %arg4[%dma_start3A_142, %dma_start3A_143] : memref<10000x128xf32, #tpu.memory_space<hbm>> -> memref<10000x128xf32, #tpu.memory_space<hbm>>
      tpu.enqueue_indirect_dma source(%dma_start3A_144 : memref<10000x128xf32, #tpu.memory_space<hbm>>) target(%arg10 : memref<128x128xf32, #tpu.memory_space<vmem>>) offsets(%dma_start3A_141 : memref<128xi32, #tpu.memory_space<vmem>>) semaphore(%arg12 : memref<!tpu.dma_semaphore, #tpu.memory_space<semaphore_mem>>)
      %run_scoped3A_145 = arith.constant 5 : i32
      "tpu.region"() ({
        %run_scoped3A_169 = tpu.sem_alloc : memref<!tpu.dma_semaphore, #tpu.memory_space<semaphore_mem>>
        %dma_start3A_170 = arith.constant 0 : i32
        %dma_start3A_171 = tpu.memref_slice %arg9[%run_scoped3A_145, %dma_start3A_170] : memref<8x128xi32, #tpu.memory_space<vmem>> -> memref<1x128xi32, #tpu.memory_space<vmem>>
        %dma_start3A_172 = tpu.memref_squeeze %dma_start3A_171 : memref<1x128xi32, #tpu.memory_space<vmem>> -> memref<128xi32, #tpu.memory_space<vmem>>
        %dma_start3A_173 = arith.constant 0 : i32
        %dma_start3A_174 = arith.constant 0 : i32
        %dma_start3A_175 = tpu.memref_slice %arg7[%dma_start3A_173, %dma_start3A_174] : memref<10112x128xf32, #tpu.memory_space<vmem_shared>> -> memref<10112x128xf32, #tpu.memory_space<vmem_shared>>
        tpu.enqueue_indirect_dma source(%arg11 : memref<128x128xf32, #tpu.memory_space<vmem>>) target(%dma_start3A_175 : memref<10112x128xf32, #tpu.memory_space<vmem_shared>>) offsets(%dma_start3A_172 : memref<128xi32, #tpu.memory_space<vmem>>) semaphore(%run_scoped3A_169 : memref<!tpu.dma_semaphore, #tpu.memory_space<semaphore_mem>>) {add = true}
        %dma_wait3A_176 = arith.constant 0 : i32
        %dma_wait3A_177 = tpu.memref_slice %arg9[%run_scoped3A_145, %dma_wait3A_176] : memref<8x128xi32, #tpu.memory_space<vmem>> -> memref<1x128xi32, #tpu.memory_space<vmem>>
        %dma_wait3A_178 = tpu.memref_squeeze %dma_wait3A_177 : memref<1x128xi32, #tpu.memory_space<vmem>> -> memref<128xi32, #tpu.memory_space<vmem>>
        %dma_wait3A_179 = arith.constant 0 : i32
        %dma_wait3A_180 = arith.constant 0 : i32
        %dma_wait3A_181 = tpu.memref_slice %arg7[%dma_wait3A_179, %dma_wait3A_180] : memref<10112x128xf32, #tpu.memory_space<vmem_shared>> -> memref<10112x128xf32, #tpu.memory_space<vmem_shared>>
        tpu.wait_indirect_dma semaphore(%run_scoped3A_169 : memref<!tpu.dma_semaphore, #tpu.memory_space<semaphore_mem>>) src(%arg11 : memref<128x128xf32, #tpu.memory_space<vmem>>) dst(%dma_wait3A_181 : memref<10112x128xf32, #tpu.memory_space<vmem_shared>>)
        tpu.yield
      }) : () -> ()
      %dma_wait3A_146 = arith.constant 6 : i32
      %dma_wait3A_147 = arith.constant 0 : i32
      %dma_wait3A_148 = tpu.memref_slice %arg8[%dma_wait3A_146, %dma_wait3A_147] : memref<8x128xi32, #tpu.memory_space<vmem>> -> memref<1x128xi32, #tpu.memory_space<vmem>>
      %dma_wait3A_149 = tpu.memref_squeeze %dma_wait3A_148 : memref<1x128xi32, #tpu.memory_space<vmem>> -> memref<128xi32, #tpu.memory_space<vmem>>
      %dma_wait3A_150 = arith.constant 0 : i32
      %dma_wait3A_151 = arith.constant 0 : i32
      %dma_wait3A_152 = tpu.memref_slice %arg4[%dma_wait3A_150, %dma_wait3A_151] : memref<10000x128xf32, #tpu.memory_space<hbm>> -> memref<10000x128xf32, #tpu.memory_space<hbm>>
      tpu.wait_indirect_dma semaphore(%arg12 : memref<!tpu.dma_semaphore, #tpu.memory_space<semaphore_mem>>) src(%dma_wait3A_152 : memref<10000x128xf32, #tpu.memory_space<hbm>>) dst(%arg10 : memref<128x128xf32, #tpu.memory_space<vmem>>)
      %dma_start3A_153 = arith.constant 7 : i32
      %dma_start3A_154 = arith.constant 0 : i32
      %dma_start3A_155 = tpu.memref_slice %arg8[%dma_start3A_153, %dma_start3A_154] : memref<8x128xi32, #tpu.memory_space<vmem>> -> memref<1x128xi32, #tpu.memory_space<vmem>>
      %dma_start3A_156 = tpu.memref_squeeze %dma_start3A_155 : memref<1x128xi32, #tpu.memory_space<vmem>> -> memref<128xi32, #tpu.memory_space<vmem>>
      %dma_start3A_157 = arith.constant 0 : i32
      %dma_start3A_158 = arith.constant 0 : i32
      %dma_start3A_159 = tpu.memref_slice %arg4[%dma_start3A_157, %dma_start3A_158] : memref<10000x128xf32, #tpu.memory_space<hbm>> -> memref<10000x128xf32, #tpu.memory_space<hbm>>
      tpu.enqueue_indirect_dma source(%dma_start3A_159 : memref<10000x128xf32, #tpu.memory_space<hbm>>) target(%arg11 : memref<128x128xf32, #tpu.memory_space<vmem>>) offsets(%dma_start3A_156 : memref<128xi32, #tpu.memory_space<vmem>>) semaphore(%arg12 : memref<!tpu.dma_semaphore, #tpu.memory_space<semaphore_mem>>)
      %run_scoped3A_160 = arith.constant 6 : i32
      "tpu.region"() ({
        %run_scoped3A_169 = tpu.sem_alloc : memref<!tpu.dma_semaphore, #tpu.memory_space<semaphore_mem>>
        %dma_start3A_170 = arith.constant 0 : i32
        %dma_start3A_171 = tpu.memref_slice %arg9[%run_scoped3A_160, %dma_start3A_170] : memref<8x128xi32, #tpu.memory_space<vmem>> -> memref<1x128xi32, #tpu.memory_space<vmem>>
        %dma_start3A_172 = tpu.memref_squeeze %dma_start3A_171 : memref<1x128xi32, #tpu.memory_space<vmem>> -> memref<128xi32, #tpu.memory_space<vmem>>
        %dma_start3A_173 = arith.constant 0 : i32
        %dma_start3A_174 = arith.constant 0 : i32
        %dma_start3A_175 = tpu.memref_slice %arg7[%dma_start3A_173, %dma_start3A_174] : memref<10112x128xf32, #tpu.memory_space<vmem_shared>> -> memref<10112x128xf32, #tpu.memory_space<vmem_shared>>
        tpu.enqueue_indirect_dma source(%arg10 : memref<128x128xf32, #tpu.memory_space<vmem>>) target(%dma_start3A_175 : memref<10112x128xf32, #tpu.memory_space<vmem_shared>>) offsets(%dma_start3A_172 : memref<128xi32, #tpu.memory_space<vmem>>) semaphore(%run_scoped3A_169 : memref<!tpu.dma_semaphore, #tpu.memory_space<semaphore_mem>>) {add = true}
        %dma_wait3A_176 = arith.constant 0 : i32
        %dma_wait3A_177 = tpu.memref_slice %arg9[%run_scoped3A_160, %dma_wait3A_176] : memref<8x128xi32, #tpu.memory_space<vmem>> -> memref<1x128xi32, #tpu.memory_space<vmem>>
        %dma_wait3A_178 = tpu.memref_squeeze %dma_wait3A_177 : memref<1x128xi32, #tpu.memory_space<vmem>> -> memref<128xi32, #tpu.memory_space<vmem>>
        %dma_wait3A_179 = arith.constant 0 : i32
        %dma_wait3A_180 = arith.constant 0 : i32
        %dma_wait3A_181 = tpu.memref_slice %arg7[%dma_wait3A_179, %dma_wait3A_180] : memref<10112x128xf32, #tpu.memory_space<vmem_shared>> -> memref<10112x128xf32, #tpu.memory_space<vmem_shared>>
        tpu.wait_indirect_dma semaphore(%run_scoped3A_169 : memref<!tpu.dma_semaphore, #tpu.memory_space<semaphore_mem>>) src(%arg10 : memref<128x128xf32, #tpu.memory_space<vmem>>) dst(%dma_wait3A_181 : memref<10112x128xf32, #tpu.memory_space<vmem_shared>>)
        tpu.yield
      }) : () -> ()
      %dma_wait3A_161 = arith.constant 7 : i32
      %dma_wait3A_162 = arith.constant 0 : i32
      %dma_wait3A_163 = tpu.memref_slice %arg8[%dma_wait3A_161, %dma_wait3A_162] : memref<8x128xi32, #tpu.memory_space<vmem>> -> memref<1x128xi32, #tpu.memory_space<vmem>>
      %dma_wait3A_164 = tpu.memref_squeeze %dma_wait3A_163 : memref<1x128xi32, #tpu.memory_space<vmem>> -> memref<128xi32, #tpu.memory_space<vmem>>
      %dma_wait3A_165 = arith.constant 0 : i32
      %dma_wait3A_166 = arith.constant 0 : i32
      %dma_wait3A_167 = tpu.memref_slice %arg4[%dma_wait3A_165, %dma_wait3A_166] : memref<10000x128xf32, #tpu.memory_space<hbm>> -> memref<10000x128xf32, #tpu.memory_space<hbm>>
      tpu.wait_indirect_dma semaphore(%arg12 : memref<!tpu.dma_semaphore, #tpu.memory_space<semaphore_mem>>) src(%dma_wait3A_167 : memref<10000x128xf32, #tpu.memory_space<hbm>>) dst(%arg11 : memref<128x128xf32, #tpu.memory_space<vmem>>)
      %run_scoped3A_168 = arith.constant 7 : i32
      "tpu.region"() ({
        %run_scoped3A_169 = tpu.sem_alloc : memref<!tpu.dma_semaphore, #tpu.memory_space<semaphore_mem>>
        %dma_start3A_170 = arith.constant 0 : i32
        %dma_start3A_171 = tpu.memref_slice %arg9[%run_scoped3A_168, %dma_start3A_170] : memref<8x128xi32, #tpu.memory_space<vmem>> -> memref<1x128xi32, #tpu.memory_space<vmem>>
        %dma_start3A_172 = tpu.memref_squeeze %dma_start3A_171 : memref<1x128xi32, #tpu.memory_space<vmem>> -> memref<128xi32, #tpu.memory_space<vmem>>
        %dma_start3A_173 = arith.constant 0 : i32
        %dma_start3A_174 = arith.constant 0 : i32
        %dma_start3A_175 = tpu.memref_slice %arg7[%dma_start3A_173, %dma_start3A_174] : memref<10112x128xf32, #tpu.memory_space<vmem_shared>> -> memref<10112x128xf32, #tpu.memory_space<vmem_shared>>
        tpu.enqueue_indirect_dma source(%arg11 : memref<128x128xf32, #tpu.memory_space<vmem>>) target(%dma_start3A_175 : memref<10112x128xf32, #tpu.memory_space<vmem_shared>>) offsets(%dma_start3A_172 : memref<128xi32, #tpu.memory_space<vmem>>) semaphore(%run_scoped3A_169 : memref<!tpu.dma_semaphore, #tpu.memory_space<semaphore_mem>>) {add = true}
        %dma_wait3A_176 = arith.constant 0 : i32
        %dma_wait3A_177 = tpu.memref_slice %arg9[%run_scoped3A_168, %dma_wait3A_176] : memref<8x128xi32, #tpu.memory_space<vmem>> -> memref<1x128xi32, #tpu.memory_space<vmem>>
        %dma_wait3A_178 = tpu.memref_squeeze %dma_wait3A_177 : memref<1x128xi32, #tpu.memory_space<vmem>> -> memref<128xi32, #tpu.memory_space<vmem>>
        %dma_wait3A_179 = arith.constant 0 : i32
        %dma_wait3A_180 = arith.constant 0 : i32
        %dma_wait3A_181 = tpu.memref_slice %arg7[%dma_wait3A_179, %dma_wait3A_180] : memref<10112x128xf32, #tpu.memory_space<vmem_shared>> -> memref<10112x128xf32, #tpu.memory_space<vmem_shared>>
        tpu.wait_indirect_dma semaphore(%run_scoped3A_169 : memref<!tpu.dma_semaphore, #tpu.memory_space<semaphore_mem>>) src(%arg11 : memref<128x128xf32, #tpu.memory_space<vmem>>) dst(%dma_wait3A_181 : memref<10112x128xf32, #tpu.memory_space<vmem_shared>>)
        tpu.yield
      }) : () -> ()
    }
    %scan3A_17 = arith.constant 10 : i32
    %barrier3A_18 = arith.constant 0 : index
    tpu.barrier barrier_id(%barrier3A_18)
    %mul3A_19 = arith.constant 632 : i32
    %mul3A_20 = arith.muli %arg1, %mul3A_19 : i32
    "tpu.region"() ({
      %run_scoped3A = tpu.sem_alloc : memref<!tpu.dma_semaphore, #tpu.memory_space<semaphore_mem>>
      %dma_start3A = arith.constant 0 : i32
      %dma_start3A_46 = arith.constant 0 : i32
      %dma_start3A_47 = tpu.memref_slice %arg10[%dma_start3A, %dma_start3A_46] : memref<128x128xf32, #tpu.memory_space<vmem>> -> memref<128x128xf32, #tpu.memory_space<vmem>>
      %dma_start3A_48 = arith.constant 0 : i32
      %dma_start3A_49 = tpu.memref_slice %arg7[%mul3A_20, %dma_start3A_48] : memref<10112x128xf32, #tpu.memory_space<vmem_shared>> -> memref<128x128xf32, #tpu.memory_space<vmem_shared>>
      %dma_start3A_50 = arith.constant 0 : i32
      %dma_start3A_51 = arith.constant 0 : i32
      %dma_start3A_52 = tpu.memref_slice %arg10[%dma_start3A_50, %dma_start3A_51] : memref<128x128xf32, #tpu.memory_space<vmem>> -> memref<128x128xf32, #tpu.memory_space<vmem>>
      %dma_start3A_53 = arith.constant 0 : i32
      %dma_start3A_54 = tpu.memref_slice %arg7[%mul3A_20, %dma_start3A_53] : memref<10112x128xf32, #tpu.memory_space<vmem_shared>> -> memref<128x128xf32, #tpu.memory_space<vmem_shared>>
      tpu.enqueue_dma source(%dma_start3A_54 : memref<128x128xf32, #tpu.memory_space<vmem_shared>>) target(%dma_start3A_52 : memref<128x128xf32, #tpu.memory_space<vmem>>) target_semaphore(%run_scoped3A : memref<!tpu.dma_semaphore, #tpu.memory_space<semaphore_mem>>)
      %dma_wait3A = arith.constant 0 : i32
      %dma_wait3A_55 = arith.constant 0 : i32
      %dma_wait3A_56 = tpu.memref_slice %arg10[%dma_wait3A, %dma_wait3A_55] : memref<128x128xf32, #tpu.memory_space<vmem>> -> memref<128x128xf32, #tpu.memory_space<vmem>>
      %dma_wait3A_57 = arith.constant 0 : i32
      %dma_wait3A_58 = tpu.memref_slice %arg7[%mul3A_20, %dma_wait3A_57] : memref<10112x128xf32, #tpu.memory_space<vmem_shared>> -> memref<128x128xf32, #tpu.memory_space<vmem_shared>>
      %dma_wait3A_59 = arith.constant 0 : i32
      %dma_wait3A_60 = arith.constant 0 : i32
      %dma_wait3A_61 = tpu.memref_slice %arg10[%dma_wait3A_59, %dma_wait3A_60] : memref<128x128xf32, #tpu.memory_space<vmem>> -> memref<128x128xf32, #tpu.memory_space<vmem>>
      %dma_wait3A_62 = arith.constant 0 : i32
      %dma_wait3A_63 = tpu.memref_slice %arg7[%mul3A_20, %dma_wait3A_62] : memref<10112x128xf32, #tpu.memory_space<vmem_shared>> -> memref<128x128xf32, #tpu.memory_space<vmem_shared>>
      tpu.wait_dma2 semaphore(%run_scoped3A : memref<!tpu.dma_semaphore, #tpu.memory_space<semaphore_mem>>) src(%dma_wait3A_63 : memref<128x128xf32, #tpu.memory_space<vmem_shared>>) dst(%dma_wait3A_61 : memref<128x128xf32, #tpu.memory_space<vmem>>)
      tpu.yield
    }) : () -> ()
    %mul3A_21 = arith.constant 10112 : i32
    %mul3A_22 = arith.muli %arg0, %mul3A_21 : i32
    %add3A_23 = arith.addi %mul3A_22, %mul3A_20 : i32
    "tpu.region"() ({
      %run_scoped3A = tpu.sem_alloc : memref<!tpu.dma_semaphore, #tpu.memory_space<semaphore_mem>>
      %dma_start3A = arith.constant 0 : i32
      %dma_start3A_46 = arith.constant 0 : i32
      %dma_start3A_47 = tpu.memref_slice %arg10[%dma_start3A, %dma_start3A_46] : memref<128x128xf32, #tpu.memory_space<vmem>> -> memref<128x128xf32, #tpu.memory_space<vmem>>
      %dma_start3A_48 = arith.constant 0 : i32
      %dma_start3A_49 = tpu.memref_slice %arg6[%add3A_23, %dma_start3A_48] : memref<20224x128xf32, #tpu.memory_space<hbm>> -> memref<128x128xf32, #tpu.memory_space<hbm>>
      %dma_start3A_50 = arith.constant 0 : i32
      %dma_start3A_51 = tpu.memref_slice %arg6[%add3A_23, %dma_start3A_50] : memref<20224x128xf32, #tpu.memory_space<hbm>> -> memref<128x128xf32, #tpu.memory_space<hbm>>
      %dma_start3A_52 = arith.constant 0 : i32
      %dma_start3A_53 = arith.constant 0 : i32
      %dma_start3A_54 = tpu.memref_slice %arg10[%dma_start3A_52, %dma_start3A_53] : memref<128x128xf32, #tpu.memory_space<vmem>> -> memref<128x128xf32, #tpu.memory_space<vmem>>
      tpu.enqueue_dma source(%dma_start3A_54 : memref<128x128xf32, #tpu.memory_space<vmem>>) target(%dma_start3A_51 : memref<128x128xf32, #tpu.memory_space<hbm>>) target_semaphore(%run_scoped3A : memref<!tpu.dma_semaphore, #tpu.memory_space<semaphore_mem>>)
      %dma_wait3A = arith.constant 0 : i32
      %dma_wait3A_55 = arith.constant 0 : i32
      %dma_wait3A_56 = tpu.memref_slice %arg10[%dma_wait3A, %dma_wait3A_55] : memref<128x128xf32, #tpu.memory_space<vmem>> -> memref<128x128xf32, #tpu.memory_space<vmem>>
      %dma_wait3A_57 = arith.constant 0 : i32
      %dma_wait3A_58 = tpu.memref_slice %arg6[%add3A_23, %dma_wait3A_57] : memref<20224x128xf32, #tpu.memory_space<hbm>> -> memref<128x128xf32, #tpu.memory_space<hbm>>
      %dma_wait3A_59 = arith.constant 0 : i32
      %dma_wait3A_60 = tpu.memref_slice %arg6[%add3A_23, %dma_wait3A_59] : memref<20224x128xf32, #tpu.memory_space<hbm>> -> memref<128x128xf32, #tpu.memory_space<hbm>>
      %dma_wait3A_61 = arith.constant 0 : i32
      %dma_wait3A_62 = arith.constant 0 : i32
      %dma_wait3A_63 = tpu.memref_slice %arg10[%dma_wait3A_61, %dma_wait3A_62] : memref<128x128xf32, #tpu.memory_space<vmem>> -> memref<128x128xf32, #tpu.memory_space<vmem>>
      tpu.wait_dma2 semaphore(%run_scoped3A : memref<!tpu.dma_semaphore, #tpu.memory_space<semaphore_mem>>) src(%dma_wait3A_63 : memref<128x128xf32, #tpu.memory_space<vmem>>) dst(%dma_wait3A_60 : memref<128x128xf32, #tpu.memory_space<hbm>>)
      tpu.yield
    }) : () -> ()
    %add3A_24 = arith.constant 128 : i32
    %add3A_25 = arith.addi %mul3A_20, %add3A_24 : i32
    "tpu.region"() ({
      %run_scoped3A = tpu.sem_alloc : memref<!tpu.dma_semaphore, #tpu.memory_space<semaphore_mem>>
      %dma_start3A = arith.constant 0 : i32
      %dma_start3A_46 = arith.constant 0 : i32
      %dma_start3A_47 = tpu.memref_slice %arg10[%dma_start3A, %dma_start3A_46] : memref<128x128xf32, #tpu.memory_space<vmem>> -> memref<128x128xf32, #tpu.memory_space<vmem>>
      %dma_start3A_48 = arith.constant 0 : i32
      %dma_start3A_49 = tpu.memref_slice %arg7[%add3A_25, %dma_start3A_48] : memref<10112x128xf32, #tpu.memory_space<vmem_shared>> -> memref<128x128xf32, #tpu.memory_space<vmem_shared>>
      %dma_start3A_50 = arith.constant 0 : i32
      %dma_start3A_51 = arith.constant 0 : i32
      %dma_start3A_52 = tpu.memref_slice %arg10[%dma_start3A_50, %dma_start3A_51] : memref<128x128xf32, #tpu.memory_space<vmem>> -> memref<128x128xf32, #tpu.memory_space<vmem>>
      %dma_start3A_53 = arith.constant 0 : i32
      %dma_start3A_54 = tpu.memref_slice %arg7[%add3A_25, %dma_start3A_53] : memref<10112x128xf32, #tpu.memory_space<vmem_shared>> -> memref<128x128xf32, #tpu.memory_space<vmem_shared>>
      tpu.enqueue_dma source(%dma_start3A_54 : memref<128x128xf32, #tpu.memory_space<vmem_shared>>) target(%dma_start3A_52 : memref<128x128xf32, #tpu.memory_space<vmem>>) target_semaphore(%run_scoped3A : memref<!tpu.dma_semaphore, #tpu.memory_space<semaphore_mem>>)
      %dma_wait3A = arith.constant 0 : i32
      %dma_wait3A_55 = arith.constant 0 : i32
      %dma_wait3A_56 = tpu.memref_slice %arg10[%dma_wait3A, %dma_wait3A_55] : memref<128x128xf32, #tpu.memory_space<vmem>> -> memref<128x128xf32, #tpu.memory_space<vmem>>
      %dma_wait3A_57 = arith.constant 0 : i32
      %dma_wait3A_58 = tpu.memref_slice %arg7[%add3A_25, %dma_wait3A_57] : memref<10112x128xf32, #tpu.memory_space<vmem_shared>> -> memref<128x128xf32, #tpu.memory_space<vmem_shared>>
      %dma_wait3A_59 = arith.constant 0 : i32
      %dma_wait3A_60 = arith.constant 0 : i32
      %dma_wait3A_61 = tpu.memref_slice %arg10[%dma_wait3A_59, %dma_wait3A_60] : memref<128x128xf32, #tpu.memory_space<vmem>> -> memref<128x128xf32, #tpu.memory_space<vmem>>
      %dma_wait3A_62 = arith.constant 0 : i32
      %dma_wait3A_63 = tpu.memref_slice %arg7[%add3A_25, %dma_wait3A_62] : memref<10112x128xf32, #tpu.memory_space<vmem_shared>> -> memref<128x128xf32, #tpu.memory_space<vmem_shared>>
      tpu.wait_dma2 semaphore(%run_scoped3A : memref<!tpu.dma_semaphore, #tpu.memory_space<semaphore_mem>>) src(%dma_wait3A_63 : memref<128x128xf32, #tpu.memory_space<vmem_shared>>) dst(%dma_wait3A_61 : memref<128x128xf32, #tpu.memory_space<vmem>>)
      tpu.yield
    }) : () -> ()
    %mul3A_26 = arith.constant 10112 : i32
    %mul3A_27 = arith.muli %arg0, %mul3A_26 : i32
    %add3A_28 = arith.addi %mul3A_27, %add3A_25 : i32
    "tpu.region"() ({
      %run_scoped3A = tpu.sem_alloc : memref<!tpu.dma_semaphore, #tpu.memory_space<semaphore_mem>>
      %dma_start3A = arith.constant 0 : i32
      %dma_start3A_46 = arith.constant 0 : i32
      %dma_start3A_47 = tpu.memref_slice %arg10[%dma_start3A, %dma_start3A_46] : memref<128x128xf32, #tpu.memory_space<vmem>> -> memref<128x128xf32, #tpu.memory_space<vmem>>
      %dma_start3A_48 = arith.constant 0 : i32
      %dma_start3A_49 = tpu.memref_slice %arg6[%add3A_28, %dma_start3A_48] : memref<20224x128xf32, #tpu.memory_space<hbm>> -> memref<128x128xf32, #tpu.memory_space<hbm>>
      %dma_start3A_50 = arith.constant 0 : i32
      %dma_start3A_51 = tpu.memref_slice %arg6[%add3A_28, %dma_start3A_50] : memref<20224x128xf32, #tpu.memory_space<hbm>> -> memref<128x128xf32, #tpu.memory_space<hbm>>
      %dma_start3A_52 = arith.constant 0 : i32
      %dma_start3A_53 = arith.constant 0 : i32
      %dma_start3A_54 = tpu.memref_slice %arg10[%dma_start3A_52, %dma_start3A_53] : memref<128x128xf32, #tpu.memory_space<vmem>> -> memref<128x128xf32, #tpu.memory_space<vmem>>
      tpu.enqueue_dma source(%dma_start3A_54 : memref<128x128xf32, #tpu.memory_space<vmem>>) target(%dma_start3A_51 : memref<128x128xf32, #tpu.memory_space<hbm>>) target_semaphore(%run_scoped3A : memref<!tpu.dma_semaphore, #tpu.memory_space<semaphore_mem>>)
      %dma_wait3A = arith.constant 0 : i32
      %dma_wait3A_55 = arith.constant 0 : i32
      %dma_wait3A_56 = tpu.memref_slice %arg10[%dma_wait3A, %dma_wait3A_55] : memref<128x128xf32, #tpu.memory_space<vmem>> -> memref<128x128xf32, #tpu.memory_space<vmem>>
      %dma_wait3A_57 = arith.constant 0 : i32
      %dma_wait3A_58 = tpu.memref_slice %arg6[%add3A_28, %dma_wait3A_57] : memref<20224x128xf32, #tpu.memory_space<hbm>> -> memref<128x128xf32, #tpu.memory_space<hbm>>
      %dma_wait3A_59 = arith.constant 0 : i32
      %dma_wait3A_60 = tpu.memref_slice %arg6[%add3A_28, %dma_wait3A_59] : memref<20224x128xf32, #tpu.memory_space<hbm>> -> memref<128x128xf32, #tpu.memory_space<hbm>>
      %dma_wait3A_61 = arith.constant 0 : i32
      %dma_wait3A_62 = arith.constant 0 : i32
      %dma_wait3A_63 = tpu.memref_slice %arg10[%dma_wait3A_61, %dma_wait3A_62] : memref<128x128xf32, #tpu.memory_space<vmem>> -> memref<128x128xf32, #tpu.memory_space<vmem>>
      tpu.wait_dma2 semaphore(%run_scoped3A : memref<!tpu.dma_semaphore, #tpu.memory_space<semaphore_mem>>) src(%dma_wait3A_63 : memref<128x128xf32, #tpu.memory_space<vmem>>) dst(%dma_wait3A_60 : memref<128x128xf32, #tpu.memory_space<hbm>>)
      tpu.yield
    }) : () -> ()
    %add3A_29 = arith.constant 128 : i32
    %add3A_30 = arith.addi %add3A_25, %add3A_29 : i32
    "tpu.region"() ({
      %run_scoped3A = tpu.sem_alloc : memref<!tpu.dma_semaphore, #tpu.memory_space<semaphore_mem>>
      %dma_start3A = arith.constant 0 : i32
      %dma_start3A_46 = arith.constant 0 : i32
      %dma_start3A_47 = tpu.memref_slice %arg10[%dma_start3A, %dma_start3A_46] : memref<128x128xf32, #tpu.memory_space<vmem>> -> memref<128x128xf32, #tpu.memory_space<vmem>>
      %dma_start3A_48 = arith.constant 0 : i32
      %dma_start3A_49 = tpu.memref_slice %arg7[%add3A_30, %dma_start3A_48] : memref<10112x128xf32, #tpu.memory_space<vmem_shared>> -> memref<128x128xf32, #tpu.memory_space<vmem_shared>>
      %dma_start3A_50 = arith.constant 0 : i32
      %dma_start3A_51 = arith.constant 0 : i32
      %dma_start3A_52 = tpu.memref_slice %arg10[%dma_start3A_50, %dma_start3A_51] : memref<128x128xf32, #tpu.memory_space<vmem>> -> memref<128x128xf32, #tpu.memory_space<vmem>>
      %dma_start3A_53 = arith.constant 0 : i32
      %dma_start3A_54 = tpu.memref_slice %arg7[%add3A_30, %dma_start3A_53] : memref<10112x128xf32, #tpu.memory_space<vmem_shared>> -> memref<128x128xf32, #tpu.memory_space<vmem_shared>>
      tpu.enqueue_dma source(%dma_start3A_54 : memref<128x128xf32, #tpu.memory_space<vmem_shared>>) target(%dma_start3A_52 : memref<128x128xf32, #tpu.memory_space<vmem>>) target_semaphore(%run_scoped3A : memref<!tpu.dma_semaphore, #tpu.memory_space<semaphore_mem>>)
      %dma_wait3A = arith.constant 0 : i32
      %dma_wait3A_55 = arith.constant 0 : i32
      %dma_wait3A_56 = tpu.memref_slice %arg10[%dma_wait3A, %dma_wait3A_55] : memref<128x128xf32, #tpu.memory_space<vmem>> -> memref<128x128xf32, #tpu.memory_space<vmem>>
      %dma_wait3A_57 = arith.constant 0 : i32
      %dma_wait3A_58 = tpu.memref_slice %arg7[%add3A_30, %dma_wait3A_57] : memref<10112x128xf32, #tpu.memory_space<vmem_shared>> -> memref<128x128xf32, #tpu.memory_space<vmem_shared>>
      %dma_wait3A_59 = arith.constant 0 : i32
      %dma_wait3A_60 = arith.constant 0 : i32
      %dma_wait3A_61 = tpu.memref_slice %arg10[%dma_wait3A_59, %dma_wait3A_60] : memref<128x128xf32, #tpu.memory_space<vmem>> -> memref<128x128xf32, #tpu.memory_space<vmem>>
      %dma_wait3A_62 = arith.constant 0 : i32
      %dma_wait3A_63 = tpu.memref_slice %arg7[%add3A_30, %dma_wait3A_62] : memref<10112x128xf32, #tpu.memory_space<vmem_shared>> -> memref<128x128xf32, #tpu.memory_space<vmem_shared>>
      tpu.wait_dma2 semaphore(%run_scoped3A : memref<!tpu.dma_semaphore, #tpu.memory_space<semaphore_mem>>) src(%dma_wait3A_63 : memref<128x128xf32, #tpu.memory_space<vmem_shared>>) dst(%dma_wait3A_61 : memref<128x128xf32, #tpu.memory_space<vmem>>)
      tpu.yield
    }) : () -> ()
    %mul3A_31 = arith.constant 10112 : i32
    %mul3A_32 = arith.muli %arg0, %mul3A_31 : i32
    %add3A_33 = arith.addi %mul3A_32, %add3A_30 : i32
    "tpu.region"() ({
      %run_scoped3A = tpu.sem_alloc : memref<!tpu.dma_semaphore, #tpu.memory_space<semaphore_mem>>
      %dma_start3A = arith.constant 0 : i32
      %dma_start3A_46 = arith.constant 0 : i32
      %dma_start3A_47 = tpu.memref_slice %arg10[%dma_start3A, %dma_start3A_46] : memref<128x128xf32, #tpu.memory_space<vmem>> -> memref<128x128xf32, #tpu.memory_space<vmem>>
      %dma_start3A_48 = arith.constant 0 : i32
      %dma_start3A_49 = tpu.memref_slice %arg6[%add3A_33, %dma_start3A_48] : memref<20224x128xf32, #tpu.memory_space<hbm>> -> memref<128x128xf32, #tpu.memory_space<hbm>>
      %dma_start3A_50 = arith.constant 0 : i32
      %dma_start3A_51 = tpu.memref_slice %arg6[%add3A_33, %dma_start3A_50] : memref<20224x128xf32, #tpu.memory_space<hbm>> -> memref<128x128xf32, #tpu.memory_space<hbm>>
      %dma_start3A_52 = arith.constant 0 : i32
      %dma_start3A_53 = arith.constant 0 : i32
      %dma_start3A_54 = tpu.memref_slice %arg10[%dma_start3A_52, %dma_start3A_53] : memref<128x128xf32, #tpu.memory_space<vmem>> -> memref<128x128xf32, #tpu.memory_space<vmem>>
      tpu.enqueue_dma source(%dma_start3A_54 : memref<128x128xf32, #tpu.memory_space<vmem>>) target(%dma_start3A_51 : memref<128x128xf32, #tpu.memory_space<hbm>>) target_semaphore(%run_scoped3A : memref<!tpu.dma_semaphore, #tpu.memory_space<semaphore_mem>>)
      %dma_wait3A = arith.constant 0 : i32
      %dma_wait3A_55 = arith.constant 0 : i32
      %dma_wait3A_56 = tpu.memref_slice %arg10[%dma_wait3A, %dma_wait3A_55] : memref<128x128xf32, #tpu.memory_space<vmem>> -> memref<128x128xf32, #tpu.memory_space<vmem>>
      %dma_wait3A_57 = arith.constant 0 : i32
      %dma_wait3A_58 = tpu.memref_slice %arg6[%add3A_33, %dma_wait3A_57] : memref<20224x128xf32, #tpu.memory_space<hbm>> -> memref<128x128xf32, #tpu.memory_space<hbm>>
      %dma_wait3A_59 = arith.constant 0 : i32
      %dma_wait3A_60 = tpu.memref_slice %arg6[%add3A_33, %dma_wait3A_59] : memref<20224x128xf32, #tpu.memory_space<hbm>> -> memref<128x128xf32, #tpu.memory_space<hbm>>
      %dma_wait3A_61 = arith.constant 0 : i32
      %dma_wait3A_62 = arith.constant 0 : i32
      %dma_wait3A_63 = tpu.memref_slice %arg10[%dma_wait3A_61, %dma_wait3A_62] : memref<128x128xf32, #tpu.memory_space<vmem>> -> memref<128x128xf32, #tpu.memory_space<vmem>>
      tpu.wait_dma2 semaphore(%run_scoped3A : memref<!tpu.dma_semaphore, #tpu.memory_space<semaphore_mem>>) src(%dma_wait3A_63 : memref<128x128xf32, #tpu.memory_space<vmem>>) dst(%dma_wait3A_60 : memref<128x128xf32, #tpu.memory_space<hbm>>)
      tpu.yield
    }) : () -> ()
    %add3A_34 = arith.constant 128 : i32
    %add3A_35 = arith.addi %add3A_30, %add3A_34 : i32
    "tpu.region"() ({
      %run_scoped3A = tpu.sem_alloc : memref<!tpu.dma_semaphore, #tpu.memory_space<semaphore_mem>>
      %dma_start3A = arith.constant 0 : i32
      %dma_start3A_46 = arith.constant 0 : i32
      %dma_start3A_47 = tpu.memref_slice %arg10[%dma_start3A, %dma_start3A_46] : memref<128x128xf32, #tpu.memory_space<vmem>> -> memref<128x128xf32, #tpu.memory_space<vmem>>
      %dma_start3A_48 = arith.constant 0 : i32
      %dma_start3A_49 = tpu.memref_slice %arg7[%add3A_35, %dma_start3A_48] : memref<10112x128xf32, #tpu.memory_space<vmem_shared>> -> memref<128x128xf32, #tpu.memory_space<vmem_shared>>
      %dma_start3A_50 = arith.constant 0 : i32
      %dma_start3A_51 = arith.constant 0 : i32
      %dma_start3A_52 = tpu.memref_slice %arg10[%dma_start3A_50, %dma_start3A_51] : memref<128x128xf32, #tpu.memory_space<vmem>> -> memref<128x128xf32, #tpu.memory_space<vmem>>
      %dma_start3A_53 = arith.constant 0 : i32
      %dma_start3A_54 = tpu.memref_slice %arg7[%add3A_35, %dma_start3A_53] : memref<10112x128xf32, #tpu.memory_space<vmem_shared>> -> memref<128x128xf32, #tpu.memory_space<vmem_shared>>
      tpu.enqueue_dma source(%dma_start3A_54 : memref<128x128xf32, #tpu.memory_space<vmem_shared>>) target(%dma_start3A_52 : memref<128x128xf32, #tpu.memory_space<vmem>>) target_semaphore(%run_scoped3A : memref<!tpu.dma_semaphore, #tpu.memory_space<semaphore_mem>>)
      %dma_wait3A = arith.constant 0 : i32
      %dma_wait3A_55 = arith.constant 0 : i32
      %dma_wait3A_56 = tpu.memref_slice %arg10[%dma_wait3A, %dma_wait3A_55] : memref<128x128xf32, #tpu.memory_space<vmem>> -> memref<128x128xf32, #tpu.memory_space<vmem>>
      %dma_wait3A_57 = arith.constant 0 : i32
      %dma_wait3A_58 = tpu.memref_slice %arg7[%add3A_35, %dma_wait3A_57] : memref<10112x128xf32, #tpu.memory_space<vmem_shared>> -> memref<128x128xf32, #tpu.memory_space<vmem_shared>>
      %dma_wait3A_59 = arith.constant 0 : i32
      %dma_wait3A_60 = arith.constant 0 : i32
      %dma_wait3A_61 = tpu.memref_slice %arg10[%dma_wait3A_59, %dma_wait3A_60] : memref<128x128xf32, #tpu.memory_space<vmem>> -> memref<128x128xf32, #tpu.memory_space<vmem>>
      %dma_wait3A_62 = arith.constant 0 : i32
      %dma_wait3A_63 = tpu.memref_slice %arg7[%add3A_35, %dma_wait3A_62] : memref<10112x128xf32, #tpu.memory_space<vmem_shared>> -> memref<128x128xf32, #tpu.memory_space<vmem_shared>>
      tpu.wait_dma2 semaphore(%run_scoped3A : memref<!tpu.dma_semaphore, #tpu.memory_space<semaphore_mem>>) src(%dma_wait3A_63 : memref<128x128xf32, #tpu.memory_space<vmem_shared>>) dst(%dma_wait3A_61 : memref<128x128xf32, #tpu.memory_space<vmem>>)
      tpu.yield
    }) : () -> ()
    %mul3A_36 = arith.constant 10112 : i32
    %mul3A_37 = arith.muli %arg0, %mul3A_36 : i32
    %add3A_38 = arith.addi %mul3A_37, %add3A_35 : i32
    "tpu.region"() ({
      %run_scoped3A = tpu.sem_alloc : memref<!tpu.dma_semaphore, #tpu.memory_space<semaphore_mem>>
      %dma_start3A = arith.constant 0 : i32
      %dma_start3A_46 = arith.constant 0 : i32
      %dma_start3A_47 = tpu.memref_slice %arg10[%dma_start3A, %dma_start3A_46] : memref<128x128xf32, #tpu.memory_space<vmem>> -> memref<128x128xf32, #tpu.memory_space<vmem>>
      %dma_start3A_48 = arith.constant 0 : i32
      %dma_start3A_49 = tpu.memref_slice %arg6[%add3A_38, %dma_start3A_48] : memref<20224x128xf32, #tpu.memory_space<hbm>> -> memref<128x128xf32, #tpu.memory_space<hbm>>
      %dma_start3A_50 = arith.constant 0 : i32
      %dma_start3A_51 = tpu.memref_slice %arg6[%add3A_38, %dma_start3A_50] : memref<20224x128xf32, #tpu.memory_space<hbm>> -> memref<128x128xf32, #tpu.memory_space<hbm>>
      %dma_start3A_52 = arith.constant 0 : i32
      %dma_start3A_53 = arith.constant 0 : i32
      %dma_start3A_54 = tpu.memref_slice %arg10[%dma_start3A_52, %dma_start3A_53] : memref<128x128xf32, #tpu.memory_space<vmem>> -> memref<128x128xf32, #tpu.memory_space<vmem>>
      tpu.enqueue_dma source(%dma_start3A_54 : memref<128x128xf32, #tpu.memory_space<vmem>>) target(%dma_start3A_51 : memref<128x128xf32, #tpu.memory_space<hbm>>) target_semaphore(%run_scoped3A : memref<!tpu.dma_semaphore, #tpu.memory_space<semaphore_mem>>)
      %dma_wait3A = arith.constant 0 : i32
      %dma_wait3A_55 = arith.constant 0 : i32
      %dma_wait3A_56 = tpu.memref_slice %arg10[%dma_wait3A, %dma_wait3A_55] : memref<128x128xf32, #tpu.memory_space<vmem>> -> memref<128x128xf32, #tpu.memory_space<vmem>>
      %dma_wait3A_57 = arith.constant 0 : i32
      %dma_wait3A_58 = tpu.memref_slice %arg6[%add3A_38, %dma_wait3A_57] : memref<20224x128xf32, #tpu.memory_space<hbm>> -> memref<128x128xf32, #tpu.memory_space<hbm>>
      %dma_wait3A_59 = arith.constant 0 : i32
      %dma_wait3A_60 = tpu.memref_slice %arg6[%add3A_38, %dma_wait3A_59] : memref<20224x128xf32, #tpu.memory_space<hbm>> -> memref<128x128xf32, #tpu.memory_space<hbm>>
      %dma_wait3A_61 = arith.constant 0 : i32
      %dma_wait3A_62 = arith.constant 0 : i32
      %dma_wait3A_63 = tpu.memref_slice %arg10[%dma_wait3A_61, %dma_wait3A_62] : memref<128x128xf32, #tpu.memory_space<vmem>> -> memref<128x128xf32, #tpu.memory_space<vmem>>
      tpu.wait_dma2 semaphore(%run_scoped3A : memref<!tpu.dma_semaphore, #tpu.memory_space<semaphore_mem>>) src(%dma_wait3A_63 : memref<128x128xf32, #tpu.memory_space<vmem>>) dst(%dma_wait3A_60 : memref<128x128xf32, #tpu.memory_space<hbm>>)
      tpu.yield
    }) : () -> ()
    %add3A_39 = arith.constant 128 : i32
    %add3A_40 = arith.addi %add3A_35, %add3A_39 : i32
    "tpu.region"() ({
      %run_scoped3A = tpu.sem_alloc : memref<!tpu.dma_semaphore, #tpu.memory_space<semaphore_mem>>
      %dma_start3A = arith.constant 0 : i32
      %dma_start3A_46 = arith.constant 0 : i32
      %dma_start3A_47 = tpu.memref_slice %arg10[%dma_start3A, %dma_start3A_46] : memref<128x128xf32, #tpu.memory_space<vmem>> -> memref<120x128xf32, #tpu.memory_space<vmem>>
      %dma_start3A_48 = arith.constant 0 : i32
      %dma_start3A_49 = tpu.memref_slice %arg7[%add3A_40, %dma_start3A_48] : memref<10112x128xf32, #tpu.memory_space<vmem_shared>> -> memref<120x128xf32, #tpu.memory_space<vmem_shared>>
      %dma_start3A_50 = arith.constant 0 : i32
      %dma_start3A_51 = arith.constant 0 : i32
      %dma_start3A_52 = tpu.memref_slice %arg10[%dma_start3A_50, %dma_start3A_51] : memref<128x128xf32, #tpu.memory_space<vmem>> -> memref<120x128xf32, #tpu.memory_space<vmem>>
      %dma_start3A_53 = arith.constant 0 : i32
      %dma_start3A_54 = tpu.memref_slice %arg7[%add3A_40, %dma_start3A_53] : memref<10112x128xf32, #tpu.memory_space<vmem_shared>> -> memref<120x128xf32, #tpu.memory_space<vmem_shared>>
      tpu.enqueue_dma source(%dma_start3A_54 : memref<120x128xf32, #tpu.memory_space<vmem_shared>>) target(%dma_start3A_52 : memref<120x128xf32, #tpu.memory_space<vmem>>) target_semaphore(%run_scoped3A : memref<!tpu.dma_semaphore, #tpu.memory_space<semaphore_mem>>)
      %dma_wait3A = arith.constant 0 : i32
      %dma_wait3A_55 = arith.constant 0 : i32
      %dma_wait3A_56 = tpu.memref_slice %arg10[%dma_wait3A, %dma_wait3A_55] : memref<128x128xf32, #tpu.memory_space<vmem>> -> memref<120x128xf32, #tpu.memory_space<vmem>>
      %dma_wait3A_57 = arith.constant 0 : i32
      %dma_wait3A_58 = tpu.memref_slice %arg7[%add3A_40, %dma_wait3A_57] : memref<10112x128xf32, #tpu.memory_space<vmem_shared>> -> memref<120x128xf32, #tpu.memory_space<vmem_shared>>
      %dma_wait3A_59 = arith.constant 0 : i32
      %dma_wait3A_60 = arith.constant 0 : i32
      %dma_wait3A_61 = tpu.memref_slice %arg10[%dma_wait3A_59, %dma_wait3A_60] : memref<128x128xf32, #tpu.memory_space<vmem>> -> memref<120x128xf32, #tpu.memory_space<vmem>>
      %dma_wait3A_62 = arith.constant 0 : i32
      %dma_wait3A_63 = tpu.memref_slice %arg7[%add3A_40, %dma_wait3A_62] : memref<10112x128xf32, #tpu.memory_space<vmem_shared>> -> memref<120x128xf32, #tpu.memory_space<vmem_shared>>
      tpu.wait_dma2 semaphore(%run_scoped3A : memref<!tpu.dma_semaphore, #tpu.memory_space<semaphore_mem>>) src(%dma_wait3A_63 : memref<120x128xf32, #tpu.memory_space<vmem_shared>>) dst(%dma_wait3A_61 : memref<120x128xf32, #tpu.memory_space<vmem>>)
      tpu.yield
    }) : () -> ()
    %mul3A_41 = arith.constant 10112 : i32
    %mul3A_42 = arith.muli %arg0, %mul3A_41 : i32
    %add3A_43 = arith.addi %mul3A_42, %add3A_40 : i32
    "tpu.region"() ({
      %run_scoped3A = tpu.sem_alloc : memref<!tpu.dma_semaphore, #tpu.memory_space<semaphore_mem>>
      %dma_start3A = arith.constant 0 : i32
      %dma_start3A_46 = arith.constant 0 : i32
      %dma_start3A_47 = tpu.memref_slice %arg10[%dma_start3A, %dma_start3A_46] : memref<128x128xf32, #tpu.memory_space<vmem>> -> memref<120x128xf32, #tpu.memory_space<vmem>>
      %dma_start3A_48 = arith.constant 0 : i32
      %dma_start3A_49 = tpu.memref_slice %arg6[%add3A_43, %dma_start3A_48] : memref<20224x128xf32, #tpu.memory_space<hbm>> -> memref<120x128xf32, #tpu.memory_space<hbm>>
      %dma_start3A_50 = arith.constant 0 : i32
      %dma_start3A_51 = tpu.memref_slice %arg6[%add3A_43, %dma_start3A_50] : memref<20224x128xf32, #tpu.memory_space<hbm>> -> memref<120x128xf32, #tpu.memory_space<hbm>>
      %dma_start3A_52 = arith.constant 0 : i32
      %dma_start3A_53 = arith.constant 0 : i32
      %dma_start3A_54 = tpu.memref_slice %arg10[%dma_start3A_52, %dma_start3A_53] : memref<128x128xf32, #tpu.memory_space<vmem>> -> memref<120x128xf32, #tpu.memory_space<vmem>>
      tpu.enqueue_dma source(%dma_start3A_54 : memref<120x128xf32, #tpu.memory_space<vmem>>) target(%dma_start3A_51 : memref<120x128xf32, #tpu.memory_space<hbm>>) target_semaphore(%run_scoped3A : memref<!tpu.dma_semaphore, #tpu.memory_space<semaphore_mem>>)
      %dma_wait3A = arith.constant 0 : i32
      %dma_wait3A_55 = arith.constant 0 : i32
      %dma_wait3A_56 = tpu.memref_slice %arg10[%dma_wait3A, %dma_wait3A_55] : memref<128x128xf32, #tpu.memory_space<vmem>> -> memref<120x128xf32, #tpu.memory_space<vmem>>
      %dma_wait3A_57 = arith.constant 0 : i32
      %dma_wait3A_58 = tpu.memref_slice %arg6[%add3A_43, %dma_wait3A_57] : memref<20224x128xf32, #tpu.memory_space<hbm>> -> memref<120x128xf32, #tpu.memory_space<hbm>>
      %dma_wait3A_59 = arith.constant 0 : i32
      %dma_wait3A_60 = tpu.memref_slice %arg6[%add3A_43, %dma_wait3A_59] : memref<20224x128xf32, #tpu.memory_space<hbm>> -> memref<120x128xf32, #tpu.memory_space<hbm>>
      %dma_wait3A_61 = arith.constant 0 : i32
      %dma_wait3A_62 = arith.constant 0 : i32
      %dma_wait3A_63 = tpu.memref_slice %arg10[%dma_wait3A_61, %dma_wait3A_62] : memref<128x128xf32, #tpu.memory_space<vmem>> -> memref<120x128xf32, #tpu.memory_space<vmem>>
      tpu.wait_dma2 semaphore(%run_scoped3A : memref<!tpu.dma_semaphore, #tpu.memory_space<semaphore_mem>>) src(%dma_wait3A_63 : memref<120x128xf32, #tpu.memory_space<vmem>>) dst(%dma_wait3A_60 : memref<120x128xf32, #tpu.memory_space<hbm>>)
      tpu.yield
    }) : () -> ()
    %add3A_44 = arith.constant 120 : i32
    %add3A_45 = arith.addi %add3A_40, %add3A_44 : i32
    return
  }
}

module attributes {stable_mosaic.version = 14 : i64} {
  func.func @body(%arg0: memref<20224x128xf32, #tpu.memory_space<vmem>>, %arg1: memref<32x10112xf32, #tpu.memory_space<vmem>>, %arg2: memref<10000x128xf32, #tpu.memory_space<vmem>>, %arg3: memref<128x128xf32, #tpu.memory_space<vmem>>, %arg4: memref<128x128xf32, #tpu.memory_space<vmem>>, %arg5: memref<1x128xf32, #tpu.memory_space<vmem>>, %arg6: memref<1x128xf32, #tpu.memory_space<vmem>>, %arg7: memref<1x128xf32, #tpu.memory_space<vmem>>, %arg8: memref<1x128xf32, #tpu.memory_space<vmem>>, %arg9: memref<10000x128xf32, #tpu.memory_space<vmem>>) attributes {dimension_semantics = [], scalar_prefetch = 0 : i64, scratch_operands = 0 : i64, tpu.core_type = #tpu.core_type<tc>} {
    %get3A = arith.constant 0 : index
    %get3A_0 = arith.constant 0 : index
    %get3A_1 = vector.load %arg0[%get3A, %get3A_0] : memref<20224x128xf32, #tpu.memory_space<vmem>>, vector<20224x128xf32>
    %slice3A = vector.extract_strided_slice %get3A_1 {offsets = [0, 0], sizes = [10000, 128], strides = [1, 1]} : vector<20224x128xf32> to vector<10000x128xf32>
    %slice3A_2 = vector.extract_strided_slice %get3A_1 {offsets = [10112, 0], sizes = [10000, 128], strides = [1, 1]} : vector<20224x128xf32> to vector<10000x128xf32>
    %add3A = arith.addf %slice3A, %slice3A_2 : vector<10000x128xf32>
    %get3A_3 = arith.constant 0 : index
    %get3A_4 = arith.constant 0 : index
    %get3A_5 = vector.load %arg1[%get3A_3, %get3A_4] : memref<32x10112xf32, #tpu.memory_space<vmem>>, vector<32x10112xf32>
    %reduce_sum3A = arith.constant dense<0.000000e+00> : vector<10112xf32>
    %reduce_sum3A_6 = vector.multi_reduction <add>, %get3A_5, %reduce_sum3A [0] : vector<32x10112xf32> to vector<10112xf32>
    %slice3A_7 = vector.extract_strided_slice %reduce_sum3A_6 {offsets = [0], sizes = [10000], strides = [1]} : vector<10112xf32> to vector<10000xf32>
    %reshape3A = vector.shape_cast %slice3A_7 : vector<10000xf32> to vector<10000x1xf32>
    %max3A = arith.constant 1.000000e+00 : f32
    %max3A_8 = vector.broadcast %max3A : f32 to vector<10000x1xf32>
    %max3A_9 = arith.maximumf %reshape3A, %max3A_8 : vector<10000x1xf32>
    %div3A = vector.broadcast %max3A_9 : vector<10000x1xf32> to vector<10000x128xf32>
    %div3A_10 = arith.divf %add3A, %div3A : vector<10000x128xf32>
    %get3A_11 = arith.constant 0 : index
    %get3A_12 = arith.constant 0 : index
    %get3A_13 = vector.load %arg3[%get3A_11, %get3A_12] : memref<128x128xf32, #tpu.memory_space<vmem>>, vector<128x128xf32>
    %dot_general3A = arith.constant dense<0.000000e+00> : vector<10000x128xf32>
    %dot_general3A_14 = tpu.matmul %div3A_10, %get3A_13, %dot_general3A {dimension_numbers = #tpu.dot_dimension_numbers<[1], [1], [0], [0], [0, 0, 1, 0], [], []>, transpose_lhs_hint = false} : vector<10000x128xf32>, vector<128x128xf32>, vector<10000x128xf32> -> vector<10000x128xf32>
    %get3A_15 = arith.constant 0 : index
    %get3A_16 = arith.constant 0 : index
    %get3A_17 = vector.load %arg2[%get3A_15, %get3A_16] : memref<10000x128xf32, #tpu.memory_space<vmem>>, vector<10000x128xf32>
    %get3A_18 = arith.constant 0 : index
    %get3A_19 = arith.constant 0 : index
    %get3A_20 = vector.load %arg4[%get3A_18, %get3A_19] : memref<128x128xf32, #tpu.memory_space<vmem>>, vector<128x128xf32>
    %dot_general3A_21 = arith.constant dense<0.000000e+00> : vector<10000x128xf32>
    %dot_general3A_22 = tpu.matmul %get3A_17, %get3A_20, %dot_general3A_21 {dimension_numbers = #tpu.dot_dimension_numbers<[1], [1], [0], [0], [0, 0, 1, 0], [], []>, transpose_lhs_hint = false} : vector<10000x128xf32>, vector<128x128xf32>, vector<10000x128xf32> -> vector<10000x128xf32>
    %add3A_23 = arith.addf %dot_general3A_14, %dot_general3A_22 : vector<10000x128xf32>
    %get3A_24 = arith.constant 0 : index
    %get3A_25 = arith.constant 0 : index
    %get3A_26 = vector.load %arg5[%get3A_24, %get3A_25] : memref<1x128xf32, #tpu.memory_space<vmem>>, vector<1x128xf32>
    %add3A_27 = vector.broadcast %get3A_26 : vector<1x128xf32> to vector<10000x128xf32>
    %add3A_28 = arith.addf %add3A_23, %add3A_27 : vector<10000x128xf32>
    %reduce_sum3A_29 = arith.constant dense<0.000000e+00> : vector<128xf32>
    %reduce_sum3A_30 = vector.multi_reduction <add>, %add3A_28, %reduce_sum3A_29 [0] : vector<10000x128xf32> to vector<128xf32>
    %broadcast_in_dim3A = vector.shape_cast %reduce_sum3A_30 : vector<128xf32> to vector<1x128xf32>
    %div3A_31 = arith.constant 1.000000e+04 : f32
    %div3A_32 = vector.broadcast %div3A_31 : f32 to vector<1x128xf32>
    %div3A_33 = arith.divf %broadcast_in_dim3A, %div3A_32 : vector<1x128xf32>
    %get3A_34 = arith.constant 0 : index
    %get3A_35 = arith.constant 0 : index
    %get3A_36 = vector.load %arg8[%get3A_34, %get3A_35] : memref<1x128xf32, #tpu.memory_space<vmem>>, vector<1x128xf32>
    %mul3A = arith.mulf %get3A_36, %div3A_33 : vector<1x128xf32>
    %sub3A = vector.broadcast %mul3A : vector<1x128xf32> to vector<10000x128xf32>
    %sub3A_37 = arith.subf %add3A_28, %sub3A : vector<10000x128xf32>
    %mul3A_38 = arith.mulf %sub3A_37, %sub3A_37 : vector<10000x128xf32>
    %reduce_sum3A_39 = arith.constant dense<0.000000e+00> : vector<128xf32>
    %reduce_sum3A_40 = vector.multi_reduction <add>, %mul3A_38, %reduce_sum3A_39 [0] : vector<10000x128xf32> to vector<128xf32>
    %broadcast_in_dim3A_41 = vector.shape_cast %reduce_sum3A_40 : vector<128xf32> to vector<1x128xf32>
    %div3A_42 = arith.constant 1.000000e+04 : f32
    %div3A_43 = vector.broadcast %div3A_42 : f32 to vector<1x128xf32>
    %div3A_44 = arith.divf %broadcast_in_dim3A_41, %div3A_43 : vector<1x128xf32>
    %get3A_45 = arith.constant 0 : index
    %get3A_46 = arith.constant 0 : index
    %get3A_47 = vector.load %arg6[%get3A_45, %get3A_46] : memref<1x128xf32, #tpu.memory_space<vmem>>, vector<1x128xf32>
    %mul3A_48 = vector.broadcast %get3A_47 : vector<1x128xf32> to vector<10000x128xf32>
    %mul3A_49 = arith.mulf %mul3A_48, %sub3A_37 : vector<10000x128xf32>
    %add3A_50 = arith.constant 9.99999974E-6 : f32
    %add3A_51 = vector.broadcast %add3A_50 : f32 to vector<1x128xf32>
    %add3A_52 = arith.addf %div3A_44, %add3A_51 : vector<1x128xf32>
    %sqrt3A = math.sqrt %add3A_52 : vector<1x128xf32>
    %div3A_53 = vector.broadcast %sqrt3A : vector<1x128xf32> to vector<10000x128xf32>
    %div3A_54 = arith.divf %mul3A_49, %div3A_53 : vector<10000x128xf32>
    %get3A_55 = arith.constant 0 : index
    %get3A_56 = arith.constant 0 : index
    %get3A_57 = vector.load %arg7[%get3A_55, %get3A_56] : memref<1x128xf32, #tpu.memory_space<vmem>>, vector<1x128xf32>
    %add3A_58 = vector.broadcast %get3A_57 : vector<1x128xf32> to vector<10000x128xf32>
    %add3A_59 = arith.addf %div3A_54, %add3A_58 : vector<10000x128xf32>
    %max3A_60 = arith.constant 0.000000e+00 : f32
    %max3A_61 = vector.broadcast %max3A_60 : f32 to vector<10000x128xf32>
    %max3A_62 = arith.maximumf %add3A_59, %max3A_61 : vector<10000x128xf32>
    %swap3A = arith.constant 0 : index
    %swap3A_63 = arith.constant 0 : index
    %swap3A_64 = vector.load %arg9[%swap3A, %swap3A_63] : memref<10000x128xf32, #tpu.memory_space<vmem>>, vector<10000x128xf32>
    tpu.vector_store %arg9[%swap3A, %swap3A_63], %max3A_62 {strides = array<i32>} : memref<10000x128xf32, #tpu.memory_space<vmem>>, vector<10000x128xf32>,
    return
  }
}

module attributes {stable_mosaic.version = 14 : i64} {
  func.func @body(%arg0: memref<20224x128xf32, #tpu.memory_space<vmem>>, %arg1: memref<32x10112xf32, #tpu.memory_space<vmem>>, %arg2: memref<10000x128xf32, #tpu.memory_space<vmem>>, %arg3: memref<10000x128xf32, #tpu.memory_space<vmem>>, %arg4: memref<128x128xf32, #tpu.memory_space<vmem>>, %arg5: memref<128x128xf32, #tpu.memory_space<vmem>>, %arg6: memref<1x128xf32, #tpu.memory_space<vmem>>, %arg7: memref<1x128xf32, #tpu.memory_space<vmem>>, %arg8: memref<1x128xf32, #tpu.memory_space<vmem>>, %arg9: memref<1x128xf32, #tpu.memory_space<vmem>>, %arg10: memref<128x128xf32, #tpu.memory_space<vmem>>, %arg11: memref<1x128xf32, #tpu.memory_space<vmem>>, %arg12: memref<10000x128xf32, #tpu.memory_space<vmem>>) attributes {dimension_semantics = [], scalar_prefetch = 0 : i64, scratch_operands = 0 : i64, tpu.core_type = #tpu.core_type<tc>} {
    %get3A = arith.constant 0 : index
    %get3A_0 = arith.constant 0 : index
    %get3A_1 = vector.load %arg0[%get3A, %get3A_0] : memref<20224x128xf32, #tpu.memory_space<vmem>>, vector<20224x128xf32>
    %slice3A = vector.extract_strided_slice %get3A_1 {offsets = [0, 0], sizes = [10000, 128], strides = [1, 1]} : vector<20224x128xf32> to vector<10000x128xf32>
    %slice3A_2 = vector.extract_strided_slice %get3A_1 {offsets = [10112, 0], sizes = [10000, 128], strides = [1, 1]} : vector<20224x128xf32> to vector<10000x128xf32>
    %add3A = arith.addf %slice3A, %slice3A_2 : vector<10000x128xf32>
    %get3A_3 = arith.constant 0 : index
    %get3A_4 = arith.constant 0 : index
    %get3A_5 = vector.load %arg1[%get3A_3, %get3A_4] : memref<32x10112xf32, #tpu.memory_space<vmem>>, vector<32x10112xf32>
    %reduce_sum3A = arith.constant dense<0.000000e+00> : vector<10112xf32>
    %reduce_sum3A_6 = vector.multi_reduction <add>, %get3A_5, %reduce_sum3A [0] : vector<32x10112xf32> to vector<10112xf32>
    %slice3A_7 = vector.extract_strided_slice %reduce_sum3A_6 {offsets = [0], sizes = [10000], strides = [1]} : vector<10112xf32> to vector<10000xf32>
    %reshape3A = vector.shape_cast %slice3A_7 : vector<10000xf32> to vector<10000x1xf32>
    %max3A = arith.constant 1.000000e+00 : f32
    %max3A_8 = vector.broadcast %max3A : f32 to vector<10000x1xf32>
    %max3A_9 = arith.maximumf %reshape3A, %max3A_8 : vector<10000x1xf32>
    %div3A = vector.broadcast %max3A_9 : vector<10000x1xf32> to vector<10000x128xf32>
    %div3A_10 = arith.divf %add3A, %div3A : vector<10000x128xf32>
    %get3A_11 = arith.constant 0 : index
    %get3A_12 = arith.constant 0 : index
    %get3A_13 = vector.load %arg4[%get3A_11, %get3A_12] : memref<128x128xf32, #tpu.memory_space<vmem>>, vector<128x128xf32>
    %dot_general3A = arith.constant dense<0.000000e+00> : vector<10000x128xf32>
    %dot_general3A_14 = tpu.matmul %div3A_10, %get3A_13, %dot_general3A {dimension_numbers = #tpu.dot_dimension_numbers<[1], [1], [0], [0], [0, 0, 1, 0], [], []>, transpose_lhs_hint = false} : vector<10000x128xf32>, vector<128x128xf32>, vector<10000x128xf32> -> vector<10000x128xf32>
    %get3A_15 = arith.constant 0 : index
    %get3A_16 = arith.constant 0 : index
    %get3A_17 = vector.load %arg2[%get3A_15, %get3A_16] : memref<10000x128xf32, #tpu.memory_space<vmem>>, vector<10000x128xf32>
    %get3A_18 = arith.constant 0 : index
    %get3A_19 = arith.constant 0 : index
    %get3A_20 = vector.load %arg5[%get3A_18, %get3A_19] : memref<128x128xf32, #tpu.memory_space<vmem>>, vector<128x128xf32>
    %dot_general3A_21 = arith.constant dense<0.000000e+00> : vector<10000x128xf32>
    %dot_general3A_22 = tpu.matmul %get3A_17, %get3A_20, %dot_general3A_21 {dimension_numbers = #tpu.dot_dimension_numbers<[1], [1], [0], [0], [0, 0, 1, 0], [], []>, transpose_lhs_hint = false} : vector<10000x128xf32>, vector<128x128xf32>, vector<10000x128xf32> -> vector<10000x128xf32>
    %add3A_23 = arith.addf %dot_general3A_14, %dot_general3A_22 : vector<10000x128xf32>
    %get3A_24 = arith.constant 0 : index
    %get3A_25 = arith.constant 0 : index
    %get3A_26 = vector.load %arg6[%get3A_24, %get3A_25] : memref<1x128xf32, #tpu.memory_space<vmem>>, vector<1x128xf32>
    %add3A_27 = vector.broadcast %get3A_26 : vector<1x128xf32> to vector<10000x128xf32>
    %add3A_28 = arith.addf %add3A_23, %add3A_27 : vector<10000x128xf32>
    %reduce_sum3A_29 = arith.constant dense<0.000000e+00> : vector<128xf32>
    %reduce_sum3A_30 = vector.multi_reduction <add>, %add3A_28, %reduce_sum3A_29 [0] : vector<10000x128xf32> to vector<128xf32>
    %broadcast_in_dim3A = vector.shape_cast %reduce_sum3A_30 : vector<128xf32> to vector<1x128xf32>
    %div3A_31 = arith.constant 1.000000e+04 : f32
    %div3A_32 = vector.broadcast %div3A_31 : f32 to vector<1x128xf32>
    %div3A_33 = arith.divf %broadcast_in_dim3A, %div3A_32 : vector<1x128xf32>
    %get3A_34 = arith.constant 0 : index
    %get3A_35 = arith.constant 0 : index
    %get3A_36 = vector.load %arg9[%get3A_34, %get3A_35] : memref<1x128xf32, #tpu.memory_space<vmem>>, vector<1x128xf32>
    %mul3A = arith.mulf %get3A_36, %div3A_33 : vector<1x128xf32>
    %sub3A = vector.broadcast %mul3A : vector<1x128xf32> to vector<10000x128xf32>
    %sub3A_37 = arith.subf %add3A_28, %sub3A : vector<10000x128xf32>
    %mul3A_38 = arith.mulf %sub3A_37, %sub3A_37 : vector<10000x128xf32>
    %reduce_sum3A_39 = arith.constant dense<0.000000e+00> : vector<128xf32>
    %reduce_sum3A_40 = vector.multi_reduction <add>, %mul3A_38, %reduce_sum3A_39 [0] : vector<10000x128xf32> to vector<128xf32>
    %broadcast_in_dim3A_41 = vector.shape_cast %reduce_sum3A_40 : vector<128xf32> to vector<1x128xf32>
    %div3A_42 = arith.constant 1.000000e+04 : f32
    %div3A_43 = vector.broadcast %div3A_42 : f32 to vector<1x128xf32>
    %div3A_44 = arith.divf %broadcast_in_dim3A_41, %div3A_43 : vector<1x128xf32>
    %get3A_45 = arith.constant 0 : index
    %get3A_46 = arith.constant 0 : index
    %get3A_47 = vector.load %arg7[%get3A_45, %get3A_46] : memref<1x128xf32, #tpu.memory_space<vmem>>, vector<1x128xf32>
    %mul3A_48 = vector.broadcast %get3A_47 : vector<1x128xf32> to vector<10000x128xf32>
    %mul3A_49 = arith.mulf %mul3A_48, %sub3A_37 : vector<10000x128xf32>
    %add3A_50 = arith.constant 9.99999974E-6 : f32
    %add3A_51 = vector.broadcast %add3A_50 : f32 to vector<1x128xf32>
    %add3A_52 = arith.addf %div3A_44, %add3A_51 : vector<1x128xf32>
    %sqrt3A = math.sqrt %add3A_52 : vector<1x128xf32>
    %div3A_53 = vector.broadcast %sqrt3A : vector<1x128xf32> to vector<10000x128xf32>
    %div3A_54 = arith.divf %mul3A_49, %div3A_53 : vector<10000x128xf32>
    %get3A_55 = arith.constant 0 : index
    %get3A_56 = arith.constant 0 : index
    %get3A_57 = vector.load %arg8[%get3A_55, %get3A_56] : memref<1x128xf32, #tpu.memory_space<vmem>>, vector<1x128xf32>
    %add3A_58 = vector.broadcast %get3A_57 : vector<1x128xf32> to vector<10000x128xf32>
    %add3A_59 = arith.addf %div3A_54, %add3A_58 : vector<10000x128xf32>
    %max3A_60 = arith.constant 0.000000e+00 : f32
    %max3A_61 = vector.broadcast %max3A_60 : f32 to vector<10000x128xf32>
    %max3A_62 = arith.maximumf %add3A_59, %max3A_61 : vector<10000x128xf32>
    %get3A_63 = arith.constant 0 : index
    %get3A_64 = arith.constant 0 : index
    %get3A_65 = vector.load %arg3[%get3A_63, %get3A_64] : memref<10000x128xf32, #tpu.memory_space<vmem>>, vector<10000x128xf32>
    %get3A_66 = arith.constant 0 : index
    %get3A_67 = arith.constant 0 : index
    %get3A_68 = vector.load %arg10[%get3A_66, %get3A_67] : memref<128x128xf32, #tpu.memory_space<vmem>>, vector<128x128xf32>
    %dot_general3A_69 = arith.constant dense<0.000000e+00> : vector<10000x128xf32>
    %dot_general3A_70 = tpu.matmul %get3A_65, %get3A_68, %dot_general3A_69 {dimension_numbers = #tpu.dot_dimension_numbers<[1], [1], [0], [0], [0, 0, 1, 0], [], []>, transpose_lhs_hint = false} : vector<10000x128xf32>, vector<128x128xf32>, vector<10000x128xf32> -> vector<10000x128xf32>
    %get3A_71 = arith.constant 0 : index
    %get3A_72 = arith.constant 0 : index
    %get3A_73 = vector.load %arg11[%get3A_71, %get3A_72] : memref<1x128xf32, #tpu.memory_space<vmem>>, vector<1x128xf32>
    %add3A_74 = vector.broadcast %get3A_73 : vector<1x128xf32> to vector<10000x128xf32>
    %add3A_75 = arith.addf %dot_general3A_70, %add3A_74 : vector<10000x128xf32>
    %add3A_76 = arith.addf %add3A_75, %max3A_62 : vector<10000x128xf32>
    %swap3A = arith.constant 0 : index
    %swap3A_77 = arith.constant 0 : index
    %swap3A_78 = vector.load %arg12[%swap3A, %swap3A_77] : memref<10000x128xf32, #tpu.memory_space<vmem>>, vector<10000x128xf32>
    tpu.vector_store %arg12[%swap3A, %swap3A_77], %add3A_76 {strides = array<i32>} : memref<10000x128xf32, #tpu.memory_space<vmem>>, vector<10000x128xf32>,
    return
  }
}

</mosaic_0001>

<sc_bundles>
// kernel: kernel.10.cloned.1.call-start
scs
__scs_entry_jumppad:
0x0: {  	(pc) =	sbr.rel $0x88, $3  }
0x1: {  	(tag) =	ssettag $0x0;
	lr =	simm.s32 $0x1  }
0x2: {  	[smem:$0x3F91] =	sst lr;
	_ =	strace $0xD0000000  }
0x3: {  	_ = 	snop  }
0x4: {  	_ = 	snop  }
0x5: {  	_ = 	snop  }
0x6: {  	_ = 	snop  }
0x7: {  	_ = 	snop  }
__scs_overlays_trampoline_lowered:
0x8: {  	[smem:$0x3FA0] =	sst s0  }
0x9: {  	[smem:$0x3FA1] =	sst s1  }
0xa: {  	[smem:$0x3FA2] =	sst s2  }
0xb: {  	[smem:$0x3FA3] =	sst s3  }
0xc: {  	[smem:$0x3FA4] =	sst s4  }
0xd: {  	[smem:$0x3FA5] =	sst s5  }
0xe: {  	[smem:$0x3FA6] =	sst s6  }
0xf: {  	[smem:$0x3FA7] =	sst s7  }
0x10: {  	[smem:$0x3FA8] =	sst s8  }
0x11: {  	[smem:$0x3FA9] =	sst s9;
	s0 =	simm.s32 @!p0 $0x0  }
0x12: {  	s1 =	sld [smem:$0x3F8F];
	s0 =	simm.s32 @p0 $0x1  }
0x13: {  	[smem:$0x3FAA] =	sst s0;
	s0 =	simm.s32 @!p1 $0x0  }
0x14: {  	s2 =	sld [smem:$0x3F8E];
	s0 =	simm.s32 @p1 $0x1  }
0x15: {  	[smem:$0x3FAB] =	sst s0;
	s0 =	simm.s32 @!p2 $0x0  }
0x16: {  	s3 =	sld [smem:$0x3FDB];
	s0 =	simm.s32 @p2 $0x1  }
0x17: {  	s4 =	simm.s32 $0x1BF5;
	[smem:$0x3FAD] =	sst s0  }
0x18: {  	s0 =	sld [smem:$0x3F90];
	_ =	swait.ge [sflag:s4], $0x0  }
0x19: {  	s7 =	sld [smem:$0x3F91]  }
0x1a: {  	s8 =	sadd.s32 $0xFFFFE003, lr  }
0x1b: {  	s9 =	sadd.s32 $0xFFFFFEF7, lr;
	s5 =	simm.s32 $0xFFFFFFFF;
	p2 =	slt.u32 s8, $0xFFFFF086  }
0x1c: {  	p1 =	slt.u32 s9, $0xF7A;
	s5 =	simm.s32 @!p2 $0x0  }
0x1d: {  	s5 =	simm.s32 @p1 $0x1;
	p0 =	seq.s32 s7, s2  }
0x1e: {  	s7 =	smul.u32 @!p0 $0xF7A, s2;
	p2 =	seq.s32 @!p0 s5, $0x0  }
0x1f: {  	s9 =	smul.u32 $0xF7A, s1;
	s8 =	simm.s32 @!p0 $0x1BF5;
	p2 =	por !p2, p0  }
0x20: {  	[sflag:s8] =	ssyncset.s32 @!p0 $0xFFFFF086;
	s6 =	sadd.s32 @!p0 s3, s7;
	s7 =	simm.s32 @!p0 $0x108  }
0x21: {  	s3 =	sadd.s32 s3, s9;
	s6 =	sadd.s32 @!p0 $0x88, s6;
	s7 =	simm.s32 @p2 $0x1082  }
0x22: {  	[simem:s7], [sflag:s8] =	dma.local @!p0 [hbm:s6], $0xF7A  }
0x23: {  	s9 =	sor.u32 $0xD0000000, s2;
	s6 =	simm.s32 $0x108;
	_ =	swait.ge @!p0 [sflag:s8], $0x0  }
0x24: {  	s3 =	sadd.s32 $0x88, s3;
	s6 =	simm.s32 @!p1 $0x1082;
	[sflag:s4] =	ssyncset.s32 $0xFFFFF086  }
0x25: {  	[simem:s6], [sflag:s4] =	dma.local [hbm:s3], $0xF7A  }
0x26: {  	[smem:$0x3F91] =	sst s1;
	(tag) =	ssettag s2;
	_ =	strace s9  }
0x27: {  	s1 =	sld [smem:$0x3FA1]  }
0x28: {  	s2 =	sld [smem:$0x3FA2]  }
0x29: {  	s4 =	sld [smem:$0x3FA4]  }
0x2a: {  	p0 =	seq.s32 s5, $0x0;
	s5 =	sld [smem:$0x3FA5]  }
0x2b: {  	s6 =	sld [smem:$0x3FA6]  }
0x2c: {  	s7 =	sld [smem:$0x3FA7]  }
0x2d: {  	s3 =	simm.s32 $0x108;
	s8 =	sld [smem:$0x3FA8]  }
0x2e: {  	s3 =	simm.s32 @!p0 $0x1082;
	s9 =	sld [smem:$0x3FA9]  }
0x2f: {  	lr =	sadd.s32 s0, s3;
	s0 =	sld [smem:$0x3FA0]  }
0x30: {  	s3 =	sld [smem:$0x3FA3]  }
0x31: {  	[smem:$0x3FAC] =	sst s10  }
0x32: {  	s10 =	sld [smem:$0x3FAA];
	_ =	sdelay $0x3  }
0x33: {  	p0 =	seq.s32 s10, $0x1;
	s10 =	sld [smem:$0x3FAC];
	_ =	sdelay $0x3  }
0x34: {  	[smem:$0x3FAC] =	sst s10  }
0x35: {  	s10 =	sld [smem:$0x3FAB];
	_ =	sdelay $0x3  }
0x36: {  	p1 =	seq.s32 s10, $0x1;
	s10 =	sld [smem:$0x3FAC];
	_ =	sdelay $0x3  }
0x37: {  	[smem:$0x3FAC] =	sst s10  }
0x38: {  	s10 =	sld [smem:$0x3FAD]  }
0x39: {  	_ = 	snop;
	(pc) =	sbr.ind lr, $3  }
0x3a: {  	_ = 	snop  }
0x3b: {  	_ = 	snop  }
0x3c: {  	p2 =	seq.s32 s10, $0x1;
	s10 =	sld [smem:$0x3FAC]  }
0x3d: {  	_ =	shalt  }
0x3e: {  	_ =	shalt  }
0x3f: {  	_ =	shalt  }
0x40: {  	_ =	shalt  }
0x41: {  	_ =	shalt  }
0x42: {  	_ =	shalt  }
0x43: {  	_ =	shalt  }
0x44: {  	_ =	shalt  }
0x45: {  	_ =	shalt  }
0x46: {  	_ =	shalt  }
0x47: {  	_ =	shalt  }
0x48: {  	_ =	shalt  }
0x49: {  	_ =	shalt  }
0x4a: {  	_ =	shalt  }
0x4b: {  	_ =	shalt  }
0x4c: {  	_ =	shalt  }
0x4d: {  	_ =	shalt  }
0x4e: {  	_ =	shalt  }
0x4f: {  	_ =	shalt  }
0x50: {  	_ =	shalt  }
0x51: {  	_ =	shalt  }
0x52: {  	_ =	shalt  }
0x53: {  	_ =	shalt  }
0x54: {  	_ =	shalt  }
0x55: {  	_ =	shalt  }
0x56: {  	_ =	shalt  }
0x57: {  	_ =	shalt  }
0x58: {  	_ =	shalt  }
0x59: {  	_ =	shalt  }
0x5a: {  	_ =	shalt  }
0x5b: {  	_ =	shalt  }
0x5c: {  	_ =	shalt  }
0x5d: {  	_ =	shalt  }
0x5e: {  	_ =	shalt  }
0x5f: {  	_ =	shalt  }
0x60: {  	_ =	shalt  }
0x61: {  	_ =	shalt  }
0x62: {  	_ =	shalt  }
0x63: {  	_ =	shalt  }
0x64: {  	_ =	shalt  }
0x65: {  	_ =	shalt  }
0x66: {  	_ =	shalt  }
0x67: {  	_ =	shalt  }
0x68: {  	_ =	shalt  }
0x69: {  	_ =	shalt  }
0x6a: {  	_ =	shalt  }
0x6b: {  	_ =	shalt  }
0x6c: {  	_ =	shalt  }
0x6d: {  	_ =	shalt  }
0x6e: {  	_ =	shalt  }
0x6f: {  	_ =	shalt  }
0x70: {  	_ =	shalt  }
0x71: {  	_ =	shalt  }
0x72: {  	_ =	shalt  }
0x73: {  	_ =	shalt  }
0x74: {  	_ =	shalt  }
0x75: {  	_ =	shalt  }
0x76: {  	_ =	shalt  }
0x77: {  	_ =	shalt  }
0x78: {  	_ =	shalt  }
0x79: {  	_ =	shalt  }
0x7a: {  	_ =	shalt  }
0x7b: {  	_ =	shalt  }
0x7c: {  	_ =	shalt  }
0x7d: {  	_ =	shalt  }
0x7e: {  	_ =	shalt  }
0x7f: {  	_ =	shalt  }
0x80: {  	_ =	shalt  }
0x81: {  	_ =	shalt  }
0x82: {  	_ =	shalt  }
0x83: {  	_ =	shalt  }
0x84: {  	_ =	shalt  }
0x85: {  	_ =	shalt  }
0x86: {  	_ =	shalt  }
0x87: {  	_ =	shalt  }
.Lfunc_end0:
.L_simem_size_0:
called_computation.1_lowered:
.L_overlay_start_0:
0x88: {  	s2 =	sld [smem:$0x3FD9]  }
0x89: {  	s3 =	sld [smem:$0x3FFE];
	_ =	sdelay $0x1  }
0x8a: {  	s1 =	srdreg.scid  }
0x8b: {  	s0 =	sand.u32 $0x1, s1  }
0x8c: {  	s17 =	sshll.u32 s0, $0xA;
	s2 =	sadd.s32 s3, s2  }
0x8d: {  	s2 =	sadd.s32 s2, s17  }
0x8e: {  	[smem:$0x3FB8] =	sst s2  }
0x8f: {  	_ = 	snop  }
0x90: {  	s18 =	sld [smem:$0x3FC9];
	(tm) =	ssettm $0x1  }
0x91: {  	s19 =	sld [smem:$0x3FFB];
	_ =	sdelay $0x3  }
0x92: {  	_ =	strace s19  }
0x93: {  	s2 =	sld [smem:$0x3FFC];
	_ =	sdelay $0x3  }
0x94: {  	_ =	strace s2  }
0x95: {  	s2 =	sld [smem:$0x3FFD];
	_ =	sdelay $0x3  }
0x96: {  	_ =	strace s2  }
0x97: {  	_ =	strace $0x8FFFFFFF  }
0x98: {  	s20 =	sld [smem:$0x3FDB];
	_ =	sdelay $0x1  }
0x99: {  	s4 =	simm.s32 $_scs_section_size  }
0x9a: {  	s5 =	simm.s32 $_size__tile_overlayer_lowered;
	s6 =	simm.s32 $_tile_overlayer_lowered  }
0x9b: {  	s7 =	simm.s32 $0x1BFF;
	s21 =	sshll.u32 s6, $0x1;
	s4 =	sadd.s32 s4, s20  }
0x9c: {  	s22 =	simm.s32 $0x0;
	s5 =	sshll.u32 s5, $0x1;
	s6 =	sadd.s32 s21, s4  }
0x9d: {  	[timem:s22], [sflag:s7] =	dma.local [hbm:s6], s5  }
0x9e: {  	_ =	swait.ge [sflag:s7], s5  }
0x9f: {  	s5 =	ssub.s32 $0x0, s5;
	[sflag:s7] =	ssyncset.done $0x0  }
0xa0: {  	[sflag:s7] =	ssyncadd.s32 s5;
	_ =	sdelay $0x1  }
0xa1: {  	s23 =	simm.s32 $0x1B8B  }
0xa2: {  	_ =	swait.ge [sflag:s23], $0x1  }
0xa3: {  	[sflag:s23] =	ssyncset.done $0x0  }
0xa4: {  	[sflag:s23] =	ssyncadd.s32 $0xFFFFFFFF  }
0xa5: {  	s5 =	sld [smem:$0x0]  }
0xa6: {  	s6 =	sand.u32 $0xFFFFFFFE, s1  }
0xa7: {  	p0 =	sne.s32 s1, s6  }
0xa8: {  	s6 =	sshll.u32 @p0 s6, $0xE  }
0xa9: {  	s6 =	sadd.s32 @p0 $0x11B8D, s6;
	s7 =	sshll.u32 @p0 s5, $0x11  }
0xaa: {  	s6 =	sor.u32 @p0 s7, s6  }
0xab: {  	[sflag:s6] =	ssyncadd.remote.s32 @p0 $0x1;
	_ =	sdelay $0x1  }
0xac: {  	s6 =	simm.s32 @p0 $0x1B8D  }
0xad: {  	_ =	swait.eq @p0 [sflag:s6], $0x1  }
0xae: {  	[sflag:s6] =	ssyncadd.s32 @p0 $0xFFFFFFFF  }
0xaf: {  	s7 =	sshll.u32 @!p0 s1, $0xE  }
0xb0: {  	s7 =	sor.u32 @!p0 $0x4000, s7;
	s6 =	simm.s32 @!p0 $0x1B8D  }
0xb1: {  	s5 =	sshll.u32 @!p0 s5, $0x11;
	s7 =	sadd.s32 @!p0 $0x11B8D, s7;
	_ =	swait.eq @!p0 [sflag:s6], $0x1  }
0xb2: {  	s5 =	sor.u32 @!p0 s5, s7;
	[sflag:s6] =	ssyncadd.s32 @!p0 $0xFFFFFFFF  }
0xb3: {  	s25 =	simm.s32 $0x1B8E;
	s24 =	sld [smem:$0x3FFE];
	[sflag:s5] =	ssyncadd.remote.s32 @!p0 $0x1  }
0xb4: {  	s26 =	simm.s32 $execute0_lowered;
	[smem:$0x3FD2] =	sst s25  }
0xb5: {  	s6 =	sshll.u32 s26, $0x1;
	_ =	strace $0x80000049;
	[dreg:$0x1] =	wrdreg $0xFFFFFFFF  }
0xb6: {  	s28 =	simm.s32 $_size_execute0_lowered;
	s4 =	sadd.s32 s4, s6;
	[dreg:$0x0] =	wrdreg $0x0  }
0xb7: {  	s6 =	sshll.u32 s28, $0x1;
	[dreg:$0x2] =	wrdreg s4  }
0xb8: {  	[dreg:$0x3] =	wrdreg s6  }
0xb9: {  	[dreg:$0x4] =	wrdreg $0xC0  }
0xba: {  	_ =	task [dreg:s22], $0x5FFFF  }
0xbb: {  	[dreg:$0x1] =	wrdreg $0xFFFFFFFF  }
0xbc: {  	[dreg:$0x0] =	wrdreg $0x60  }
0xbd: {  	[dreg:$0x2] =	wrdreg s24  }
0xbe: {  	[dreg:$0x3] =	wrdreg s18  }
0xbf: {  	[dreg:$0x4] =	wrdreg $0x0  }
0xc0: {  	[dreg:$0x5] =	wrdreg $0xA  }
0xc1: {  	_ =	task.clear_ibuf [dreg:s22], $0x6FFFF;
	_ =	strace $0x90000049  }
0xc2: {  	s29 =	simm.s32 $0xA;
	_ =	strace $0x8000004B  }
0xc3: {  	_ =	swait.ge [sflag:s29], $0x1  }
0xc4: {  	[sflag:s29] =	ssyncadd.s32 $0xFFFFFFFF  }
0xc5: {  	_ =	strace $0x9000004B  }
0xc6: {  	_ =	sfence  }
0xc7: {  	s30 =	sld [smem:$0x0];
	_ =	sdelay $0x2  }
0xc8: {  	s31 =	sshll.u32 s1, $0xD;
	s1 =	sshrl.u32 s1, $0x2  }
0xc9: {  	s4 =	sand.u32 $0x4000, s31;
	s1 =	sadd.s32 s1, s30  }
0xca: {  	s0 =	sor.u32 s4, s0;
	s1 =	sshll.u32 s1, $0x11  }
0xcb: {  	s0 =	sor.u32 s1, s0  }
0xcc: {  	s0 =	sadd.s32 $0x8F2B, s0  }
0xcd: {  	[sflag:s0] =	ssyncadd.remote.s32 $0x1  }
0xce: {  	_ =	sfence.sel $0xFFFF  }
0xcf: {  	[dreg:$0x0] =	wrdreg $0xFFFFFFFF;
	(pc) =	sbr.abs _section_cstart, $3  }
0xd0: {  	[dreg:$0x1] =	wrdreg $0xFFFFFFFF  }
0xd1: {  	_ =	task.clear_ibuf [dreg:s22], $0x2FFFF;
	_ =	strace $0x9FFFFFFF  }
0xd2: {  	(tm) =	ssettm $0x7FFFFFFF  }
0xd3: {  	_ =	shalt  }
tec
execute0_lowered:
.L_overlay_start_1:
0x0: {  	(tag) =	ssettag $0x1  }
0x1: {  	s0 =	rddreg [dreg:$0x0]  }
0x2: {  	s1 =	rddreg [dreg:$0x1];
	s3 =	srdreg.scid  }
0x3: {  	s2 =	rddreg [dreg:$0x2];
	s10 =	stileid.u32  }
0x4: {  	s4 =	simm.s32 $0x0;
	s28 =	simm.s32 $0x13D00;
	s6 =	smul.u32 $0x278, s10  }
0x5: {  	s29 =	simm.s32 $0x14080;
	s30 =	simm.s32 $0x13D80;
	s8 =	smul.u32 $0x4F000, s10  }
0x6: {  	s31 =	simm.s32 $0x14100;
	s3 =	sand.u32 $0x1, s3;
	s23 =	smul.u32 $0x500, s10  }
0x7: {  	[smem:$0x7FF] =	sst s4;
	s7 =	sadd.s32 $0x17800, s0;
	s5 =	smul.u32 $0x5000, s3  }
0x8: {  	_ =	strace $0x8000004A;
	[dreg:$0x4] =	wrdreg s7;
	s24 =	ssub.s32 $0x2, s3  }
0x9: {  	s3 =	smul.u32 $0x2780, s3;
	s9 =	sshrl.u32 s24, $0x1;
	s11 =	sadd.s32 $0x80, s6  }
0xa: {  	s8 =	sshrl.u32 s8, $0x2;
	s26 =	sadd.s32 $0x100, s6;
	s12 =	sadd.s32 $0x180, s6  }
0xb: {  	s13 =	sadd.s32 $0x200, s6;
	s5 =	sadd.s32 s5, s0;
	s0 =	sadd.s32 $0x18000, s0  }
0xc: {  	s7 =	ssub.s32 s24, s9;
	s25 =	sshll.u32 s11, $0x7;
	s14 =	sadd.s32 s8, s2  }
0xd: {  	s16 =	sshll.u32 s26, $0x7;
	s17 =	sshll.u32 s12, $0x7;
	s18 =	sshll.u32 s13, $0x7  }
0xe: {  	s6 =	sadd.s32 s6, s3;
	s19 =	sadd.s32 s3, s11;
	s8 =	sadd.s32 s3, s26  }
0xf: {  	s22 =	sadd.s32 s3, s12;
	s3 =	sadd.s32 s3, s13;
	s11 =	simm.s32 $0x14200  }
0x10: {  	s12 =	simm.s32 $0x13F00;
	s13 =	simm.s32 $0x14280;
	s15 =	sadd.s32 s25, s2  }
0x11: {  	s16 =	sadd.s32 s16, s2;
	s17 =	sadd.s32 s17, s2;
	s9 =	sadd.s32 s18, s2  }
0x12: {  	s6 =	sshll.u32 s6, $0x4;
	s20 =	sshll.u32 s19, $0x4;
	s21 =	sshll.u32 s8, $0x4  }
0x13: {  	s8 =	sshll.u32 s22, $0x4;
	s3 =	sshll.u32 s3, $0x4;
	s25 =	smax.u32 s7, $0x1  }
0x14: {  	s7 =	smov.u32 s14;
	s26 =	sadd.s32 s23, s5;
	s19 =	simm.s32 $0x14400  }
0x15: {  	s22 =	simm.s32 $0x14000;
	s23 =	simm.s32 $0x80;
	[dreg:$0x9] =	wrdreg s9  }
0x16: {  	s5 =	simm.s32 $0x13E80;
	s14 =	simm.s32 $0x13F80;
	[dreg:$0xf] =	wrdreg s25  }
0x17: {  	s6 =	sadd.s32 s0, s6;
	s10 =	smov.u32 s17;
	[dreg:$0x5] =	wrdreg s7  }
0x18: {  	s24 =	sadd.s32 s0, s8;
	s8 =	smov.u32 s15;
	[dreg:$0xa] =	wrdreg s6  }
0x19: {  	s9 =	smov.u32 s16;
	s17 =	sadd.s32 $0x3200, s26;
	[dreg:$0xd] =	wrdreg s24  }
0x1a: {  	s18 =	sadd.s32 $0xD200, s26;
	s25 =	simm.s32 $0x13C80;
	[dreg:$0x6] =	wrdreg s8  }
0x1b: {  	s26 =	simm.s32 $0x18400;
	s15 =	simm.s32 $0x14300;
	[dreg:$0x7] =	wrdreg s9  }
0x1c: {  	s16 =	simm.s32 $0x14380;
	s6 =	sadd.s32 s0, s20;
	[dreg:$0x8] =	wrdreg s10  }
0x1d: {  	s20 =	simm.s32 $0x2;
	[dreg:$0xb] =	wrdreg s6;
	s6 =	sadd.s32 s0, s21  }
0x1e: {  	s24 =	simm.s32 $0x1;
	s0 =	sadd.s32 s0, s3;
	[dreg:$0xc] =	wrdreg s6  }
0x1f: {  	s21 =	simm.s32 $0x13C00;
	[dreg:$0xe] =	wrdreg s0;
	s6 =	simm.s32 $0x0  }
0x20: {  	s3 =	simm.s32 $0x14180;
	s0 =	simm.s32 $0x13E00;
	[dreg:$0x10] =	wrdreg s6  }
.LBB2_1:
0x21: {  	s6 =	rddreg [dreg:$0x4]  }
0x22: {  	[tilespmem:s19], [sflag:$0x2] =	stream.linear.gather [hbm4b:s6+s4], $0x4000, $0x38;
	[tilespmem:$0x1C400] =	vst v63  }
0x23: {  	_ =	swait.ge [sflag:s20], $0x4000  }
0x24: {  	[sflag:s20] =	ssyncset.done $0x0  }
0x25: {  	[sflag:s20] =	ssyncadd.s32 $0xFFFFC000  }
0x26: {  	[spmem:s7] =	stream.linear.scatter [tilespmem:s19], [sflag:$0x2], $0x4000, $0x38;
	[tilespmem:$0x1C400] =	vst v63  }
0x27: {  	_ =	swait.ge [sflag:s20], $0x4000  }
0x28: {  	[sflag:s20] =	ssyncset.done $0x0  }
0x29: {  	[sflag:s20] =	ssyncadd.s32 $0xFFFFC000  }
0x2a: {  	[spmem:s8] =	stream.linear.scatter [tilespmem:s19], [sflag:$0x2], $0x4000, $0x38;
	[tilespmem:$0x1C400] =	vst v63  }
0x2b: {  	_ =	swait.ge [sflag:s20], $0x4000  }
0x2c: {  	[sflag:s20] =	ssyncset.done $0x0  }
0x2d: {  	[sflag:s20] =	ssyncadd.s32 $0xFFFFC000  }
0x2e: {  	[spmem:s9] =	stream.linear.scatter [tilespmem:s19], [sflag:$0x2], $0x4000, $0x38;
	[tilespmem:$0x1C400] =	vst v63  }
0x2f: {  	_ =	swait.ge [sflag:s20], $0x4000  }
0x30: {  	[sflag:s20] =	ssyncset.done $0x0  }
0x31: {  	[sflag:s20] =	ssyncadd.s32 $0xFFFFC000  }
0x32: {  	[spmem:s10] =	stream.linear.scatter [tilespmem:s19], [sflag:$0x2], $0x4000, $0x38;
	[tilespmem:$0x1C400] =	vst v63  }
0x33: {  	_ =	swait.ge [sflag:s20], $0x4000  }
0x34: {  	[sflag:s20] =	ssyncset.done $0x0  }
0x35: {  	s8 =	rddreg [dreg:$0x9];
	[sflag:s20] =	ssyncadd.s32 $0xFFFFC000  }
0x36: {  	[spmem:s8] =	stream.linear.scatter [tilespmem:s19], [sflag:$0x2], $0x3C00, $0x38;
	[tilespmem:$0x1C400] =	vst v63  }
0x37: {  	_ =	swait.ge [sflag:s20], $0x3C00  }
0x38: {  	[sflag:s20] =	ssyncset.done $0x0  }
0x39: {  	[sflag:s20] =	ssyncadd.s32 $0xFFFFC400  }
0x3a: {  	s9 =	sadd.s32 $0x0, s18;
	[bflag:$0x0] =	sbarrier.arrive $0xFFFF  }
0x3b: {  	[tilespmem:s21], [sflag:$0x2] =	stream.linear.gather [hbm4b:s9+s4], $0x400, $0x38;
	[tilespmem:$0x1C400] =	vst v63  }
0x3c: {  	_ =	swait.ge [sflag:s20], $0x400  }
0x3d: {  	[sflag:s20] =	ssyncset.done $0x0  }
0x3e: {  	s10 =	sadd.s32 $0x0, s17;
	[sflag:s20] =	ssyncadd.s32 $0xFFFFFC00  }
0x3f: {  	[tilespmem:s22], [sflag:$0x2] =	stream.linear.gather [hbm4b:s10+s4], $0x400, $0x38;
	[tilespmem:$0x1C400] =	vst v63  }
0x40: {  	_ =	swait.ge [sflag:s20], $0x400  }
0x41: {  	[sflag:s20] =	ssyncset.done $0x0  }
0x42: {  	[sflag:s20] =	ssyncadd.s32 $0xFFFFFC00  }
0x43: {  	[tilespmem:s19], [sflag:$0x1] =	stream.indirect.gather [hbm4b:s1+s23], $0x80, s21, s23, $0xb8;
	[tilespmem:$0x1C400] =	vst v63  }
0x44: {  	_ =	swait.ge [sflag:s24], $0x4000  }
0x45: {  	[sflag:s24] =	ssyncset.done $0x0  }
0x46: {  	[sflag:s24] =	ssyncadd.s32 $0xFFFFC000  }
0x47: {  	[tilespmem:s26], [sflag:$0x1] =	stream.indirect.gather [hbm4b:s1+s23], $0x80, s25, s23, $0xb8;
	[tilespmem:$0x1C400] =	vst v63  }
0x48: {  	_ = 	snop  }
0x49: {  	[spmem:s2] =	stream.indirect.scatter.add.f32 [tilespmem:s19], [sflag:$0x2], $0x80, s22, s23, $0xb8;
	[tilespmem:$0x1C400] =	vst v63  }
0x4a: {  	_ =	swait.ge [sflag:s20], $0x4000  }
0x4b: {  	[sflag:s20] =	ssyncset.done $0x0  }
0x4c: {  	[sflag:s20] =	ssyncadd.s32 $0xFFFFC000  }
0x4d: {  	_ =	swait.ge [sflag:s24], $0x4000  }
0x4e: {  	[sflag:s24] =	ssyncset.done $0x0  }
0x4f: {  	[sflag:s24] =	ssyncadd.s32 $0xFFFFC000  }
0x50: {  	[tilespmem:s19], [sflag:$0x1] =	stream.indirect.gather [hbm4b:s1+s23], $0x80, s28, s23, $0xb8;
	[tilespmem:$0x1C400] =	vst v63  }
0x51: {  	_ = 	snop  }
0x52: {  	[spmem:s2] =	stream.indirect.scatter.add.f32 [tilespmem:s26], [sflag:$0x2], $0x80, s29, s23, $0xb8;
	[tilespmem:$0x1C400] =	vst v63  }
0x53: {  	_ =	swait.ge [sflag:s20], $0x4000  }
0x54: {  	[sflag:s20] =	ssyncset.done $0x0  }
0x55: {  	[sflag:s20] =	ssyncadd.s32 $0xFFFFC000  }
0x56: {  	_ =	swait.ge [sflag:s24], $0x4000  }
0x57: {  	[sflag:s24] =	ssyncset.done $0x0  }
0x58: {  	[sflag:s24] =	ssyncadd.s32 $0xFFFFC000  }
0x59: {  	[tilespmem:s26], [sflag:$0x1] =	stream.indirect.gather [hbm4b:s1+s23], $0x80, s30, s23, $0xb8;
	[tilespmem:$0x1C400] =	vst v63  }
0x5a: {  	_ = 	snop  }
0x5b: {  	[spmem:s2] =	stream.indirect.scatter.add.f32 [tilespmem:s19], [sflag:$0x2], $0x80, s31, s23, $0xb8;
	[tilespmem:$0x1C400] =	vst v63  }
0x5c: {  	_ =	swait.ge [sflag:s20], $0x4000  }
0x5d: {  	[sflag:s20] =	ssyncset.done $0x0  }
0x5e: {  	[sflag:s20] =	ssyncadd.s32 $0xFFFFC000  }
0x5f: {  	_ =	swait.ge [sflag:s24], $0x4000  }
0x60: {  	[sflag:s24] =	ssyncset.done $0x0  }
0x61: {  	[sflag:s24] =	ssyncadd.s32 $0xFFFFC000  }
0x62: {  	[tilespmem:s19], [sflag:$0x1] =	stream.indirect.gather [hbm4b:s1+s23], $0x80, s0, s23, $0xb8;
	[tilespmem:$0x1C400] =	vst v63  }
0x63: {  	_ = 	snop  }
0x64: {  	[spmem:s2] =	stream.indirect.scatter.add.f32 [tilespmem:s26], [sflag:$0x2], $0x80, s3, s23, $0xb8;
	[tilespmem:$0x1C400] =	vst v63  }
0x65: {  	_ =	swait.ge [sflag:s20], $0x4000  }
0x66: {  	[sflag:s20] =	ssyncset.done $0x0  }
0x67: {  	[sflag:s20] =	ssyncadd.s32 $0xFFFFC000  }
0x68: {  	_ =	swait.ge [sflag:s24], $0x4000  }
0x69: {  	[sflag:s24] =	ssyncset.done $0x0  }
0x6a: {  	[sflag:s24] =	ssyncadd.s32 $0xFFFFC000  }
0x6b: {  	[tilespmem:s26], [sflag:$0x1] =	stream.indirect.gather [hbm4b:s1+s23], $0x80, s5, s23, $0xb8;
	[tilespmem:$0x1C400] =	vst v63  }
0x6c: {  	_ = 	snop  }
0x6d: {  	[spmem:s2] =	stream.indirect.scatter.add.f32 [tilespmem:s19], [sflag:$0x2], $0x80, s11, s23, $0xb8;
	[tilespmem:$0x1C400] =	vst v63  }
0x6e: {  	_ =	swait.ge [sflag:s20], $0x4000  }
0x6f: {  	[sflag:s20] =	ssyncset.done $0x0  }
0x70: {  	[sflag:s20] =	ssyncadd.s32 $0xFFFFC000  }
0x71: {  	_ =	swait.ge [sflag:s24], $0x4000  }
0x72: {  	[sflag:s24] =	ssyncset.done $0x0  }
0x73: {  	[sflag:s24] =	ssyncadd.s32 $0xFFFFC000  }
0x74: {  	[tilespmem:s19], [sflag:$0x1] =	stream.indirect.gather [hbm4b:s1+s23], $0x80, s12, s23, $0xb8;
	[tilespmem:$0x1C400] =	vst v63  }
0x75: {  	_ = 	snop  }
0x76: {  	[spmem:s2] =	stream.indirect.scatter.add.f32 [tilespmem:s26], [sflag:$0x2], $0x80, s13, s23, $0xb8;
	[tilespmem:$0x1C400] =	vst v63  }
0x77: {  	_ =	swait.ge [sflag:s20], $0x4000  }
0x78: {  	[sflag:s20] =	ssyncset.done $0x0  }
0x79: {  	[sflag:s20] =	ssyncadd.s32 $0xFFFFC000  }
0x7a: {  	_ =	swait.ge [sflag:s24], $0x4000  }
0x7b: {  	[sflag:s24] =	ssyncset.done $0x0  }
0x7c: {  	[sflag:s24] =	ssyncadd.s32 $0xFFFFC000  }
0x7d: {  	[tilespmem:s26], [sflag:$0x1] =	stream.indirect.gather [hbm4b:s1+s23], $0x80, s14, s23, $0xb8;
	[tilespmem:$0x1C400] =	vst v63  }
0x7e: {  	_ = 	snop  }
0x7f: {  	[spmem:s2] =	stream.indirect.scatter.add.f32 [tilespmem:s19], [sflag:$0x2], $0x80, s15, s23, $0xb8;
	[tilespmem:$0x1C400] =	vst v63  }
0x80: {  	_ =	swait.ge [sflag:s20], $0x4000  }
0x81: {  	[sflag:s20] =	ssyncset.done $0x0  }
0x82: {  	[sflag:s20] =	ssyncadd.s32 $0xFFFFC000  }
0x83: {  	_ =	swait.ge [sflag:s24], $0x4000  }
0x84: {  	[sflag:s24] =	ssyncset.done $0x0  }
0x85: {  	[sflag:s24] =	ssyncadd.s32 $0xFFFFC000  }
0x86: {  	[spmem:s2] =	stream.indirect.scatter.add.f32 [tilespmem:s26], [sflag:$0x2], $0x80, s16, s23, $0xb8;
	[tilespmem:$0x1C400] =	vst v63  }
0x87: {  	_ =	swait.ge [sflag:s20], $0x4000  }
0x88: {  	s7 =	simm.s32 $0x80;
	s8 =	simm.s32 $0x100;
	[sflag:s20] =	ssyncset.done $0x0  }
.LBB2_2:
0x89: {  	s10 =	sadd.s32 s7, s18  }
0x8a: {  	[sflag:s20] =	ssyncadd.s32 $0xFFFFC000;
	s6 =	smov.u32 s8;
	s9 =	sadd.s32 $0x80, s8  }
0x8b: {  	[tilespmem:s21], [sflag:$0x2] =	stream.linear.gather [hbm4b:s10+s4], $0x400, $0x38;
	[tilespmem:$0x1C400] =	vst v63  }
0x8c: {  	p0 =	sne.s32 s8, $0x480;
	_ =	swait.ge [sflag:s20], $0x400  }
0x8d: {  	[sflag:s20] =	ssyncset.done $0x0  }
0x8e: {  	s8 =	sadd.s32 s7, s17;
	s7 =	smov.u32 s6;
	[sflag:s20] =	ssyncadd.s32 $0xFFFFFC00  }
0x8f: {  	[tilespmem:s22], [sflag:$0x2] =	stream.linear.gather [hbm4b:s8+s4], $0x400, $0x38;
	[tilespmem:$0x1C400] =	vst v63  }
0x90: {  	_ =	swait.ge [sflag:s20], $0x400  }
0x91: {  	[sflag:s20] =	ssyncset.done $0x0  }
0x92: {  	[sflag:s20] =	ssyncadd.s32 $0xFFFFFC00  }
0x93: {  	[tilespmem:s19], [sflag:$0x1] =	stream.indirect.gather [hbm4b:s1+s23], $0x80, s21, s23, $0xb8;
	[tilespmem:$0x1C400] =	vst v63  }
0x94: {  	_ =	swait.ge [sflag:s24], $0x4000  }
0x95: {  	[sflag:s24] =	ssyncset.done $0x0  }
0x96: {  	[sflag:s24] =	ssyncadd.s32 $0xFFFFC000  }
0x97: {  	[tilespmem:s26], [sflag:$0x1] =	stream.indirect.gather [hbm4b:s1+s23], $0x80, s25, s23, $0xb8;
	[tilespmem:$0x1C400] =	vst v63  }
0x98: {  	_ = 	snop  }
0x99: {  	[spmem:s2] =	stream.indirect.scatter.add.f32 [tilespmem:s19], [sflag:$0x2], $0x80, s22, s23, $0xb8;
	[tilespmem:$0x1C400] =	vst v63  }
0x9a: {  	_ =	swait.ge [sflag:s20], $0x4000  }
0x9b: {  	[sflag:s20] =	ssyncset.done $0x0  }
0x9c: {  	[sflag:s20] =	ssyncadd.s32 $0xFFFFC000  }
0x9d: {  	_ =	swait.ge [sflag:s24], $0x4000  }
0x9e: {  	[sflag:s24] =	ssyncset.done $0x0  }
0x9f: {  	[sflag:s24] =	ssyncadd.s32 $0xFFFFC000  }
0xa0: {  	[tilespmem:s19], [sflag:$0x1] =	stream.indirect.gather [hbm4b:s1+s23], $0x80, s28, s23, $0xb8;
	[tilespmem:$0x1C400] =	vst v63  }
0xa1: {  	_ = 	snop  }
0xa2: {  	[spmem:s2] =	stream.indirect.scatter.add.f32 [tilespmem:s26], [sflag:$0x2], $0x80, s29, s23, $0xb8;
	[tilespmem:$0x1C400] =	vst v63  }
0xa3: {  	_ =	swait.ge [sflag:s20], $0x4000  }
0xa4: {  	[sflag:s20] =	ssyncset.done $0x0  }
0xa5: {  	[sflag:s20] =	ssyncadd.s32 $0xFFFFC000  }
0xa6: {  	_ =	swait.ge [sflag:s24], $0x4000  }
0xa7: {  	[sflag:s24] =	ssyncset.done $0x0  }
0xa8: {  	[sflag:s24] =	ssyncadd.s32 $0xFFFFC000  }
0xa9: {  	[tilespmem:s26], [sflag:$0x1] =	stream.indirect.gather [hbm4b:s1+s23], $0x80, s30, s23, $0xb8;
	[tilespmem:$0x1C400] =	vst v63  }
0xaa: {  	_ = 	snop  }
0xab: {  	[spmem:s2] =	stream.indirect.scatter.add.f32 [tilespmem:s19], [sflag:$0x2], $0x80, s31, s23, $0xb8;
	[tilespmem:$0x1C400] =	vst v63  }
0xac: {  	_ =	swait.ge [sflag:s20], $0x4000  }
0xad: {  	[sflag:s20] =	ssyncset.done $0x0  }
0xae: {  	[sflag:s20] =	ssyncadd.s32 $0xFFFFC000  }
0xaf: {  	_ =	swait.ge [sflag:s24], $0x4000  }
0xb0: {  	[sflag:s24] =	ssyncset.done $0x0  }
0xb1: {  	[sflag:s24] =	ssyncadd.s32 $0xFFFFC000  }
0xb2: {  	[tilespmem:s19], [sflag:$0x1] =	stream.indirect.gather [hbm4b:s1+s23], $0x80, s0, s23, $0xb8;
	[tilespmem:$0x1C400] =	vst v63  }
0xb3: {  	_ = 	snop  }
0xb4: {  	[spmem:s2] =	stream.indirect.scatter.add.f32 [tilespmem:s26], [sflag:$0x2], $0x80, s3, s23, $0xb8;
	[tilespmem:$0x1C400] =	vst v63  }
0xb5: {  	_ =	swait.ge [sflag:s20], $0x4000  }
0xb6: {  	[sflag:s20] =	ssyncset.done $0x0  }
0xb7: {  	[sflag:s20] =	ssyncadd.s32 $0xFFFFC000  }
0xb8: {  	_ =	swait.ge [sflag:s24], $0x4000  }
0xb9: {  	[sflag:s24] =	ssyncset.done $0x0  }
0xba: {  	[sflag:s24] =	ssyncadd.s32 $0xFFFFC000  }
0xbb: {  	[tilespmem:s26], [sflag:$0x1] =	stream.indirect.gather [hbm4b:s1+s23], $0x80, s5, s23, $0xb8;
	[tilespmem:$0x1C400] =	vst v63  }
0xbc: {  	_ = 	snop  }
0xbd: {  	[spmem:s2] =	stream.indirect.scatter.add.f32 [tilespmem:s19], [sflag:$0x2], $0x80, s11, s23, $0xb8;
	[tilespmem:$0x1C400] =	vst v63  }
0xbe: {  	_ =	swait.ge [sflag:s20], $0x4000  }
0xbf: {  	[sflag:s20] =	ssyncset.done $0x0  }
0xc0: {  	[sflag:s20] =	ssyncadd.s32 $0xFFFFC000  }
0xc1: {  	_ =	swait.ge [sflag:s24], $0x4000  }
0xc2: {  	[sflag:s24] =	ssyncset.done $0x0  }
0xc3: {  	[sflag:s24] =	ssyncadd.s32 $0xFFFFC000  }
0xc4: {  	[tilespmem:s19], [sflag:$0x1] =	stream.indirect.gather [hbm4b:s1+s23], $0x80, s12, s23, $0xb8;
	[tilespmem:$0x1C400] =	vst v63  }
0xc5: {  	_ = 	snop  }
0xc6: {  	[spmem:s2] =	stream.indirect.scatter.add.f32 [tilespmem:s26], [sflag:$0x2], $0x80, s13, s23, $0xb8;
	[tilespmem:$0x1C400] =	vst v63  }
0xc7: {  	_ =	swait.ge [sflag:s20], $0x4000  }
0xc8: {  	[sflag:s20] =	ssyncset.done $0x0  }
0xc9: {  	[sflag:s20] =	ssyncadd.s32 $0xFFFFC000  }
0xca: {  	_ =	swait.ge [sflag:s24], $0x4000  }
0xcb: {  	[sflag:s24] =	ssyncset.done $0x0  }
0xcc: {  	[sflag:s24] =	ssyncadd.s32 $0xFFFFC000  }
0xcd: {  	[tilespmem:s26], [sflag:$0x1] =	stream.indirect.gather [hbm4b:s1+s23], $0x80, s14, s23, $0xb8;
	[tilespmem:$0x1C400] =	vst v63  }
0xce: {  	_ = 	snop  }
0xcf: {  	[spmem:s2] =	stream.indirect.scatter.add.f32 [tilespmem:s19], [sflag:$0x2], $0x80, s15, s23, $0xb8;
	[tilespmem:$0x1C400] =	vst v63  }
0xd0: {  	_ =	swait.ge [sflag:s20], $0x4000  }
0xd1: {  	[sflag:s20] =	ssyncset.done $0x0  }
0xd2: {  	[sflag:s20] =	ssyncadd.s32 $0xFFFFC000  }
0xd3: {  	_ =	swait.ge [sflag:s24], $0x4000  }
.Ltmp0:
0xd4: {  	[sflag:s24] =	ssyncset.done $0x0;
	(pc) =	sbr.rel @p0 .LBB2_2-.Ltmp0, $4  }
0xd5: {  	[sflag:s24] =	ssyncadd.s32 $0xFFFFC000  }
0xd6: {  	[spmem:s2] =	stream.indirect.scatter.add.f32 [tilespmem:s26], [sflag:$0x2], $0x80, s16, s23, $0xb8;
	[tilespmem:$0x1C400] =	vst v63  }
0xd7: {  	_ =	swait.ge [sflag:s20], $0x4000  }
0xd8: {  	s8 =	smov.u32 s9;
	[sflag:s20] =	ssyncset.done $0x0  }
0xd9: {  	s6 =	sadd.s32 s7, s18;
	[sflag:s20] =	ssyncadd.s32 $0xFFFFC000  }
0xda: {  	[tilespmem:s21], [sflag:$0x2] =	stream.linear.gather [hbm4b:s6+s4], $0x400, $0x38;
	[tilespmem:$0x1C400] =	vst v63  }
0xdb: {  	_ =	swait.ge [sflag:s20], $0x400  }
0xdc: {  	[sflag:s20] =	ssyncset.done $0x0  }
0xdd: {  	s10 =	sadd.s32 s7, s17;
	[sflag:s20] =	ssyncadd.s32 $0xFFFFFC00  }
0xde: {  	[tilespmem:s22], [sflag:$0x2] =	stream.linear.gather [hbm4b:s10+s4], $0x400, $0x38;
	[tilespmem:$0x1C400] =	vst v63  }
0xdf: {  	_ =	swait.ge [sflag:s20], $0x400  }
0xe0: {  	[sflag:s20] =	ssyncset.done $0x0  }
0xe1: {  	[sflag:s20] =	ssyncadd.s32 $0xFFFFFC00  }
0xe2: {  	[tilespmem:s19], [sflag:$0x1] =	stream.indirect.gather [hbm4b:s1+s23], $0x80, s21, s23, $0xb8;
	[tilespmem:$0x1C400] =	vst v63  }
0xe3: {  	_ =	swait.ge [sflag:s24], $0x4000  }
0xe4: {  	[sflag:s24] =	ssyncset.done $0x0  }
0xe5: {  	[sflag:s24] =	ssyncadd.s32 $0xFFFFC000  }
0xe6: {  	[tilespmem:s26], [sflag:$0x1] =	stream.indirect.gather [hbm4b:s1+s23], $0x80, s25, s23, $0xb8;
	[tilespmem:$0x1C400] =	vst v63  }
0xe7: {  	_ = 	snop  }
0xe8: {  	[spmem:s2] =	stream.indirect.scatter.add.f32 [tilespmem:s19], [sflag:$0x2], $0x80, s22, s23, $0xb8;
	[tilespmem:$0x1C400] =	vst v63  }
0xe9: {  	_ =	swait.ge [sflag:s20], $0x4000  }
0xea: {  	[sflag:s20] =	ssyncset.done $0x0  }
0xeb: {  	[sflag:s20] =	ssyncadd.s32 $0xFFFFC000  }
0xec: {  	_ =	swait.ge [sflag:s24], $0x4000  }
0xed: {  	[sflag:s24] =	ssyncset.done $0x0  }
0xee: {  	[sflag:s24] =	ssyncadd.s32 $0xFFFFC000  }
0xef: {  	[tilespmem:s19], [sflag:$0x1] =	stream.indirect.gather [hbm4b:s1+s23], $0x80, s28, s23, $0xb8;
	[tilespmem:$0x1C400] =	vst v63  }
0xf0: {  	_ = 	snop  }
0xf1: {  	[spmem:s2] =	stream.indirect.scatter.add.f32 [tilespmem:s26], [sflag:$0x2], $0x80, s29, s23, $0xb8;
	[tilespmem:$0x1C400] =	vst v63  }
0xf2: {  	_ =	swait.ge [sflag:s20], $0x4000  }
0xf3: {  	[sflag:s20] =	ssyncset.done $0x0  }
0xf4: {  	[sflag:s20] =	ssyncadd.s32 $0xFFFFC000  }
0xf5: {  	_ =	swait.ge [sflag:s24], $0x4000  }
0xf6: {  	[sflag:s24] =	ssyncset.done $0x0  }
0xf7: {  	[sflag:s24] =	ssyncadd.s32 $0xFFFFC000  }
0xf8: {  	[tilespmem:s26], [sflag:$0x1] =	stream.indirect.gather [hbm4b:s1+s23], $0x80, s30, s23, $0xb8;
	[tilespmem:$0x1C400] =	vst v63  }
0xf9: {  	_ = 	snop  }
0xfa: {  	[spmem:s2] =	stream.indirect.scatter.add.f32 [tilespmem:s19], [sflag:$0x2], $0x80, s31, s23, $0xb8;
	[tilespmem:$0x1C400] =	vst v63  }
0xfb: {  	_ =	swait.ge [sflag:s20], $0x4000  }
0xfc: {  	[sflag:s20] =	ssyncset.done $0x0  }
0xfd: {  	[sflag:s20] =	ssyncadd.s32 $0xFFFFC000  }
0xfe: {  	_ =	swait.ge [sflag:s24], $0x4000  }
0xff: {  	[sflag:s24] =	ssyncset.done $0x0  }
0x100: {  	[sflag:s24] =	ssyncadd.s32 $0xFFFFC000  }
0x101: {  	[tilespmem:s19], [sflag:$0x1] =	stream.indirect.gather [hbm4b:s1+s23], $0x80, s0, s23, $0xb8;
	[tilespmem:$0x1C400] =	vst v63  }
0x102: {  	_ = 	snop  }
0x103: {  	[spmem:s2] =	stream.indirect.scatter.add.f32 [tilespmem:s26], [sflag:$0x2], $0x80, s3, s23, $0xb8;
	[tilespmem:$0x1C400] =	vst v63  }
0x104: {  	_ =	swait.ge [sflag:s20], $0x4000  }
0x105: {  	[sflag:s20] =	ssyncset.done $0x0  }
0x106: {  	[sflag:s20] =	ssyncadd.s32 $0xFFFFC000  }
0x107: {  	_ =	swait.ge [sflag:s24], $0x4000  }
0x108: {  	[sflag:s24] =	ssyncset.done $0x0  }
0x109: {  	[sflag:s24] =	ssyncadd.s32 $0xFFFFC000  }
0x10a: {  	[tilespmem:s26], [sflag:$0x1] =	stream.indirect.gather [hbm4b:s1+s23], $0x80, s5, s23, $0xb8;
	[tilespmem:$0x1C400] =	vst v63  }
0x10b: {  	_ = 	snop  }
0x10c: {  	[spmem:s2] =	stream.indirect.scatter.add.f32 [tilespmem:s19], [sflag:$0x2], $0x80, s11, s23, $0xb8;
	[tilespmem:$0x1C400] =	vst v63  }
0x10d: {  	_ =	swait.ge [sflag:s20], $0x4000  }
0x10e: {  	[sflag:s20] =	ssyncset.done $0x0  }
0x10f: {  	[sflag:s20] =	ssyncadd.s32 $0xFFFFC000  }
0x110: {  	_ =	swait.ge [sflag:s24], $0x4000  }
0x111: {  	[sflag:s24] =	ssyncset.done $0x0  }
0x112: {  	[sflag:s24] =	ssyncadd.s32 $0xFFFFC000  }
0x113: {  	[tilespmem:s19], [sflag:$0x1] =	stream.indirect.gather [hbm4b:s1+s23], $0x80, s12, s23, $0xb8;
	[tilespmem:$0x1C400] =	vst v63  }
0x114: {  	_ = 	snop  }
0x115: {  	[spmem:s2] =	stream.indirect.scatter.add.f32 [tilespmem:s26], [sflag:$0x2], $0x80, s13, s23, $0xb8;
	[tilespmem:$0x1C400] =	vst v63  }
0x116: {  	_ =	swait.ge [sflag:s20], $0x4000  }
0x117: {  	[sflag:s20] =	ssyncset.done $0x0  }
0x118: {  	[sflag:s20] =	ssyncadd.s32 $0xFFFFC000  }
0x119: {  	_ =	swait.ge [sflag:s24], $0x4000  }
0x11a: {  	[sflag:s24] =	ssyncset.done $0x0  }
0x11b: {  	[sflag:s24] =	ssyncadd.s32 $0xFFFFC000  }
0x11c: {  	[tilespmem:s26], [sflag:$0x1] =	stream.indirect.gather [hbm4b:s1+s23], $0x80, s14, s23, $0xb8;
	[tilespmem:$0x1C400] =	vst v63  }
0x11d: {  	_ = 	snop  }
0x11e: {  	[spmem:s2] =	stream.indirect.scatter.add.f32 [tilespmem:s19], [sflag:$0x2], $0x80, s15, s23, $0xb8;
	[tilespmem:$0x1C400] =	vst v63  }
0x11f: {  	_ =	swait.ge [sflag:s20], $0x4000  }
0x120: {  	[sflag:s20] =	ssyncset.done $0x0  }
0x121: {  	[sflag:s20] =	ssyncadd.s32 $0xFFFFC000  }
0x122: {  	_ =	swait.ge [sflag:s24], $0x4000  }
0x123: {  	[sflag:s24] =	ssyncset.done $0x0  }
0x124: {  	[sflag:s24] =	ssyncadd.s32 $0xFFFFC000  }
0x125: {  	[spmem:s2] =	stream.indirect.scatter.add.f32 [tilespmem:s26], [sflag:$0x2], $0x80, s16, s23, $0xb8;
	[tilespmem:$0x1C400] =	vst v63  }
0x126: {  	_ =	swait.ge [sflag:s20], $0x4000  }
0x127: {  	[sflag:s20] =	ssyncset.done $0x0  }
0x128: {  	[sflag:s20] =	ssyncadd.s32 $0xFFFFC000  }
0x129: {  	[bflag:$0x0] =	sbarrier.arrive $0xFFFF  }
0x12a: {  	s7 =	rddreg [dreg:$0x5]  }
0x12b: {  	[tilespmem:s19], [sflag:$0x2] =	stream.linear.gather [spmem:s7], $0x4000, $0x38;
	[tilespmem:$0x1C400] =	vst v63  }
0x12c: {  	_ =	swait.ge [sflag:s20], $0x4000  }
0x12d: {  	[sflag:s20] =	ssyncset.done $0x0  }
0x12e: {  	s8 =	rddreg [dreg:$0xa];
	[sflag:s20] =	ssyncadd.s32 $0xFFFFC000  }
0x12f: {  	[hbm4b:s8+s4] =	stream.linear.scatter [tilespmem:s19], [sflag:$0x2], $0x4000, $0x38;
	[tilespmem:$0x1C400] =	vst v63  }
0x130: {  	_ =	swait.ge [sflag:s20], $0x4000  }
0x131: {  	[sflag:s20] =	ssyncset.done $0x0  }
0x132: {  	s8 =	rddreg [dreg:$0x6];
	[sflag:s20] =	ssyncadd.s32 $0xFFFFC000  }
0x133: {  	[tilespmem:s19], [sflag:$0x2] =	stream.linear.gather [spmem:s8], $0x4000, $0x38;
	[tilespmem:$0x1C400] =	vst v63  }
0x134: {  	_ =	swait.ge [sflag:s20], $0x4000  }
0x135: {  	[sflag:s20] =	ssyncset.done $0x0  }
0x136: {  	s9 =	rddreg [dreg:$0xb];
	[sflag:s20] =	ssyncadd.s32 $0xFFFFC000  }
0x137: {  	[hbm4b:s9+s4] =	stream.linear.scatter [tilespmem:s19], [sflag:$0x2], $0x4000, $0x38;
	[tilespmem:$0x1C400] =	vst v63  }
0x138: {  	_ =	swait.ge [sflag:s20], $0x4000  }
0x139: {  	[sflag:s20] =	ssyncset.done $0x0  }
0x13a: {  	s9 =	rddreg [dreg:$0x7];
	[sflag:s20] =	ssyncadd.s32 $0xFFFFC000  }
0x13b: {  	[tilespmem:s19], [sflag:$0x2] =	stream.linear.gather [spmem:s9], $0x4000, $0x38;
	[tilespmem:$0x1C400] =	vst v63  }
0x13c: {  	_ =	swait.ge [sflag:s20], $0x4000  }
0x13d: {  	[sflag:s20] =	ssyncset.done $0x0  }
0x13e: {  	s10 =	rddreg [dreg:$0xc];
	[sflag:s20] =	ssyncadd.s32 $0xFFFFC000  }
0x13f: {  	[hbm4b:s10+s4] =	stream.linear.scatter [tilespmem:s19], [sflag:$0x2], $0x4000, $0x38;
	[tilespmem:$0x1C400] =	vst v63  }
0x140: {  	_ =	swait.ge [sflag:s20], $0x4000  }
0x141: {  	[sflag:s20] =	ssyncset.done $0x0  }
0x142: {  	s10 =	rddreg [dreg:$0x8];
	[sflag:s20] =	ssyncadd.s32 $0xFFFFC000  }
0x143: {  	[tilespmem:s19], [sflag:$0x2] =	stream.linear.gather [spmem:s10], $0x4000, $0x38;
	[tilespmem:$0x1C400] =	vst v63  }
0x144: {  	_ =	swait.ge [sflag:s20], $0x4000  }
0x145: {  	[sflag:s20] =	ssyncset.done $0x0  }
0x146: {  	s7 =	rddreg [dreg:$0xd];
	[sflag:s20] =	ssyncadd.s32 $0xFFFFC000  }
0x147: {  	[hbm4b:s7+s4] =	stream.linear.scatter [tilespmem:s19], [sflag:$0x2], $0x4000, $0x38;
	[tilespmem:$0x1C400] =	vst v63  }
0x148: {  	_ =	swait.ge [sflag:s20], $0x4000  }
0x149: {  	[sflag:s20] =	ssyncset.done $0x0  }
0x14a: {  	s7 =	rddreg [dreg:$0x9];
	[sflag:s20] =	ssyncadd.s32 $0xFFFFC000  }
0x14b: {  	[tilespmem:s19], [sflag:$0x2] =	stream.linear.gather [spmem:s7], $0x3C00, $0x38;
	[tilespmem:$0x1C400] =	vst v63  }
0x14c: {  	_ =	swait.ge [sflag:s20], $0x3C00  }
0x14d: {  	[sflag:s20] =	ssyncset.done $0x0  }
0x14e: {  	s7 =	rddreg [dreg:$0xe];
	[sflag:s20] =	ssyncadd.s32 $0xFFFFC400  }
0x14f: {  	[hbm4b:s7+s4] =	stream.linear.scatter [tilespmem:s19], [sflag:$0x2], $0x3C00, $0x38;
	[tilespmem:$0x1C400] =	vst v63  }
0x150: {  	_ =	swait.ge [sflag:s20], $0x3C00  }
0x151: {  	s6 =	rddreg [dreg:$0x10]  }
0x152: {  	s7 =	sadd.s32 $0x1, s6;
	s6 =	rddreg [dreg:$0xf]  }
0x153: {  	p0 =	sne.s32 s7, s6  }
.Ltmp1:
0x154: {  	_ = 	snop;
	(pc) =	sbr.rel @p0 .LBB2_1-.Ltmp1, $3  }
0x155: {  	_ =	sdelay $0x1  }
0x156: {  	[sflag:s20] =	ssyncset.done $0x0;
	[dreg:$0x10] =	wrdreg s7  }
0x157: {  	[sflag:s20] =	ssyncadd.s32 $0xFFFFC400;
	s7 =	rddreg [dreg:$0x5]  }
0x158: {  	_ =	sfence.sel $0x180000  }
0x159: {  	[bflag:$0x0] =	sbarrier.arrive $0xFFFF  }
0x15a: {  	_ =	strace $0x9000004A  }
0x15b: {  	s0 =	stileid.u32;
	[bflag:$0x2] =	sbarrier.arrive $0xFFFF  }
0x15c: {  	p0 =	sne.s32 s0, $0x0;
	s0 =	rddreg [dreg:$0x3]  }
0x15d: {  	s0 =	sadd.s32 @!p0 $0x100000, s0  }
0x15e: {  	[sflag:s0] =	ssyncadd.tile.s32 @!p0 $0x1;
	_ =	shalt  }
.Lfunc_end2:
_tile_overlayer_lowered:
.L_overlay_start_2:
0x15f: {  	(tag) =	ssettag $0x2  }
0x160: {  	s0 =	rddreg [dreg:$0x0];
	s2 =	stileid.u32  }
0x161: {  	s1 =	rddreg [dreg:$0x1];
	p0 =	sne.s32 s2, $0x0  }
0x162: {  	s3 =	rddreg [dreg:$0x2];
	[bflag:$0x3] =	sbarrier.arrive $0xFFFF;
	s2 =	simm.s32 @!p0 $0x1C02  }
0x163: {  	[timem:s3], [sflag:s2] =	dma.local @!p0 [hbm:s0], s1  }
0x164: {  	s0 =	simm.s32 @!p0 $0x2  }
0x165: {  	_ =	swait.ge @!p0 [sflag:s0], s1  }
0x166: {  	s1 =	ssub.s32 @!p0 $0x0, s1;
	[sflag:s0] =	ssyncset.done @!p0 $0x0  }
0x167: {  	[sflag:s0] =	ssyncadd.s32 @!p0 s1  }
0x168: {  	[bflag:$0x3] =	sbarrier.arrive $0xFFFF  }
0x169: {  	_ =	shalt  }

// kernel: kernel.13.cloned.1.call-start
scs
__scs_entry_jumppad:
0x0: {  	(pc) =	sbr.rel $0x88, $3  }
0x1: {  	(tag) =	ssettag $0x0;
	lr =	simm.s32 $0x1  }
0x2: {  	[smem:$0x3F91] =	sst lr;
	_ =	strace $0xD0000000  }
0x3: {  	_ = 	snop  }
0x4: {  	_ = 	snop  }
0x5: {  	_ = 	snop  }
0x6: {  	_ = 	snop  }
0x7: {  	_ = 	snop  }
__scs_overlays_trampoline_lowered:
0x8: {  	[smem:$0x3FA0] =	sst s0  }
0x9: {  	[smem:$0x3FA1] =	sst s1  }
0xa: {  	[smem:$0x3FA2] =	sst s2  }
0xb: {  	[smem:$0x3FA3] =	sst s3  }
0xc: {  	[smem:$0x3FA4] =	sst s4  }
0xd: {  	[smem:$0x3FA5] =	sst s5  }
0xe: {  	[smem:$0x3FA6] =	sst s6  }
0xf: {  	[smem:$0x3FA7] =	sst s7  }
0x10: {  	[smem:$0x3FA8] =	sst s8  }
0x11: {  	[smem:$0x3FA9] =	sst s9;
	s0 =	simm.s32 @!p0 $0x0  }
0x12: {  	s1 =	sld [smem:$0x3F8F];
	s0 =	simm.s32 @p0 $0x1  }
0x13: {  	[smem:$0x3FAA] =	sst s0;
	s0 =	simm.s32 @!p1 $0x0  }
0x14: {  	s2 =	sld [smem:$0x3F8E];
	s0 =	simm.s32 @p1 $0x1  }
0x15: {  	[smem:$0x3FAB] =	sst s0;
	s0 =	simm.s32 @!p2 $0x0  }
0x16: {  	s3 =	sld [smem:$0x3FDB];
	s0 =	simm.s32 @p2 $0x1  }
0x17: {  	s4 =	simm.s32 $0x1BF5;
	[smem:$0x3FAD] =	sst s0  }
0x18: {  	s0 =	sld [smem:$0x3F90];
	_ =	swait.ge [sflag:s4], $0x0  }
0x19: {  	s7 =	sld [smem:$0x3F91]  }
0x1a: {  	s8 =	sadd.s32 $0xFFFFE003, lr  }
0x1b: {  	s9 =	sadd.s32 $0xFFFFFEF7, lr;
	s5 =	simm.s32 $0xFFFFFFFF;
	p2 =	slt.u32 s8, $0xFFFFF086  }
0x1c: {  	p1 =	slt.u32 s9, $0xF7A;
	s5 =	simm.s32 @!p2 $0x0  }
0x1d: {  	s5 =	simm.s32 @p1 $0x1;
	p0 =	seq.s32 s7, s2  }
0x1e: {  	s7 =	smul.u32 @!p0 $0xF7A, s2;
	p2 =	seq.s32 @!p0 s5, $0x0  }
0x1f: {  	s9 =	smul.u32 $0xF7A, s1;
	s8 =	simm.s32 @!p0 $0x1BF5;
	p2 =	por !p2, p0  }
0x20: {  	[sflag:s8] =	ssyncset.s32 @!p0 $0xFFFFF086;
	s6 =	sadd.s32 @!p0 s3, s7;
	s7 =	simm.s32 @!p0 $0x108  }
0x21: {  	s3 =	sadd.s32 s3, s9;
	s6 =	sadd.s32 @!p0 $0x88, s6;
	s7 =	simm.s32 @p2 $0x1082  }
0x22: {  	[simem:s7], [sflag:s8] =	dma.local @!p0 [hbm:s6], $0xF7A  }
0x23: {  	s9 =	sor.u32 $0xD0000000, s2;
	s6 =	simm.s32 $0x108;
	_ =	swait.ge @!p0 [sflag:s8], $0x0  }
0x24: {  	s3 =	sadd.s32 $0x88, s3;
	s6 =	simm.s32 @!p1 $0x1082;
	[sflag:s4] =	ssyncset.s32 $0xFFFFF086  }
0x25: {  	[simem:s6], [sflag:s4] =	dma.local [hbm:s3], $0xF7A  }
0x26: {  	[smem:$0x3F91] =	sst s1;
	(tag) =	ssettag s2;
	_ =	strace s9  }
0x27: {  	s1 =	sld [smem:$0x3FA1]  }
0x28: {  	s2 =	sld [smem:$0x3FA2]  }
0x29: {  	s4 =	sld [smem:$0x3FA4]  }
0x2a: {  	p0 =	seq.s32 s5, $0x0;
	s5 =	sld [smem:$0x3FA5]  }
0x2b: {  	s6 =	sld [smem:$0x3FA6]  }
0x2c: {  	s7 =	sld [smem:$0x3FA7]  }
0x2d: {  	s3 =	simm.s32 $0x108;
	s8 =	sld [smem:$0x3FA8]  }
0x2e: {  	s3 =	simm.s32 @!p0 $0x1082;
	s9 =	sld [smem:$0x3FA9]  }
0x2f: {  	lr =	sadd.s32 s0, s3;
	s0 =	sld [smem:$0x3FA0]  }
0x30: {  	s3 =	sld [smem:$0x3FA3]  }
0x31: {  	[smem:$0x3FAC] =	sst s10  }
0x32: {  	s10 =	sld [smem:$0x3FAA];
	_ =	sdelay $0x3  }
0x33: {  	p0 =	seq.s32 s10, $0x1;
	s10 =	sld [smem:$0x3FAC];
	_ =	sdelay $0x3  }
0x34: {  	[smem:$0x3FAC] =	sst s10  }
0x35: {  	s10 =	sld [smem:$0x3FAB];
	_ =	sdelay $0x3  }
0x36: {  	p1 =	seq.s32 s10, $0x1;
	s10 =	sld [smem:$0x3FAC];
	_ =	sdelay $0x3  }
0x37: {  	[smem:$0x3FAC] =	sst s10  }
0x38: {  	s10 =	sld [smem:$0x3FAD]  }
0x39: {  	_ = 	snop;
	(pc) =	sbr.ind lr, $3  }
0x3a: {  	_ = 	snop  }
0x3b: {  	_ = 	snop  }
0x3c: {  	p2 =	seq.s32 s10, $0x1;
	s10 =	sld [smem:$0x3FAC]  }
0x3d: {  	_ =	shalt  }
0x3e: {  	_ =	shalt  }
0x3f: {  	_ =	shalt  }
0x40: {  	_ =	shalt  }
0x41: {  	_ =	shalt  }
0x42: {  	_ =	shalt  }
0x43: {  	_ =	shalt  }
0x44: {  	_ =	shalt  }
0x45: {  	_ =	shalt  }
0x46: {  	_ =	shalt  }
0x47: {  	_ =	shalt  }
0x48: {  	_ =	shalt  }
0x49: {  	_ =	shalt  }
0x4a: {  	_ =	shalt  }
0x4b: {  	_ =	shalt  }
0x4c: {  	_ =	shalt  }
0x4d: {  	_ =	shalt  }
0x4e: {  	_ =	shalt  }
0x4f: {  	_ =	shalt  }
0x50: {  	_ =	shalt  }
0x51: {  	_ =	shalt  }
0x52: {  	_ =	shalt  }
0x53: {  	_ =	shalt  }
0x54: {  	_ =	shalt  }
0x55: {  	_ =	shalt  }
0x56: {  	_ =	shalt  }
0x57: {  	_ =	shalt  }
0x58: {  	_ =	shalt  }
0x59: {  	_ =	shalt  }
0x5a: {  	_ =	shalt  }
0x5b: {  	_ =	shalt  }
0x5c: {  	_ =	shalt  }
0x5d: {  	_ =	shalt  }
0x5e: {  	_ =	shalt  }
0x5f: {  	_ =	shalt  }
0x60: {  	_ =	shalt  }
0x61: {  	_ =	shalt  }
0x62: {  	_ =	shalt  }
0x63: {  	_ =	shalt  }
0x64: {  	_ =	shalt  }
0x65: {  	_ =	shalt  }
0x66: {  	_ =	shalt  }
0x67: {  	_ =	shalt  }
0x68: {  	_ =	shalt  }
0x69: {  	_ =	shalt  }
0x6a: {  	_ =	shalt  }
0x6b: {  	_ =	shalt  }
0x6c: {  	_ =	shalt  }
0x6d: {  	_ =	shalt  }
0x6e: {  	_ =	shalt  }
0x6f: {  	_ =	shalt  }
0x70: {  	_ =	shalt  }
0x71: {  	_ =	shalt  }
0x72: {  	_ =	shalt  }
0x73: {  	_ =	shalt  }
0x74: {  	_ =	shalt  }
0x75: {  	_ =	shalt  }
0x76: {  	_ =	shalt  }
0x77: {  	_ =	shalt  }
0x78: {  	_ =	shalt  }
0x79: {  	_ =	shalt  }
0x7a: {  	_ =	shalt  }
0x7b: {  	_ =	shalt  }
0x7c: {  	_ =	shalt  }
0x7d: {  	_ =	shalt  }
0x7e: {  	_ =	shalt  }
0x7f: {  	_ =	shalt  }
0x80: {  	_ =	shalt  }
0x81: {  	_ =	shalt  }
0x82: {  	_ =	shalt  }
0x83: {  	_ =	shalt  }
0x84: {  	_ =	shalt  }
0x85: {  	_ =	shalt  }
0x86: {  	_ =	shalt  }
0x87: {  	_ =	shalt  }
.Lfunc_end0:
.L_simem_size_0:
called_computation.2_lowered:
.L_overlay_start_0:
0x88: {  	s2 =	sld [smem:$0x3FD9]  }
0x89: {  	s3 =	sld [smem:$0x3FFE];
	_ =	sdelay $0x1  }
0x8a: {  	s1 =	srdreg.scid  }
0x8b: {  	s0 =	sand.u32 $0x1, s1  }
0x8c: {  	s17 =	sshll.u32 s0, $0xA;
	s2 =	sadd.s32 s3, s2  }
0x8d: {  	s2 =	sadd.s32 s2, s17  }
0x8e: {  	[smem:$0x3FB8] =	sst s2  }
0x8f: {  	_ = 	snop  }
0x90: {  	s2 =	sld [smem:$0x3FD0];
	(tm) =	ssettm $0x1  }
0x91: {  	s18 =	sld [smem:$0x3FFB];
	_ =	sdelay $0x3  }
0x92: {  	_ =	strace s18  }
0x93: {  	s3 =	sld [smem:$0x3FFC];
	_ =	sdelay $0x3  }
0x94: {  	_ =	strace s3  }
0x95: {  	s3 =	sld [smem:$0x3FFD];
	_ =	sdelay $0x3  }
0x96: {  	_ =	strace s3  }
0x97: {  	_ =	strace $0x8FFFFFFF  }
0x98: {  	s19 =	sld [smem:$0x3FDB];
	_ =	sdelay $0x1  }
0x99: {  	s4 =	simm.s32 $_scs_section_size  }
0x9a: {  	s5 =	simm.s32 $_size__tile_overlayer_lowered;
	s6 =	simm.s32 $_tile_overlayer_lowered  }
0x9b: {  	s22 =	simm.s32 $0x1BFF;
	s21 =	sshll.u32 s6, $0x1;
	s3 =	sadd.s32 s4, s19  }
0x9c: {  	s7 =	simm.s32 $0x0;
	s20 =	sshll.u32 s5, $0x1;
	s5 =	sadd.s32 s21, s3  }
0x9d: {  	[timem:s7], [sflag:s22] =	dma.local [hbm:s5], s20  }
0x9e: {  	_ =	swait.ge [sflag:s22], s20  }
0x9f: {  	s4 =	ssub.s32 $0x0, s20;
	[sflag:s22] =	ssyncset.done $0x0  }
0xa0: {  	[sflag:s22] =	ssyncadd.s32 s4;
	_ =	sdelay $0x1  }
0xa1: {  	s23 =	simm.s32 $0x1B8B  }
0xa2: {  	_ =	swait.ge [sflag:s23], $0x1  }
0xa3: {  	[sflag:s23] =	ssyncset.done $0x0  }
0xa4: {  	s25 =	simm.s32 $0x1B8E;
	s24 =	sld [smem:$0x3FFE];
	[sflag:s23] =	ssyncadd.s32 $0xFFFFFFFF  }
0xa5: {  	s26 =	simm.s32 $execute0_lowered;
	[smem:$0x3FD2] =	sst s25  }
0xa6: {  	s5 =	sshll.u32 s26, $0x1;
	_ =	strace $0x8000004C;
	[dreg:$0x1] =	wrdreg $0xFFFFFFFF  }
0xa7: {  	s28 =	simm.s32 $_size_execute0_lowered;
	s3 =	sadd.s32 s3, s5;
	[dreg:$0x0] =	wrdreg $0x0  }
0xa8: {  	s5 =	sshll.u32 s28, $0x1;
	[dreg:$0x2] =	wrdreg s3  }
0xa9: {  	[dreg:$0x3] =	wrdreg s5  }
0xaa: {  	[dreg:$0x4] =	wrdreg $0xC0  }
0xab: {  	_ =	task [dreg:s7], $0x5FFFF  }
0xac: {  	[dreg:$0x1] =	wrdreg $0xFFFFFFFF  }
0xad: {  	[dreg:$0x0] =	wrdreg $0x60  }
0xae: {  	[dreg:$0x2] =	wrdreg s24  }
0xaf: {  	[dreg:$0x3] =	wrdreg s2  }
0xb0: {  	[dreg:$0x4] =	wrdreg $0x0  }
0xb1: {  	[dreg:$0x5] =	wrdreg $0x9  }
0xb2: {  	_ =	task.clear_ibuf [dreg:s7], $0x6FFFF;
	_ =	strace $0x9000004C  }
0xb3: {  	s29 =	simm.s32 $0x9;
	_ =	strace $0x8000004E  }
0xb4: {  	_ =	swait.ge [sflag:s29], $0x1  }
0xb5: {  	[sflag:s29] =	ssyncadd.s32 $0xFFFFFFFF  }
0xb6: {  	_ =	strace $0x9000004E  }
0xb7: {  	_ =	sfence  }
0xb8: {  	s30 =	sld [smem:$0x0];
	_ =	sdelay $0x2  }
0xb9: {  	s31 =	sshll.u32 s1, $0xD;
	s1 =	sshrl.u32 s1, $0x2  }
0xba: {  	s3 =	sand.u32 $0x4000, s31;
	s1 =	sadd.s32 s1, s30  }
0xbb: {  	s0 =	sor.u32 s3, s0;
	s1 =	sshll.u32 s1, $0x11  }
0xbc: {  	s0 =	sor.u32 s1, s0  }
0xbd: {  	s0 =	sadd.s32 $0x8F2B, s0  }
0xbe: {  	[sflag:s0] =	ssyncadd.remote.s32 $0x1  }
0xbf: {  	_ =	sfence.sel $0xFFFF  }
0xc0: {  	[dreg:$0x0] =	wrdreg $0xFFFFFFFF;
	(pc) =	sbr.abs _section_cstart, $3  }
0xc1: {  	[dreg:$0x1] =	wrdreg $0xFFFFFFFF  }
0xc2: {  	_ =	task.clear_ibuf [dreg:s7], $0x2FFFF;
	_ =	strace $0x9FFFFFFF  }
0xc3: {  	(tm) =	ssettm $0x7FFFFFFF  }
tec
execute0_lowered:
.L_overlay_start_1:
0x0: {  	(tag) =	ssettag $0x1  }
0x1: {  	s0 =	rddreg [dreg:$0x0]  }
0x2: {  	s1 =	rddreg [dreg:$0x1];
	s3 =	srdreg.scid  }
0x3: {  	s2 =	rddreg [dreg:$0x2];
	s10 =	stileid.u32  }
0x4: {  	s4 =	simm.s32 $0x0;
	s28 =	simm.s32 $0x13D00;
	s6 =	smul.u32 $0x278, s10  }
0x5: {  	s29 =	simm.s32 $0x14080;
	s30 =	simm.s32 $0x13D80;
	s8 =	smul.u32 $0x4F000, s10  }
0x6: {  	s31 =	simm.s32 $0x14100;
	s3 =	sand.u32 $0x1, s3;
	s23 =	smul.u32 $0x500, s10  }
0x7: {  	[smem:$0x7FF] =	sst s4;
	s7 =	sadd.s32 $0x17800, s0;
	s5 =	smul.u32 $0x5000, s3  }
0x8: {  	_ =	strace $0x8000004D;
	[dreg:$0x4] =	wrdreg s7;
	s24 =	ssub.s32 $0x2, s3  }
0x9: {  	s3 =	smul.u32 $0x2780, s3;
	s9 =	sshrl.u32 s24, $0x1;
	s11 =	sadd.s32 $0x80, s6  }
0xa: {  	s8 =	sshrl.u32 s8, $0x2;
	s26 =	sadd.s32 $0x100, s6;
	s12 =	sadd.s32 $0x180, s6  }
0xb: {  	s13 =	sadd.s32 $0x200, s6;
	s5 =	sadd.s32 s5, s0;
	s0 =	sadd.s32 $0x18000, s0  }
0xc: {  	s7 =	ssub.s32 s24, s9;
	s25 =	sshll.u32 s11, $0x7;
	s14 =	sadd.s32 s8, s2  }
0xd: {  	s16 =	sshll.u32 s26, $0x7;
	s17 =	sshll.u32 s12, $0x7;
	s18 =	sshll.u32 s13, $0x7  }
0xe: {  	s6 =	sadd.s32 s6, s3;
	s19 =	sadd.s32 s3, s11;
	s8 =	sadd.s32 s3, s26  }
0xf: {  	s22 =	sadd.s32 s3, s12;
	s3 =	sadd.s32 s3, s13;
	s11 =	simm.s32 $0x14200  }
0x10: {  	s12 =	simm.s32 $0x13F00;
	s13 =	simm.s32 $0x14280;
	s15 =	sadd.s32 s25, s2  }
0x11: {  	s16 =	sadd.s32 s16, s2;
	s17 =	sadd.s32 s17, s2;
	s9 =	sadd.s32 s18, s2  }
0x12: {  	s6 =	sshll.u32 s6, $0x4;
	s20 =	sshll.u32 s19, $0x4;
	s21 =	sshll.u32 s8, $0x4  }
0x13: {  	s8 =	sshll.u32 s22, $0x4;
	s3 =	sshll.u32 s3, $0x4;
	s25 =	smax.u32 s7, $0x1  }
0x14: {  	s7 =	smov.u32 s14;
	s26 =	sadd.s32 s23, s5;
	s19 =	simm.s32 $0x14400  }
0x15: {  	s22 =	simm.s32 $0x14000;
	s23 =	simm.s32 $0x80;
	[dreg:$0x9] =	wrdreg s9  }
0x16: {  	s5 =	simm.s32 $0x13E80;
	s14 =	simm.s32 $0x13F80;
	[dreg:$0xf] =	wrdreg s25  }
0x17: {  	s6 =	sadd.s32 s0, s6;
	s10 =	smov.u32 s17;
	[dreg:$0x5] =	wrdreg s7  }
0x18: {  	s24 =	sadd.s32 s0, s8;
	s8 =	smov.u32 s15;
	[dreg:$0xa] =	wrdreg s6  }
0x19: {  	s9 =	smov.u32 s16;
	s17 =	sadd.s32 $0x3200, s26;
	[dreg:$0xd] =	wrdreg s24  }
0x1a: {  	s18 =	sadd.s32 $0xD200, s26;
	s25 =	simm.s32 $0x13C80;
	[dreg:$0x6] =	wrdreg s8  }
0x1b: {  	s26 =	simm.s32 $0x18400;
	s15 =	simm.s32 $0x14300;
	[dreg:$0x7] =	wrdreg s9  }
0x1c: {  	s16 =	simm.s32 $0x14380;
	s6 =	sadd.s32 s0, s20;
	[dreg:$0x8] =	wrdreg s10  }
0x1d: {  	s20 =	simm.s32 $0x2;
	[dreg:$0xb] =	wrdreg s6;
	s6 =	sadd.s32 s0, s21  }
0x1e: {  	s24 =	simm.s32 $0x1;
	s0 =	sadd.s32 s0, s3;
	[dreg:$0xc] =	wrdreg s6  }
0x1f: {  	s21 =	simm.s32 $0x13C00;
	[dreg:$0xe] =	wrdreg s0;
	s6 =	simm.s32 $0x0  }
0x20: {  	s3 =	simm.s32 $0x14180;
	s0 =	simm.s32 $0x13E00;
	[dreg:$0x10] =	wrdreg s6  }
.LBB2_1:
0x21: {  	s6 =	rddreg [dreg:$0x4]  }
0x22: {  	[tilespmem:s19], [sflag:$0x2] =	stream.linear.gather [hbm4b:s6+s4], $0x4000, $0x38;
	[tilespmem:$0x1C400] =	vst v63  }
0x23: {  	_ =	swait.ge [sflag:s20], $0x4000  }
0x24: {  	[sflag:s20] =	ssyncset.done $0x0  }
0x25: {  	[sflag:s20] =	ssyncadd.s32 $0xFFFFC000  }
0x26: {  	[spmem:s7] =	stream.linear.scatter [tilespmem:s19], [sflag:$0x2], $0x4000, $0x38;
	[tilespmem:$0x1C400] =	vst v63  }
0x27: {  	_ =	swait.ge [sflag:s20], $0x4000  }
0x28: {  	[sflag:s20] =	ssyncset.done $0x0  }
0x29: {  	[sflag:s20] =	ssyncadd.s32 $0xFFFFC000  }
0x2a: {  	[spmem:s8] =	stream.linear.scatter [tilespmem:s19], [sflag:$0x2], $0x4000, $0x38;
	[tilespmem:$0x1C400] =	vst v63  }
0x2b: {  	_ =	swait.ge [sflag:s20], $0x4000  }
0x2c: {  	[sflag:s20] =	ssyncset.done $0x0  }
0x2d: {  	[sflag:s20] =	ssyncadd.s32 $0xFFFFC000  }
0x2e: {  	[spmem:s9] =	stream.linear.scatter [tilespmem:s19], [sflag:$0x2], $0x4000, $0x38;
	[tilespmem:$0x1C400] =	vst v63  }
0x2f: {  	_ =	swait.ge [sflag:s20], $0x4000  }
0x30: {  	[sflag:s20] =	ssyncset.done $0x0  }
0x31: {  	[sflag:s20] =	ssyncadd.s32 $0xFFFFC000  }
0x32: {  	[spmem:s10] =	stream.linear.scatter [tilespmem:s19], [sflag:$0x2], $0x4000, $0x38;
	[tilespmem:$0x1C400] =	vst v63  }
0x33: {  	_ =	swait.ge [sflag:s20], $0x4000  }
0x34: {  	[sflag:s20] =	ssyncset.done $0x0  }
0x35: {  	s8 =	rddreg [dreg:$0x9];
	[sflag:s20] =	ssyncadd.s32 $0xFFFFC000  }
0x36: {  	[spmem:s8] =	stream.linear.scatter [tilespmem:s19], [sflag:$0x2], $0x3C00, $0x38;
	[tilespmem:$0x1C400] =	vst v63  }
0x37: {  	_ =	swait.ge [sflag:s20], $0x3C00  }
0x38: {  	[sflag:s20] =	ssyncset.done $0x0  }
0x39: {  	[sflag:s20] =	ssyncadd.s32 $0xFFFFC400  }
0x3a: {  	s9 =	sadd.s32 $0x0, s18;
	[bflag:$0x0] =	sbarrier.arrive $0xFFFF  }
0x3b: {  	[tilespmem:s21], [sflag:$0x2] =	stream.linear.gather [hbm4b:s9+s4], $0x400, $0x38;
	[tilespmem:$0x1C400] =	vst v63  }
0x3c: {  	_ =	swait.ge [sflag:s20], $0x400  }
0x3d: {  	[sflag:s20] =	ssyncset.done $0x0  }
0x3e: {  	s10 =	sadd.s32 $0x0, s17;
	[sflag:s20] =	ssyncadd.s32 $0xFFFFFC00  }
0x3f: {  	[tilespmem:s22], [sflag:$0x2] =	stream.linear.gather [hbm4b:s10+s4], $0x400, $0x38;
	[tilespmem:$0x1C400] =	vst v63  }
0x40: {  	_ =	swait.ge [sflag:s20], $0x400  }
0x41: {  	[sflag:s20] =	ssyncset.done $0x0  }
0x42: {  	[sflag:s20] =	ssyncadd.s32 $0xFFFFFC00  }
0x43: {  	[tilespmem:s19], [sflag:$0x1] =	stream.indirect.gather [hbm4b:s1+s23], $0x80, s21, s23, $0xb8;
	[tilespmem:$0x1C400] =	vst v63  }
0x44: {  	_ =	swait.ge [sflag:s24], $0x4000  }
0x45: {  	[sflag:s24] =	ssyncset.done $0x0  }
0x46: {  	[sflag:s24] =	ssyncadd.s32 $0xFFFFC000  }
0x47: {  	[tilespmem:s26], [sflag:$0x1] =	stream.indirect.gather [hbm4b:s1+s23], $0x80, s25, s23, $0xb8;
	[tilespmem:$0x1C400] =	vst v63  }
0x48: {  	_ = 	snop  }
0x49: {  	[spmem:s2] =	stream.indirect.scatter.add.f32 [tilespmem:s19], [sflag:$0x2], $0x80, s22, s23, $0xb8;
	[tilespmem:$0x1C400] =	vst v63  }
0x4a: {  	_ =	swait.ge [sflag:s20], $0x4000  }
0x4b: {  	[sflag:s20] =	ssyncset.done $0x0  }
0x4c: {  	[sflag:s20] =	ssyncadd.s32 $0xFFFFC000  }
0x4d: {  	_ =	swait.ge [sflag:s24], $0x4000  }
0x4e: {  	[sflag:s24] =	ssyncset.done $0x0  }
0x4f: {  	[sflag:s24] =	ssyncadd.s32 $0xFFFFC000  }
0x50: {  	[tilespmem:s19], [sflag:$0x1] =	stream.indirect.gather [hbm4b:s1+s23], $0x80, s28, s23, $0xb8;
	[tilespmem:$0x1C400] =	vst v63  }
0x51: {  	_ = 	snop  }
0x52: {  	[spmem:s2] =	stream.indirect.scatter.add.f32 [tilespmem:s26], [sflag:$0x2], $0x80, s29, s23, $0xb8;
	[tilespmem:$0x1C400] =	vst v63  }
0x53: {  	_ =	swait.ge [sflag:s20], $0x4000  }
0x54: {  	[sflag:s20] =	ssyncset.done $0x0  }
0x55: {  	[sflag:s20] =	ssyncadd.s32 $0xFFFFC000  }
0x56: {  	_ =	swait.ge [sflag:s24], $0x4000  }
0x57: {  	[sflag:s24] =	ssyncset.done $0x0  }
0x58: {  	[sflag:s24] =	ssyncadd.s32 $0xFFFFC000  }
0x59: {  	[tilespmem:s26], [sflag:$0x1] =	stream.indirect.gather [hbm4b:s1+s23], $0x80, s30, s23, $0xb8;
	[tilespmem:$0x1C400] =	vst v63  }
0x5a: {  	_ = 	snop  }
0x5b: {  	[spmem:s2] =	stream.indirect.scatter.add.f32 [tilespmem:s19], [sflag:$0x2], $0x80, s31, s23, $0xb8;
	[tilespmem:$0x1C400] =	vst v63  }
0x5c: {  	_ =	swait.ge [sflag:s20], $0x4000  }
0x5d: {  	[sflag:s20] =	ssyncset.done $0x0  }
0x5e: {  	[sflag:s20] =	ssyncadd.s32 $0xFFFFC000  }
0x5f: {  	_ =	swait.ge [sflag:s24], $0x4000  }
0x60: {  	[sflag:s24] =	ssyncset.done $0x0  }
0x61: {  	[sflag:s24] =	ssyncadd.s32 $0xFFFFC000  }
0x62: {  	[tilespmem:s19], [sflag:$0x1] =	stream.indirect.gather [hbm4b:s1+s23], $0x80, s0, s23, $0xb8;
	[tilespmem:$0x1C400] =	vst v63  }
0x63: {  	_ = 	snop  }
0x64: {  	[spmem:s2] =	stream.indirect.scatter.add.f32 [tilespmem:s26], [sflag:$0x2], $0x80, s3, s23, $0xb8;
	[tilespmem:$0x1C400] =	vst v63  }
0x65: {  	_ =	swait.ge [sflag:s20], $0x4000  }
0x66: {  	[sflag:s20] =	ssyncset.done $0x0  }
0x67: {  	[sflag:s20] =	ssyncadd.s32 $0xFFFFC000  }
0x68: {  	_ =	swait.ge [sflag:s24], $0x4000  }
0x69: {  	[sflag:s24] =	ssyncset.done $0x0  }
0x6a: {  	[sflag:s24] =	ssyncadd.s32 $0xFFFFC000  }
0x6b: {  	[tilespmem:s26], [sflag:$0x1] =	stream.indirect.gather [hbm4b:s1+s23], $0x80, s5, s23, $0xb8;
	[tilespmem:$0x1C400] =	vst v63  }
0x6c: {  	_ = 	snop  }
0x6d: {  	[spmem:s2] =	stream.indirect.scatter.add.f32 [tilespmem:s19], [sflag:$0x2], $0x80, s11, s23, $0xb8;
	[tilespmem:$0x1C400] =	vst v63  }
0x6e: {  	_ =	swait.ge [sflag:s20], $0x4000  }
0x6f: {  	[sflag:s20] =	ssyncset.done $0x0  }
0x70: {  	[sflag:s20] =	ssyncadd.s32 $0xFFFFC000  }
0x71: {  	_ =	swait.ge [sflag:s24], $0x4000  }
0x72: {  	[sflag:s24] =	ssyncset.done $0x0  }
0x73: {  	[sflag:s24] =	ssyncadd.s32 $0xFFFFC000  }
0x74: {  	[tilespmem:s19], [sflag:$0x1] =	stream.indirect.gather [hbm4b:s1+s23], $0x80, s12, s23, $0xb8;
	[tilespmem:$0x1C400] =	vst v63  }
0x75: {  	_ = 	snop  }
0x76: {  	[spmem:s2] =	stream.indirect.scatter.add.f32 [tilespmem:s26], [sflag:$0x2], $0x80, s13, s23, $0xb8;
	[tilespmem:$0x1C400] =	vst v63  }
0x77: {  	_ =	swait.ge [sflag:s20], $0x4000  }
0x78: {  	[sflag:s20] =	ssyncset.done $0x0  }
0x79: {  	[sflag:s20] =	ssyncadd.s32 $0xFFFFC000  }
0x7a: {  	_ =	swait.ge [sflag:s24], $0x4000  }
0x7b: {  	[sflag:s24] =	ssyncset.done $0x0  }
0x7c: {  	[sflag:s24] =	ssyncadd.s32 $0xFFFFC000  }
0x7d: {  	[tilespmem:s26], [sflag:$0x1] =	stream.indirect.gather [hbm4b:s1+s23], $0x80, s14, s23, $0xb8;
	[tilespmem:$0x1C400] =	vst v63  }
0x7e: {  	_ = 	snop  }
0x7f: {  	[spmem:s2] =	stream.indirect.scatter.add.f32 [tilespmem:s19], [sflag:$0x2], $0x80, s15, s23, $0xb8;
	[tilespmem:$0x1C400] =	vst v63  }
0x80: {  	_ =	swait.ge [sflag:s20], $0x4000  }
0x81: {  	[sflag:s20] =	ssyncset.done $0x0  }
0x82: {  	[sflag:s20] =	ssyncadd.s32 $0xFFFFC000  }
0x83: {  	_ =	swait.ge [sflag:s24], $0x4000  }
0x84: {  	[sflag:s24] =	ssyncset.done $0x0  }
0x85: {  	[sflag:s24] =	ssyncadd.s32 $0xFFFFC000  }
0x86: {  	[spmem:s2] =	stream.indirect.scatter.add.f32 [tilespmem:s26], [sflag:$0x2], $0x80, s16, s23, $0xb8;
	[tilespmem:$0x1C400] =	vst v63  }
0x87: {  	_ =	swait.ge [sflag:s20], $0x4000  }
0x88: {  	s7 =	simm.s32 $0x80;
	s8 =	simm.s32 $0x100;
	[sflag:s20] =	ssyncset.done $0x0  }
.LBB2_2:
0x89: {  	s10 =	sadd.s32 s7, s18  }
0x8a: {  	[sflag:s20] =	ssyncadd.s32 $0xFFFFC000;
	s6 =	smov.u32 s8;
	s9 =	sadd.s32 $0x80, s8  }
0x8b: {  	[tilespmem:s21], [sflag:$0x2] =	stream.linear.gather [hbm4b:s10+s4], $0x400, $0x38;
	[tilespmem:$0x1C400] =	vst v63  }
0x8c: {  	p0 =	sne.s32 s8, $0x480;
	_ =	swait.ge [sflag:s20], $0x400  }
0x8d: {  	[sflag:s20] =	ssyncset.done $0x0  }
0x8e: {  	s8 =	sadd.s32 s7, s17;
	s7 =	smov.u32 s6;
	[sflag:s20] =	ssyncadd.s32 $0xFFFFFC00  }
0x8f: {  	[tilespmem:s22], [sflag:$0x2] =	stream.linear.gather [hbm4b:s8+s4], $0x400, $0x38;
	[tilespmem:$0x1C400] =	vst v63  }
0x90: {  	_ =	swait.ge [sflag:s20], $0x400  }
0x91: {  	[sflag:s20] =	ssyncset.done $0x0  }
0x92: {  	[sflag:s20] =	ssyncadd.s32 $0xFFFFFC00  }
0x93: {  	[tilespmem:s19], [sflag:$0x1] =	stream.indirect.gather [hbm4b:s1+s23], $0x80, s21, s23, $0xb8;
	[tilespmem:$0x1C400] =	vst v63  }
0x94: {  	_ =	swait.ge [sflag:s24], $0x4000  }
0x95: {  	[sflag:s24] =	ssyncset.done $0x0  }
0x96: {  	[sflag:s24] =	ssyncadd.s32 $0xFFFFC000  }
0x97: {  	[tilespmem:s26], [sflag:$0x1] =	stream.indirect.gather [hbm4b:s1+s23], $0x80, s25, s23, $0xb8;
	[tilespmem:$0x1C400] =	vst v63  }
0x98: {  	_ = 	snop  }
0x99: {  	[spmem:s2] =	stream.indirect.scatter.add.f32 [tilespmem:s19], [sflag:$0x2], $0x80, s22, s23, $0xb8;
	[tilespmem:$0x1C400] =	vst v63  }
0x9a: {  	_ =	swait.ge [sflag:s20], $0x4000  }
0x9b: {  	[sflag:s20] =	ssyncset.done $0x0  }
0x9c: {  	[sflag:s20] =	ssyncadd.s32 $0xFFFFC000  }
0x9d: {  	_ =	swait.ge [sflag:s24], $0x4000  }
0x9e: {  	[sflag:s24] =	ssyncset.done $0x0  }
0x9f: {  	[sflag:s24] =	ssyncadd.s32 $0xFFFFC000  }
0xa0: {  	[tilespmem:s19], [sflag:$0x1] =	stream.indirect.gather [hbm4b:s1+s23], $0x80, s28, s23, $0xb8;
	[tilespmem:$0x1C400] =	vst v63  }
0xa1: {  	_ = 	snop  }
0xa2: {  	[spmem:s2] =	stream.indirect.scatter.add.f32 [tilespmem:s26], [sflag:$0x2], $0x80, s29, s23, $0xb8;
	[tilespmem:$0x1C400] =	vst v63  }
0xa3: {  	_ =	swait.ge [sflag:s20], $0x4000  }
0xa4: {  	[sflag:s20] =	ssyncset.done $0x0  }
0xa5: {  	[sflag:s20] =	ssyncadd.s32 $0xFFFFC000  }
0xa6: {  	_ =	swait.ge [sflag:s24], $0x4000  }
0xa7: {  	[sflag:s24] =	ssyncset.done $0x0  }
0xa8: {  	[sflag:s24] =	ssyncadd.s32 $0xFFFFC000  }
0xa9: {  	[tilespmem:s26], [sflag:$0x1] =	stream.indirect.gather [hbm4b:s1+s23], $0x80, s30, s23, $0xb8;
	[tilespmem:$0x1C400] =	vst v63  }
0xaa: {  	_ = 	snop  }
0xab: {  	[spmem:s2] =	stream.indirect.scatter.add.f32 [tilespmem:s19], [sflag:$0x2], $0x80, s31, s23, $0xb8;
	[tilespmem:$0x1C400] =	vst v63  }
0xac: {  	_ =	swait.ge [sflag:s20], $0x4000  }
0xad: {  	[sflag:s20] =	ssyncset.done $0x0  }
0xae: {  	[sflag:s20] =	ssyncadd.s32 $0xFFFFC000  }
0xaf: {  	_ =	swait.ge [sflag:s24], $0x4000  }
0xb0: {  	[sflag:s24] =	ssyncset.done $0x0  }
0xb1: {  	[sflag:s24] =	ssyncadd.s32 $0xFFFFC000  }
0xb2: {  	[tilespmem:s19], [sflag:$0x1] =	stream.indirect.gather [hbm4b:s1+s23], $0x80, s0, s23, $0xb8;
	[tilespmem:$0x1C400] =	vst v63  }
0xb3: {  	_ = 	snop  }
0xb4: {  	[spmem:s2] =	stream.indirect.scatter.add.f32 [tilespmem:s26], [sflag:$0x2], $0x80, s3, s23, $0xb8;
	[tilespmem:$0x1C400] =	vst v63  }
0xb5: {  	_ =	swait.ge [sflag:s20], $0x4000  }
0xb6: {  	[sflag:s20] =	ssyncset.done $0x0  }
0xb7: {  	[sflag:s20] =	ssyncadd.s32 $0xFFFFC000  }
0xb8: {  	_ =	swait.ge [sflag:s24], $0x4000  }
0xb9: {  	[sflag:s24] =	ssyncset.done $0x0  }
0xba: {  	[sflag:s24] =	ssyncadd.s32 $0xFFFFC000  }
0xbb: {  	[tilespmem:s26], [sflag:$0x1] =	stream.indirect.gather [hbm4b:s1+s23], $0x80, s5, s23, $0xb8;
	[tilespmem:$0x1C400] =	vst v63  }
0xbc: {  	_ = 	snop  }
0xbd: {  	[spmem:s2] =	stream.indirect.scatter.add.f32 [tilespmem:s19], [sflag:$0x2], $0x80, s11, s23, $0xb8;
	[tilespmem:$0x1C400] =	vst v63  }
0xbe: {  	_ =	swait.ge [sflag:s20], $0x4000  }
0xbf: {  	[sflag:s20] =	ssyncset.done $0x0  }
0xc0: {  	[sflag:s20] =	ssyncadd.s32 $0xFFFFC000  }
0xc1: {  	_ =	swait.ge [sflag:s24], $0x4000  }
0xc2: {  	[sflag:s24] =	ssyncset.done $0x0  }
0xc3: {  	[sflag:s24] =	ssyncadd.s32 $0xFFFFC000  }
0xc4: {  	[tilespmem:s19], [sflag:$0x1] =	stream.indirect.gather [hbm4b:s1+s23], $0x80, s12, s23, $0xb8;
	[tilespmem:$0x1C400] =	vst v63  }
0xc5: {  	_ = 	snop  }
0xc6: {  	[spmem:s2] =	stream.indirect.scatter.add.f32 [tilespmem:s26], [sflag:$0x2], $0x80, s13, s23, $0xb8;
	[tilespmem:$0x1C400] =	vst v63  }
0xc7: {  	_ =	swait.ge [sflag:s20], $0x4000  }
0xc8: {  	[sflag:s20] =	ssyncset.done $0x0  }
0xc9: {  	[sflag:s20] =	ssyncadd.s32 $0xFFFFC000  }
0xca: {  	_ =	swait.ge [sflag:s24], $0x4000  }
0xcb: {  	[sflag:s24] =	ssyncset.done $0x0  }
0xcc: {  	[sflag:s24] =	ssyncadd.s32 $0xFFFFC000  }
0xcd: {  	[tilespmem:s26], [sflag:$0x1] =	stream.indirect.gather [hbm4b:s1+s23], $0x80, s14, s23, $0xb8;
	[tilespmem:$0x1C400] =	vst v63  }
0xce: {  	_ = 	snop  }
0xcf: {  	[spmem:s2] =	stream.indirect.scatter.add.f32 [tilespmem:s19], [sflag:$0x2], $0x80, s15, s23, $0xb8;
	[tilespmem:$0x1C400] =	vst v63  }
0xd0: {  	_ =	swait.ge [sflag:s20], $0x4000  }
0xd1: {  	[sflag:s20] =	ssyncset.done $0x0  }
0xd2: {  	[sflag:s20] =	ssyncadd.s32 $0xFFFFC000  }
0xd3: {  	_ =	swait.ge [sflag:s24], $0x4000  }
.Ltmp0:
0xd4: {  	[sflag:s24] =	ssyncset.done $0x0;
	(pc) =	sbr.rel @p0 .LBB2_2-.Ltmp0, $4  }
0xd5: {  	[sflag:s24] =	ssyncadd.s32 $0xFFFFC000  }
0xd6: {  	[spmem:s2] =	stream.indirect.scatter.add.f32 [tilespmem:s26], [sflag:$0x2], $0x80, s16, s23, $0xb8;
	[tilespmem:$0x1C400] =	vst v63  }
0xd7: {  	_ =	swait.ge [sflag:s20], $0x4000  }
0xd8: {  	s8 =	smov.u32 s9;
	[sflag:s20] =	ssyncset.done $0x0  }
0xd9: {  	s6 =	sadd.s32 s7, s18;
	[sflag:s20] =	ssyncadd.s32 $0xFFFFC000  }
0xda: {  	[tilespmem:s21], [sflag:$0x2] =	stream.linear.gather [hbm4b:s6+s4], $0x400, $0x38;
	[tilespmem:$0x1C400] =	vst v63  }
0xdb: {  	_ =	swait.ge [sflag:s20], $0x400  }
0xdc: {  	[sflag:s20] =	ssyncset.done $0x0  }
0xdd: {  	s10 =	sadd.s32 s7, s17;
	[sflag:s20] =	ssyncadd.s32 $0xFFFFFC00  }
0xde: {  	[tilespmem:s22], [sflag:$0x2] =	stream.linear.gather [hbm4b:s10+s4], $0x400, $0x38;
	[tilespmem:$0x1C400] =	vst v63  }
0xdf: {  	_ =	swait.ge [sflag:s20], $0x400  }
0xe0: {  	[sflag:s20] =	ssyncset.done $0x0  }
0xe1: {  	[sflag:s20] =	ssyncadd.s32 $0xFFFFFC00  }
0xe2: {  	[tilespmem:s19], [sflag:$0x1] =	stream.indirect.gather [hbm4b:s1+s23], $0x80, s21, s23, $0xb8;
	[tilespmem:$0x1C400] =	vst v63  }
0xe3: {  	_ =	swait.ge [sflag:s24], $0x4000  }
0xe4: {  	[sflag:s24] =	ssyncset.done $0x0  }
0xe5: {  	[sflag:s24] =	ssyncadd.s32 $0xFFFFC000  }
0xe6: {  	[tilespmem:s26], [sflag:$0x1] =	stream.indirect.gather [hbm4b:s1+s23], $0x80, s25, s23, $0xb8;
	[tilespmem:$0x1C400] =	vst v63  }
0xe7: {  	_ = 	snop  }
0xe8: {  	[spmem:s2] =	stream.indirect.scatter.add.f32 [tilespmem:s19], [sflag:$0x2], $0x80, s22, s23, $0xb8;
	[tilespmem:$0x1C400] =	vst v63  }
0xe9: {  	_ =	swait.ge [sflag:s20], $0x4000  }
0xea: {  	[sflag:s20] =	ssyncset.done $0x0  }
0xeb: {  	[sflag:s20] =	ssyncadd.s32 $0xFFFFC000  }
0xec: {  	_ =	swait.ge [sflag:s24], $0x4000  }
0xed: {  	[sflag:s24] =	ssyncset.done $0x0  }
0xee: {  	[sflag:s24] =	ssyncadd.s32 $0xFFFFC000  }
0xef: {  	[tilespmem:s19], [sflag:$0x1] =	stream.indirect.gather [hbm4b:s1+s23], $0x80, s28, s23, $0xb8;
	[tilespmem:$0x1C400] =	vst v63  }
0xf0: {  	_ = 	snop  }
0xf1: {  	[spmem:s2] =	stream.indirect.scatter.add.f32 [tilespmem:s26], [sflag:$0x2], $0x80, s29, s23, $0xb8;
	[tilespmem:$0x1C400] =	vst v63  }
0xf2: {  	_ =	swait.ge [sflag:s20], $0x4000  }
0xf3: {  	[sflag:s20] =	ssyncset.done $0x0  }
0xf4: {  	[sflag:s20] =	ssyncadd.s32 $0xFFFFC000  }
0xf5: {  	_ =	swait.ge [sflag:s24], $0x4000  }
0xf6: {  	[sflag:s24] =	ssyncset.done $0x0  }
0xf7: {  	[sflag:s24] =	ssyncadd.s32 $0xFFFFC000  }
0xf8: {  	[tilespmem:s26], [sflag:$0x1] =	stream.indirect.gather [hbm4b:s1+s23], $0x80, s30, s23, $0xb8;
	[tilespmem:$0x1C400] =	vst v63  }
0xf9: {  	_ = 	snop  }
0xfa: {  	[spmem:s2] =	stream.indirect.scatter.add.f32 [tilespmem:s19], [sflag:$0x2], $0x80, s31, s23, $0xb8;
	[tilespmem:$0x1C400] =	vst v63  }
0xfb: {  	_ =	swait.ge [sflag:s20], $0x4000  }
0xfc: {  	[sflag:s20] =	ssyncset.done $0x0  }
0xfd: {  	[sflag:s20] =	ssyncadd.s32 $0xFFFFC000  }
0xfe: {  	_ =	swait.ge [sflag:s24], $0x4000  }
0xff: {  	[sflag:s24] =	ssyncset.done $0x0  }
0x100: {  	[sflag:s24] =	ssyncadd.s32 $0xFFFFC000  }
0x101: {  	[tilespmem:s19], [sflag:$0x1] =	stream.indirect.gather [hbm4b:s1+s23], $0x80, s0, s23, $0xb8;
	[tilespmem:$0x1C400] =	vst v63  }
0x102: {  	_ = 	snop  }
0x103: {  	[spmem:s2] =	stream.indirect.scatter.add.f32 [tilespmem:s26], [sflag:$0x2], $0x80, s3, s23, $0xb8;
	[tilespmem:$0x1C400] =	vst v63  }
0x104: {  	_ =	swait.ge [sflag:s20], $0x4000  }
0x105: {  	[sflag:s20] =	ssyncset.done $0x0  }
0x106: {  	[sflag:s20] =	ssyncadd.s32 $0xFFFFC000  }
0x107: {  	_ =	swait.ge [sflag:s24], $0x4000  }
0x108: {  	[sflag:s24] =	ssyncset.done $0x0  }
0x109: {  	[sflag:s24] =	ssyncadd.s32 $0xFFFFC000  }
0x10a: {  	[tilespmem:s26], [sflag:$0x1] =	stream.indirect.gather [hbm4b:s1+s23], $0x80, s5, s23, $0xb8;
	[tilespmem:$0x1C400] =	vst v63  }
0x10b: {  	_ = 	snop  }
0x10c: {  	[spmem:s2] =	stream.indirect.scatter.add.f32 [tilespmem:s19], [sflag:$0x2], $0x80, s11, s23, $0xb8;
	[tilespmem:$0x1C400] =	vst v63  }
0x10d: {  	_ =	swait.ge [sflag:s20], $0x4000  }
0x10e: {  	[sflag:s20] =	ssyncset.done $0x0  }
0x10f: {  	[sflag:s20] =	ssyncadd.s32 $0xFFFFC000  }
0x110: {  	_ =	swait.ge [sflag:s24], $0x4000  }
0x111: {  	[sflag:s24] =	ssyncset.done $0x0  }
0x112: {  	[sflag:s24] =	ssyncadd.s32 $0xFFFFC000  }
0x113: {  	[tilespmem:s19], [sflag:$0x1] =	stream.indirect.gather [hbm4b:s1+s23], $0x80, s12, s23, $0xb8;
	[tilespmem:$0x1C400] =	vst v63  }
0x114: {  	_ = 	snop  }
0x115: {  	[spmem:s2] =	stream.indirect.scatter.add.f32 [tilespmem:s26], [sflag:$0x2], $0x80, s13, s23, $0xb8;
	[tilespmem:$0x1C400] =	vst v63  }
0x116: {  	_ =	swait.ge [sflag:s20], $0x4000  }
0x117: {  	[sflag:s20] =	ssyncset.done $0x0  }
0x118: {  	[sflag:s20] =	ssyncadd.s32 $0xFFFFC000  }
0x119: {  	_ =	swait.ge [sflag:s24], $0x4000  }
0x11a: {  	[sflag:s24] =	ssyncset.done $0x0  }
0x11b: {  	[sflag:s24] =	ssyncadd.s32 $0xFFFFC000  }
0x11c: {  	[tilespmem:s26], [sflag:$0x1] =	stream.indirect.gather [hbm4b:s1+s23], $0x80, s14, s23, $0xb8;
	[tilespmem:$0x1C400] =	vst v63  }
0x11d: {  	_ = 	snop  }
0x11e: {  	[spmem:s2] =	stream.indirect.scatter.add.f32 [tilespmem:s19], [sflag:$0x2], $0x80, s15, s23, $0xb8;
	[tilespmem:$0x1C400] =	vst v63  }
0x11f: {  	_ =	swait.ge [sflag:s20], $0x4000  }
0x120: {  	[sflag:s20] =	ssyncset.done $0x0  }
0x121: {  	[sflag:s20] =	ssyncadd.s32 $0xFFFFC000  }
0x122: {  	_ =	swait.ge [sflag:s24], $0x4000  }
0x123: {  	[sflag:s24] =	ssyncset.done $0x0  }
0x124: {  	[sflag:s24] =	ssyncadd.s32 $0xFFFFC000  }
0x125: {  	[spmem:s2] =	stream.indirect.scatter.add.f32 [tilespmem:s26], [sflag:$0x2], $0x80, s16, s23, $0xb8;
	[tilespmem:$0x1C400] =	vst v63  }
0x126: {  	_ =	swait.ge [sflag:s20], $0x4000  }
0x127: {  	[sflag:s20] =	ssyncset.done $0x0  }
0x128: {  	[sflag:s20] =	ssyncadd.s32 $0xFFFFC000  }
0x129: {  	[bflag:$0x0] =	sbarrier.arrive $0xFFFF  }
0x12a: {  	s7 =	rddreg [dreg:$0x5]  }
0x12b: {  	[tilespmem:s19], [sflag:$0x2] =	stream.linear.gather [spmem:s7], $0x4000, $0x38;
	[tilespmem:$0x1C400] =	vst v63  }
0x12c: {  	_ =	swait.ge [sflag:s20], $0x4000  }
0x12d: {  	[sflag:s20] =	ssyncset.done $0x0  }
0x12e: {  	s8 =	rddreg [dreg:$0xa];
	[sflag:s20] =	ssyncadd.s32 $0xFFFFC000  }
0x12f: {  	[hbm4b:s8+s4] =	stream.linear.scatter [tilespmem:s19], [sflag:$0x2], $0x4000, $0x38;
	[tilespmem:$0x1C400] =	vst v63  }
0x130: {  	_ =	swait.ge [sflag:s20], $0x4000  }
0x131: {  	[sflag:s20] =	ssyncset.done $0x0  }
0x132: {  	s8 =	rddreg [dreg:$0x6];
	[sflag:s20] =	ssyncadd.s32 $0xFFFFC000  }
0x133: {  	[tilespmem:s19], [sflag:$0x2] =	stream.linear.gather [spmem:s8], $0x4000, $0x38;
	[tilespmem:$0x1C400] =	vst v63  }
0x134: {  	_ =	swait.ge [sflag:s20], $0x4000  }
0x135: {  	[sflag:s20] =	ssyncset.done $0x0  }
0x136: {  	s9 =	rddreg [dreg:$0xb];
	[sflag:s20] =	ssyncadd.s32 $0xFFFFC000  }
0x137: {  	[hbm4b:s9+s4] =	stream.linear.scatter [tilespmem:s19], [sflag:$0x2], $0x4000, $0x38;
	[tilespmem:$0x1C400] =	vst v63  }
0x138: {  	_ =	swait.ge [sflag:s20], $0x4000  }
0x139: {  	[sflag:s20] =	ssyncset.done $0x0  }
0x13a: {  	s9 =	rddreg [dreg:$0x7];
	[sflag:s20] =	ssyncadd.s32 $0xFFFFC000  }
0x13b: {  	[tilespmem:s19], [sflag:$0x2] =	stream.linear.gather [spmem:s9], $0x4000, $0x38;
	[tilespmem:$0x1C400] =	vst v63  }
0x13c: {  	_ =	swait.ge [sflag:s20], $0x4000  }
0x13d: {  	[sflag:s20] =	ssyncset.done $0x0  }
0x13e: {  	s10 =	rddreg [dreg:$0xc];
	[sflag:s20] =	ssyncadd.s32 $0xFFFFC000  }
0x13f: {  	[hbm4b:s10+s4] =	stream.linear.scatter [tilespmem:s19], [sflag:$0x2], $0x4000, $0x38;
	[tilespmem:$0x1C400] =	vst v63  }
0x140: {  	_ =	swait.ge [sflag:s20], $0x4000  }
0x141: {  	[sflag:s20] =	ssyncset.done $0x0  }
0x142: {  	s10 =	rddreg [dreg:$0x8];
	[sflag:s20] =	ssyncadd.s32 $0xFFFFC000  }
0x143: {  	[tilespmem:s19], [sflag:$0x2] =	stream.linear.gather [spmem:s10], $0x4000, $0x38;
	[tilespmem:$0x1C400] =	vst v63  }
0x144: {  	_ =	swait.ge [sflag:s20], $0x4000  }
0x145: {  	[sflag:s20] =	ssyncset.done $0x0  }
0x146: {  	s7 =	rddreg [dreg:$0xd];
	[sflag:s20] =	ssyncadd.s32 $0xFFFFC000  }
0x147: {  	[hbm4b:s7+s4] =	stream.linear.scatter [tilespmem:s19], [sflag:$0x2], $0x4000, $0x38;
	[tilespmem:$0x1C400] =	vst v63  }
0x148: {  	_ =	swait.ge [sflag:s20], $0x4000  }
0x149: {  	[sflag:s20] =	ssyncset.done $0x0  }
0x14a: {  	s7 =	rddreg [dreg:$0x9];
	[sflag:s20] =	ssyncadd.s32 $0xFFFFC000  }
0x14b: {  	[tilespmem:s19], [sflag:$0x2] =	stream.linear.gather [spmem:s7], $0x3C00, $0x38;
	[tilespmem:$0x1C400] =	vst v63  }
0x14c: {  	_ =	swait.ge [sflag:s20], $0x3C00  }
0x14d: {  	[sflag:s20] =	ssyncset.done $0x0  }
0x14e: {  	s7 =	rddreg [dreg:$0xe];
	[sflag:s20] =	ssyncadd.s32 $0xFFFFC400  }
0x14f: {  	[hbm4b:s7+s4] =	stream.linear.scatter [tilespmem:s19], [sflag:$0x2], $0x3C00, $0x38;
	[tilespmem:$0x1C400] =	vst v63  }
0x150: {  	_ =	swait.ge [sflag:s20], $0x3C00  }
0x151: {  	s6 =	rddreg [dreg:$0x10]  }
0x152: {  	s7 =	sadd.s32 $0x1, s6;
	s6 =	rddreg [dreg:$0xf]  }
0x153: {  	p0 =	sne.s32 s7, s6  }
.Ltmp1:
0x154: {  	_ = 	snop;
	(pc) =	sbr.rel @p0 .LBB2_1-.Ltmp1, $3  }
0x155: {  	_ =	sdelay $0x1  }
0x156: {  	[sflag:s20] =	ssyncset.done $0x0;
	[dreg:$0x10] =	wrdreg s7  }
0x157: {  	[sflag:s20] =	ssyncadd.s32 $0xFFFFC400;
	s7 =	rddreg [dreg:$0x5]  }
0x158: {  	_ =	sfence.sel $0x180000  }
0x159: {  	[bflag:$0x0] =	sbarrier.arrive $0xFFFF  }
0x15a: {  	_ =	strace $0x9000004D  }
0x15b: {  	s0 =	stileid.u32;
	[bflag:$0x2] =	sbarrier.arrive $0xFFFF  }
0x15c: {  	p0 =	sne.s32 s0, $0x0;
	s0 =	rddreg [dreg:$0x3]  }
0x15d: {  	s0 =	sadd.s32 @!p0 $0x100000, s0  }
0x15e: {  	[sflag:s0] =	ssyncadd.tile.s32 @!p0 $0x1;
	_ =	shalt  }
.Lfunc_end2:
_tile_overlayer_lowered:
.L_overlay_start_2:
0x15f: {  	(tag) =	ssettag $0x2  }
0x160: {  	s0 =	rddreg [dreg:$0x0];
	s2 =	stileid.u32  }
0x161: {  	s1 =	rddreg [dreg:$0x1];
	p0 =	sne.s32 s2, $0x0  }
0x162: {  	s3 =	rddreg [dreg:$0x2];
	[bflag:$0x3] =	sbarrier.arrive $0xFFFF;
	s2 =	simm.s32 @!p0 $0x1C02  }
0x163: {  	[timem:s3], [sflag:s2] =	dma.local @!p0 [hbm:s0], s1  }
0x164: {  	s0 =	simm.s32 @!p0 $0x2  }
0x165: {  	_ =	swait.ge @!p0 [sflag:s0], s1  }
0x166: {  	s1 =	ssub.s32 @!p0 $0x0, s1;
	[sflag:s0] =	ssyncset.done @!p0 $0x0  }
0x167: {  	[sflag:s0] =	ssyncadd.s32 @!p0 s1  }
0x168: {  	[bflag:$0x3] =	sbarrier.arrive $0xFFFF  }
0x169: {  	_ =	shalt  }

// kernel: kernel.7.cloned.1.call-start
scs
__scs_entry_jumppad:
0x0: {  	(pc) =	sbr.rel $0x88, $3  }
0x1: {  	(tag) =	ssettag $0x0;
	lr =	simm.s32 $0x1  }
0x2: {  	[smem:$0x3F91] =	sst lr;
	_ =	strace $0xD0000000  }
0x3: {  	_ = 	snop  }
0x4: {  	_ = 	snop  }
0x5: {  	_ = 	snop  }
0x6: {  	_ = 	snop  }
0x7: {  	_ = 	snop  }
__scs_overlays_trampoline_lowered:
0x8: {  	[smem:$0x3FA0] =	sst s0  }
0x9: {  	[smem:$0x3FA1] =	sst s1  }
0xa: {  	[smem:$0x3FA2] =	sst s2  }
0xb: {  	[smem:$0x3FA3] =	sst s3  }
0xc: {  	[smem:$0x3FA4] =	sst s4  }
0xd: {  	[smem:$0x3FA5] =	sst s5  }
0xe: {  	[smem:$0x3FA6] =	sst s6  }
0xf: {  	[smem:$0x3FA7] =	sst s7  }
0x10: {  	[smem:$0x3FA8] =	sst s8  }
0x11: {  	[smem:$0x3FA9] =	sst s9;
	s0 =	simm.s32 @!p0 $0x0  }
0x12: {  	s1 =	sld [smem:$0x3F8F];
	s0 =	simm.s32 @p0 $0x1  }
0x13: {  	[smem:$0x3FAA] =	sst s0;
	s0 =	simm.s32 @!p1 $0x0  }
0x14: {  	s2 =	sld [smem:$0x3F8E];
	s0 =	simm.s32 @p1 $0x1  }
0x15: {  	[smem:$0x3FAB] =	sst s0;
	s0 =	simm.s32 @!p2 $0x0  }
0x16: {  	s3 =	sld [smem:$0x3FDB];
	s0 =	simm.s32 @p2 $0x1  }
0x17: {  	s4 =	simm.s32 $0x1BF5;
	[smem:$0x3FAD] =	sst s0  }
0x18: {  	s0 =	sld [smem:$0x3F90];
	_ =	swait.ge [sflag:s4], $0x0  }
0x19: {  	s7 =	sld [smem:$0x3F91]  }
0x1a: {  	s8 =	sadd.s32 $0xFFFFE003, lr  }
0x1b: {  	s9 =	sadd.s32 $0xFFFFFEF7, lr;
	s5 =	simm.s32 $0xFFFFFFFF;
	p2 =	slt.u32 s8, $0xFFFFF086  }
0x1c: {  	p1 =	slt.u32 s9, $0xF7A;
	s5 =	simm.s32 @!p2 $0x0  }
0x1d: {  	s5 =	simm.s32 @p1 $0x1;
	p0 =	seq.s32 s7, s2  }
0x1e: {  	s7 =	smul.u32 @!p0 $0xF7A, s2;
	p2 =	seq.s32 @!p0 s5, $0x0  }
0x1f: {  	s9 =	smul.u32 $0xF7A, s1;
	s8 =	simm.s32 @!p0 $0x1BF5;
	p2 =	por !p2, p0  }
0x20: {  	[sflag:s8] =	ssyncset.s32 @!p0 $0xFFFFF086;
	s6 =	sadd.s32 @!p0 s3, s7;
	s7 =	simm.s32 @!p0 $0x108  }
0x21: {  	s3 =	sadd.s32 s3, s9;
	s6 =	sadd.s32 @!p0 $0x88, s6;
	s7 =	simm.s32 @p2 $0x1082  }
0x22: {  	[simem:s7], [sflag:s8] =	dma.local @!p0 [hbm:s6], $0xF7A  }
0x23: {  	s9 =	sor.u32 $0xD0000000, s2;
	s6 =	simm.s32 $0x108;
	_ =	swait.ge @!p0 [sflag:s8], $0x0  }
0x24: {  	s3 =	sadd.s32 $0x88, s3;
	s6 =	simm.s32 @!p1 $0x1082;
	[sflag:s4] =	ssyncset.s32 $0xFFFFF086  }
0x25: {  	[simem:s6], [sflag:s4] =	dma.local [hbm:s3], $0xF7A  }
0x26: {  	[smem:$0x3F91] =	sst s1;
	(tag) =	ssettag s2;
	_ =	strace s9  }
0x27: {  	s1 =	sld [smem:$0x3FA1]  }
0x28: {  	s2 =	sld [smem:$0x3FA2]  }
0x29: {  	s4 =	sld [smem:$0x3FA4]  }
0x2a: {  	p0 =	seq.s32 s5, $0x0;
	s5 =	sld [smem:$0x3FA5]  }
0x2b: {  	s6 =	sld [smem:$0x3FA6]  }
0x2c: {  	s7 =	sld [smem:$0x3FA7]  }
0x2d: {  	s3 =	simm.s32 $0x108;
	s8 =	sld [smem:$0x3FA8]  }
0x2e: {  	s3 =	simm.s32 @!p0 $0x1082;
	s9 =	sld [smem:$0x3FA9]  }
0x2f: {  	lr =	sadd.s32 s0, s3;
	s0 =	sld [smem:$0x3FA0]  }
0x30: {  	s3 =	sld [smem:$0x3FA3]  }
0x31: {  	[smem:$0x3FAC] =	sst s10  }
0x32: {  	s10 =	sld [smem:$0x3FAA];
	_ =	sdelay $0x3  }
0x33: {  	p0 =	seq.s32 s10, $0x1;
	s10 =	sld [smem:$0x3FAC];
	_ =	sdelay $0x3  }
0x34: {  	[smem:$0x3FAC] =	sst s10  }
0x35: {  	s10 =	sld [smem:$0x3FAB];
	_ =	sdelay $0x3  }
0x36: {  	p1 =	seq.s32 s10, $0x1;
	s10 =	sld [smem:$0x3FAC];
	_ =	sdelay $0x3  }
0x37: {  	[smem:$0x3FAC] =	sst s10  }
0x38: {  	s10 =	sld [smem:$0x3FAD]  }
0x39: {  	_ = 	snop;
	(pc) =	sbr.ind lr, $3  }
0x3a: {  	_ = 	snop  }
0x3b: {  	_ = 	snop  }
0x3c: {  	p2 =	seq.s32 s10, $0x1;
	s10 =	sld [smem:$0x3FAC]  }
0x3d: {  	_ =	shalt  }
0x3e: {  	_ =	shalt  }
0x3f: {  	_ =	shalt  }
0x40: {  	_ =	shalt  }
0x41: {  	_ =	shalt  }
0x42: {  	_ =	shalt  }
0x43: {  	_ =	shalt  }
0x44: {  	_ =	shalt  }
0x45: {  	_ =	shalt  }
0x46: {  	_ =	shalt  }
0x47: {  	_ =	shalt  }
0x48: {  	_ =	shalt  }
0x49: {  	_ =	shalt  }
0x4a: {  	_ =	shalt  }
0x4b: {  	_ =	shalt  }
0x4c: {  	_ =	shalt  }
0x4d: {  	_ =	shalt  }
0x4e: {  	_ =	shalt  }
0x4f: {  	_ =	shalt  }
0x50: {  	_ =	shalt  }
0x51: {  	_ =	shalt  }
0x52: {  	_ =	shalt  }
0x53: {  	_ =	shalt  }
0x54: {  	_ =	shalt  }
0x55: {  	_ =	shalt  }
0x56: {  	_ =	shalt  }
0x57: {  	_ =	shalt  }
0x58: {  	_ =	shalt  }
0x59: {  	_ =	shalt  }
0x5a: {  	_ =	shalt  }
0x5b: {  	_ =	shalt  }
0x5c: {  	_ =	shalt  }
0x5d: {  	_ =	shalt  }
0x5e: {  	_ =	shalt  }
0x5f: {  	_ =	shalt  }
0x60: {  	_ =	shalt  }
0x61: {  	_ =	shalt  }
0x62: {  	_ =	shalt  }
0x63: {  	_ =	shalt  }
0x64: {  	_ =	shalt  }
0x65: {  	_ =	shalt  }
0x66: {  	_ =	shalt  }
0x67: {  	_ =	shalt  }
0x68: {  	_ =	shalt  }
0x69: {  	_ =	shalt  }
0x6a: {  	_ =	shalt  }
0x6b: {  	_ =	shalt  }
0x6c: {  	_ =	shalt  }
0x6d: {  	_ =	shalt  }
0x6e: {  	_ =	shalt  }
0x6f: {  	_ =	shalt  }
0x70: {  	_ =	shalt  }
0x71: {  	_ =	shalt  }
0x72: {  	_ =	shalt  }
0x73: {  	_ =	shalt  }
0x74: {  	_ =	shalt  }
0x75: {  	_ =	shalt  }
0x76: {  	_ =	shalt  }
0x77: {  	_ =	shalt  }
0x78: {  	_ =	shalt  }
0x79: {  	_ =	shalt  }
0x7a: {  	_ =	shalt  }
0x7b: {  	_ =	shalt  }
0x7c: {  	_ =	shalt  }
0x7d: {  	_ =	shalt  }
0x7e: {  	_ =	shalt  }
0x7f: {  	_ =	shalt  }
0x80: {  	_ =	shalt  }
0x81: {  	_ =	shalt  }
0x82: {  	_ =	shalt  }
0x83: {  	_ =	shalt  }
0x84: {  	_ =	shalt  }
0x85: {  	_ =	shalt  }
0x86: {  	_ =	shalt  }
0x87: {  	_ =	shalt  }
.Lfunc_end0:
.L_simem_size_0:
called_computation_lowered:
.L_overlay_start_0:
0x88: {  	s2 =	sld [smem:$0x3FD9]  }
0x89: {  	s3 =	sld [smem:$0x3FFE];
	_ =	sdelay $0x1  }
0x8a: {  	s1 =	srdreg.scid  }
0x8b: {  	s0 =	sand.u32 $0x1, s1  }
0x8c: {  	s17 =	sshll.u32 s0, $0xA;
	s2 =	sadd.s32 s3, s2  }
0x8d: {  	s2 =	sadd.s32 s2, s17  }
0x8e: {  	[smem:$0x3FB8] =	sst s2  }
0x8f: {  	_ = 	snop  }
0x90: {  	s2 =	sld [smem:$0x3FD0];
	(tm) =	ssettm $0x1  }
0x91: {  	s18 =	sld [smem:$0x3FFB];
	_ =	sdelay $0x3  }
0x92: {  	_ =	strace s18  }
0x93: {  	s3 =	sld [smem:$0x3FFC];
	_ =	sdelay $0x3  }
0x94: {  	_ =	strace s3  }
0x95: {  	s3 =	sld [smem:$0x3FFD];
	_ =	sdelay $0x3  }
0x96: {  	_ =	strace s3  }
0x97: {  	_ =	strace $0x8FFFFFFF  }
0x98: {  	s19 =	sld [smem:$0x3FDB];
	_ =	sdelay $0x1  }
0x99: {  	s4 =	simm.s32 $_scs_section_size  }
0x9a: {  	s5 =	simm.s32 $_size__tile_overlayer_lowered;
	s6 =	simm.s32 $_tile_overlayer_lowered  }
0x9b: {  	s22 =	simm.s32 $0x1BFF;
	s21 =	sshll.u32 s6, $0x1;
	s3 =	sadd.s32 s4, s19  }
0x9c: {  	s7 =	simm.s32 $0x0;
	s20 =	sshll.u32 s5, $0x1;
	s5 =	sadd.s32 s21, s3  }
0x9d: {  	[timem:s7], [sflag:s22] =	dma.local [hbm:s5], s20  }
0x9e: {  	_ =	swait.ge [sflag:s22], s20  }
0x9f: {  	s4 =	ssub.s32 $0x0, s20;
	[sflag:s22] =	ssyncset.done $0x0  }
0xa0: {  	[sflag:s22] =	ssyncadd.s32 s4;
	_ =	sdelay $0x1  }
0xa1: {  	s23 =	simm.s32 $0x1B8B  }
0xa2: {  	_ =	swait.ge [sflag:s23], $0x1  }
0xa3: {  	[sflag:s23] =	ssyncset.done $0x0  }
0xa4: {  	s25 =	simm.s32 $0x1B8E;
	s24 =	sld [smem:$0x3FFE];
	[sflag:s23] =	ssyncadd.s32 $0xFFFFFFFF  }
0xa5: {  	s26 =	simm.s32 $execute0_lowered;
	[smem:$0x3FD2] =	sst s25  }
0xa6: {  	s5 =	sshll.u32 s26, $0x1;
	_ =	strace $0x80000046;
	[dreg:$0x1] =	wrdreg $0xFFFFFFFF  }
0xa7: {  	s28 =	simm.s32 $_size_execute0_lowered;
	s3 =	sadd.s32 s3, s5;
	[dreg:$0x0] =	wrdreg $0x0  }
0xa8: {  	s5 =	sshll.u32 s28, $0x1;
	[dreg:$0x2] =	wrdreg s3  }
0xa9: {  	[dreg:$0x3] =	wrdreg s5  }
0xaa: {  	[dreg:$0x4] =	wrdreg $0xC0  }
0xab: {  	_ =	task [dreg:s7], $0x5FFFF  }
0xac: {  	[dreg:$0x1] =	wrdreg $0xFFFFFFFF  }
0xad: {  	[dreg:$0x0] =	wrdreg $0x60  }
0xae: {  	[dreg:$0x2] =	wrdreg s24  }
0xaf: {  	[dreg:$0x3] =	wrdreg s2  }
0xb0: {  	[dreg:$0x4] =	wrdreg $0x9  }
0xb1: {  	_ =	task.clear_ibuf [dreg:s7], $0x5FFFF;
	_ =	strace $0x90000046  }
0xb2: {  	s29 =	simm.s32 $0x9;
	_ =	strace $0x80000048  }
0xb3: {  	_ =	swait.ge [sflag:s29], $0x1  }
0xb4: {  	[sflag:s29] =	ssyncadd.s32 $0xFFFFFFFF  }
0xb5: {  	_ =	strace $0x90000048  }
0xb6: {  	_ =	sfence  }
0xb7: {  	s30 =	sld [smem:$0x0];
	_ =	sdelay $0x2  }
0xb8: {  	s31 =	sshll.u32 s1, $0xD;
	s1 =	sshrl.u32 s1, $0x2  }
0xb9: {  	s3 =	sand.u32 $0x4000, s31;
	s1 =	sadd.s32 s1, s30  }
0xba: {  	s0 =	sor.u32 s3, s0;
	s1 =	sshll.u32 s1, $0x11  }
0xbb: {  	s0 =	sor.u32 s1, s0  }
0xbc: {  	s0 =	sadd.s32 $0x8F2B, s0  }
0xbd: {  	[sflag:s0] =	ssyncadd.remote.s32 $0x1  }
0xbe: {  	_ =	sfence.sel $0xFFFF  }
0xbf: {  	[dreg:$0x0] =	wrdreg $0xFFFFFFFF;
	(pc) =	sbr.abs _section_cstart, $3  }
0xc0: {  	[dreg:$0x1] =	wrdreg $0xFFFFFFFF  }
0xc1: {  	_ =	task.clear_ibuf [dreg:s7], $0x2FFFF;
	_ =	strace $0x9FFFFFFF  }
0xc2: {  	(tm) =	ssettm $0x7FFFFFFF  }
0xc3: {  	_ =	shalt  }
tec
execute0_lowered:
.L_overlay_start_1:
0x0: {  	(tag) =	ssettag $0x1  }
0x1: {  	s3 =	rddreg [dreg:$0x0]  }
0x2: {  	s4 =	rddreg [dreg:$0x1]  }
0x3: {  	s0 =	rddreg [dreg:$0x2];
	s1 =	simm.s32 $0x0;
	s2 =	srdreg.scid  }
0x4: {  	[smem:$0x7FF] =	sst s1;
	s5 =	sand.u32 $0x1, s2;
	s2 =	stileid.u32  }
0x5: {  	_ =	strace $0x80000047;
	s6 =	smul.u32 $0x5000, s5;
	s7 =	sshll.u32 s5, $0x4  }
0x6: {  	s5 =	ssub.s32 $0x2, s5;
	s8 =	smul.u32 $0x500, s2;
	s7 =	sor.u32 s2, s7  }
0x7: {  	s9 =	sshrl.u32 s5, $0x1;
	s6 =	sadd.s32 s6, s3;
	s7 =	smul.u32 $0x4F0, s7  }
0x8: {  	s3 =	sadd.s32 $0x17200, s3;
	s5 =	ssub.s32 s5, s9;
	s9 =	simm.s32 $0x0  }
0x9: {  	s6 =	sadd.s32 s8, s6;
	s5 =	smax.u32 s5, $0x1;
	s8 =	simm.s32 $0x1  }
0xa: {  	v0 =	vimm.f32 $1.000000000e+00;
	s4 =	sadd.s32 s4, s7;
	s6 =	sadd.s32 $0x3200, s6;
	s7 =	simm.s32 $0x400  }
.LBB2_1:
0xb: {  	[tilespmem:s7], [sflag:$0x1] =	stream.linear.gather [hbm4b:s3+s1], $0x2780, $0x38;
	[tilespmem:$0x2B80] =	vst v63  }
0xc: {  	_ =	swait.ge [sflag:s8], $0x2780  }
0xd: {  	[sflag:s8] =	ssyncset.done $0x0  }
0xe: {  	s10 =	simm.s32 $0x0;
	[sflag:s8] =	ssyncadd.s32 $0xFFFFD880  }
.LBB2_2:
0xf: {  	s11 =	sadd.s32 s10, s6  }
0x10: {  	[tilespmem:s1], [sflag:$0x1] =	stream.linear.gather [hbm4b:s11+s1], $0x400, $0x38;
	[tilespmem:$0x2B80] =	vst v63  }
0x11: {  	_ =	swait.ge [sflag:s8], $0x400  }
0x12: {  	[sflag:s8] =	ssyncset.done $0x0  }
0x13: {  	[sflag:s8] =	ssyncadd.s32 $0xFFFFFC00  }
0x14: {  	v1 =	vld [tilespmem:$0x0];
	_ =	sdelay $0x7  }
0x15: {  	[tilespmem:v1+s7+$0x0] =	vst.idx.add.f32.msk $0xffff, v0  }
0x16: {  	v1 =	vld [tilespmem:$0x10];
	_ =	sdelay $0x7  }
0x17: {  	[tilespmem:v1+s7+$0x0] =	vst.idx.add.f32.msk $0xffff, v0  }
0x18: {  	v1 =	vld [tilespmem:$0x20];
	_ =	sdelay $0x7  }
0x19: {  	[tilespmem:v1+s7+$0x0] =	vst.idx.add.f32.msk $0xffff, v0  }
0x1a: {  	v1 =	vld [tilespmem:$0x30];
	_ =	sdelay $0x7  }
0x1b: {  	[tilespmem:v1+s7+$0x0] =	vst.idx.add.f32.msk $0xffff, v0  }
0x1c: {  	v1 =	vld [tilespmem:$0x40];
	_ =	sdelay $0x7  }
0x1d: {  	[tilespmem:v1+s7+$0x0] =	vst.idx.add.f32.msk $0xffff, v0  }
0x1e: {  	v1 =	vld [tilespmem:$0x50];
	_ =	sdelay $0x7  }
0x1f: {  	[tilespmem:v1+s7+$0x0] =	vst.idx.add.f32.msk $0xffff, v0  }
0x20: {  	v1 =	vld [tilespmem:$0x60];
	_ =	sdelay $0x7  }
0x21: {  	[tilespmem:v1+s7+$0x0] =	vst.idx.add.f32.msk $0xffff, v0  }
0x22: {  	v1 =	vld [tilespmem:$0x70];
	_ =	sdelay $0x7  }
0x23: {  	[tilespmem:v1+s7+$0x0] =	vst.idx.add.f32.msk $0xffff, v0  }
0x24: {  	v1 =	vld [tilespmem:$0x80];
	_ =	sdelay $0x7  }
0x25: {  	[tilespmem:v1+s7+$0x0] =	vst.idx.add.f32.msk $0xffff, v0  }
0x26: {  	v1 =	vld [tilespmem:$0x90];
	_ =	sdelay $0x7  }
0x27: {  	[tilespmem:v1+s7+$0x0] =	vst.idx.add.f32.msk $0xffff, v0  }
0x28: {  	v1 =	vld [tilespmem:$0xA0];
	_ =	sdelay $0x7  }
0x29: {  	[tilespmem:v1+s7+$0x0] =	vst.idx.add.f32.msk $0xffff, v0  }
0x2a: {  	v1 =	vld [tilespmem:$0xB0];
	_ =	sdelay $0x7  }
0x2b: {  	[tilespmem:v1+s7+$0x0] =	vst.idx.add.f32.msk $0xffff, v0  }
0x2c: {  	v1 =	vld [tilespmem:$0xC0];
	_ =	sdelay $0x7  }
0x2d: {  	[tilespmem:v1+s7+$0x0] =	vst.idx.add.f32.msk $0xffff, v0  }
0x2e: {  	v1 =	vld [tilespmem:$0xD0];
	_ =	sdelay $0x7  }
0x2f: {  	[tilespmem:v1+s7+$0x0] =	vst.idx.add.f32.msk $0xffff, v0  }
0x30: {  	v1 =	vld [tilespmem:$0xE0];
	_ =	sdelay $0x7  }
0x31: {  	[tilespmem:v1+s7+$0x0] =	vst.idx.add.f32.msk $0xffff, v0  }
0x32: {  	v1 =	vld [tilespmem:$0xF0];
	_ =	sdelay $0x7  }
0x33: {  	[tilespmem:v1+s7+$0x0] =	vst.idx.add.f32.msk $0xffff, v0  }
0x34: {  	v1 =	vld [tilespmem:$0x100];
	_ =	sdelay $0x7  }
0x35: {  	[tilespmem:v1+s7+$0x0] =	vst.idx.add.f32.msk $0xffff, v0  }
0x36: {  	v1 =	vld [tilespmem:$0x110];
	_ =	sdelay $0x7  }
0x37: {  	[tilespmem:v1+s7+$0x0] =	vst.idx.add.f32.msk $0xffff, v0  }
0x38: {  	v1 =	vld [tilespmem:$0x120];
	_ =	sdelay $0x7  }
0x39: {  	[tilespmem:v1+s7+$0x0] =	vst.idx.add.f32.msk $0xffff, v0  }
0x3a: {  	v1 =	vld [tilespmem:$0x130];
	_ =	sdelay $0x7  }
0x3b: {  	[tilespmem:v1+s7+$0x0] =	vst.idx.add.f32.msk $0xffff, v0  }
0x3c: {  	v1 =	vld [tilespmem:$0x140];
	_ =	sdelay $0x7  }
0x3d: {  	[tilespmem:v1+s7+$0x0] =	vst.idx.add.f32.msk $0xffff, v0  }
0x3e: {  	v1 =	vld [tilespmem:$0x150];
	_ =	sdelay $0x7  }
0x3f: {  	[tilespmem:v1+s7+$0x0] =	vst.idx.add.f32.msk $0xffff, v0  }
0x40: {  	v1 =	vld [tilespmem:$0x160];
	_ =	sdelay $0x7  }
0x41: {  	[tilespmem:v1+s7+$0x0] =	vst.idx.add.f32.msk $0xffff, v0  }
0x42: {  	v1 =	vld [tilespmem:$0x170];
	_ =	sdelay $0x7  }
0x43: {  	[tilespmem:v1+s7+$0x0] =	vst.idx.add.f32.msk $0xffff, v0  }
0x44: {  	v1 =	vld [tilespmem:$0x180];
	_ =	sdelay $0x7  }
0x45: {  	[tilespmem:v1+s7+$0x0] =	vst.idx.add.f32.msk $0xffff, v0  }
0x46: {  	v1 =	vld [tilespmem:$0x190];
	_ =	sdelay $0x7  }
0x47: {  	[tilespmem:v1+s7+$0x0] =	vst.idx.add.f32.msk $0xffff, v0  }
0x48: {  	v1 =	vld [tilespmem:$0x1A0];
	_ =	sdelay $0x7  }
0x49: {  	[tilespmem:v1+s7+$0x0] =	vst.idx.add.f32.msk $0xffff, v0  }
0x4a: {  	v1 =	vld [tilespmem:$0x1B0];
	_ =	sdelay $0x7  }
0x4b: {  	[tilespmem:v1+s7+$0x0] =	vst.idx.add.f32.msk $0xffff, v0  }
0x4c: {  	v1 =	vld [tilespmem:$0x1C0];
	_ =	sdelay $0x7  }
0x4d: {  	[tilespmem:v1+s7+$0x0] =	vst.idx.add.f32.msk $0xffff, v0  }
0x4e: {  	v1 =	vld [tilespmem:$0x1D0];
	_ =	sdelay $0x7  }
0x4f: {  	[tilespmem:v1+s7+$0x0] =	vst.idx.add.f32.msk $0xffff, v0  }
0x50: {  	v1 =	vld [tilespmem:$0x1E0];
	_ =	sdelay $0x7  }
0x51: {  	[tilespmem:v1+s7+$0x0] =	vst.idx.add.f32.msk $0xffff, v0  }
0x52: {  	v1 =	vld [tilespmem:$0x1F0];
	_ =	sdelay $0x7  }
0x53: {  	[tilespmem:v1+s7+$0x0] =	vst.idx.add.f32.msk $0xffff, v0  }
0x54: {  	v1 =	vld [tilespmem:$0x200];
	_ =	sdelay $0x7  }
0x55: {  	[tilespmem:v1+s7+$0x0] =	vst.idx.add.f32.msk $0xffff, v0  }
0x56: {  	v1 =	vld [tilespmem:$0x210];
	_ =	sdelay $0x7  }
0x57: {  	[tilespmem:v1+s7+$0x0] =	vst.idx.add.f32.msk $0xffff, v0  }
0x58: {  	v1 =	vld [tilespmem:$0x220];
	_ =	sdelay $0x7  }
0x59: {  	[tilespmem:v1+s7+$0x0] =	vst.idx.add.f32.msk $0xffff, v0  }
0x5a: {  	v1 =	vld [tilespmem:$0x230];
	_ =	sdelay $0x7  }
0x5b: {  	[tilespmem:v1+s7+$0x0] =	vst.idx.add.f32.msk $0xffff, v0  }
0x5c: {  	v1 =	vld [tilespmem:$0x240];
	_ =	sdelay $0x7  }
0x5d: {  	[tilespmem:v1+s7+$0x0] =	vst.idx.add.f32.msk $0xffff, v0  }
0x5e: {  	v1 =	vld [tilespmem:$0x250];
	_ =	sdelay $0x7  }
0x5f: {  	[tilespmem:v1+s7+$0x0] =	vst.idx.add.f32.msk $0xffff, v0  }
0x60: {  	v1 =	vld [tilespmem:$0x260];
	_ =	sdelay $0x7  }
0x61: {  	[tilespmem:v1+s7+$0x0] =	vst.idx.add.f32.msk $0xffff, v0  }
0x62: {  	v1 =	vld [tilespmem:$0x270];
	_ =	sdelay $0x7  }
0x63: {  	[tilespmem:v1+s7+$0x0] =	vst.idx.add.f32.msk $0xffff, v0  }
0x64: {  	v1 =	vld [tilespmem:$0x280];
	_ =	sdelay $0x7  }
0x65: {  	[tilespmem:v1+s7+$0x0] =	vst.idx.add.f32.msk $0xffff, v0  }
0x66: {  	v1 =	vld [tilespmem:$0x290];
	_ =	sdelay $0x7  }
0x67: {  	[tilespmem:v1+s7+$0x0] =	vst.idx.add.f32.msk $0xffff, v0  }
0x68: {  	v1 =	vld [tilespmem:$0x2A0];
	_ =	sdelay $0x7  }
0x69: {  	[tilespmem:v1+s7+$0x0] =	vst.idx.add.f32.msk $0xffff, v0  }
0x6a: {  	v1 =	vld [tilespmem:$0x2B0];
	_ =	sdelay $0x7  }
0x6b: {  	[tilespmem:v1+s7+$0x0] =	vst.idx.add.f32.msk $0xffff, v0  }
0x6c: {  	v1 =	vld [tilespmem:$0x2C0];
	_ =	sdelay $0x7  }
0x6d: {  	[tilespmem:v1+s7+$0x0] =	vst.idx.add.f32.msk $0xffff, v0  }
0x6e: {  	v1 =	vld [tilespmem:$0x2D0];
	_ =	sdelay $0x7  }
0x6f: {  	[tilespmem:v1+s7+$0x0] =	vst.idx.add.f32.msk $0xffff, v0  }
0x70: {  	v1 =	vld [tilespmem:$0x2E0];
	_ =	sdelay $0x7  }
0x71: {  	[tilespmem:v1+s7+$0x0] =	vst.idx.add.f32.msk $0xffff, v0  }
0x72: {  	v1 =	vld [tilespmem:$0x2F0];
	_ =	sdelay $0x7  }
0x73: {  	[tilespmem:v1+s7+$0x0] =	vst.idx.add.f32.msk $0xffff, v0  }
0x74: {  	v1 =	vld [tilespmem:$0x300];
	_ =	sdelay $0x7  }
0x75: {  	[tilespmem:v1+s7+$0x0] =	vst.idx.add.f32.msk $0xffff, v0  }
0x76: {  	v1 =	vld [tilespmem:$0x310];
	_ =	sdelay $0x7  }
0x77: {  	[tilespmem:v1+s7+$0x0] =	vst.idx.add.f32.msk $0xffff, v0  }
0x78: {  	v1 =	vld [tilespmem:$0x320];
	_ =	sdelay $0x7  }
0x79: {  	[tilespmem:v1+s7+$0x0] =	vst.idx.add.f32.msk $0xffff, v0  }
0x7a: {  	v1 =	vld [tilespmem:$0x330];
	_ =	sdelay $0x7  }
0x7b: {  	[tilespmem:v1+s7+$0x0] =	vst.idx.add.f32.msk $0xffff, v0  }
0x7c: {  	v1 =	vld [tilespmem:$0x340];
	_ =	sdelay $0x7  }
0x7d: {  	[tilespmem:v1+s7+$0x0] =	vst.idx.add.f32.msk $0xffff, v0  }
0x7e: {  	v1 =	vld [tilespmem:$0x350];
	_ =	sdelay $0x7  }
0x7f: {  	[tilespmem:v1+s7+$0x0] =	vst.idx.add.f32.msk $0xffff, v0  }
0x80: {  	v1 =	vld [tilespmem:$0x360];
	_ =	sdelay $0x7  }
0x81: {  	[tilespmem:v1+s7+$0x0] =	vst.idx.add.f32.msk $0xffff, v0  }
0x82: {  	v1 =	vld [tilespmem:$0x370];
	_ =	sdelay $0x7  }
0x83: {  	[tilespmem:v1+s7+$0x0] =	vst.idx.add.f32.msk $0xffff, v0  }
0x84: {  	v1 =	vld [tilespmem:$0x380];
	_ =	sdelay $0x7  }
0x85: {  	[tilespmem:v1+s7+$0x0] =	vst.idx.add.f32.msk $0xffff, v0  }
0x86: {  	v1 =	vld [tilespmem:$0x390];
	_ =	sdelay $0x7  }
0x87: {  	[tilespmem:v1+s7+$0x0] =	vst.idx.add.f32.msk $0xffff, v0  }
0x88: {  	v1 =	vld [tilespmem:$0x3A0];
	_ =	sdelay $0x7  }
0x89: {  	[tilespmem:v1+s7+$0x0] =	vst.idx.add.f32.msk $0xffff, v0  }
0x8a: {  	v1 =	vld [tilespmem:$0x3B0];
	_ =	sdelay $0x7  }
0x8b: {  	[tilespmem:v1+s7+$0x0] =	vst.idx.add.f32.msk $0xffff, v0  }
0x8c: {  	v1 =	vld [tilespmem:$0x3C0];
	_ =	sdelay $0x7  }
0x8d: {  	[tilespmem:v1+s7+$0x0] =	vst.idx.add.f32.msk $0xffff, v0  }
0x8e: {  	v1 =	vld [tilespmem:$0x3D0];
	_ =	sdelay $0x7  }
0x8f: {  	[tilespmem:v1+s7+$0x0] =	vst.idx.add.f32.msk $0xffff, v0  }
0x90: {  	v1 =	vld [tilespmem:$0x3E0];
	_ =	sdelay $0x7  }
0x91: {  	[tilespmem:v1+s7+$0x0] =	vst.idx.add.f32.msk $0xffff, v0  }
0x92: {  	v1 =	vld [tilespmem:$0x3F0];
	_ =	sdelay $0x2  }
0x93: {  	p0 =	sne.s32 s10, $0x480  }
.Ltmp0:
0x94: {  	_ = 	snop;
	(pc) =	sbr.rel @p0 .LBB2_2-.Ltmp0, $2  }
0x95: {  	_ =	sdelay $0x2  }
0x96: {  	s10 =	sadd.s32 $0x80, s10;
	[tilespmem:v1+s7+$0x0] =	vst.idx.add.f32.msk $0xffff, v0  }
0x97: {  	s9 =	sadd.s32 $0x1, s9  }
0x98: {  	p0 =	sne.s32 s9, s5  }
.Ltmp1:
0x99: {  	_ = 	snop;
	(pc) =	sbr.rel @p0 .LBB2_1-.Ltmp1, $4  }
0x9a: {  	[hbm4b:s4+s1] =	stream.linear.scatter [tilespmem:s7], [sflag:$0x1], $0x2780, $0x38;
	[tilespmem:$0x2B80] =	vst v63  }
0x9b: {  	_ =	swait.ge [sflag:s8], $0x2780  }
0x9c: {  	[sflag:s8] =	ssyncset.done $0x0  }
0x9d: {  	[sflag:s8] =	ssyncadd.s32 $0xFFFFD880  }
0x9e: {  	_ =	sfence.sel $0x180000  }
0x9f: {  	[bflag:$0x0] =	sbarrier.arrive $0xFFFF  }
0xa0: {  	p0 =	sne.s32 s2, $0x0;
	_ =	strace $0x90000047  }
0xa1: {  	s0 =	sadd.s32 @!p0 $0x100000, s0;
	[bflag:$0x2] =	sbarrier.arrive $0xFFFF  }
0xa2: {  	[sflag:s0] =	ssyncadd.tile.s32 @!p0 $0x1;
	_ =	shalt  }
.Lfunc_end2:
_tile_overlayer_lowered:
.L_overlay_start_2:
0xa3: {  	(tag) =	ssettag $0x2  }
0xa4: {  	s0 =	rddreg [dreg:$0x0];
	s2 =	stileid.u32  }
0xa5: {  	s1 =	rddreg [dreg:$0x1];
	p0 =	sne.s32 s2, $0x0  }
0xa6: {  	s3 =	rddreg [dreg:$0x2];
	[bflag:$0x3] =	sbarrier.arrive $0xFFFF;
	s2 =	simm.s32 @!p0 $0x1C01  }
0xa7: {  	[timem:s3], [sflag:s2] =	dma.local @!p0 [hbm:s0], s1  }
0xa8: {  	s0 =	simm.s32 @!p0 $0x1  }
0xa9: {  	_ =	swait.ge @!p0 [sflag:s0], s1  }
0xaa: {  	s1 =	ssub.s32 @!p0 $0x0, s1;
	[sflag:s0] =	ssyncset.done @!p0 $0x0  }
0xab: {  	[sflag:s0] =	ssyncadd.s32 @!p0 s1  }
0xac: {  	[bflag:$0x3] =	sbarrier.arrive $0xFFFF  }
0xad: {  	_ =	shalt  }

</sc_bundles>
